<compile_context>
chip_gen: v7x
topology: tpu7x:2x2x1
jax: 0.10.2.dev20260603
libtpu: 0.0.44.dev20260713+nightly
codegen_flags: <defaults>
</compile_context>

<pallas_src>
import functools

import jax
import jax.numpy as jnp
from jax import lax
from jax.experimental import pallas as pl
from jax.experimental.pallas import tpu as pltpu
from jax.experimental.pallas import tpu_sc as plsc

_N = 10000
_E = 160000
_IN = 256
_H = 4
_D = 64
_HD = _H * _D
_NEG = 0.2

_C = 128
_CHUNKS = 80
_EPT = _C * _CHUNKS
_EPAD = 16 * _EPT
_NPT = 632
_NP = 16 * _NPT
_RB = 1000
_RBD = 1264


def _pre_body(h_ref, w_ref, asrc_ref, adst_ref, wh_ref, ssrc_ref, sdst_ref):
    wh = jnp.dot(h_ref[...], w_ref[...], preferred_element_type=jnp.float32)
    wh_ref[...] = wh
    col = lax.broadcasted_iota(jnp.int32, (_HD, _H), 0) // _D
    hh = lax.broadcasted_iota(jnp.int32, (_HD, _H), 1)
    sel = (col == hh).astype(jnp.float32)
    ssrc_ref[...] = jnp.dot(wh * asrc_ref[...], sel,
                            preferred_element_type=jnp.float32)
    sdst_ref[...] = jnp.dot(wh * adst_ref[...], sel,
                            preferred_element_type=jnp.float32)


_pre = pl.pallas_call(
    _pre_body,
    grid=(_N // _RB,),
    in_specs=[
        pl.BlockSpec((_RB, _IN), lambda i: (i, 0)),
        pl.BlockSpec((_IN, _HD), lambda i: (0, 0)),
        pl.BlockSpec((1, _HD), lambda i: (0, 0)),
        pl.BlockSpec((1, _HD), lambda i: (0, 0)),
    ],
    out_specs=[
        pl.BlockSpec((_RB, _HD), lambda i: (i, 0)),
        pl.BlockSpec((_RB, _H), lambda i: (i, 0)),
        pl.BlockSpec((_RB, _H), lambda i: (i, 0)),
    ],
    out_shape=[
        jax.ShapeDtypeStruct((_N, _HD), jnp.float32),
        jax.ShapeDtypeStruct((_N, _H), jnp.float32),
        jax.ShapeDtypeStruct((_N, _H), jnp.float32),
    ],
)


def _sca_body(ssrcf, sdstf, srcp, dstp,
              alpha, dparts,
              t_ssrc0, t_ssrc1, t_sdst0, t_sdst1,
              srcv, dstv, a0b, a1b, d0, d1):
    c = lax.axis_index("c")
    s = lax.axis_index("s")
    pltpu.sync_copy(ssrcf.at[pl.ds((2 * c) * _N, _N)], t_ssrc0)
    pltpu.sync_copy(ssrcf.at[pl.ds((2 * c + 1) * _N, _N)], t_ssrc1)
    pltpu.sync_copy(sdstf.at[pl.ds((2 * c) * _N, _N)], t_sdst0)
    pltpu.sync_copy(sdstf.at[pl.ds((2 * c + 1) * _N, _N)], t_sdst1)
    lane = lax.iota(jnp.int32, 16)
    zf = jnp.zeros((16,), jnp.float32)

    def zinit(i, _):
        sl = pl.ds(i * 16, 16)
        d0[sl] = zf
        d1[sl] = zf
        return 0

    lax.fori_loop(0, _NP // 16, zinit, 0)
    ebase = s * _EPT
    pltpu.sync_copy(srcp.at[pl.ds(ebase, _EPT)], srcv)
    pltpu.sync_copy(dstp.at[pl.ds(ebase, _EPT)], dstv)

    def grp(g, _):
        sl = pl.ds(g * 16, 16)
        sv = srcv[sl]
        dv = dstv[sl]
        e0 = plsc.load_gather(t_ssrc0, [sv]) + plsc.load_gather(t_sdst0, [dv])
        e1 = plsc.load_gather(t_ssrc1, [sv]) + plsc.load_gather(t_sdst1, [dv])
        e0 = jnp.where(e0 >= 0.0, e0, e0 * _NEG)
        e1 = jnp.where(e1 >= 0.0, e1, e1 * _NEG)
        a0 = jnp.exp(e0)
        a1 = jnp.exp(e1)
        eid = ebase + g * 16 + lane
        a0 = jnp.where(eid < _E, a0, 0.0)
        a1 = jnp.where(eid < _E, a1, 0.0)
        a0b[sl] = a0
        a1b[sl] = a1
        plsc.addupdate_scatter(d0, [dv], a0)
        plsc.addupdate_scatter(d1, [dv], a1)
        return 0

    lax.fori_loop(0, _EPT // 16, grp, 0)
    pltpu.sync_copy(a0b, alpha.at[pl.ds((2 * c) * _EPAD + ebase, _EPT)])
    pltpu.sync_copy(a1b, alpha.at[pl.ds((2 * c + 1) * _EPAD + ebase, _EPT)])
    pltpu.sync_copy(d0, dparts.at[c, 0, s])
    pltpu.sync_copy(d1, dparts.at[c, 1, s])


_sca = functools.partial(
    pl.kernel,
    mesh=plsc.VectorSubcoreMesh(core_axis_name="c", subcore_axis_name="s"),
    compiler_params=pltpu.CompilerParams(needs_layout_passes=False),
    out_type=[
        jax.ShapeDtypeStruct((_H * _EPAD,), jnp.float32),
        jax.ShapeDtypeStruct((2, 2, 16, _NP), jnp.float32),
    ],
    scratch_types=[
        pltpu.VMEM((_N,), jnp.float32),
        pltpu.VMEM((_N,), jnp.float32),
        pltpu.VMEM((_N,), jnp.float32),
        pltpu.VMEM((_N,), jnp.float32),
        pltpu.VMEM((_EPT,), jnp.int32),
        pltpu.VMEM((_EPT,), jnp.int32),
        pltpu.VMEM((_EPT,), jnp.float32),
        pltpu.VMEM((_EPT,), jnp.float32),
        pltpu.VMEM((_NP,), jnp.float32),
        pltpu.VMEM((_NP,), jnp.float32),
    ],
)(_sca_body)


def _dred_body(d_ref, out_ref):
    cols = []
    for h in range(_H):
        cc, j = h // 2, h % 2
        v = jnp.sum(d_ref[cc, j], axis=0, keepdims=True)
        r = 1.0 / jnp.maximum(v, 1e-8)
        cols.append(jnp.transpose(r))
    out_ref[...] = jnp.concatenate(cols, axis=1)


_dred = pl.pallas_call(
    _dred_body,
    in_specs=[pl.BlockSpec((2, 2, 16, _NP), lambda: (0, 0, 0, 0))],
    out_specs=pl.BlockSpec((_NP, _H), lambda: (0, 0)),
    out_shape=jax.ShapeDtypeStruct((_NP, _H), jnp.float32),
)


_SS = 2560
_CB = 64
_CPS = _SS // _CB
_NSS = _EPT // _SS


def _scb_body(whr, alpha, srcp, dstp, z128,
              msgp,
              srcv, dstv, a0b, a1b,
              ridx0, ridx1, ridx2, ridx3,
              dst0, dst1, dst2, dst3,
              rows0, rows1, rows2, rows3,
              msg_sp,
              semg0, semg1, semg2, semg3,
              sems0, sems1, sems2, sems3):
    c = lax.axis_index("c")
    s = lax.axis_index("s")
    nbase = s * _NPT
    ebase = s * _EPT
    pltpu.sync_copy(z128, msg_sp.at[pl.ds(nbase, _NPT)])
    plsc.subcore_barrier()

    ridxs = (ridx0, ridx1, ridx2, ridx3)
    dsts = (dst0, dst1, dst2, dst3)
    rowss = (rows0, rows1, rows2, rows3)
    semgs = (semg0, semg1, semg2, semg3)
    semss = (sems0, sems1, sems2, sems3)

    def prep_gather(koff, b):
        def g4(g, _):
            sls = pl.ds(koff * _CB + g * 16, 16)
            sl = pl.ds(g * 16, 16)
            sv = srcv[sls]
            ridxs[b][sl] = sv * 2 + c
            dsts[b][sl] = dstv[sls]
            return 0

        lax.fori_loop(0, _CB // 16, g4, 0)
        pltpu.async_copy(whr.at[ridxs[b]], rowss[b], semgs[b])

    def scale(koff, b):
        def body(j, _):
            bi = jnp.zeros((16,), jnp.int32) + (koff * _CB + j)
            b0 = plsc.load_gather(a0b, [bi])
            b1 = plsc.load_gather(a1b, [bi])
            for g2 in range(8):
                sl2 = pl.ds(g2 * 16, 16)
                bb = b0 if g2 < 4 else b1
                rowss[b][j, sl2] = rowss[b][j, sl2] * bb
            return 0

        lax.fori_loop(0, _CB, body, 0)

    for ssc in range(_NSS):
        off = ebase + ssc * _SS
        pltpu.sync_copy(srcp.at[pl.ds(off, _SS)], srcv)
        pltpu.sync_copy(dstp.at[pl.ds(off, _SS)], dstv)
        pltpu.sync_copy(alpha.at[pl.ds((2 * c) * _EPAD + off, _SS)], a0b)
        pltpu.sync_copy(alpha.at[pl.ds((2 * c + 1) * _EPAD + off, _SS)], a1b)
        prep_gather(0, 0)
        prep_gather(1, 1)

        def quad(t, _):
            for u in range(4):
                k = 4 * t + u
                b = u
                bn = (u + 2) % 4

                @pl.when(jnp.logical_and(4 * t + u + 2 < _CPS,
                                         4 * t + u + 2 >= 2 + 2))
                def _():
                    pltpu.make_async_copy(rowss[bn], msg_sp.at[dsts[bn]],
                                          semss[bn]).wait()

                @pl.when(4 * t + u + 2 < _CPS)
                def _():
                    prep_gather(k + 2, bn)

                pltpu.make_async_copy(whr.at[ridxs[b]], rowss[b],
                                      semgs[b]).wait()
                scale(k, b)
                pltpu.async_copy(rowss[b], msg_sp.at[dsts[b]], semss[b],
                                 add=True)
            return 0

        lax.fori_loop(0, _CPS // 4, quad, 0)
        pltpu.make_async_copy(rows2, msg_sp.at[dst2], sems2).wait()
        pltpu.make_async_copy(rows3, msg_sp.at[dst3], sems3).wait()

    plsc.subcore_barrier()
    pltpu.sync_copy(msg_sp.at[pl.ds(nbase, _NPT)],
                    msgp.at[c, pl.ds(nbase, _NPT)])


_scb = functools.partial(
    pl.kernel,
    mesh=plsc.VectorSubcoreMesh(core_axis_name="c", subcore_axis_name="s"),
    compiler_params=pltpu.CompilerParams(needs_layout_passes=False),
    out_type=jax.ShapeDtypeStruct((2, _NP, 128), jnp.float32),
    scratch_types=[
        pltpu.VMEM((_SS,), jnp.int32),
        pltpu.VMEM((_SS,), jnp.int32),
        pltpu.VMEM((_SS,), jnp.float32),
        pltpu.VMEM((_SS,), jnp.float32),
        pltpu.VMEM((_CB,), jnp.int32),
        pltpu.VMEM((_CB,), jnp.int32),
        pltpu.VMEM((_CB,), jnp.int32),
        pltpu.VMEM((_CB,), jnp.int32),
        pltpu.VMEM((_CB,), jnp.int32),
        pltpu.VMEM((_CB,), jnp.int32),
        pltpu.VMEM((_CB,), jnp.int32),
        pltpu.VMEM((_CB,), jnp.int32),
        pltpu.VMEM((_CB, 128), jnp.float32),
        pltpu.VMEM((_CB, 128), jnp.float32),
        pltpu.VMEM((_CB, 128), jnp.float32),
        pltpu.VMEM((_CB, 128), jnp.float32),
        pltpu.VMEM_SHARED((_NP, 128), jnp.float32),
        pltpu.SemaphoreType.DMA,
        pltpu.SemaphoreType.DMA,
        pltpu.SemaphoreType.DMA,
        pltpu.SemaphoreType.DMA,
        pltpu.SemaphoreType.DMA,
        pltpu.SemaphoreType.DMA,
        pltpu.SemaphoreType.DMA,
        pltpu.SemaphoreType.DMA,
    ],
)(_scb_body)


def _div_body(msgp_ref, dinv_ref, out_ref):
    cols = []
    for h in range(_H):
        cc, j = h // 2, h % 2
        m = msgp_ref[cc, :, j * _D:(j + 1) * _D]
        r = dinv_ref[:, h:h + 1]
        cols.append(m * jnp.broadcast_to(r, (_RB, _D)))
    out_ref[...] = jnp.concatenate(cols, axis=1)


_div = pl.pallas_call(
    _div_body,
    grid=(_N // _RB,),
    in_specs=[
        pl.BlockSpec((2, _RB, 128), lambda i: (0, i, 0)),
        pl.BlockSpec((_RB, _H), lambda i: (i, 0)),
    ],
    out_specs=pl.BlockSpec((_RB, _HD), lambda i: (i, 0)),
    out_shape=jax.ShapeDtypeStruct((_N, _HD), jnp.float32),
)


def kernel(h, edge_index, W, attn_src, attn_dst):
    n = h.shape[0]
    e = edge_index.shape[1]
    assert n == _N and e == _E and h.shape[1] == _IN

    wh, ssrc, sdst = _pre(h, W,
                          attn_src.reshape(1, _HD),
                          attn_dst.reshape(1, _HD))
    whr = wh.reshape(2 * n, 128)
    pad = _EPAD - _E
    srcp = jnp.concatenate([edge_index[0], jnp.zeros((pad,), jnp.int32)])
    dstp = jnp.concatenate([edge_index[1], jnp.zeros((pad,), jnp.int32)])
    z128 = jnp.zeros((_NPT, 128), jnp.float32)
    alpha, dparts = _sca(ssrc.T.reshape(-1), sdst.T.reshape(-1), srcp, dstp)
    dinv = _dred(dparts)
    msgp = _scb(whr, alpha, srcp, dstp, z128)
    return _div(msgp, dinv)

# --- scband reference (transcript-rebuilt; emitter-appended) ---
"""Pipeline reference for scband-gatlayer-42966852829301 (READ-ONLY COPY).

The authoritative reference and input builder live on the scoring server;
editing this copy changes nothing except your own understanding.
"""

import jax, jax.numpy as jnp
import numpy as np

N = 10000
E = 160000
IN_DIM = 256
H = 4
D = 64
NEG_SLOPE = 0.2


def setup_inputs(seed: int = 0) -> dict:
    key = jax.random.key(seed)
    k1, k2, k3, k4, k5 = jax.random.split(key, 5)
    h = jax.random.normal(k1, (N, IN_DIM), dtype=jnp.float32)
    edge_index = jax.random.randint(k2, (2, E), 0, N, dtype=jnp.int32)
    # xavier-ish scale for linear weight (IN_DIM, H*D) and attention vectors
    w_scale = float(np.sqrt(2.0 / (IN_DIM + H * D)))
    a_scale = float(np.sqrt(2.0 / (H + D)))
    W = jax.random.normal(k3, (IN_DIM, H * D), dtype=jnp.float32) * w_scale
    attn_src = jax.random.normal(k4, (H, D), dtype=jnp.float32) * a_scale
    attn_dst = jax.random.normal(k5, (H, D), dtype=jnp.float32) * a_scale
    return {"h": h, "edge_index": edge_index, "W": W, "attn_src": attn_src, "attn_dst": attn_dst}


def reference(h, edge_index, W, attn_src, attn_dst):
    n = h.shape[0]
    src = edge_index[0]
    dst = edge_index[1]
    Wh = (h @ W).reshape(n, H, D)                      # (N, H, D)
    Wh_src = Wh[src]                                    # gather (E, H, D)
    Wh_dst = Wh[dst]                                    # gather (E, H, D)
    e_src = (Wh_src * attn_src[None, :, :]).sum(axis=-1)  # (E, H)
    e_dst = (Wh_dst * attn_dst[None, :, :]).sum(axis=-1)  # (E, H)
    e = jax.nn.leaky_relu(e_src + e_dst, negative_slope=NEG_SLOPE)
    alpha = jnp.exp(e)                                  # (E, H)
    denom = jax.ops.segment_sum(alpha, dst, num_segments=n)  # scatter-add (N, H)
    denom = jnp.maximum(denom, 1e-08)                   # clamp_min
    alpha = alpha / denom[dst]                          # gather + normalize
    # dropout is identity in eval mode (p effectively 0 at inference)
    messages = Wh_src * alpha[:, :, None]               # (E, H, D)
    out = jax.ops.segment_sum(messages, dst, num_segments=n)  # scatter-add (N, H, D)
    return out.reshape(n, H * D)

if __name__ == "__main__":
    import jax
    _d = setup_inputs()
    print(jax.jit(kernel)(*tuple(_d.values())))

</pallas_src>

<mosaic_0001>
#map = affine_map<(d0, d1) -> (0)>
#map1 = affine_map<(d0, d1) -> (0, 0, 0, 0)>
module attributes {stable_mosaic.version = 14 : i64} {
  func.func @_sca_body(%arg0: i32, %arg1: i32, %arg2: memref<40000xf32, #tpu.memory_space<hbm>>, %arg3: memref<40000xf32, #tpu.memory_space<hbm>>, %arg4: memref<163840xi32, #tpu.memory_space<hbm>>, %arg5: memref<163840xi32, #tpu.memory_space<hbm>>, %arg6: memref<655360xf32, #tpu.memory_space<hbm>>, %arg7: memref<2x2x16x10112xf32, #tpu.memory_space<hbm>>, %arg8: memref<10000xf32, #tpu.memory_space<vmem>>, %arg9: memref<10000xf32, #tpu.memory_space<vmem>>, %arg10: memref<10000xf32, #tpu.memory_space<vmem>>, %arg11: memref<10000xf32, #tpu.memory_space<vmem>>, %arg12: memref<10240xi32, #tpu.memory_space<vmem>>, %arg13: memref<10240xi32, #tpu.memory_space<vmem>>, %arg14: memref<10240xf32, #tpu.memory_space<vmem>>, %arg15: memref<10240xf32, #tpu.memory_space<vmem>>, %arg16: memref<10112xf32, #tpu.memory_space<vmem>>, %arg17: memref<10112xf32, #tpu.memory_space<vmem>>) attributes {dimension_semantics = [#tpu.dimension_semantics<core_parallel>, #tpu.dimension_semantics<subcore_parallel>], iteration_bounds = array<i64: 2, 16>, scalar_prefetch = 0 : i64, scratch_operands = 10 : i64, tpu.core_type = #tpu.core_type<sc_vector_subcore>, window_params = [{transform_indices = #map}, {transform_indices = #map}, {transform_indices = #map}, {transform_indices = #map}, {transform_indices = #map}, {transform_indices = #map1}]} {
    %mul3A = arith.constant 2 : i32
    %mul3A_0 = arith.muli %mul3A, %arg0 : i32
    %mul3A_1 = arith.constant 10000 : i32
    %mul3A_2 = arith.muli %mul3A_0, %mul3A_1 : i32
    "tpu.region"() ({
      %run_scoped3A_47 = tpu.sem_alloc : memref<!tpu.dma_semaphore, #tpu.memory_space<semaphore_mem>>
      %dma_start3A = tpu.memref_slice %arg2[%mul3A_2] : memref<40000xf32, #tpu.memory_space<hbm>> -> memref<10000xf32, #tpu.memory_space<hbm>>
      %dma_start3A_48 = tpu.memref_slice %arg2[%mul3A_2] : memref<40000xf32, #tpu.memory_space<hbm>> -> memref<10000xf32, #tpu.memory_space<hbm>>
      tpu.enqueue_dma source(%dma_start3A_48 : memref<10000xf32, #tpu.memory_space<hbm>>) target(%arg8 : memref<10000xf32, #tpu.memory_space<vmem>>) target_semaphore(%run_scoped3A_47 : memref<!tpu.dma_semaphore, #tpu.memory_space<semaphore_mem>>)
      %dma_wait3A = tpu.memref_slice %arg2[%mul3A_2] : memref<40000xf32, #tpu.memory_space<hbm>> -> memref<10000xf32, #tpu.memory_space<hbm>>
      %dma_wait3A_49 = tpu.memref_slice %arg2[%mul3A_2] : memref<40000xf32, #tpu.memory_space<hbm>> -> memref<10000xf32, #tpu.memory_space<hbm>>
      tpu.wait_dma2 semaphore(%run_scoped3A_47 : memref<!tpu.dma_semaphore, #tpu.memory_space<semaphore_mem>>) src(%dma_wait3A_49 : memref<10000xf32, #tpu.memory_space<hbm>>) dst(%arg8 : memref<10000xf32, #tpu.memory_space<vmem>>)
      tpu.yield
    }) : () -> ()
    %mul3A_3 = arith.constant 2 : i32
    %mul3A_4 = arith.muli %mul3A_3, %arg0 : i32
    %add3A = arith.constant 1 : i32
    %add3A_5 = arith.addi %mul3A_4, %add3A : i32
    %mul3A_6 = arith.constant 10000 : i32
    %mul3A_7 = arith.muli %add3A_5, %mul3A_6 : i32
    "tpu.region"() ({
      %run_scoped3A_47 = tpu.sem_alloc : memref<!tpu.dma_semaphore, #tpu.memory_space<semaphore_mem>>
      %dma_start3A = tpu.memref_slice %arg2[%mul3A_7] : memref<40000xf32, #tpu.memory_space<hbm>> -> memref<10000xf32, #tpu.memory_space<hbm>>
      %dma_start3A_48 = tpu.memref_slice %arg2[%mul3A_7] : memref<40000xf32, #tpu.memory_space<hbm>> -> memref<10000xf32, #tpu.memory_space<hbm>>
      tpu.enqueue_dma source(%dma_start3A_48 : memref<10000xf32, #tpu.memory_space<hbm>>) target(%arg9 : memref<10000xf32, #tpu.memory_space<vmem>>) target_semaphore(%run_scoped3A_47 : memref<!tpu.dma_semaphore, #tpu.memory_space<semaphore_mem>>)
      %dma_wait3A = tpu.memref_slice %arg2[%mul3A_7] : memref<40000xf32, #tpu.memory_space<hbm>> -> memref<10000xf32, #tpu.memory_space<hbm>>
      %dma_wait3A_49 = tpu.memref_slice %arg2[%mul3A_7] : memref<40000xf32, #tpu.memory_space<hbm>> -> memref<10000xf32, #tpu.memory_space<hbm>>
      tpu.wait_dma2 semaphore(%run_scoped3A_47 : memref<!tpu.dma_semaphore, #tpu.memory_space<semaphore_mem>>) src(%dma_wait3A_49 : memref<10000xf32, #tpu.memory_space<hbm>>) dst(%arg9 : memref<10000xf32, #tpu.memory_space<vmem>>)
      tpu.yield
    }) : () -> ()
    %mul3A_8 = arith.constant 2 : i32
    %mul3A_9 = arith.muli %mul3A_8, %arg0 : i32
    %mul3A_10 = arith.constant 10000 : i32
    %mul3A_11 = arith.muli %mul3A_9, %mul3A_10 : i32
    "tpu.region"() ({
      %run_scoped3A_47 = tpu.sem_alloc : memref<!tpu.dma_semaphore, #tpu.memory_space<semaphore_mem>>
      %dma_start3A = tpu.memref_slice %arg3[%mul3A_11] : memref<40000xf32, #tpu.memory_space<hbm>> -> memref<10000xf32, #tpu.memory_space<hbm>>
      %dma_start3A_48 = tpu.memref_slice %arg3[%mul3A_11] : memref<40000xf32, #tpu.memory_space<hbm>> -> memref<10000xf32, #tpu.memory_space<hbm>>
      tpu.enqueue_dma source(%dma_start3A_48 : memref<10000xf32, #tpu.memory_space<hbm>>) target(%arg10 : memref<10000xf32, #tpu.memory_space<vmem>>) target_semaphore(%run_scoped3A_47 : memref<!tpu.dma_semaphore, #tpu.memory_space<semaphore_mem>>)
      %dma_wait3A = tpu.memref_slice %arg3[%mul3A_11] : memref<40000xf32, #tpu.memory_space<hbm>> -> memref<10000xf32, #tpu.memory_space<hbm>>
      %dma_wait3A_49 = tpu.memref_slice %arg3[%mul3A_11] : memref<40000xf32, #tpu.memory_space<hbm>> -> memref<10000xf32, #tpu.memory_space<hbm>>
      tpu.wait_dma2 semaphore(%run_scoped3A_47 : memref<!tpu.dma_semaphore, #tpu.memory_space<semaphore_mem>>) src(%dma_wait3A_49 : memref<10000xf32, #tpu.memory_space<hbm>>) dst(%arg10 : memref<10000xf32, #tpu.memory_space<vmem>>)
      tpu.yield
    }) : () -> ()
    %mul3A_12 = arith.constant 2 : i32
    %mul3A_13 = arith.muli %mul3A_12, %arg0 : i32
    %add3A_14 = arith.constant 1 : i32
    %add3A_15 = arith.addi %mul3A_13, %add3A_14 : i32
    %mul3A_16 = arith.constant 10000 : i32
    %mul3A_17 = arith.muli %add3A_15, %mul3A_16 : i32
    "tpu.region"() ({
      %run_scoped3A_47 = tpu.sem_alloc : memref<!tpu.dma_semaphore, #tpu.memory_space<semaphore_mem>>
      %dma_start3A = tpu.memref_slice %arg3[%mul3A_17] : memref<40000xf32, #tpu.memory_space<hbm>> -> memref<10000xf32, #tpu.memory_space<hbm>>
      %dma_start3A_48 = tpu.memref_slice %arg3[%mul3A_17] : memref<40000xf32, #tpu.memory_space<hbm>> -> memref<10000xf32, #tpu.memory_space<hbm>>
      tpu.enqueue_dma source(%dma_start3A_48 : memref<10000xf32, #tpu.memory_space<hbm>>) target(%arg11 : memref<10000xf32, #tpu.memory_space<vmem>>) target_semaphore(%run_scoped3A_47 : memref<!tpu.dma_semaphore, #tpu.memory_space<semaphore_mem>>)
      %dma_wait3A = tpu.memref_slice %arg3[%mul3A_17] : memref<40000xf32, #tpu.memory_space<hbm>> -> memref<10000xf32, #tpu.memory_space<hbm>>
      %dma_wait3A_49 = tpu.memref_slice %arg3[%mul3A_17] : memref<40000xf32, #tpu.memory_space<hbm>> -> memref<10000xf32, #tpu.memory_space<hbm>>
      tpu.wait_dma2 semaphore(%run_scoped3A_47 : memref<!tpu.dma_semaphore, #tpu.memory_space<semaphore_mem>>) src(%dma_wait3A_49 : memref<10000xf32, #tpu.memory_space<hbm>>) dst(%arg11 : memref<10000xf32, #tpu.memory_space<vmem>>)
      tpu.yield
    }) : () -> ()
    %iota3A = tpu.iota {dimensions = array<i32: 0>} : vector<16xi32>
    %broadcast_in_dim3A = arith.constant 0.000000e+00 : f32
    %broadcast_in_dim3A_18 = vector.broadcast %broadcast_in_dim3A : f32 to vector<16xf32>
    %scan3A = arith.constant 0 : i32
    %scan3A_19 = arith.constant 0 : i32
    %scan3A_20 = arith.constant 632 : i32
    %scan3A_21 = arith.addi %scan3A_19, %scan3A_20 : i32
    %scan3A_22 = arith.constant 1 : i32
    %scan3A_23 = scf.for %scan3A_47 = %scan3A_19 to %scan3A_21 step %scan3A_22 iter_args(%scan3A_48 = %scan3A) -> (i32)  : i32 {
      %mul3A_49 = arith.constant 16 : i32
      %mul3A_50 = arith.muli %scan3A_47, %mul3A_49 : i32
      %swap3A = arith.index_cast %mul3A_50 : i32 to index
      %swap3A_51 = tpu.vector_load %arg16[%swap3A] {strides = array<i32>} : memref<10112xf32, #tpu.memory_space<vmem>>, vector<16xf32>,
      tpu.vector_store %arg16[%swap3A], %broadcast_in_dim3A_18 {strides = array<i32>} : memref<10112xf32, #tpu.memory_space<vmem>>, vector<16xf32>,
      %swap3A_52 = arith.index_cast %mul3A_50 : i32 to index
      %swap3A_53 = tpu.vector_load %arg17[%swap3A_52] {strides = array<i32>} : memref<10112xf32, #tpu.memory_space<vmem>>, vector<16xf32>,
      tpu.vector_store %arg17[%swap3A_52], %broadcast_in_dim3A_18 {strides = array<i32>} : memref<10112xf32, #tpu.memory_space<vmem>>, vector<16xf32>,
      %scan3A_54 = arith.constant 0 : i32
      scf.yield %scan3A_54 : i32
    }
    %scan3A_24 = arith.constant 632 : i32
    %mul3A_25 = arith.constant 10240 : i32
    %mul3A_26 = arith.muli %arg1, %mul3A_25 : i32
    "tpu.region"() ({
      %run_scoped3A_47 = tpu.sem_alloc : memref<!tpu.dma_semaphore, #tpu.memory_space<semaphore_mem>>
      %dma_start3A = tpu.memref_slice %arg4[%mul3A_26] : memref<163840xi32, #tpu.memory_space<hbm>> -> memref<10240xi32, #tpu.memory_space<hbm>>
      %dma_start3A_48 = tpu.memref_slice %arg4[%mul3A_26] : memref<163840xi32, #tpu.memory_space<hbm>> -> memref<10240xi32, #tpu.memory_space<hbm>>
      tpu.enqueue_dma source(%dma_start3A_48 : memref<10240xi32, #tpu.memory_space<hbm>>) target(%arg12 : memref<10240xi32, #tpu.memory_space<vmem>>) target_semaphore(%run_scoped3A_47 : memref<!tpu.dma_semaphore, #tpu.memory_space<semaphore_mem>>)
      %dma_wait3A = tpu.memref_slice %arg4[%mul3A_26] : memref<163840xi32, #tpu.memory_space<hbm>> -> memref<10240xi32, #tpu.memory_space<hbm>>
      %dma_wait3A_49 = tpu.memref_slice %arg4[%mul3A_26] : memref<163840xi32, #tpu.memory_space<hbm>> -> memref<10240xi32, #tpu.memory_space<hbm>>
      tpu.wait_dma2 semaphore(%run_scoped3A_47 : memref<!tpu.dma_semaphore, #tpu.memory_space<semaphore_mem>>) src(%dma_wait3A_49 : memref<10240xi32, #tpu.memory_space<hbm>>) dst(%arg12 : memref<10240xi32, #tpu.memory_space<vmem>>)
      tpu.yield
    }) : () -> ()
    "tpu.region"() ({
      %run_scoped3A_47 = tpu.sem_alloc : memref<!tpu.dma_semaphore, #tpu.memory_space<semaphore_mem>>
      %dma_start3A = tpu.memref_slice %arg5[%mul3A_26] : memref<163840xi32, #tpu.memory_space<hbm>> -> memref<10240xi32, #tpu.memory_space<hbm>>
      %dma_start3A_48 = tpu.memref_slice %arg5[%mul3A_26] : memref<163840xi32, #tpu.memory_space<hbm>> -> memref<10240xi32, #tpu.memory_space<hbm>>
      tpu.enqueue_dma source(%dma_start3A_48 : memref<10240xi32, #tpu.memory_space<hbm>>) target(%arg13 : memref<10240xi32, #tpu.memory_space<vmem>>) target_semaphore(%run_scoped3A_47 : memref<!tpu.dma_semaphore, #tpu.memory_space<semaphore_mem>>)
      %dma_wait3A = tpu.memref_slice %arg5[%mul3A_26] : memref<163840xi32, #tpu.memory_space<hbm>> -> memref<10240xi32, #tpu.memory_space<hbm>>
      %dma_wait3A_49 = tpu.memref_slice %arg5[%mul3A_26] : memref<163840xi32, #tpu.memory_space<hbm>> -> memref<10240xi32, #tpu.memory_space<hbm>>
      tpu.wait_dma2 semaphore(%run_scoped3A_47 : memref<!tpu.dma_semaphore, #tpu.memory_space<semaphore_mem>>) src(%dma_wait3A_49 : memref<10240xi32, #tpu.memory_space<hbm>>) dst(%arg13 : memref<10240xi32, #tpu.memory_space<vmem>>)
      tpu.yield
    }) : () -> ()
    %scan3A_27 = arith.constant 0 : i32
    %scan3A_28 = arith.constant 0 : i32
    %scan3A_29 = arith.constant 640 : i32
    %scan3A_30 = arith.addi %scan3A_28, %scan3A_29 : i32
    %scan3A_31 = arith.constant 1 : i32
    %scan3A_32 = scf.for %scan3A_47 = %scan3A_28 to %scan3A_30 step %scan3A_31 iter_args(%scan3A_48 = %scan3A_27) -> (i32)  : i32 {
      %mul3A_49 = arith.constant 16 : i32
      %mul3A_50 = arith.muli %scan3A_47, %mul3A_49 : i32
      %get3A = arith.index_cast %mul3A_50 : i32 to index
      %get3A_51 = tpu.vector_load %arg12[%get3A] {strides = array<i32>} : memref<10240xi32, #tpu.memory_space<vmem>>, vector<16xi32>,
      %get3A_52 = arith.index_cast %mul3A_50 : i32 to index
      %get3A_53 = tpu.vector_load %arg13[%get3A_52] {strides = array<i32>} : memref<10240xi32, #tpu.memory_space<vmem>>, vector<16xi32>,
      %gather3A = tpu.vector_load_idx %arg8[%get3A_51] : memref<10000xf32, #tpu.memory_space<vmem>>[vector<16xi32>], vector<16xf32>,
      %gather3A_54 = tpu.vector_load_idx %arg10[%get3A_53] : memref<10000xf32, #tpu.memory_space<vmem>>[vector<16xi32>], vector<16xf32>,
      %add3A_55 = arith.addf %gather3A, %gather3A_54 : vector<16xf32>
      %gather3A_56 = tpu.vector_load_idx %arg9[%get3A_51] : memref<10000xf32, #tpu.memory_space<vmem>>[vector<16xi32>], vector<16xf32>,
      %gather3A_57 = tpu.vector_load_idx %arg11[%get3A_53] : memref<10000xf32, #tpu.memory_space<vmem>>[vector<16xi32>], vector<16xf32>,
      %add3A_58 = arith.addf %gather3A_56, %gather3A_57 : vector<16xf32>
      %ge3A = arith.constant 0.000000e+00 : f32
      %ge3A_59 = vector.broadcast %ge3A : f32 to vector<16xf32>
      %ge3A_60 = arith.cmpf oge, %add3A_55, %ge3A_59 : vector<16xf32>
      %mul3A_61 = arith.constant 2.000000e-01 : f32
      %mul3A_62 = vector.broadcast %mul3A_61 : f32 to vector<16xf32>
      %mul3A_63 = arith.mulf %add3A_55, %mul3A_62 : vector<16xf32>
      %select_n3A = arith.select %ge3A_60, %add3A_55, %mul3A_63 : vector<16xi1>, vector<16xf32>
      %ge3A_64 = arith.constant 0.000000e+00 : f32
      %ge3A_65 = vector.broadcast %ge3A_64 : f32 to vector<16xf32>
      %ge3A_66 = arith.cmpf oge, %add3A_58, %ge3A_65 : vector<16xf32>
      %mul3A_67 = arith.constant 2.000000e-01 : f32
      %mul3A_68 = vector.broadcast %mul3A_67 : f32 to vector<16xf32>
      %mul3A_69 = arith.mulf %add3A_58, %mul3A_68 : vector<16xf32>
      %select_n3A_70 = arith.select %ge3A_66, %add3A_58, %mul3A_69 : vector<16xi1>, vector<16xf32>
      %exp3A = math.exp %select_n3A : vector<16xf32>
      %exp3A_71 = math.exp %select_n3A_70 : vector<16xf32>
      %mul3A_72 = arith.constant 16 : i32
      %mul3A_73 = arith.muli %scan3A_47, %mul3A_72 : i32
      %add3A_74 = arith.addi %mul3A_26, %mul3A_73 : i32
      %add3A_75 = vector.broadcast %add3A_74 : i32 to vector<16xi32>
      %add3A_76 = arith.addi %add3A_75, %iota3A : vector<16xi32>
      %lt3A = arith.constant 160000 : i32
      %lt3A_77 = vector.broadcast %lt3A : i32 to vector<16xi32>
      %lt3A_78 = arith.cmpi slt, %add3A_76, %lt3A_77 : vector<16xi32>
      %jit3A = arith.constant 0.000000e+00 : f32
      %broadcast_in_dim3A_79 = vector.broadcast %jit3A : f32 to vector<16xf32>
      %select_n3A_80 = arith.select %lt3A_78, %exp3A, %broadcast_in_dim3A_79 : vector<16xi1>, vector<16xf32>
      %lt3A_81 = arith.constant 160000 : i32
      %lt3A_82 = vector.broadcast %lt3A_81 : i32 to vector<16xi32>
      %lt3A_83 = arith.cmpi slt, %add3A_76, %lt3A_82 : vector<16xi32>
      %jit3A_84 = arith.constant 0.000000e+00 : f32
      %broadcast_in_dim3A_85 = vector.broadcast %jit3A_84 : f32 to vector<16xf32>
      %select_n3A_86 = arith.select %lt3A_83, %exp3A_71, %broadcast_in_dim3A_85 : vector<16xi1>, vector<16xf32>
      %swap3A = arith.index_cast %mul3A_50 : i32 to index
      %swap3A_87 = tpu.vector_load %arg14[%swap3A] {strides = array<i32>} : memref<10240xf32, #tpu.memory_space<vmem>>, vector<16xf32>,
      tpu.vector_store %arg14[%swap3A], %select_n3A_80 {strides = array<i32>} : memref<10240xf32, #tpu.memory_space<vmem>>, vector<16xf32>,
      %swap3A_88 = arith.index_cast %mul3A_50 : i32 to index
      %swap3A_89 = tpu.vector_load %arg15[%swap3A_88] {strides = array<i32>} : memref<10240xf32, #tpu.memory_space<vmem>>, vector<16xf32>,
      tpu.vector_store %arg15[%swap3A_88], %select_n3A_86 {strides = array<i32>} : memref<10240xf32, #tpu.memory_space<vmem>>, vector<16xf32>,
      tpu.vector_store_idx %arg16[%get3A_53], %select_n3A_80 {add = true} : memref<10112xf32, #tpu.memory_space<vmem>>[vector<16xi32>], vector<16xf32>,
      tpu.vector_store_idx %arg17[%get3A_53], %select_n3A_86 {add = true} : memref<10112xf32, #tpu.memory_space<vmem>>[vector<16xi32>], vector<16xf32>,
      %scan3A_90 = arith.constant 0 : i32
      scf.yield %scan3A_90 : i32
    }
    %scan3A_33 = arith.constant 640 : i32
    %mul3A_34 = arith.constant 2 : i32
    %mul3A_35 = arith.muli %mul3A_34, %arg0 : i32
    %mul3A_36 = arith.constant 163840 : i32
    %mul3A_37 = arith.muli %mul3A_35, %mul3A_36 : i32
    %add3A_38 = arith.addi %mul3A_37, %mul3A_26 : i32
    "tpu.region"() ({
      %run_scoped3A_47 = tpu.sem_alloc : memref<!tpu.dma_semaphore, #tpu.memory_space<semaphore_mem>>
      %dma_start3A = tpu.memref_slice %arg6[%add3A_38] : memref<655360xf32, #tpu.memory_space<hbm>> -> memref<10240xf32, #tpu.memory_space<hbm>>
      %dma_start3A_48 = tpu.memref_slice %arg6[%add3A_38] : memref<655360xf32, #tpu.memory_space<hbm>> -> memref<10240xf32, #tpu.memory_space<hbm>>
      tpu.enqueue_dma source(%arg14 : memref<10240xf32, #tpu.memory_space<vmem>>) target(%dma_start3A_48 : memref<10240xf32, #tpu.memory_space<hbm>>) target_semaphore(%run_scoped3A_47 : memref<!tpu.dma_semaphore, #tpu.memory_space<semaphore_mem>>)
      %dma_wait3A = tpu.memref_slice %arg6[%add3A_38] : memref<655360xf32, #tpu.memory_space<hbm>> -> memref<10240xf32, #tpu.memory_space<hbm>>
      %dma_wait3A_49 = tpu.memref_slice %arg6[%add3A_38] : memref<655360xf32, #tpu.memory_space<hbm>> -> memref<10240xf32, #tpu.memory_space<hbm>>
      tpu.wait_dma2 semaphore(%run_scoped3A_47 : memref<!tpu.dma_semaphore, #tpu.memory_space<semaphore_mem>>) src(%arg14 : memref<10240xf32, #tpu.memory_space<vmem>>) dst(%dma_wait3A_49 : memref<10240xf32, #tpu.memory_space<hbm>>)
      tpu.yield
    }) : () -> ()
    %mul3A_39 = arith.constant 2 : i32
    %mul3A_40 = arith.muli %mul3A_39, %arg0 : i32
    %add3A_41 = arith.constant 1 : i32
    %add3A_42 = arith.addi %mul3A_40, %add3A_41 : i32
    %mul3A_43 = arith.constant 163840 : i32
    %mul3A_44 = arith.muli %add3A_42, %mul3A_43 : i32
    %add3A_45 = arith.addi %mul3A_44, %mul3A_26 : i32
    "tpu.region"() ({
      %run_scoped3A_47 = tpu.sem_alloc : memref<!tpu.dma_semaphore, #tpu.memory_space<semaphore_mem>>
      %dma_start3A = tpu.memref_slice %arg6[%add3A_45] : memref<655360xf32, #tpu.memory_space<hbm>> -> memref<10240xf32, #tpu.memory_space<hbm>>
      %dma_start3A_48 = tpu.memref_slice %arg6[%add3A_45] : memref<655360xf32, #tpu.memory_space<hbm>> -> memref<10240xf32, #tpu.memory_space<hbm>>
      tpu.enqueue_dma source(%arg15 : memref<10240xf32, #tpu.memory_space<vmem>>) target(%dma_start3A_48 : memref<10240xf32, #tpu.memory_space<hbm>>) target_semaphore(%run_scoped3A_47 : memref<!tpu.dma_semaphore, #tpu.memory_space<semaphore_mem>>)
      %dma_wait3A = tpu.memref_slice %arg6[%add3A_45] : memref<655360xf32, #tpu.memory_space<hbm>> -> memref<10240xf32, #tpu.memory_space<hbm>>
      %dma_wait3A_49 = tpu.memref_slice %arg6[%add3A_45] : memref<655360xf32, #tpu.memory_space<hbm>> -> memref<10240xf32, #tpu.memory_space<hbm>>
      tpu.wait_dma2 semaphore(%run_scoped3A_47 : memref<!tpu.dma_semaphore, #tpu.memory_space<semaphore_mem>>) src(%arg15 : memref<10240xf32, #tpu.memory_space<vmem>>) dst(%dma_wait3A_49 : memref<10240xf32, #tpu.memory_space<hbm>>)
      tpu.yield
    }) : () -> ()
    %run_scoped3A = arith.constant 0 : i32
    "tpu.region"() ({
      %run_scoped3A_47 = tpu.sem_alloc : memref<!tpu.dma_semaphore, #tpu.memory_space<semaphore_mem>>
      %dma_start3A = arith.constant 0 : i32
      %dma_start3A_48 = tpu.memref_slice %arg7[%arg0, %run_scoped3A, %arg1, %dma_start3A] : memref<2x2x16x10112xf32, #tpu.memory_space<hbm>> -> memref<1x1x1x10112xf32, #tpu.memory_space<hbm>>
      %dma_start3A_49 = tpu.memref_squeeze %dma_start3A_48 : memref<1x1x1x10112xf32, #tpu.memory_space<hbm>> -> memref<10112xf32, #tpu.memory_space<hbm>>
      %dma_start3A_50 = arith.constant 0 : i32
      %dma_start3A_51 = tpu.memref_slice %arg7[%arg0, %run_scoped3A, %arg1, %dma_start3A_50] : memref<2x2x16x10112xf32, #tpu.memory_space<hbm>> -> memref<1x1x1x10112xf32, #tpu.memory_space<hbm>>
      %dma_start3A_52 = tpu.memref_squeeze %dma_start3A_51 : memref<1x1x1x10112xf32, #tpu.memory_space<hbm>> -> memref<10112xf32, #tpu.memory_space<hbm>>
      tpu.enqueue_dma source(%arg16 : memref<10112xf32, #tpu.memory_space<vmem>>) target(%dma_start3A_52 : memref<10112xf32, #tpu.memory_space<hbm>>) target_semaphore(%run_scoped3A_47 : memref<!tpu.dma_semaphore, #tpu.memory_space<semaphore_mem>>)
      %dma_wait3A = arith.constant 0 : i32
      %dma_wait3A_53 = tpu.memref_slice %arg7[%arg0, %run_scoped3A, %arg1, %dma_wait3A] : memref<2x2x16x10112xf32, #tpu.memory_space<hbm>> -> memref<1x1x1x10112xf32, #tpu.memory_space<hbm>>
      %dma_wait3A_54 = tpu.memref_squeeze %dma_wait3A_53 : memref<1x1x1x10112xf32, #tpu.memory_space<hbm>> -> memref<10112xf32, #tpu.memory_space<hbm>>
      %dma_wait3A_55 = arith.constant 0 : i32
      %dma_wait3A_56 = tpu.memref_slice %arg7[%arg0, %run_scoped3A, %arg1, %dma_wait3A_55] : memref<2x2x16x10112xf32, #tpu.memory_space<hbm>> -> memref<1x1x1x10112xf32, #tpu.memory_space<hbm>>
      %dma_wait3A_57 = tpu.memref_squeeze %dma_wait3A_56 : memref<1x1x1x10112xf32, #tpu.memory_space<hbm>> -> memref<10112xf32, #tpu.memory_space<hbm>>
      tpu.wait_dma2 semaphore(%run_scoped3A_47 : memref<!tpu.dma_semaphore, #tpu.memory_space<semaphore_mem>>) src(%arg16 : memref<10112xf32, #tpu.memory_space<vmem>>) dst(%dma_wait3A_57 : memref<10112xf32, #tpu.memory_space<hbm>>)
      tpu.yield
    }) : () -> ()
    %run_scoped3A_46 = arith.constant 1 : i32
    "tpu.region"() ({
      %run_scoped3A_47 = tpu.sem_alloc : memref<!tpu.dma_semaphore, #tpu.memory_space<semaphore_mem>>
      %dma_start3A = arith.constant 0 : i32
      %dma_start3A_48 = tpu.memref_slice %arg7[%arg0, %run_scoped3A_46, %arg1, %dma_start3A] : memref<2x2x16x10112xf32, #tpu.memory_space<hbm>> -> memref<1x1x1x10112xf32, #tpu.memory_space<hbm>>
      %dma_start3A_49 = tpu.memref_squeeze %dma_start3A_48 : memref<1x1x1x10112xf32, #tpu.memory_space<hbm>> -> memref<10112xf32, #tpu.memory_space<hbm>>
      %dma_start3A_50 = arith.constant 0 : i32
      %dma_start3A_51 = tpu.memref_slice %arg7[%arg0, %run_scoped3A_46, %arg1, %dma_start3A_50] : memref<2x2x16x10112xf32, #tpu.memory_space<hbm>> -> memref<1x1x1x10112xf32, #tpu.memory_space<hbm>>
      %dma_start3A_52 = tpu.memref_squeeze %dma_start3A_51 : memref<1x1x1x10112xf32, #tpu.memory_space<hbm>> -> memref<10112xf32, #tpu.memory_space<hbm>>
      tpu.enqueue_dma source(%arg17 : memref<10112xf32, #tpu.memory_space<vmem>>) target(%dma_start3A_52 : memref<10112xf32, #tpu.memory_space<hbm>>) target_semaphore(%run_scoped3A_47 : memref<!tpu.dma_semaphore, #tpu.memory_space<semaphore_mem>>)
      %dma_wait3A = arith.constant 0 : i32
      %dma_wait3A_53 = tpu.memref_slice %arg7[%arg0, %run_scoped3A_46, %arg1, %dma_wait3A] : memref<2x2x16x10112xf32, #tpu.memory_space<hbm>> -> memref<1x1x1x10112xf32, #tpu.memory_space<hbm>>
      %dma_wait3A_54 = tpu.memref_squeeze %dma_wait3A_53 : memref<1x1x1x10112xf32, #tpu.memory_space<hbm>> -> memref<10112xf32, #tpu.memory_space<hbm>>
      %dma_wait3A_55 = arith.constant 0 : i32
      %dma_wait3A_56 = tpu.memref_slice %arg7[%arg0, %run_scoped3A_46, %arg1, %dma_wait3A_55] : memref<2x2x16x10112xf32, #tpu.memory_space<hbm>> -> memref<1x1x1x10112xf32, #tpu.memory_space<hbm>>
      %dma_wait3A_57 = tpu.memref_squeeze %dma_wait3A_56 : memref<1x1x1x10112xf32, #tpu.memory_space<hbm>> -> memref<10112xf32, #tpu.memory_space<hbm>>
      tpu.wait_dma2 semaphore(%run_scoped3A_47 : memref<!tpu.dma_semaphore, #tpu.memory_space<semaphore_mem>>) src(%arg17 : memref<10112xf32, #tpu.memory_space<vmem>>) dst(%dma_wait3A_57 : memref<10112xf32, #tpu.memory_space<hbm>>)
      tpu.yield
    }) : () -> ()
    return
  }
}

#map = affine_map<(d0, d1) -> (0, 0)>
#map1 = affine_map<(d0, d1) -> (0)>
#map2 = affine_map<(d0, d1) -> (0, 0, 0)>
module attributes {stable_mosaic.version = 14 : i64} {
  func.func @_scb_body(%arg0: i32, %arg1: i32, %arg2: memref<20000x128xf32, #tpu.memory_space<hbm>>, %arg3: memref<655360xf32, #tpu.memory_space<hbm>>, %arg4: memref<163840xi32, #tpu.memory_space<hbm>>, %arg5: memref<163840xi32, #tpu.memory_space<hbm>>, %arg6: memref<632x128xf32, #tpu.memory_space<hbm>>, %arg7: memref<2x10112x128xf32, #tpu.memory_space<hbm>>, %arg8: memref<2560xi32, #tpu.memory_space<vmem>>, %arg9: memref<2560xi32, #tpu.memory_space<vmem>>, %arg10: memref<2560xf32, #tpu.memory_space<vmem>>, %arg11: memref<2560xf32, #tpu.memory_space<vmem>>, %arg12: memref<64xi32, #tpu.memory_space<vmem>>, %arg13: memref<64xi32, #tpu.memory_space<vmem>>, %arg14: memref<64xi32, #tpu.memory_space<vmem>>, %arg15: memref<64xi32, #tpu.memory_space<vmem>>, %arg16: memref<64xi32, #tpu.memory_space<vmem>>, %arg17: memref<64xi32, #tpu.memory_space<vmem>>, %arg18: memref<64xi32, #tpu.memory_space<vmem>>, %arg19: memref<64xi32, #tpu.memory_space<vmem>>, %arg20: memref<64x128xf32, #tpu.memory_space<vmem>>, %arg21: memref<64x128xf32, #tpu.memory_space<vmem>>, %arg22: memref<64x128xf32, #tpu.memory_space<vmem>>, %arg23: memref<64x128xf32, #tpu.memory_space<vmem>>, %arg24: memref<10112x128xf32, #tpu.memory_space<vmem_shared>>, %arg25: memref<!tpu.dma_semaphore, #tpu.memory_space<semaphore_mem>>, %arg26: memref<!tpu.dma_semaphore, #tpu.memory_space<semaphore_mem>>, %arg27: memref<!tpu.dma_semaphore, #tpu.memory_space<semaphore_mem>>, %arg28: memref<!tpu.dma_semaphore, #tpu.memory_space<semaphore_mem>>, %arg29: memref<!tpu.dma_semaphore, #tpu.memory_space<semaphore_mem>>, %arg30: memref<!tpu.dma_semaphore, #tpu.memory_space<semaphore_mem>>, %arg31: memref<!tpu.dma_semaphore, #tpu.memory_space<semaphore_mem>>, %arg32: memref<!tpu.dma_semaphore, #tpu.memory_space<semaphore_mem>>) attributes {dimension_semantics = [#tpu.dimension_semantics<core_parallel>, #tpu.dimension_semantics<subcore_parallel>], iteration_bounds = array<i64: 2, 16>, scalar_prefetch = 0 : i64, scratch_operands = 25 : i64, tpu.core_type = #tpu.core_type<sc_vector_subcore>, window_params = [{transform_indices = #map}, {transform_indices = #map1}, {transform_indices = #map1}, {transform_indices = #map1}, {transform_indices = #map}, {transform_indices = #map2}]} {
    %mul3A = arith.constant 632 : i32
    %mul3A_0 = arith.muli %arg1, %mul3A : i32
    %mul3A_1 = arith.constant 10240 : i32
    %mul3A_2 = arith.muli %arg1, %mul3A_1 : i32
    "tpu.region"() ({
      %run_scoped3A = tpu.sem_alloc : memref<!tpu.dma_semaphore, #tpu.memory_space<semaphore_mem>>
      %dma_start3A_188 = arith.constant 0 : i32
      %dma_start3A_189 = tpu.memref_slice %arg24[%mul3A_0, %dma_start3A_188] : memref<10112x128xf32, #tpu.memory_space<vmem_shared>> -> memref<632x128xf32, #tpu.memory_space<vmem_shared>>
      tpu.enqueue_dma source(%arg6 : memref<632x128xf32, #tpu.memory_space<hbm>>) target(%dma_start3A_189 : memref<632x128xf32, #tpu.memory_space<vmem_shared>>) target_semaphore(%run_scoped3A : memref<!tpu.dma_semaphore, #tpu.memory_space<semaphore_mem>>)
      %dma_wait3A_190 = arith.constant 0 : i32
      %dma_wait3A_191 = tpu.memref_slice %arg24[%mul3A_0, %dma_wait3A_190] : memref<10112x128xf32, #tpu.memory_space<vmem_shared>> -> memref<632x128xf32, #tpu.memory_space<vmem_shared>>
      tpu.wait_dma2 semaphore(%run_scoped3A : memref<!tpu.dma_semaphore, #tpu.memory_space<semaphore_mem>>) src(%arg6 : memref<632x128xf32, #tpu.memory_space<hbm>>) dst(%dma_wait3A_191 : memref<632x128xf32, #tpu.memory_space<vmem_shared>>)
      tpu.yield
    }) : () -> ()
    %barrier3A = arith.constant 0 : index
    tpu.barrier barrier_id(%barrier3A)
    %add3A = arith.constant 0 : i32
    %add3A_3 = arith.addi %mul3A_2, %add3A : i32
    "tpu.region"() ({
      %run_scoped3A = tpu.sem_alloc : memref<!tpu.dma_semaphore, #tpu.memory_space<semaphore_mem>>
      %dma_start3A_188 = tpu.memref_slice %arg4[%add3A_3] : memref<163840xi32, #tpu.memory_space<hbm>> -> memref<2560xi32, #tpu.memory_space<hbm>>
      %dma_start3A_189 = tpu.memref_slice %arg4[%add3A_3] : memref<163840xi32, #tpu.memory_space<hbm>> -> memref<2560xi32, #tpu.memory_space<hbm>>
      tpu.enqueue_dma source(%dma_start3A_189 : memref<2560xi32, #tpu.memory_space<hbm>>) target(%arg8 : memref<2560xi32, #tpu.memory_space<vmem>>) target_semaphore(%run_scoped3A : memref<!tpu.dma_semaphore, #tpu.memory_space<semaphore_mem>>)
      %dma_wait3A_190 = tpu.memref_slice %arg4[%add3A_3] : memref<163840xi32, #tpu.memory_space<hbm>> -> memref<2560xi32, #tpu.memory_space<hbm>>
      %dma_wait3A_191 = tpu.memref_slice %arg4[%add3A_3] : memref<163840xi32, #tpu.memory_space<hbm>> -> memref<2560xi32, #tpu.memory_space<hbm>>
      tpu.wait_dma2 semaphore(%run_scoped3A : memref<!tpu.dma_semaphore, #tpu.memory_space<semaphore_mem>>) src(%dma_wait3A_191 : memref<2560xi32, #tpu.memory_space<hbm>>) dst(%arg8 : memref<2560xi32, #tpu.memory_space<vmem>>)
      tpu.yield
    }) : () -> ()
    "tpu.region"() ({
      %run_scoped3A = tpu.sem_alloc : memref<!tpu.dma_semaphore, #tpu.memory_space<semaphore_mem>>
      %dma_start3A_188 = tpu.memref_slice %arg5[%add3A_3] : memref<163840xi32, #tpu.memory_space<hbm>> -> memref<2560xi32, #tpu.memory_space<hbm>>
      %dma_start3A_189 = tpu.memref_slice %arg5[%add3A_3] : memref<163840xi32, #tpu.memory_space<hbm>> -> memref<2560xi32, #tpu.memory_space<hbm>>
      tpu.enqueue_dma source(%dma_start3A_189 : memref<2560xi32, #tpu.memory_space<hbm>>) target(%arg9 : memref<2560xi32, #tpu.memory_space<vmem>>) target_semaphore(%run_scoped3A : memref<!tpu.dma_semaphore, #tpu.memory_space<semaphore_mem>>)
      %dma_wait3A_190 = tpu.memref_slice %arg5[%add3A_3] : memref<163840xi32, #tpu.memory_space<hbm>> -> memref<2560xi32, #tpu.memory_space<hbm>>
      %dma_wait3A_191 = tpu.memref_slice %arg5[%add3A_3] : memref<163840xi32, #tpu.memory_space<hbm>> -> memref<2560xi32, #tpu.memory_space<hbm>>
      tpu.wait_dma2 semaphore(%run_scoped3A : memref<!tpu.dma_semaphore, #tpu.memory_space<semaphore_mem>>) src(%dma_wait3A_191 : memref<2560xi32, #tpu.memory_space<hbm>>) dst(%arg9 : memref<2560xi32, #tpu.memory_space<vmem>>)
      tpu.yield
    }) : () -> ()
    %mul3A_4 = arith.constant 2 : i32
    %mul3A_5 = arith.muli %mul3A_4, %arg0 : i32
    %mul3A_6 = arith.constant 163840 : i32
    %mul3A_7 = arith.muli %mul3A_5, %mul3A_6 : i32
    %add3A_8 = arith.addi %mul3A_7, %add3A_3 : i32
    "tpu.region"() ({
      %run_scoped3A = tpu.sem_alloc : memref<!tpu.dma_semaphore, #tpu.memory_space<semaphore_mem>>
      %dma_start3A_188 = tpu.memref_slice %arg3[%add3A_8] : memref<655360xf32, #tpu.memory_space<hbm>> -> memref<2560xf32, #tpu.memory_space<hbm>>
      %dma_start3A_189 = tpu.memref_slice %arg3[%add3A_8] : memref<655360xf32, #tpu.memory_space<hbm>> -> memref<2560xf32, #tpu.memory_space<hbm>>
      tpu.enqueue_dma source(%dma_start3A_189 : memref<2560xf32, #tpu.memory_space<hbm>>) target(%arg10 : memref<2560xf32, #tpu.memory_space<vmem>>) target_semaphore(%run_scoped3A : memref<!tpu.dma_semaphore, #tpu.memory_space<semaphore_mem>>)
      %dma_wait3A_190 = tpu.memref_slice %arg3[%add3A_8] : memref<655360xf32, #tpu.memory_space<hbm>> -> memref<2560xf32, #tpu.memory_space<hbm>>
      %dma_wait3A_191 = tpu.memref_slice %arg3[%add3A_8] : memref<655360xf32, #tpu.memory_space<hbm>> -> memref<2560xf32, #tpu.memory_space<hbm>>
      tpu.wait_dma2 semaphore(%run_scoped3A : memref<!tpu.dma_semaphore, #tpu.memory_space<semaphore_mem>>) src(%dma_wait3A_191 : memref<2560xf32, #tpu.memory_space<hbm>>) dst(%arg10 : memref<2560xf32, #tpu.memory_space<vmem>>)
      tpu.yield
    }) : () -> ()
    %mul3A_9 = arith.constant 2 : i32
    %mul3A_10 = arith.muli %mul3A_9, %arg0 : i32
    %add3A_11 = arith.constant 1 : i32
    %add3A_12 = arith.addi %mul3A_10, %add3A_11 : i32
    %mul3A_13 = arith.constant 163840 : i32
    %mul3A_14 = arith.muli %add3A_12, %mul3A_13 : i32
    %add3A_15 = arith.addi %mul3A_14, %add3A_3 : i32
    "tpu.region"() ({
      %run_scoped3A = tpu.sem_alloc : memref<!tpu.dma_semaphore, #tpu.memory_space<semaphore_mem>>
      %dma_start3A_188 = tpu.memref_slice %arg3[%add3A_15] : memref<655360xf32, #tpu.memory_space<hbm>> -> memref<2560xf32, #tpu.memory_space<hbm>>
      %dma_start3A_189 = tpu.memref_slice %arg3[%add3A_15] : memref<655360xf32, #tpu.memory_space<hbm>> -> memref<2560xf32, #tpu.memory_space<hbm>>
      tpu.enqueue_dma source(%dma_start3A_189 : memref<2560xf32, #tpu.memory_space<hbm>>) target(%arg11 : memref<2560xf32, #tpu.memory_space<vmem>>) target_semaphore(%run_scoped3A : memref<!tpu.dma_semaphore, #tpu.memory_space<semaphore_mem>>)
      %dma_wait3A_190 = tpu.memref_slice %arg3[%add3A_15] : memref<655360xf32, #tpu.memory_space<hbm>> -> memref<2560xf32, #tpu.memory_space<hbm>>
      %dma_wait3A_191 = tpu.memref_slice %arg3[%add3A_15] : memref<655360xf32, #tpu.memory_space<hbm>> -> memref<2560xf32, #tpu.memory_space<hbm>>
      tpu.wait_dma2 semaphore(%run_scoped3A : memref<!tpu.dma_semaphore, #tpu.memory_space<semaphore_mem>>) src(%dma_wait3A_191 : memref<2560xf32, #tpu.memory_space<hbm>>) dst(%arg11 : memref<2560xf32, #tpu.memory_space<vmem>>)
      tpu.yield
    }) : () -> ()
    %scan3A = arith.constant 0 : i32
    %scan3A_16 = arith.constant 0 : i32
    %scan3A_17 = arith.constant 4 : i32
    %scan3A_18 = arith.addi %scan3A_16, %scan3A_17 : i32
    %scan3A_19 = arith.constant 1 : i32
    %scan3A_20 = scf.for %scan3A_188 = %scan3A_16 to %scan3A_18 step %scan3A_19 iter_args(%scan3A_189 = %scan3A) -> (i32)  : i32 {
      %mul3A_190 = arith.constant 16 : i32
      %mul3A_191 = arith.muli %scan3A_188, %mul3A_190 : i32
      %add3A_192 = arith.constant 0 : i32
      %add3A_193 = arith.addi %add3A_192, %mul3A_191 : i32
      %mul3A_194 = arith.constant 16 : i32
      %mul3A_195 = arith.muli %scan3A_188, %mul3A_194 : i32
      %get3A = arith.index_cast %add3A_193 : i32 to index
      %get3A_196 = tpu.vector_load %arg8[%get3A] {strides = array<i32>} : memref<2560xi32, #tpu.memory_space<vmem>>, vector<16xi32>,
      %mul3A_197 = arith.constant 2 : i32
      %mul3A_198 = vector.broadcast %mul3A_197 : i32 to vector<16xi32>
      %mul3A_199 = arith.muli %get3A_196, %mul3A_198 : vector<16xi32>
      %add3A_200 = vector.broadcast %arg0 : i32 to vector<16xi32>
      %add3A_201 = arith.addi %mul3A_199, %add3A_200 : vector<16xi32>
      %swap3A = arith.index_cast %mul3A_195 : i32 to index
      %swap3A_202 = tpu.vector_load %arg12[%swap3A] {strides = array<i32>} : memref<64xi32, #tpu.memory_space<vmem>>, vector<16xi32>,
      tpu.vector_store %arg12[%swap3A], %add3A_201 {strides = array<i32>} : memref<64xi32, #tpu.memory_space<vmem>>, vector<16xi32>,
      %get3A_203 = arith.index_cast %add3A_193 : i32 to index
      %get3A_204 = tpu.vector_load %arg9[%get3A_203] {strides = array<i32>} : memref<2560xi32, #tpu.memory_space<vmem>>, vector<16xi32>,
      %swap3A_205 = arith.index_cast %mul3A_195 : i32 to index
      %swap3A_206 = tpu.vector_load %arg16[%swap3A_205] {strides = array<i32>} : memref<64xi32, #tpu.memory_space<vmem>>, vector<16xi32>,
      tpu.vector_store %arg16[%swap3A_205], %get3A_204 {strides = array<i32>} : memref<64xi32, #tpu.memory_space<vmem>>, vector<16xi32>,
      %scan3A_207 = arith.constant 0 : i32
      scf.yield %scan3A_207 : i32
    }
    %scan3A_21 = arith.constant 4 : i32
    %dma_start3A = arith.constant 0 : i32
    %dma_start3A_22 = arith.constant 0 : i32
    %dma_start3A_23 = tpu.memref_slice %arg2[%dma_start3A, %dma_start3A_22] : memref<20000x128xf32, #tpu.memory_space<hbm>> -> memref<20000x128xf32, #tpu.memory_space<hbm>>
    tpu.enqueue_indirect_dma source(%dma_start3A_23 : memref<20000x128xf32, #tpu.memory_space<hbm>>) target(%arg20 : memref<64x128xf32, #tpu.memory_space<vmem>>) offsets(%arg12 : memref<64xi32, #tpu.memory_space<vmem>>) semaphore(%arg25 : memref<!tpu.dma_semaphore, #tpu.memory_space<semaphore_mem>>)
    %scan3A_24 = arith.constant 0 : i32
    %scan3A_25 = arith.constant 0 : i32
    %scan3A_26 = arith.constant 4 : i32
    %scan3A_27 = arith.addi %scan3A_25, %scan3A_26 : i32
    %scan3A_28 = arith.constant 1 : i32
    %scan3A_29 = scf.for %scan3A_188 = %scan3A_25 to %scan3A_27 step %scan3A_28 iter_args(%scan3A_189 = %scan3A_24) -> (i32)  : i32 {
      %mul3A_190 = arith.constant 16 : i32
      %mul3A_191 = arith.muli %scan3A_188, %mul3A_190 : i32
      %add3A_192 = arith.constant 64 : i32
      %add3A_193 = arith.addi %add3A_192, %mul3A_191 : i32
      %mul3A_194 = arith.constant 16 : i32
      %mul3A_195 = arith.muli %scan3A_188, %mul3A_194 : i32
      %get3A = arith.index_cast %add3A_193 : i32 to index
      %get3A_196 = tpu.vector_load %arg8[%get3A] {strides = array<i32>} : memref<2560xi32, #tpu.memory_space<vmem>>, vector<16xi32>,
      %mul3A_197 = arith.constant 2 : i32
      %mul3A_198 = vector.broadcast %mul3A_197 : i32 to vector<16xi32>
      %mul3A_199 = arith.muli %get3A_196, %mul3A_198 : vector<16xi32>
      %add3A_200 = vector.broadcast %arg0 : i32 to vector<16xi32>
      %add3A_201 = arith.addi %mul3A_199, %add3A_200 : vector<16xi32>
      %swap3A = arith.index_cast %mul3A_195 : i32 to index
      %swap3A_202 = tpu.vector_load %arg13[%swap3A] {strides = array<i32>} : memref<64xi32, #tpu.memory_space<vmem>>, vector<16xi32>,
      tpu.vector_store %arg13[%swap3A], %add3A_201 {strides = array<i32>} : memref<64xi32, #tpu.memory_space<vmem>>, vector<16xi32>,
      %get3A_203 = arith.index_cast %add3A_193 : i32 to index
      %get3A_204 = tpu.vector_load %arg9[%get3A_203] {strides = array<i32>} : memref<2560xi32, #tpu.memory_space<vmem>>, vector<16xi32>,
      %swap3A_205 = arith.index_cast %mul3A_195 : i32 to index
      %swap3A_206 = tpu.vector_load %arg17[%swap3A_205] {strides = array<i32>} : memref<64xi32, #tpu.memory_space<vmem>>, vector<16xi32>,
      tpu.vector_store %arg17[%swap3A_205], %get3A_204 {strides = array<i32>} : memref<64xi32, #tpu.memory_space<vmem>>, vector<16xi32>,
      %scan3A_207 = arith.constant 0 : i32
      scf.yield %scan3A_207 : i32
    }
    %scan3A_30 = arith.constant 4 : i32
    %dma_start3A_31 = arith.constant 0 : i32
    %dma_start3A_32 = arith.constant 0 : i32
    %dma_start3A_33 = tpu.memref_slice %arg2[%dma_start3A_31, %dma_start3A_32] : memref<20000x128xf32, #tpu.memory_space<hbm>> -> memref<20000x128xf32, #tpu.memory_space<hbm>>
    tpu.enqueue_indirect_dma source(%dma_start3A_33 : memref<20000x128xf32, #tpu.memory_space<hbm>>) target(%arg21 : memref<64x128xf32, #tpu.memory_space<vmem>>) offsets(%arg13 : memref<64xi32, #tpu.memory_space<vmem>>) semaphore(%arg26 : memref<!tpu.dma_semaphore, #tpu.memory_space<semaphore_mem>>)
    %scan3A_34 = arith.constant 0 : i32
    %scan3A_35 = arith.constant 0 : i32
    %scan3A_36 = arith.constant 10 : i32
    %scan3A_37 = arith.addi %scan3A_35, %scan3A_36 : i32
    %scan3A_38 = arith.constant 1 : i32
    %scan3A_39 = scf.for %scan3A_188 = %scan3A_35 to %scan3A_37 step %scan3A_38 iter_args(%scan3A_189 = %scan3A_34) -> (i32)  : i32 {
      %mul3A_190 = arith.constant 4 : i32
      %mul3A_191 = arith.muli %mul3A_190, %scan3A_188 : i32
      %add3A_192 = arith.constant 0 : i32
      %add3A_193 = arith.addi %mul3A_191, %add3A_192 : i32
      %mul3A_194 = arith.constant 4 : i32
      %mul3A_195 = arith.muli %mul3A_194, %scan3A_188 : i32
      %add3A_196 = arith.constant 0 : i32
      %add3A_197 = arith.addi %mul3A_195, %add3A_196 : i32
      %add3A_198 = arith.constant 2 : i32
      %add3A_199 = arith.addi %add3A_197, %add3A_198 : i32
      %lt3A = arith.constant 40 : i32
      %lt3A_200 = arith.cmpi slt, %add3A_199, %lt3A : i32
      %mul3A_201 = arith.constant 4 : i32
      %mul3A_202 = arith.muli %mul3A_201, %scan3A_188 : i32
      %add3A_203 = arith.constant 0 : i32
      %add3A_204 = arith.addi %mul3A_202, %add3A_203 : i32
      %add3A_205 = arith.constant 2 : i32
      %add3A_206 = arith.addi %add3A_204, %add3A_205 : i32
      %ge3A = arith.constant 4 : i32
      %ge3A_207 = arith.cmpi sge, %add3A_206, %ge3A : i32
      %and3A = arith.andi %lt3A_200, %ge3A_207 : i1
      %convert_element_type3A = arith.extui %and3A : i1 to i32
      %cond3A = arith.constant 0 : i32
      %cond3A_208 = arith.cmpi ne, %convert_element_type3A, %cond3A : i32
      scf.if %cond3A_208 {
        %dma_wait3A_378 = arith.constant 0 : i32
        %dma_wait3A_379 = arith.constant 0 : i32
        %dma_wait3A_380 = tpu.memref_slice %arg24[%dma_wait3A_378, %dma_wait3A_379] : memref<10112x128xf32, #tpu.memory_space<vmem_shared>> -> memref<10112x128xf32, #tpu.memory_space<vmem_shared>>
        tpu.wait_indirect_dma semaphore(%arg31 : memref<!tpu.dma_semaphore, #tpu.memory_space<semaphore_mem>>) src(%arg22 : memref<64x128xf32, #tpu.memory_space<vmem>>) dst(%dma_wait3A_380 : memref<10112x128xf32, #tpu.memory_space<vmem_shared>>)
      } else {
      }
      %mul3A_209 = arith.constant 4 : i32
      %mul3A_210 = arith.muli %mul3A_209, %scan3A_188 : i32
      %add3A_211 = arith.constant 0 : i32
      %add3A_212 = arith.addi %mul3A_210, %add3A_211 : i32
      %add3A_213 = arith.constant 2 : i32
      %add3A_214 = arith.addi %add3A_212, %add3A_213 : i32
      %lt3A_215 = arith.constant 40 : i32
      %lt3A_216 = arith.cmpi slt, %add3A_214, %lt3A_215 : i32
      %convert_element_type3A_217 = arith.extui %lt3A_216 : i1 to i32
      %cond3A_218 = arith.constant 0 : i32
      %cond3A_219 = arith.cmpi ne, %convert_element_type3A_217, %cond3A_218 : i32
      scf.if %cond3A_219 {
        %add3A_378 = arith.constant 2 : i32
        %add3A_379 = arith.addi %add3A_193, %add3A_378 : i32
        %scan3A_380 = arith.constant 0 : i32
        %scan3A_381 = arith.constant 0 : i32
        %scan3A_382 = arith.constant 4 : i32
        %scan3A_383 = arith.addi %scan3A_381, %scan3A_382 : i32
        %scan3A_384 = arith.constant 1 : i32
        %scan3A_385 = scf.for %scan3A_390 = %scan3A_381 to %scan3A_383 step %scan3A_384 iter_args(%scan3A_391 = %scan3A_380) -> (i32)  : i32 {
          %mul3A_392 = arith.constant 64 : i32
          %mul3A_393 = arith.muli %add3A_379, %mul3A_392 : i32
          %mul3A_394 = arith.constant 16 : i32
          %mul3A_395 = arith.muli %scan3A_390, %mul3A_394 : i32
          %add3A_396 = arith.addi %mul3A_393, %mul3A_395 : i32
          %mul3A_397 = arith.constant 16 : i32
          %mul3A_398 = arith.muli %scan3A_390, %mul3A_397 : i32
          %get3A = arith.index_cast %add3A_396 : i32 to index
          %get3A_399 = tpu.vector_load %arg8[%get3A] {strides = array<i32>} : memref<2560xi32, #tpu.memory_space<vmem>>, vector<16xi32>,
          %mul3A_400 = arith.constant 2 : i32
          %mul3A_401 = vector.broadcast %mul3A_400 : i32 to vector<16xi32>
          %mul3A_402 = arith.muli %get3A_399, %mul3A_401 : vector<16xi32>
          %add3A_403 = vector.broadcast %arg0 : i32 to vector<16xi32>
          %add3A_404 = arith.addi %mul3A_402, %add3A_403 : vector<16xi32>
          %swap3A = arith.index_cast %mul3A_398 : i32 to index
          %swap3A_405 = tpu.vector_load %arg14[%swap3A] {strides = array<i32>} : memref<64xi32, #tpu.memory_space<vmem>>, vector<16xi32>,
          tpu.vector_store %arg14[%swap3A], %add3A_404 {strides = array<i32>} : memref<64xi32, #tpu.memory_space<vmem>>, vector<16xi32>,
          %get3A_406 = arith.index_cast %add3A_396 : i32 to index
          %get3A_407 = tpu.vector_load %arg9[%get3A_406] {strides = array<i32>} : memref<2560xi32, #tpu.memory_space<vmem>>, vector<16xi32>,
          %swap3A_408 = arith.index_cast %mul3A_398 : i32 to index
          %swap3A_409 = tpu.vector_load %arg18[%swap3A_408] {strides = array<i32>} : memref<64xi32, #tpu.memory_space<vmem>>, vector<16xi32>,
          tpu.vector_store %arg18[%swap3A_408], %get3A_407 {strides = array<i32>} : memref<64xi32, #tpu.memory_space<vmem>>, vector<16xi32>,
          %scan3A_410 = arith.constant 0 : i32
          scf.yield %scan3A_410 : i32
        }
        %scan3A_386 = arith.constant 4 : i32
        %dma_start3A_387 = arith.constant 0 : i32
        %dma_start3A_388 = arith.constant 0 : i32
        %dma_start3A_389 = tpu.memref_slice %arg2[%dma_start3A_387, %dma_start3A_388] : memref<20000x128xf32, #tpu.memory_space<hbm>> -> memref<20000x128xf32, #tpu.memory_space<hbm>>
        tpu.enqueue_indirect_dma source(%dma_start3A_389 : memref<20000x128xf32, #tpu.memory_space<hbm>>) target(%arg22 : memref<64x128xf32, #tpu.memory_space<vmem>>) offsets(%arg14 : memref<64xi32, #tpu.memory_space<vmem>>) semaphore(%arg27 : memref<!tpu.dma_semaphore, #tpu.memory_space<semaphore_mem>>)
      } else {
      }
      %dma_wait3A_220 = arith.constant 0 : i32
      %dma_wait3A_221 = arith.constant 0 : i32
      %dma_wait3A_222 = tpu.memref_slice %arg2[%dma_wait3A_220, %dma_wait3A_221] : memref<20000x128xf32, #tpu.memory_space<hbm>> -> memref<20000x128xf32, #tpu.memory_space<hbm>>
      tpu.wait_indirect_dma semaphore(%arg25 : memref<!tpu.dma_semaphore, #tpu.memory_space<semaphore_mem>>) src(%dma_wait3A_222 : memref<20000x128xf32, #tpu.memory_space<hbm>>) dst(%arg20 : memref<64x128xf32, #tpu.memory_space<vmem>>)
      %scan3A_223 = arith.constant 0 : i32
      %scan3A_224 = arith.constant 0 : i32
      %scan3A_225 = arith.constant 64 : i32
      %scan3A_226 = arith.addi %scan3A_224, %scan3A_225 : i32
      %scan3A_227 = arith.constant 1 : i32
      %scan3A_228 = scf.for %scan3A_378 = %scan3A_224 to %scan3A_226 step %scan3A_227 iter_args(%scan3A_379 = %scan3A_223) -> (i32)  : i32 {
        %broadcast_in_dim3A = arith.constant 0 : i32
        %broadcast_in_dim3A_380 = vector.broadcast %broadcast_in_dim3A : i32 to vector<16xi32>
        %mul3A_381 = arith.constant 64 : i32
        %mul3A_382 = arith.muli %add3A_193, %mul3A_381 : i32
        %add3A_383 = arith.addi %mul3A_382, %scan3A_378 : i32
        %add3A_384 = vector.broadcast %add3A_383 : i32 to vector<16xi32>
        %add3A_385 = arith.addi %broadcast_in_dim3A_380, %add3A_384 : vector<16xi32>
        %gather3A = tpu.vector_load_idx %arg10[%add3A_385] : memref<2560xf32, #tpu.memory_space<vmem>>[vector<16xi32>], vector<16xf32>,
        %gather3A_386 = tpu.vector_load_idx %arg11[%add3A_385] : memref<2560xf32, #tpu.memory_space<vmem>>[vector<16xi32>], vector<16xf32>,
        %get3A = arith.index_cast %scan3A_378 : i32 to index
        %get3A_387 = arith.constant 0 : index
        %get3A_388 = tpu.vector_load %arg20[%get3A, %get3A_387] {strides = array<i32>} : memref<64x128xf32, #tpu.memory_space<vmem>>, vector<16xf32>,
        %mul3A_389 = arith.mulf %get3A_388, %gather3A : vector<16xf32>
        %swap3A = arith.index_cast %scan3A_378 : i32 to index
        %swap3A_390 = arith.constant 0 : index
        %swap3A_391 = tpu.vector_load %arg20[%swap3A, %swap3A_390] {strides = array<i32>} : memref<64x128xf32, #tpu.memory_space<vmem>>, vector<16xf32>,
        tpu.vector_store %arg20[%swap3A, %swap3A_390], %mul3A_389 {strides = array<i32>} : memref<64x128xf32, #tpu.memory_space<vmem>>, vector<16xf32>,
        %get3A_392 = arith.index_cast %scan3A_378 : i32 to index
        %get3A_393 = arith.constant 16 : index
        %get3A_394 = tpu.vector_load %arg20[%get3A_392, %get3A_393] {strides = array<i32>} : memref<64x128xf32, #tpu.memory_space<vmem>>, vector<16xf32>,
        %mul3A_395 = arith.mulf %get3A_394, %gather3A : vector<16xf32>
        %swap3A_396 = arith.index_cast %scan3A_378 : i32 to index
        %swap3A_397 = arith.constant 16 : index
        %swap3A_398 = tpu.vector_load %arg20[%swap3A_396, %swap3A_397] {strides = array<i32>} : memref<64x128xf32, #tpu.memory_space<vmem>>, vector<16xf32>,
        tpu.vector_store %arg20[%swap3A_396, %swap3A_397], %mul3A_395 {strides = array<i32>} : memref<64x128xf32, #tpu.memory_space<vmem>>, vector<16xf32>,
        %get3A_399 = arith.index_cast %scan3A_378 : i32 to index
        %get3A_400 = arith.constant 32 : index
        %get3A_401 = tpu.vector_load %arg20[%get3A_399, %get3A_400] {strides = array<i32>} : memref<64x128xf32, #tpu.memory_space<vmem>>, vector<16xf32>,
        %mul3A_402 = arith.mulf %get3A_401, %gather3A : vector<16xf32>
        %swap3A_403 = arith.index_cast %scan3A_378 : i32 to index
        %swap3A_404 = arith.constant 32 : index
        %swap3A_405 = tpu.vector_load %arg20[%swap3A_403, %swap3A_404] {strides = array<i32>} : memref<64x128xf32, #tpu.memory_space<vmem>>, vector<16xf32>,
        tpu.vector_store %arg20[%swap3A_403, %swap3A_404], %mul3A_402 {strides = array<i32>} : memref<64x128xf32, #tpu.memory_space<vmem>>, vector<16xf32>,
        %get3A_406 = arith.index_cast %scan3A_378 : i32 to index
        %get3A_407 = arith.constant 48 : index
        %get3A_408 = tpu.vector_load %arg20[%get3A_406, %get3A_407] {strides = array<i32>} : memref<64x128xf32, #tpu.memory_space<vmem>>, vector<16xf32>,
        %mul3A_409 = arith.mulf %get3A_408, %gather3A : vector<16xf32>
        %swap3A_410 = arith.index_cast %scan3A_378 : i32 to index
        %swap3A_411 = arith.constant 48 : index
        %swap3A_412 = tpu.vector_load %arg20[%swap3A_410, %swap3A_411] {strides = array<i32>} : memref<64x128xf32, #tpu.memory_space<vmem>>, vector<16xf32>,
        tpu.vector_store %arg20[%swap3A_410, %swap3A_411], %mul3A_409 {strides = array<i32>} : memref<64x128xf32, #tpu.memory_space<vmem>>, vector<16xf32>,
        %get3A_413 = arith.index_cast %scan3A_378 : i32 to index
        %get3A_414 = arith.constant 64 : index
        %get3A_415 = tpu.vector_load %arg20[%get3A_413, %get3A_414] {strides = array<i32>} : memref<64x128xf32, #tpu.memory_space<vmem>>, vector<16xf32>,
        %mul3A_416 = arith.mulf %get3A_415, %gather3A_386 : vector<16xf32>
        %swap3A_417 = arith.index_cast %scan3A_378 : i32 to index
        %swap3A_418 = arith.constant 64 : index
        %swap3A_419 = tpu.vector_load %arg20[%swap3A_417, %swap3A_418] {strides = array<i32>} : memref<64x128xf32, #tpu.memory_space<vmem>>, vector<16xf32>,
        tpu.vector_store %arg20[%swap3A_417, %swap3A_418], %mul3A_416 {strides = array<i32>} : memref<64x128xf32, #tpu.memory_space<vmem>>, vector<16xf32>,
        %get3A_420 = arith.index_cast %scan3A_378 : i32 to index
        %get3A_421 = arith.constant 80 : index
        %get3A_422 = tpu.vector_load %arg20[%get3A_420, %get3A_421] {strides = array<i32>} : memref<64x128xf32, #tpu.memory_space<vmem>>, vector<16xf32>,
        %mul3A_423 = arith.mulf %get3A_422, %gather3A_386 : vector<16xf32>
        %swap3A_424 = arith.index_cast %scan3A_378 : i32 to index
        %swap3A_425 = arith.constant 80 : index
        %swap3A_426 = tpu.vector_load %arg20[%swap3A_424, %swap3A_425] {strides = array<i32>} : memref<64x128xf32, #tpu.memory_space<vmem>>, vector<16xf32>,
        tpu.vector_store %arg20[%swap3A_424, %swap3A_425], %mul3A_423 {strides = array<i32>} : memref<64x128xf32, #tpu.memory_space<vmem>>, vector<16xf32>,
        %get3A_427 = arith.index_cast %scan3A_378 : i32 to index
        %get3A_428 = arith.constant 96 : index
        %get3A_429 = tpu.vector_load %arg20[%get3A_427, %get3A_428] {strides = array<i32>} : memref<64x128xf32, #tpu.memory_space<vmem>>, vector<16xf32>,
        %mul3A_430 = arith.mulf %get3A_429, %gather3A_386 : vector<16xf32>
        %swap3A_431 = arith.index_cast %scan3A_378 : i32 to index
        %swap3A_432 = arith.constant 96 : index
        %swap3A_433 = tpu.vector_load %arg20[%swap3A_431, %swap3A_432] {strides = array<i32>} : memref<64x128xf32, #tpu.memory_space<vmem>>, vector<16xf32>,
        tpu.vector_store %arg20[%swap3A_431, %swap3A_432], %mul3A_430 {strides = array<i32>} : memref<64x128xf32, #tpu.memory_space<vmem>>, vector<16xf32>,
        %get3A_434 = arith.index_cast %scan3A_378 : i32 to index
        %get3A_435 = arith.constant 112 : index
        %get3A_436 = tpu.vector_load %arg20[%get3A_434, %get3A_435] {strides = array<i32>} : memref<64x128xf32, #tpu.memory_space<vmem>>, vector<16xf32>,
        %mul3A_437 = arith.mulf %get3A_436, %gather3A_386 : vector<16xf32>
        %swap3A_438 = arith.index_cast %scan3A_378 : i32 to index
        %swap3A_439 = arith.constant 112 : index
        %swap3A_440 = tpu.vector_load %arg20[%swap3A_438, %swap3A_439] {strides = array<i32>} : memref<64x128xf32, #tpu.memory_space<vmem>>, vector<16xf32>,
        tpu.vector_store %arg20[%swap3A_438, %swap3A_439], %mul3A_437 {strides = array<i32>} : memref<64x128xf32, #tpu.memory_space<vmem>>, vector<16xf32>,
        %scan3A_441 = arith.constant 0 : i32
        scf.yield %scan3A_441 : i32
      }
      %scan3A_229 = arith.constant 64 : i32
      %dma_start3A_230 = arith.constant 0 : i32
      %dma_start3A_231 = arith.constant 0 : i32
      %dma_start3A_232 = tpu.memref_slice %arg24[%dma_start3A_230, %dma_start3A_231] : memref<10112x128xf32, #tpu.memory_space<vmem_shared>> -> memref<10112x128xf32, #tpu.memory_space<vmem_shared>>
      tpu.enqueue_indirect_dma source(%arg20 : memref<64x128xf32, #tpu.memory_space<vmem>>) target(%dma_start3A_232 : memref<10112x128xf32, #tpu.memory_space<vmem_shared>>) offsets(%arg16 : memref<64xi32, #tpu.memory_space<vmem>>) semaphore(%arg29 : memref<!tpu.dma_semaphore, #tpu.memory_space<semaphore_mem>>) {add = true}
      %mul3A_233 = arith.constant 4 : i32
      %mul3A_234 = arith.muli %mul3A_233, %scan3A_188 : i32
      %add3A_235 = arith.constant 1 : i32
      %add3A_236 = arith.addi %mul3A_234, %add3A_235 : i32
      %mul3A_237 = arith.constant 4 : i32
      %mul3A_238 = arith.muli %mul3A_237, %scan3A_188 : i32
      %add3A_239 = arith.constant 1 : i32
      %add3A_240 = arith.addi %mul3A_238, %add3A_239 : i32
      %add3A_241 = arith.constant 2 : i32
      %add3A_242 = arith.addi %add3A_240, %add3A_241 : i32
      %lt3A_243 = arith.constant 40 : i32
      %lt3A_244 = arith.cmpi slt, %add3A_242, %lt3A_243 : i32
      %mul3A_245 = arith.constant 4 : i32
      %mul3A_246 = arith.muli %mul3A_245, %scan3A_188 : i32
      %add3A_247 = arith.constant 1 : i32
      %add3A_248 = arith.addi %mul3A_246, %add3A_247 : i32
      %add3A_249 = arith.constant 2 : i32
      %add3A_250 = arith.addi %add3A_248, %add3A_249 : i32
      %ge3A_251 = arith.constant 4 : i32
      %ge3A_252 = arith.cmpi sge, %add3A_250, %ge3A_251 : i32
      %and3A_253 = arith.andi %lt3A_244, %ge3A_252 : i1
      %convert_element_type3A_254 = arith.extui %and3A_253 : i1 to i32
      %cond3A_255 = arith.constant 0 : i32
      %cond3A_256 = arith.cmpi ne, %convert_element_type3A_254, %cond3A_255 : i32
      scf.if %cond3A_256 {
        %dma_wait3A_378 = arith.constant 0 : i32
        %dma_wait3A_379 = arith.constant 0 : i32
        %dma_wait3A_380 = tpu.memref_slice %arg24[%dma_wait3A_378, %dma_wait3A_379] : memref<10112x128xf32, #tpu.memory_space<vmem_shared>> -> memref<10112x128xf32, #tpu.memory_space<vmem_shared>>
        tpu.wait_indirect_dma semaphore(%arg32 : memref<!tpu.dma_semaphore, #tpu.memory_space<semaphore_mem>>) src(%arg23 : memref<64x128xf32, #tpu.memory_space<vmem>>) dst(%dma_wait3A_380 : memref<10112x128xf32, #tpu.memory_space<vmem_shared>>)
      } else {
      }
      %mul3A_257 = arith.constant 4 : i32
      %mul3A_258 = arith.muli %mul3A_257, %scan3A_188 : i32
      %add3A_259 = arith.constant 1 : i32
      %add3A_260 = arith.addi %mul3A_258, %add3A_259 : i32
      %add3A_261 = arith.constant 2 : i32
      %add3A_262 = arith.addi %add3A_260, %add3A_261 : i32
      %lt3A_263 = arith.constant 40 : i32
      %lt3A_264 = arith.cmpi slt, %add3A_262, %lt3A_263 : i32
      %convert_element_type3A_265 = arith.extui %lt3A_264 : i1 to i32
      %cond3A_266 = arith.constant 0 : i32
      %cond3A_267 = arith.cmpi ne, %convert_element_type3A_265, %cond3A_266 : i32
      scf.if %cond3A_267 {
        %add3A_378 = arith.constant 2 : i32
        %add3A_379 = arith.addi %add3A_236, %add3A_378 : i32
        %scan3A_380 = arith.constant 0 : i32
        %scan3A_381 = arith.constant 0 : i32
        %scan3A_382 = arith.constant 4 : i32
        %scan3A_383 = arith.addi %scan3A_381, %scan3A_382 : i32
        %scan3A_384 = arith.constant 1 : i32
        %scan3A_385 = scf.for %scan3A_390 = %scan3A_381 to %scan3A_383 step %scan3A_384 iter_args(%scan3A_391 = %scan3A_380) -> (i32)  : i32 {
          %mul3A_392 = arith.constant 64 : i32
          %mul3A_393 = arith.muli %add3A_379, %mul3A_392 : i32
          %mul3A_394 = arith.constant 16 : i32
          %mul3A_395 = arith.muli %scan3A_390, %mul3A_394 : i32
          %add3A_396 = arith.addi %mul3A_393, %mul3A_395 : i32
          %mul3A_397 = arith.constant 16 : i32
          %mul3A_398 = arith.muli %scan3A_390, %mul3A_397 : i32
          %get3A = arith.index_cast %add3A_396 : i32 to index
          %get3A_399 = tpu.vector_load %arg8[%get3A] {strides = array<i32>} : memref<2560xi32, #tpu.memory_space<vmem>>, vector<16xi32>,
          %mul3A_400 = arith.constant 2 : i32
          %mul3A_401 = vector.broadcast %mul3A_400 : i32 to vector<16xi32>
          %mul3A_402 = arith.muli %get3A_399, %mul3A_401 : vector<16xi32>
          %add3A_403 = vector.broadcast %arg0 : i32 to vector<16xi32>
          %add3A_404 = arith.addi %mul3A_402, %add3A_403 : vector<16xi32>
          %swap3A = arith.index_cast %mul3A_398 : i32 to index
          %swap3A_405 = tpu.vector_load %arg15[%swap3A] {strides = array<i32>} : memref<64xi32, #tpu.memory_space<vmem>>, vector<16xi32>,
          tpu.vector_store %arg15[%swap3A], %add3A_404 {strides = array<i32>} : memref<64xi32, #tpu.memory_space<vmem>>, vector<16xi32>,
          %get3A_406 = arith.index_cast %add3A_396 : i32 to index
          %get3A_407 = tpu.vector_load %arg9[%get3A_406] {strides = array<i32>} : memref<2560xi32, #tpu.memory_space<vmem>>, vector<16xi32>,
          %swap3A_408 = arith.index_cast %mul3A_398 : i32 to index
          %swap3A_409 = tpu.vector_load %arg19[%swap3A_408] {strides = array<i32>} : memref<64xi32, #tpu.memory_space<vmem>>, vector<16xi32>,
          tpu.vector_store %arg19[%swap3A_408], %get3A_407 {strides = array<i32>} : memref<64xi32, #tpu.memory_space<vmem>>, vector<16xi32>,
          %scan3A_410 = arith.constant 0 : i32
          scf.yield %scan3A_410 : i32
        }
        %scan3A_386 = arith.constant 4 : i32
        %dma_start3A_387 = arith.constant 0 : i32
        %dma_start3A_388 = arith.constant 0 : i32
        %dma_start3A_389 = tpu.memref_slice %arg2[%dma_start3A_387, %dma_start3A_388] : memref<20000x128xf32, #tpu.memory_space<hbm>> -> memref<20000x128xf32, #tpu.memory_space<hbm>>
        tpu.enqueue_indirect_dma source(%dma_start3A_389 : memref<20000x128xf32, #tpu.memory_space<hbm>>) target(%arg23 : memref<64x128xf32, #tpu.memory_space<vmem>>) offsets(%arg15 : memref<64xi32, #tpu.memory_space<vmem>>) semaphore(%arg28 : memref<!tpu.dma_semaphore, #tpu.memory_space<semaphore_mem>>)
      } else {
      }
      %dma_wait3A_268 = arith.constant 0 : i32
      %dma_wait3A_269 = arith.constant 0 : i32
      %dma_wait3A_270 = tpu.memref_slice %arg2[%dma_wait3A_268, %dma_wait3A_269] : memref<20000x128xf32, #tpu.memory_space<hbm>> -> memref<20000x128xf32, #tpu.memory_space<hbm>>
      tpu.wait_indirect_dma semaphore(%arg26 : memref<!tpu.dma_semaphore, #tpu.memory_space<semaphore_mem>>) src(%dma_wait3A_270 : memref<20000x128xf32, #tpu.memory_space<hbm>>) dst(%arg21 : memref<64x128xf32, #tpu.memory_space<vmem>>)
      %scan3A_271 = arith.constant 0 : i32
      %scan3A_272 = arith.constant 0 : i32
      %scan3A_273 = arith.constant 64 : i32
      %scan3A_274 = arith.addi %scan3A_272, %scan3A_273 : i32
      %scan3A_275 = arith.constant 1 : i32
      %scan3A_276 = scf.for %scan3A_378 = %scan3A_272 to %scan3A_274 step %scan3A_275 iter_args(%scan3A_379 = %scan3A_271) -> (i32)  : i32 {
        %broadcast_in_dim3A = arith.constant 0 : i32
        %broadcast_in_dim3A_380 = vector.broadcast %broadcast_in_dim3A : i32 to vector<16xi32>
        %mul3A_381 = arith.constant 64 : i32
        %mul3A_382 = arith.muli %add3A_236, %mul3A_381 : i32
        %add3A_383 = arith.addi %mul3A_382, %scan3A_378 : i32
        %add3A_384 = vector.broadcast %add3A_383 : i32 to vector<16xi32>
        %add3A_385 = arith.addi %broadcast_in_dim3A_380, %add3A_384 : vector<16xi32>
        %gather3A = tpu.vector_load_idx %arg10[%add3A_385] : memref<2560xf32, #tpu.memory_space<vmem>>[vector<16xi32>], vector<16xf32>,
        %gather3A_386 = tpu.vector_load_idx %arg11[%add3A_385] : memref<2560xf32, #tpu.memory_space<vmem>>[vector<16xi32>], vector<16xf32>,
        %get3A = arith.index_cast %scan3A_378 : i32 to index
        %get3A_387 = arith.constant 0 : index
        %get3A_388 = tpu.vector_load %arg21[%get3A, %get3A_387] {strides = array<i32>} : memref<64x128xf32, #tpu.memory_space<vmem>>, vector<16xf32>,
        %mul3A_389 = arith.mulf %get3A_388, %gather3A : vector<16xf32>
        %swap3A = arith.index_cast %scan3A_378 : i32 to index
        %swap3A_390 = arith.constant 0 : index
        %swap3A_391 = tpu.vector_load %arg21[%swap3A, %swap3A_390] {strides = array<i32>} : memref<64x128xf32, #tpu.memory_space<vmem>>, vector<16xf32>,
        tpu.vector_store %arg21[%swap3A, %swap3A_390], %mul3A_389 {strides = array<i32>} : memref<64x128xf32, #tpu.memory_space<vmem>>, vector<16xf32>,
        %get3A_392 = arith.index_cast %scan3A_378 : i32 to index
        %get3A_393 = arith.constant 16 : index
        %get3A_394 = tpu.vector_load %arg21[%get3A_392, %get3A_393] {strides = array<i32>} : memref<64x128xf32, #tpu.memory_space<vmem>>, vector<16xf32>,
        %mul3A_395 = arith.mulf %get3A_394, %gather3A : vector<16xf32>
        %swap3A_396 = arith.index_cast %scan3A_378 : i32 to index
        %swap3A_397 = arith.constant 16 : index
        %swap3A_398 = tpu.vector_load %arg21[%swap3A_396, %swap3A_397] {strides = array<i32>} : memref<64x128xf32, #tpu.memory_space<vmem>>, vector<16xf32>,
        tpu.vector_store %arg21[%swap3A_396, %swap3A_397], %mul3A_395 {strides = array<i32>} : memref<64x128xf32, #tpu.memory_space<vmem>>, vector<16xf32>,
        %get3A_399 = arith.index_cast %scan3A_378 : i32 to index
        %get3A_400 = arith.constant 32 : index
        %get3A_401 = tpu.vector_load %arg21[%get3A_399, %get3A_400] {strides = array<i32>} : memref<64x128xf32, #tpu.memory_space<vmem>>, vector<16xf32>,
        %mul3A_402 = arith.mulf %get3A_401, %gather3A : vector<16xf32>
        %swap3A_403 = arith.index_cast %scan3A_378 : i32 to index
        %swap3A_404 = arith.constant 32 : index
        %swap3A_405 = tpu.vector_load %arg21[%swap3A_403, %swap3A_404] {strides = array<i32>} : memref<64x128xf32, #tpu.memory_space<vmem>>, vector<16xf32>,
        tpu.vector_store %arg21[%swap3A_403, %swap3A_404], %mul3A_402 {strides = array<i32>} : memref<64x128xf32, #tpu.memory_space<vmem>>, vector<16xf32>,
        %get3A_406 = arith.index_cast %scan3A_378 : i32 to index
        %get3A_407 = arith.constant 48 : index
        %get3A_408 = tpu.vector_load %arg21[%get3A_406, %get3A_407] {strides = array<i32>} : memref<64x128xf32, #tpu.memory_space<vmem>>, vector<16xf32>,
        %mul3A_409 = arith.mulf %get3A_408, %gather3A : vector<16xf32>
        %swap3A_410 = arith.index_cast %scan3A_378 : i32 to index
        %swap3A_411 = arith.constant 48 : index
        %swap3A_412 = tpu.vector_load %arg21[%swap3A_410, %swap3A_411] {strides = array<i32>} : memref<64x128xf32, #tpu.memory_space<vmem>>, vector<16xf32>,
        tpu.vector_store %arg21[%swap3A_410, %swap3A_411], %mul3A_409 {strides = array<i32>} : memref<64x128xf32, #tpu.memory_space<vmem>>, vector<16xf32>,
        %get3A_413 = arith.index_cast %scan3A_378 : i32 to index
        %get3A_414 = arith.constant 64 : index
        %get3A_415 = tpu.vector_load %arg21[%get3A_413, %get3A_414] {strides = array<i32>} : memref<64x128xf32, #tpu.memory_space<vmem>>, vector<16xf32>,
        %mul3A_416 = arith.mulf %get3A_415, %gather3A_386 : vector<16xf32>
        %swap3A_417 = arith.index_cast %scan3A_378 : i32 to index
        %swap3A_418 = arith.constant 64 : index
        %swap3A_419 = tpu.vector_load %arg21[%swap3A_417, %swap3A_418] {strides = array<i32>} : memref<64x128xf32, #tpu.memory_space<vmem>>, vector<16xf32>,
        tpu.vector_store %arg21[%swap3A_417, %swap3A_418], %mul3A_416 {strides = array<i32>} : memref<64x128xf32, #tpu.memory_space<vmem>>, vector<16xf32>,
        %get3A_420 = arith.index_cast %scan3A_378 : i32 to index
        %get3A_421 = arith.constant 80 : index
        %get3A_422 = tpu.vector_load %arg21[%get3A_420, %get3A_421] {strides = array<i32>} : memref<64x128xf32, #tpu.memory_space<vmem>>, vector<16xf32>,
        %mul3A_423 = arith.mulf %get3A_422, %gather3A_386 : vector<16xf32>
        %swap3A_424 = arith.index_cast %scan3A_378 : i32 to index
        %swap3A_425 = arith.constant 80 : index
        %swap3A_426 = tpu.vector_load %arg21[%swap3A_424, %swap3A_425] {strides = array<i32>} : memref<64x128xf32, #tpu.memory_space<vmem>>, vector<16xf32>,
        tpu.vector_store %arg21[%swap3A_424, %swap3A_425], %mul3A_423 {strides = array<i32>} : memref<64x128xf32, #tpu.memory_space<vmem>>, vector<16xf32>,
        %get3A_427 = arith.index_cast %scan3A_378 : i32 to index
        %get3A_428 = arith.constant 96 : index
        %get3A_429 = tpu.vector_load %arg21[%get3A_427, %get3A_428] {strides = array<i32>} : memref<64x128xf32, #tpu.memory_space<vmem>>, vector<16xf32>,
        %mul3A_430 = arith.mulf %get3A_429, %gather3A_386 : vector<16xf32>
        %swap3A_431 = arith.index_cast %scan3A_378 : i32 to index
        %swap3A_432 = arith.constant 96 : index
        %swap3A_433 = tpu.vector_load %arg21[%swap3A_431, %swap3A_432] {strides = array<i32>} : memref<64x128xf32, #tpu.memory_space<vmem>>, vector<16xf32>,
        tpu.vector_store %arg21[%swap3A_431, %swap3A_432], %mul3A_430 {strides = array<i32>} : memref<64x128xf32, #tpu.memory_space<vmem>>, vector<16xf32>,
        %get3A_434 = arith.index_cast %scan3A_378 : i32 to index
        %get3A_435 = arith.constant 112 : index
        %get3A_436 = tpu.vector_load %arg21[%get3A_434, %get3A_435] {strides = array<i32>} : memref<64x128xf32, #tpu.memory_space<vmem>>, vector<16xf32>,
        %mul3A_437 = arith.mulf %get3A_436, %gather3A_386 : vector<16xf32>
        %swap3A_438 = arith.index_cast %scan3A_378 : i32 to index
        %swap3A_439 = arith.constant 112 : index
        %swap3A_440 = tpu.vector_load %arg21[%swap3A_438, %swap3A_439] {strides = array<i32>} : memref<64x128xf32, #tpu.memory_space<vmem>>, vector<16xf32>,
        tpu.vector_store %arg21[%swap3A_438, %swap3A_439], %mul3A_437 {strides = array<i32>} : memref<64x128xf32, #tpu.memory_space<vmem>>, vector<16xf32>,
        %scan3A_441 = arith.constant 0 : i32
        scf.yield %scan3A_441 : i32
      }
      %scan3A_277 = arith.constant 64 : i32
      %dma_start3A_278 = arith.constant 0 : i32
      %dma_start3A_279 = arith.constant 0 : i32
      %dma_start3A_280 = tpu.memref_slice %arg24[%dma_start3A_278, %dma_start3A_279] : memref<10112x128xf32, #tpu.memory_space<vmem_shared>> -> memref<10112x128xf32, #tpu.memory_space<vmem_shared>>
      tpu.enqueue_indirect_dma source(%arg21 : memref<64x128xf32, #tpu.memory_space<vmem>>) target(%dma_start3A_280 : memref<10112x128xf32, #tpu.memory_space<vmem_shared>>) offsets(%arg17 : memref<64xi32, #tpu.memory_space<vmem>>) semaphore(%arg30 : memref<!tpu.dma_semaphore, #tpu.memory_space<semaphore_mem>>) {add = true}
      %mul3A_281 = arith.constant 4 : i32
      %mul3A_282 = arith.muli %mul3A_281, %scan3A_188 : i32
      %add3A_283 = arith.constant 2 : i32
      %add3A_284 = arith.addi %mul3A_282, %add3A_283 : i32
      %mul3A_285 = arith.constant 4 : i32
      %mul3A_286 = arith.muli %mul3A_285, %scan3A_188 : i32
      %add3A_287 = arith.constant 2 : i32
      %add3A_288 = arith.addi %mul3A_286, %add3A_287 : i32
      %add3A_289 = arith.constant 2 : i32
      %add3A_290 = arith.addi %add3A_288, %add3A_289 : i32
      %lt3A_291 = arith.constant 40 : i32
      %lt3A_292 = arith.cmpi slt, %add3A_290, %lt3A_291 : i32
      %mul3A_293 = arith.constant 4 : i32
      %mul3A_294 = arith.muli %mul3A_293, %scan3A_188 : i32
      %add3A_295 = arith.constant 2 : i32
      %add3A_296 = arith.addi %mul3A_294, %add3A_295 : i32
      %add3A_297 = arith.constant 2 : i32
      %add3A_298 = arith.addi %add3A_296, %add3A_297 : i32
      %ge3A_299 = arith.constant 4 : i32
      %ge3A_300 = arith.cmpi sge, %add3A_298, %ge3A_299 : i32
      %and3A_301 = arith.andi %lt3A_292, %ge3A_300 : i1
      %convert_element_type3A_302 = arith.extui %and3A_301 : i1 to i32
      %cond3A_303 = arith.constant 0 : i32
      %cond3A_304 = arith.cmpi ne, %convert_element_type3A_302, %cond3A_303 : i32
      scf.if %cond3A_304 {
        %dma_wait3A_378 = arith.constant 0 : i32
        %dma_wait3A_379 = arith.constant 0 : i32
        %dma_wait3A_380 = tpu.memref_slice %arg24[%dma_wait3A_378, %dma_wait3A_379] : memref<10112x128xf32, #tpu.memory_space<vmem_shared>> -> memref<10112x128xf32, #tpu.memory_space<vmem_shared>>
        tpu.wait_indirect_dma semaphore(%arg29 : memref<!tpu.dma_semaphore, #tpu.memory_space<semaphore_mem>>) src(%arg20 : memref<64x128xf32, #tpu.memory_space<vmem>>) dst(%dma_wait3A_380 : memref<10112x128xf32, #tpu.memory_space<vmem_shared>>)
      } else {
      }
      %mul3A_305 = arith.constant 4 : i32
      %mul3A_306 = arith.muli %mul3A_305, %scan3A_188 : i32
      %add3A_307 = arith.constant 2 : i32
      %add3A_308 = arith.addi %mul3A_306, %add3A_307 : i32
      %add3A_309 = arith.constant 2 : i32
      %add3A_310 = arith.addi %add3A_308, %add3A_309 : i32
      %lt3A_311 = arith.constant 40 : i32
      %lt3A_312 = arith.cmpi slt, %add3A_310, %lt3A_311 : i32
      %convert_element_type3A_313 = arith.extui %lt3A_312 : i1 to i32
      %cond3A_314 = arith.constant 0 : i32
      %cond3A_315 = arith.cmpi ne, %convert_element_type3A_313, %cond3A_314 : i32
      scf.if %cond3A_315 {
        %add3A_378 = arith.constant 2 : i32
        %add3A_379 = arith.addi %add3A_284, %add3A_378 : i32
        %scan3A_380 = arith.constant 0 : i32
        %scan3A_381 = arith.constant 0 : i32
        %scan3A_382 = arith.constant 4 : i32
        %scan3A_383 = arith.addi %scan3A_381, %scan3A_382 : i32
        %scan3A_384 = arith.constant 1 : i32
        %scan3A_385 = scf.for %scan3A_390 = %scan3A_381 to %scan3A_383 step %scan3A_384 iter_args(%scan3A_391 = %scan3A_380) -> (i32)  : i32 {
          %mul3A_392 = arith.constant 64 : i32
          %mul3A_393 = arith.muli %add3A_379, %mul3A_392 : i32
          %mul3A_394 = arith.constant 16 : i32
          %mul3A_395 = arith.muli %scan3A_390, %mul3A_394 : i32
          %add3A_396 = arith.addi %mul3A_393, %mul3A_395 : i32
          %mul3A_397 = arith.constant 16 : i32
          %mul3A_398 = arith.muli %scan3A_390, %mul3A_397 : i32
          %get3A = arith.index_cast %add3A_396 : i32 to index
          %get3A_399 = tpu.vector_load %arg8[%get3A] {strides = array<i32>} : memref<2560xi32, #tpu.memory_space<vmem>>, vector<16xi32>,
          %mul3A_400 = arith.constant 2 : i32
          %mul3A_401 = vector.broadcast %mul3A_400 : i32 to vector<16xi32>
          %mul3A_402 = arith.muli %get3A_399, %mul3A_401 : vector<16xi32>
          %add3A_403 = vector.broadcast %arg0 : i32 to vector<16xi32>
          %add3A_404 = arith.addi %mul3A_402, %add3A_403 : vector<16xi32>
          %swap3A = arith.index_cast %mul3A_398 : i32 to index
          %swap3A_405 = tpu.vector_load %arg12[%swap3A] {strides = array<i32>} : memref<64xi32, #tpu.memory_space<vmem>>, vector<16xi32>,
          tpu.vector_store %arg12[%swap3A], %add3A_404 {strides = array<i32>} : memref<64xi32, #tpu.memory_space<vmem>>, vector<16xi32>,
          %get3A_406 = arith.index_cast %add3A_396 : i32 to index
          %get3A_407 = tpu.vector_load %arg9[%get3A_406] {strides = array<i32>} : memref<2560xi32, #tpu.memory_space<vmem>>, vector<16xi32>,
          %swap3A_408 = arith.index_cast %mul3A_398 : i32 to index
          %swap3A_409 = tpu.vector_load %arg16[%swap3A_408] {strides = array<i32>} : memref<64xi32, #tpu.memory_space<vmem>>, vector<16xi32>,
          tpu.vector_store %arg16[%swap3A_408], %get3A_407 {strides = array<i32>} : memref<64xi32, #tpu.memory_space<vmem>>, vector<16xi32>,
          %scan3A_410 = arith.constant 0 : i32
          scf.yield %scan3A_410 : i32
        }
        %scan3A_386 = arith.constant 4 : i32
        %dma_start3A_387 = arith.constant 0 : i32
        %dma_start3A_388 = arith.constant 0 : i32
        %dma_start3A_389 = tpu.memref_slice %arg2[%dma_start3A_387, %dma_start3A_388] : memref<20000x128xf32, #tpu.memory_space<hbm>> -> memref<20000x128xf32, #tpu.memory_space<hbm>>
        tpu.enqueue_indirect_dma source(%dma_start3A_389 : memref<20000x128xf32, #tpu.memory_space<hbm>>) target(%arg20 : memref<64x128xf32, #tpu.memory_space<vmem>>) offsets(%arg12 : memref<64xi32, #tpu.memory_space<vmem>>) semaphore(%arg25 : memref<!tpu.dma_semaphore, #tpu.memory_space<semaphore_mem>>)
      } else {
      }
      %dma_wait3A_316 = arith.constant 0 : i32
      %dma_wait3A_317 = arith.constant 0 : i32
      %dma_wait3A_318 = tpu.memref_slice %arg2[%dma_wait3A_316, %dma_wait3A_317] : memref<20000x128xf32, #tpu.memory_space<hbm>> -> memref<20000x128xf32, #tpu.memory_space<hbm>>
      tpu.wait_indirect_dma semaphore(%arg27 : memref<!tpu.dma_semaphore, #tpu.memory_space<semaphore_mem>>) src(%dma_wait3A_318 : memref<20000x128xf32, #tpu.memory_space<hbm>>) dst(%arg22 : memref<64x128xf32, #tpu.memory_space<vmem>>)
      %scan3A_319 = arith.constant 0 : i32
      %scan3A_320 = arith.constant 0 : i32
      %scan3A_321 = arith.constant 64 : i32
      %scan3A_322 = arith.addi %scan3A_320, %scan3A_321 : i32
      %scan3A_323 = arith.constant 1 : i32
      %scan3A_324 = scf.for %scan3A_378 = %scan3A_320 to %scan3A_322 step %scan3A_323 iter_args(%scan3A_379 = %scan3A_319) -> (i32)  : i32 {
        %broadcast_in_dim3A = arith.constant 0 : i32
        %broadcast_in_dim3A_380 = vector.broadcast %broadcast_in_dim3A : i32 to vector<16xi32>
        %mul3A_381 = arith.constant 64 : i32
        %mul3A_382 = arith.muli %add3A_284, %mul3A_381 : i32
        %add3A_383 = arith.addi %mul3A_382, %scan3A_378 : i32
        %add3A_384 = vector.broadcast %add3A_383 : i32 to vector<16xi32>
        %add3A_385 = arith.addi %broadcast_in_dim3A_380, %add3A_384 : vector<16xi32>
        %gather3A = tpu.vector_load_idx %arg10[%add3A_385] : memref<2560xf32, #tpu.memory_space<vmem>>[vector<16xi32>], vector<16xf32>,
        %gather3A_386 = tpu.vector_load_idx %arg11[%add3A_385] : memref<2560xf32, #tpu.memory_space<vmem>>[vector<16xi32>], vector<16xf32>,
        %get3A = arith.index_cast %scan3A_378 : i32 to index
        %get3A_387 = arith.constant 0 : index
        %get3A_388 = tpu.vector_load %arg22[%get3A, %get3A_387] {strides = array<i32>} : memref<64x128xf32, #tpu.memory_space<vmem>>, vector<16xf32>,
        %mul3A_389 = arith.mulf %get3A_388, %gather3A : vector<16xf32>
        %swap3A = arith.index_cast %scan3A_378 : i32 to index
        %swap3A_390 = arith.constant 0 : index
        %swap3A_391 = tpu.vector_load %arg22[%swap3A, %swap3A_390] {strides = array<i32>} : memref<64x128xf32, #tpu.memory_space<vmem>>, vector<16xf32>,
        tpu.vector_store %arg22[%swap3A, %swap3A_390], %mul3A_389 {strides = array<i32>} : memref<64x128xf32, #tpu.memory_space<vmem>>, vector<16xf32>,
        %get3A_392 = arith.index_cast %scan3A_378 : i32 to index
        %get3A_393 = arith.constant 16 : index
        %get3A_394 = tpu.vector_load %arg22[%get3A_392, %get3A_393] {strides = array<i32>} : memref<64x128xf32, #tpu.memory_space<vmem>>, vector<16xf32>,
        %mul3A_395 = arith.mulf %get3A_394, %gather3A : vector<16xf32>
        %swap3A_396 = arith.index_cast %scan3A_378 : i32 to index
        %swap3A_397 = arith.constant 16 : index
        %swap3A_398 = tpu.vector_load %arg22[%swap3A_396, %swap3A_397] {strides = array<i32>} : memref<64x128xf32, #tpu.memory_space<vmem>>, vector<16xf32>,
        tpu.vector_store %arg22[%swap3A_396, %swap3A_397], %mul3A_395 {strides = array<i32>} : memref<64x128xf32, #tpu.memory_space<vmem>>, vector<16xf32>,
        %get3A_399 = arith.index_cast %scan3A_378 : i32 to index
        %get3A_400 = arith.constant 32 : index
        %get3A_401 = tpu.vector_load %arg22[%get3A_399, %get3A_400] {strides = array<i32>} : memref<64x128xf32, #tpu.memory_space<vmem>>, vector<16xf32>,
        %mul3A_402 = arith.mulf %get3A_401, %gather3A : vector<16xf32>
        %swap3A_403 = arith.index_cast %scan3A_378 : i32 to index
        %swap3A_404 = arith.constant 32 : index
        %swap3A_405 = tpu.vector_load %arg22[%swap3A_403, %swap3A_404] {strides = array<i32>} : memref<64x128xf32, #tpu.memory_space<vmem>>, vector<16xf32>,
        tpu.vector_store %arg22[%swap3A_403, %swap3A_404], %mul3A_402 {strides = array<i32>} : memref<64x128xf32, #tpu.memory_space<vmem>>, vector<16xf32>,
        %get3A_406 = arith.index_cast %scan3A_378 : i32 to index
        %get3A_407 = arith.constant 48 : index
        %get3A_408 = tpu.vector_load %arg22[%get3A_406, %get3A_407] {strides = array<i32>} : memref<64x128xf32, #tpu.memory_space<vmem>>, vector<16xf32>,
        %mul3A_409 = arith.mulf %get3A_408, %gather3A : vector<16xf32>
        %swap3A_410 = arith.index_cast %scan3A_378 : i32 to index
        %swap3A_411 = arith.constant 48 : index
        %swap3A_412 = tpu.vector_load %arg22[%swap3A_410, %swap3A_411] {strides = array<i32>} : memref<64x128xf32, #tpu.memory_space<vmem>>, vector<16xf32>,
        tpu.vector_store %arg22[%swap3A_410, %swap3A_411], %mul3A_409 {strides = array<i32>} : memref<64x128xf32, #tpu.memory_space<vmem>>, vector<16xf32>,
        %get3A_413 = arith.index_cast %scan3A_378 : i32 to index
        %get3A_414 = arith.constant 64 : index
        %get3A_415 = tpu.vector_load %arg22[%get3A_413, %get3A_414] {strides = array<i32>} : memref<64x128xf32, #tpu.memory_space<vmem>>, vector<16xf32>,
        %mul3A_416 = arith.mulf %get3A_415, %gather3A_386 : vector<16xf32>
        %swap3A_417 = arith.index_cast %scan3A_378 : i32 to index
        %swap3A_418 = arith.constant 64 : index
        %swap3A_419 = tpu.vector_load %arg22[%swap3A_417, %swap3A_418] {strides = array<i32>} : memref<64x128xf32, #tpu.memory_space<vmem>>, vector<16xf32>,
        tpu.vector_store %arg22[%swap3A_417, %swap3A_418], %mul3A_416 {strides = array<i32>} : memref<64x128xf32, #tpu.memory_space<vmem>>, vector<16xf32>,
        %get3A_420 = arith.index_cast %scan3A_378 : i32 to index
        %get3A_421 = arith.constant 80 : index
        %get3A_422 = tpu.vector_load %arg22[%get3A_420, %get3A_421] {strides = array<i32>} : memref<64x128xf32, #tpu.memory_space<vmem>>, vector<16xf32>,
        %mul3A_423 = arith.mulf %get3A_422, %gather3A_386 : vector<16xf32>
        %swap3A_424 = arith.index_cast %scan3A_378 : i32 to index
        %swap3A_425 = arith.constant 80 : index
        %swap3A_426 = tpu.vector_load %arg22[%swap3A_424, %swap3A_425] {strides = array<i32>} : memref<64x128xf32, #tpu.memory_space<vmem>>, vector<16xf32>,
        tpu.vector_store %arg22[%swap3A_424, %swap3A_425], %mul3A_423 {strides = array<i32>} : memref<64x128xf32, #tpu.memory_space<vmem>>, vector<16xf32>,
        %get3A_427 = arith.index_cast %scan3A_378 : i32 to index
        %get3A_428 = arith.constant 96 : index
        %get3A_429 = tpu.vector_load %arg22[%get3A_427, %get3A_428] {strides = array<i32>} : memref<64x128xf32, #tpu.memory_space<vmem>>, vector<16xf32>,
        %mul3A_430 = arith.mulf %get3A_429, %gather3A_386 : vector<16xf32>
        %swap3A_431 = arith.index_cast %scan3A_378 : i32 to index
        %swap3A_432 = arith.constant 96 : index
        %swap3A_433 = tpu.vector_load %arg22[%swap3A_431, %swap3A_432] {strides = array<i32>} : memref<64x128xf32, #tpu.memory_space<vmem>>, vector<16xf32>,
        tpu.vector_store %arg22[%swap3A_431, %swap3A_432], %mul3A_430 {strides = array<i32>} : memref<64x128xf32, #tpu.memory_space<vmem>>, vector<16xf32>,
        %get3A_434 = arith.index_cast %scan3A_378 : i32 to index
        %get3A_435 = arith.constant 112 : index
        %get3A_436 = tpu.vector_load %arg22[%get3A_434, %get3A_435] {strides = array<i32>} : memref<64x128xf32, #tpu.memory_space<vmem>>, vector<16xf32>,
        %mul3A_437 = arith.mulf %get3A_436, %gather3A_386 : vector<16xf32>
        %swap3A_438 = arith.index_cast %scan3A_378 : i32 to index
        %swap3A_439 = arith.constant 112 : index
        %swap3A_440 = tpu.vector_load %arg22[%swap3A_438, %swap3A_439] {strides = array<i32>} : memref<64x128xf32, #tpu.memory_space<vmem>>, vector<16xf32>,
        tpu.vector_store %arg22[%swap3A_438, %swap3A_439], %mul3A_437 {strides = array<i32>} : memref<64x128xf32, #tpu.memory_space<vmem>>, vector<16xf32>,
        %scan3A_441 = arith.constant 0 : i32
        scf.yield %scan3A_441 : i32
      }
      %scan3A_325 = arith.constant 64 : i32
      %dma_start3A_326 = arith.constant 0 : i32
      %dma_start3A_327 = arith.constant 0 : i32
      %dma_start3A_328 = tpu.memref_slice %arg24[%dma_start3A_326, %dma_start3A_327] : memref<10112x128xf32, #tpu.memory_space<vmem_shared>> -> memref<10112x128xf32, #tpu.memory_space<vmem_shared>>
      tpu.enqueue_indirect_dma source(%arg22 : memref<64x128xf32, #tpu.memory_space<vmem>>) target(%dma_start3A_328 : memref<10112x128xf32, #tpu.memory_space<vmem_shared>>) offsets(%arg18 : memref<64xi32, #tpu.memory_space<vmem>>) semaphore(%arg31 : memref<!tpu.dma_semaphore, #tpu.memory_space<semaphore_mem>>) {add = true}
      %mul3A_329 = arith.constant 4 : i32
      %mul3A_330 = arith.muli %mul3A_329, %scan3A_188 : i32
      %add3A_331 = arith.constant 3 : i32
      %add3A_332 = arith.addi %mul3A_330, %add3A_331 : i32
      %mul3A_333 = arith.constant 4 : i32
      %mul3A_334 = arith.muli %mul3A_333, %scan3A_188 : i32
      %add3A_335 = arith.constant 3 : i32
      %add3A_336 = arith.addi %mul3A_334, %add3A_335 : i32
      %add3A_337 = arith.constant 2 : i32
      %add3A_338 = arith.addi %add3A_336, %add3A_337 : i32
      %lt3A_339 = arith.constant 40 : i32
      %lt3A_340 = arith.cmpi slt, %add3A_338, %lt3A_339 : i32
      %mul3A_341 = arith.constant 4 : i32
      %mul3A_342 = arith.muli %mul3A_341, %scan3A_188 : i32
      %add3A_343 = arith.constant 3 : i32
      %add3A_344 = arith.addi %mul3A_342, %add3A_343 : i32
      %add3A_345 = arith.constant 2 : i32
      %add3A_346 = arith.addi %add3A_344, %add3A_345 : i32
      %ge3A_347 = arith.constant 4 : i32
      %ge3A_348 = arith.cmpi sge, %add3A_346, %ge3A_347 : i32
      %and3A_349 = arith.andi %lt3A_340, %ge3A_348 : i1
      %convert_element_type3A_350 = arith.extui %and3A_349 : i1 to i32
      %cond3A_351 = arith.constant 0 : i32
      %cond3A_352 = arith.cmpi ne, %convert_element_type3A_350, %cond3A_351 : i32
      scf.if %cond3A_352 {
        %dma_wait3A_378 = arith.constant 0 : i32
        %dma_wait3A_379 = arith.constant 0 : i32
        %dma_wait3A_380 = tpu.memref_slice %arg24[%dma_wait3A_378, %dma_wait3A_379] : memref<10112x128xf32, #tpu.memory_space<vmem_shared>> -> memref<10112x128xf32, #tpu.memory_space<vmem_shared>>
        tpu.wait_indirect_dma semaphore(%arg30 : memref<!tpu.dma_semaphore, #tpu.memory_space<semaphore_mem>>) src(%arg21 : memref<64x128xf32, #tpu.memory_space<vmem>>) dst(%dma_wait3A_380 : memref<10112x128xf32, #tpu.memory_space<vmem_shared>>)
      } else {
      }
      %mul3A_353 = arith.constant 4 : i32
      %mul3A_354 = arith.muli %mul3A_353, %scan3A_188 : i32
      %add3A_355 = arith.constant 3 : i32
      %add3A_356 = arith.addi %mul3A_354, %add3A_355 : i32
      %add3A_357 = arith.constant 2 : i32
      %add3A_358 = arith.addi %add3A_356, %add3A_357 : i32
      %lt3A_359 = arith.constant 40 : i32
      %lt3A_360 = arith.cmpi slt, %add3A_358, %lt3A_359 : i32
      %convert_element_type3A_361 = arith.extui %lt3A_360 : i1 to i32
      %cond3A_362 = arith.constant 0 : i32
      %cond3A_363 = arith.cmpi ne, %convert_element_type3A_361, %cond3A_362 : i32
      scf.if %cond3A_363 {
        %add3A_378 = arith.constant 2 : i32
        %add3A_379 = arith.addi %add3A_332, %add3A_378 : i32
        %scan3A_380 = arith.constant 0 : i32
        %scan3A_381 = arith.constant 0 : i32
        %scan3A_382 = arith.constant 4 : i32
        %scan3A_383 = arith.addi %scan3A_381, %scan3A_382 : i32
        %scan3A_384 = arith.constant 1 : i32
        %scan3A_385 = scf.for %scan3A_390 = %scan3A_381 to %scan3A_383 step %scan3A_384 iter_args(%scan3A_391 = %scan3A_380) -> (i32)  : i32 {
          %mul3A_392 = arith.constant 64 : i32
          %mul3A_393 = arith.muli %add3A_379, %mul3A_392 : i32
          %mul3A_394 = arith.constant 16 : i32
          %mul3A_395 = arith.muli %scan3A_390, %mul3A_394 : i32
          %add3A_396 = arith.addi %mul3A_393, %mul3A_395 : i32
          %mul3A_397 = arith.constant 16 : i32
          %mul3A_398 = arith.muli %scan3A_390, %mul3A_397 : i32
          %get3A = arith.index_cast %add3A_396 : i32 to index
          %get3A_399 = tpu.vector_load %arg8[%get3A] {strides = array<i32>} : memref<2560xi32, #tpu.memory_space<vmem>>, vector<16xi32>,
          %mul3A_400 = arith.constant 2 : i32
          %mul3A_401 = vector.broadcast %mul3A_400 : i32 to vector<16xi32>
          %mul3A_402 = arith.muli %get3A_399, %mul3A_401 : vector<16xi32>
          %add3A_403 = vector.broadcast %arg0 : i32 to vector<16xi32>
          %add3A_404 = arith.addi %mul3A_402, %add3A_403 : vector<16xi32>
          %swap3A = arith.index_cast %mul3A_398 : i32 to index
          %swap3A_405 = tpu.vector_load %arg13[%swap3A] {strides = array<i32>} : memref<64xi32, #tpu.memory_space<vmem>>, vector<16xi32>,
          tpu.vector_store %arg13[%swap3A], %add3A_404 {strides = array<i32>} : memref<64xi32, #tpu.memory_space<vmem>>, vector<16xi32>,
          %get3A_406 = arith.index_cast %add3A_396 : i32 to index
          %get3A_407 = tpu.vector_load %arg9[%get3A_406] {strides = array<i32>} : memref<2560xi32, #tpu.memory_space<vmem>>, vector<16xi32>,
          %swap3A_408 = arith.index_cast %mul3A_398 : i32 to index
          %swap3A_409 = tpu.vector_load %arg17[%swap3A_408] {strides = array<i32>} : memref<64xi32, #tpu.memory_space<vmem>>, vector<16xi32>,
          tpu.vector_store %arg17[%swap3A_408], %get3A_407 {strides = array<i32>} : memref<64xi32, #tpu.memory_space<vmem>>, vector<16xi32>,
          %scan3A_410 = arith.constant 0 : i32
          scf.yield %scan3A_410 : i32
        }
        %scan3A_386 = arith.constant 4 : i32
        %dma_start3A_387 = arith.constant 0 : i32
        %dma_start3A_388 = arith.constant 0 : i32
        %dma_start3A_389 = tpu.memref_slice %arg2[%dma_start3A_387, %dma_start3A_388] : memref<20000x128xf32, #tpu.memory_space<hbm>> -> memref<20000x128xf32, #tpu.memory_space<hbm>>
        tpu.enqueue_indirect_dma source(%dma_start3A_389 : memref<20000x128xf32, #tpu.memory_space<hbm>>) target(%arg21 : memref<64x128xf32, #tpu.memory_space<vmem>>) offsets(%arg13 : memref<64xi32, #tpu.memory_space<vmem>>) semaphore(%arg26 : memref<!tpu.dma_semaphore, #tpu.memory_space<semaphore_mem>>)
      } else {
      }
      %dma_wait3A_364 = arith.constant 0 : i32
      %dma_wait3A_365 = arith.constant 0 : i32
      %dma_wait3A_366 = tpu.memref_slice %arg2[%dma_wait3A_364, %dma_wait3A_365] : memref<20000x128xf32, #tpu.memory_space<hbm>> -> memref<20000x128xf32, #tpu.memory_space<hbm>>
      tpu.wait_indirect_dma semaphore(%arg28 : memref<!tpu.dma_semaphore, #tpu.memory_space<semaphore_mem>>) src(%dma_wait3A_366 : memref<20000x128xf32, #tpu.memory_space<hbm>>) dst(%arg23 : memref<64x128xf32, #tpu.memory_space<vmem>>)
      %scan3A_367 = arith.constant 0 : i32
      %scan3A_368 = arith.constant 0 : i32
      %scan3A_369 = arith.constant 64 : i32
      %scan3A_370 = arith.addi %scan3A_368, %scan3A_369 : i32
      %scan3A_371 = arith.constant 1 : i32
      %scan3A_372 = scf.for %scan3A_378 = %scan3A_368 to %scan3A_370 step %scan3A_371 iter_args(%scan3A_379 = %scan3A_367) -> (i32)  : i32 {
        %broadcast_in_dim3A = arith.constant 0 : i32
        %broadcast_in_dim3A_380 = vector.broadcast %broadcast_in_dim3A : i32 to vector<16xi32>
        %mul3A_381 = arith.constant 64 : i32
        %mul3A_382 = arith.muli %add3A_332, %mul3A_381 : i32
        %add3A_383 = arith.addi %mul3A_382, %scan3A_378 : i32
        %add3A_384 = vector.broadcast %add3A_383 : i32 to vector<16xi32>
        %add3A_385 = arith.addi %broadcast_in_dim3A_380, %add3A_384 : vector<16xi32>
        %gather3A = tpu.vector_load_idx %arg10[%add3A_385] : memref<2560xf32, #tpu.memory_space<vmem>>[vector<16xi32>], vector<16xf32>,
        %gather3A_386 = tpu.vector_load_idx %arg11[%add3A_385] : memref<2560xf32, #tpu.memory_space<vmem>>[vector<16xi32>], vector<16xf32>,
        %get3A = arith.index_cast %scan3A_378 : i32 to index
        %get3A_387 = arith.constant 0 : index
        %get3A_388 = tpu.vector_load %arg23[%get3A, %get3A_387] {strides = array<i32>} : memref<64x128xf32, #tpu.memory_space<vmem>>, vector<16xf32>,
        %mul3A_389 = arith.mulf %get3A_388, %gather3A : vector<16xf32>
        %swap3A = arith.index_cast %scan3A_378 : i32 to index
        %swap3A_390 = arith.constant 0 : index
        %swap3A_391 = tpu.vector_load %arg23[%swap3A, %swap3A_390] {strides = array<i32>} : memref<64x128xf32, #tpu.memory_space<vmem>>, vector<16xf32>,
        tpu.vector_store %arg23[%swap3A, %swap3A_390], %mul3A_389 {strides = array<i32>} : memref<64x128xf32, #tpu.memory_space<vmem>>, vector<16xf32>,
        %get3A_392 = arith.index_cast %scan3A_378 : i32 to index
        %get3A_393 = arith.constant 16 : index
        %get3A_394 = tpu.vector_load %arg23[%get3A_392, %get3A_393] {strides = array<i32>} : memref<64x128xf32, #tpu.memory_space<vmem>>, vector<16xf32>,
        %mul3A_395 = arith.mulf %get3A_394, %gather3A : vector<16xf32>
        %swap3A_396 = arith.index_cast %scan3A_378 : i32 to index
        %swap3A_397 = arith.constant 16 : index
        %swap3A_398 = tpu.vector_load %arg23[%swap3A_396, %swap3A_397] {strides = array<i32>} : memref<64x128xf32, #tpu.memory_space<vmem>>, vector<16xf32>,
        tpu.vector_store %arg23[%swap3A_396, %swap3A_397], %mul3A_395 {strides = array<i32>} : memref<64x128xf32, #tpu.memory_space<vmem>>, vector<16xf32>,
        %get3A_399 = arith.index_cast %scan3A_378 : i32 to index
        %get3A_400 = arith.constant 32 : index
        %get3A_401 = tpu.vector_load %arg23[%get3A_399, %get3A_400] {strides = array<i32>} : memref<64x128xf32, #tpu.memory_space<vmem>>, vector<16xf32>,
        %mul3A_402 = arith.mulf %get3A_401, %gather3A : vector<16xf32>
        %swap3A_403 = arith.index_cast %scan3A_378 : i32 to index
        %swap3A_404 = arith.constant 32 : index
        %swap3A_405 = tpu.vector_load %arg23[%swap3A_403, %swap3A_404] {strides = array<i32>} : memref<64x128xf32, #tpu.memory_space<vmem>>, vector<16xf32>,
        tpu.vector_store %arg23[%swap3A_403, %swap3A_404], %mul3A_402 {strides = array<i32>} : memref<64x128xf32, #tpu.memory_space<vmem>>, vector<16xf32>,
        %get3A_406 = arith.index_cast %scan3A_378 : i32 to index
        %get3A_407 = arith.constant 48 : index
        %get3A_408 = tpu.vector_load %arg23[%get3A_406, %get3A_407] {strides = array<i32>} : memref<64x128xf32, #tpu.memory_space<vmem>>, vector<16xf32>,
        %mul3A_409 = arith.mulf %get3A_408, %gather3A : vector<16xf32>
        %swap3A_410 = arith.index_cast %scan3A_378 : i32 to index
        %swap3A_411 = arith.constant 48 : index
        %swap3A_412 = tpu.vector_load %arg23[%swap3A_410, %swap3A_411] {strides = array<i32>} : memref<64x128xf32, #tpu.memory_space<vmem>>, vector<16xf32>,
        tpu.vector_store %arg23[%swap3A_410, %swap3A_411], %mul3A_409 {strides = array<i32>} : memref<64x128xf32, #tpu.memory_space<vmem>>, vector<16xf32>,
        %get3A_413 = arith.index_cast %scan3A_378 : i32 to index
        %get3A_414 = arith.constant 64 : index
        %get3A_415 = tpu.vector_load %arg23[%get3A_413, %get3A_414] {strides = array<i32>} : memref<64x128xf32, #tpu.memory_space<vmem>>, vector<16xf32>,
        %mul3A_416 = arith.mulf %get3A_415, %gather3A_386 : vector<16xf32>
        %swap3A_417 = arith.index_cast %scan3A_378 : i32 to index
        %swap3A_418 = arith.constant 64 : index
        %swap3A_419 = tpu.vector_load %arg23[%swap3A_417, %swap3A_418] {strides = array<i32>} : memref<64x128xf32, #tpu.memory_space<vmem>>, vector<16xf32>,
        tpu.vector_store %arg23[%swap3A_417, %swap3A_418], %mul3A_416 {strides = array<i32>} : memref<64x128xf32, #tpu.memory_space<vmem>>, vector<16xf32>,
        %get3A_420 = arith.index_cast %scan3A_378 : i32 to index
        %get3A_421 = arith.constant 80 : index
        %get3A_422 = tpu.vector_load %arg23[%get3A_420, %get3A_421] {strides = array<i32>} : memref<64x128xf32, #tpu.memory_space<vmem>>, vector<16xf32>,
        %mul3A_423 = arith.mulf %get3A_422, %gather3A_386 : vector<16xf32>
        %swap3A_424 = arith.index_cast %scan3A_378 : i32 to index
        %swap3A_425 = arith.constant 80 : index
        %swap3A_426 = tpu.vector_load %arg23[%swap3A_424, %swap3A_425] {strides = array<i32>} : memref<64x128xf32, #tpu.memory_space<vmem>>, vector<16xf32>,
        tpu.vector_store %arg23[%swap3A_424, %swap3A_425], %mul3A_423 {strides = array<i32>} : memref<64x128xf32, #tpu.memory_space<vmem>>, vector<16xf32>,
        %get3A_427 = arith.index_cast %scan3A_378 : i32 to index
        %get3A_428 = arith.constant 96 : index
        %get3A_429 = tpu.vector_load %arg23[%get3A_427, %get3A_428] {strides = array<i32>} : memref<64x128xf32, #tpu.memory_space<vmem>>, vector<16xf32>,
        %mul3A_430 = arith.mulf %get3A_429, %gather3A_386 : vector<16xf32>
        %swap3A_431 = arith.index_cast %scan3A_378 : i32 to index
        %swap3A_432 = arith.constant 96 : index
        %swap3A_433 = tpu.vector_load %arg23[%swap3A_431, %swap3A_432] {strides = array<i32>} : memref<64x128xf32, #tpu.memory_space<vmem>>, vector<16xf32>,
        tpu.vector_store %arg23[%swap3A_431, %swap3A_432], %mul3A_430 {strides = array<i32>} : memref<64x128xf32, #tpu.memory_space<vmem>>, vector<16xf32>,
        %get3A_434 = arith.index_cast %scan3A_378 : i32 to index
        %get3A_435 = arith.constant 112 : index
        %get3A_436 = tpu.vector_load %arg23[%get3A_434, %get3A_435] {strides = array<i32>} : memref<64x128xf32, #tpu.memory_space<vmem>>, vector<16xf32>,
        %mul3A_437 = arith.mulf %get3A_436, %gather3A_386 : vector<16xf32>
        %swap3A_438 = arith.index_cast %scan3A_378 : i32 to index
        %swap3A_439 = arith.constant 112 : index
        %swap3A_440 = tpu.vector_load %arg23[%swap3A_438, %swap3A_439] {strides = array<i32>} : memref<64x128xf32, #tpu.memory_space<vmem>>, vector<16xf32>,
        tpu.vector_store %arg23[%swap3A_438, %swap3A_439], %mul3A_437 {strides = array<i32>} : memref<64x128xf32, #tpu.memory_space<vmem>>, vector<16xf32>,
        %scan3A_441 = arith.constant 0 : i32
        scf.yield %scan3A_441 : i32
      }
      %scan3A_373 = arith.constant 64 : i32
      %dma_start3A_374 = arith.constant 0 : i32
      %dma_start3A_375 = arith.constant 0 : i32
      %dma_start3A_376 = tpu.memref_slice %arg24[%dma_start3A_374, %dma_start3A_375] : memref<10112x128xf32, #tpu.memory_space<vmem_shared>> -> memref<10112x128xf32, #tpu.memory_space<vmem_shared>>
      tpu.enqueue_indirect_dma source(%arg23 : memref<64x128xf32, #tpu.memory_space<vmem>>) target(%dma_start3A_376 : memref<10112x128xf32, #tpu.memory_space<vmem_shared>>) offsets(%arg19 : memref<64xi32, #tpu.memory_space<vmem>>) semaphore(%arg32 : memref<!tpu.dma_semaphore, #tpu.memory_space<semaphore_mem>>) {add = true}
      %scan3A_377 = arith.constant 0 : i32
      scf.yield %scan3A_377 : i32
    }
    %scan3A_40 = arith.constant 10 : i32
    %dma_wait3A = arith.constant 0 : i32
    %dma_wait3A_41 = arith.constant 0 : i32
    %dma_wait3A_42 = tpu.memref_slice %arg24[%dma_wait3A, %dma_wait3A_41] : memref<10112x128xf32, #tpu.memory_space<vmem_shared>> -> memref<10112x128xf32, #tpu.memory_space<vmem_shared>>
    tpu.wait_indirect_dma semaphore(%arg31 : memref<!tpu.dma_semaphore, #tpu.memory_space<semaphore_mem>>) src(%arg22 : memref<64x128xf32, #tpu.memory_space<vmem>>) dst(%dma_wait3A_42 : memref<10112x128xf32, #tpu.memory_space<vmem_shared>>)
    %dma_wait3A_43 = arith.constant 0 : i32
    %dma_wait3A_44 = arith.constant 0 : i32
    %dma_wait3A_45 = tpu.memref_slice %arg24[%dma_wait3A_43, %dma_wait3A_44] : memref<10112x128xf32, #tpu.memory_space<vmem_shared>> -> memref<10112x128xf32, #tpu.memory_space<vmem_shared>>
    tpu.wait_indirect_dma semaphore(%arg32 : memref<!tpu.dma_semaphore, #tpu.memory_space<semaphore_mem>>) src(%arg23 : memref<64x128xf32, #tpu.memory_space<vmem>>) dst(%dma_wait3A_45 : memref<10112x128xf32, #tpu.memory_space<vmem_shared>>)
    %add3A_46 = arith.constant 2560 : i32
    %add3A_47 = arith.addi %mul3A_2, %add3A_46 : i32
    "tpu.region"() ({
      %run_scoped3A = tpu.sem_alloc : memref<!tpu.dma_semaphore, #tpu.memory_space<semaphore_mem>>
      %dma_start3A_188 = tpu.memref_slice %arg4[%add3A_47] : memref<163840xi32, #tpu.memory_space<hbm>> -> memref<2560xi32, #tpu.memory_space<hbm>>
      %dma_start3A_189 = tpu.memref_slice %arg4[%add3A_47] : memref<163840xi32, #tpu.memory_space<hbm>> -> memref<2560xi32, #tpu.memory_space<hbm>>
      tpu.enqueue_dma source(%dma_start3A_189 : memref<2560xi32, #tpu.memory_space<hbm>>) target(%arg8 : memref<2560xi32, #tpu.memory_space<vmem>>) target_semaphore(%run_scoped3A : memref<!tpu.dma_semaphore, #tpu.memory_space<semaphore_mem>>)
      %dma_wait3A_190 = tpu.memref_slice %arg4[%add3A_47] : memref<163840xi32, #tpu.memory_space<hbm>> -> memref<2560xi32, #tpu.memory_space<hbm>>
      %dma_wait3A_191 = tpu.memref_slice %arg4[%add3A_47] : memref<163840xi32, #tpu.memory_space<hbm>> -> memref<2560xi32, #tpu.memory_space<hbm>>
      tpu.wait_dma2 semaphore(%run_scoped3A : memref<!tpu.dma_semaphore, #tpu.memory_space<semaphore_mem>>) src(%dma_wait3A_191 : memref<2560xi32, #tpu.memory_space<hbm>>) dst(%arg8 : memref<2560xi32, #tpu.memory_space<vmem>>)
      tpu.yield
    }) : () -> ()
    "tpu.region"() ({
      %run_scoped3A = tpu.sem_alloc : memref<!tpu.dma_semaphore, #tpu.memory_space<semaphore_mem>>
      %dma_start3A_188 = tpu.memref_slice %arg5[%add3A_47] : memref<163840xi32, #tpu.memory_space<hbm>> -> memref<2560xi32, #tpu.memory_space<hbm>>
      %dma_start3A_189 = tpu.memref_slice %arg5[%add3A_47] : memref<163840xi32, #tpu.memory_space<hbm>> -> memref<2560xi32, #tpu.memory_space<hbm>>
      tpu.enqueue_dma source(%dma_start3A_189 : memref<2560xi32, #tpu.memory_space<hbm>>) target(%arg9 : memref<2560xi32, #tpu.memory_space<vmem>>) target_semaphore(%run_scoped3A : memref<!tpu.dma_semaphore, #tpu.memory_space<semaphore_mem>>)
      %dma_wait3A_190 = tpu.memref_slice %arg5[%add3A_47] : memref<163840xi32, #tpu.memory_space<hbm>> -> memref<2560xi32, #tpu.memory_space<hbm>>
      %dma_wait3A_191 = tpu.memref_slice %arg5[%add3A_47] : memref<163840xi32, #tpu.memory_space<hbm>> -> memref<2560xi32, #tpu.memory_space<hbm>>
      tpu.wait_dma2 semaphore(%run_scoped3A : memref<!tpu.dma_semaphore, #tpu.memory_space<semaphore_mem>>) src(%dma_wait3A_191 : memref<2560xi32, #tpu.memory_space<hbm>>) dst(%arg9 : memref<2560xi32, #tpu.memory_space<vmem>>)
      tpu.yield
    }) : () -> ()
    %mul3A_48 = arith.constant 2 : i32
    %mul3A_49 = arith.muli %mul3A_48, %arg0 : i32
    %mul3A_50 = arith.constant 163840 : i32
    %mul3A_51 = arith.muli %mul3A_49, %mul3A_50 : i32
    %add3A_52 = arith.addi %mul3A_51, %add3A_47 : i32
    "tpu.region"() ({
      %run_scoped3A = tpu.sem_alloc : memref<!tpu.dma_semaphore, #tpu.memory_space<semaphore_mem>>
      %dma_start3A_188 = tpu.memref_slice %arg3[%add3A_52] : memref<655360xf32, #tpu.memory_space<hbm>> -> memref<2560xf32, #tpu.memory_space<hbm>>
      %dma_start3A_189 = tpu.memref_slice %arg3[%add3A_52] : memref<655360xf32, #tpu.memory_space<hbm>> -> memref<2560xf32, #tpu.memory_space<hbm>>
      tpu.enqueue_dma source(%dma_start3A_189 : memref<2560xf32, #tpu.memory_space<hbm>>) target(%arg10 : memref<2560xf32, #tpu.memory_space<vmem>>) target_semaphore(%run_scoped3A : memref<!tpu.dma_semaphore, #tpu.memory_space<semaphore_mem>>)
      %dma_wait3A_190 = tpu.memref_slice %arg3[%add3A_52] : memref<655360xf32, #tpu.memory_space<hbm>> -> memref<2560xf32, #tpu.memory_space<hbm>>
      %dma_wait3A_191 = tpu.memref_slice %arg3[%add3A_52] : memref<655360xf32, #tpu.memory_space<hbm>> -> memref<2560xf32, #tpu.memory_space<hbm>>
      tpu.wait_dma2 semaphore(%run_scoped3A : memref<!tpu.dma_semaphore, #tpu.memory_space<semaphore_mem>>) src(%dma_wait3A_191 : memref<2560xf32, #tpu.memory_space<hbm>>) dst(%arg10 : memref<2560xf32, #tpu.memory_space<vmem>>)
      tpu.yield
    }) : () -> ()
    %mul3A_53 = arith.constant 2 : i32
    %mul3A_54 = arith.muli %mul3A_53, %arg0 : i32
    %add3A_55 = arith.constant 1 : i32
    %add3A_56 = arith.addi %mul3A_54, %add3A_55 : i32
    %mul3A_57 = arith.constant 163840 : i32
    %mul3A_58 = arith.muli %add3A_56, %mul3A_57 : i32
    %add3A_59 = arith.addi %mul3A_58, %add3A_47 : i32
    "tpu.region"() ({
      %run_scoped3A = tpu.sem_alloc : memref<!tpu.dma_semaphore, #tpu.memory_space<semaphore_mem>>
      %dma_start3A_188 = tpu.memref_slice %arg3[%add3A_59] : memref<655360xf32, #tpu.memory_space<hbm>> -> memref<2560xf32, #tpu.memory_space<hbm>>
      %dma_start3A_189 = tpu.memref_slice %arg3[%add3A_59] : memref<655360xf32, #tpu.memory_space<hbm>> -> memref<2560xf32, #tpu.memory_space<hbm>>
      tpu.enqueue_dma source(%dma_start3A_189 : memref<2560xf32, #tpu.memory_space<hbm>>) target(%arg11 : memref<2560xf32, #tpu.memory_space<vmem>>) target_semaphore(%run_scoped3A : memref<!tpu.dma_semaphore, #tpu.memory_space<semaphore_mem>>)
      %dma_wait3A_190 = tpu.memref_slice %arg3[%add3A_59] : memref<655360xf32, #tpu.memory_space<hbm>> -> memref<2560xf32, #tpu.memory_space<hbm>>
      %dma_wait3A_191 = tpu.memref_slice %arg3[%add3A_59] : memref<655360xf32, #tpu.memory_space<hbm>> -> memref<2560xf32, #tpu.memory_space<hbm>>
      tpu.wait_dma2 semaphore(%run_scoped3A : memref<!tpu.dma_semaphore, #tpu.memory_space<semaphore_mem>>) src(%dma_wait3A_191 : memref<2560xf32, #tpu.memory_space<hbm>>) dst(%arg11 : memref<2560xf32, #tpu.memory_space<vmem>>)
      tpu.yield
    }) : () -> ()
    %scan3A_60 = arith.constant 0 : i32
    %scan3A_61 = arith.constant 0 : i32
    %scan3A_62 = arith.constant 4 : i32
    %scan3A_63 = arith.addi %scan3A_61, %scan3A_62 : i32
    %scan3A_64 = arith.constant 1 : i32
    %scan3A_65 = scf.for %scan3A_188 = %scan3A_61 to %scan3A_63 step %scan3A_64 iter_args(%scan3A_189 = %scan3A_60) -> (i32)  : i32 {
      %mul3A_190 = arith.constant 16 : i32
      %mul3A_191 = arith.muli %scan3A_188, %mul3A_190 : i32
      %add3A_192 = arith.constant 0 : i32
      %add3A_193 = arith.addi %add3A_192, %mul3A_191 : i32
      %mul3A_194 = arith.constant 16 : i32
      %mul3A_195 = arith.muli %scan3A_188, %mul3A_194 : i32
      %get3A = arith.index_cast %add3A_193 : i32 to index
      %get3A_196 = tpu.vector_load %arg8[%get3A] {strides = array<i32>} : memref<2560xi32, #tpu.memory_space<vmem>>, vector<16xi32>,
      %mul3A_197 = arith.constant 2 : i32
      %mul3A_198 = vector.broadcast %mul3A_197 : i32 to vector<16xi32>
      %mul3A_199 = arith.muli %get3A_196, %mul3A_198 : vector<16xi32>
      %add3A_200 = vector.broadcast %arg0 : i32 to vector<16xi32>
      %add3A_201 = arith.addi %mul3A_199, %add3A_200 : vector<16xi32>
      %swap3A = arith.index_cast %mul3A_195 : i32 to index
      %swap3A_202 = tpu.vector_load %arg12[%swap3A] {strides = array<i32>} : memref<64xi32, #tpu.memory_space<vmem>>, vector<16xi32>,
      tpu.vector_store %arg12[%swap3A], %add3A_201 {strides = array<i32>} : memref<64xi32, #tpu.memory_space<vmem>>, vector<16xi32>,
      %get3A_203 = arith.index_cast %add3A_193 : i32 to index
      %get3A_204 = tpu.vector_load %arg9[%get3A_203] {strides = array<i32>} : memref<2560xi32, #tpu.memory_space<vmem>>, vector<16xi32>,
      %swap3A_205 = arith.index_cast %mul3A_195 : i32 to index
      %swap3A_206 = tpu.vector_load %arg16[%swap3A_205] {strides = array<i32>} : memref<64xi32, #tpu.memory_space<vmem>>, vector<16xi32>,
      tpu.vector_store %arg16[%swap3A_205], %get3A_204 {strides = array<i32>} : memref<64xi32, #tpu.memory_space<vmem>>, vector<16xi32>,
      %scan3A_207 = arith.constant 0 : i32
      scf.yield %scan3A_207 : i32
    }
    %scan3A_66 = arith.constant 4 : i32
    %dma_start3A_67 = arith.constant 0 : i32
    %dma_start3A_68 = arith.constant 0 : i32
    %dma_start3A_69 = tpu.memref_slice %arg2[%dma_start3A_67, %dma_start3A_68] : memref<20000x128xf32, #tpu.memory_space<hbm>> -> memref<20000x128xf32, #tpu.memory_space<hbm>>
    tpu.enqueue_indirect_dma source(%dma_start3A_69 : memref<20000x128xf32, #tpu.memory_space<hbm>>) target(%arg20 : memref<64x128xf32, #tpu.memory_space<vmem>>) offsets(%arg12 : memref<64xi32, #tpu.memory_space<vmem>>) semaphore(%arg25 : memref<!tpu.dma_semaphore, #tpu.memory_space<semaphore_mem>>)
    %scan3A_70 = arith.constant 0 : i32
    %scan3A_71 = arith.constant 0 : i32
    %scan3A_72 = arith.constant 4 : i32
    %scan3A_73 = arith.addi %scan3A_71, %scan3A_72 : i32
    %scan3A_74 = arith.constant 1 : i32
    %scan3A_75 = scf.for %scan3A_188 = %scan3A_71 to %scan3A_73 step %scan3A_74 iter_args(%scan3A_189 = %scan3A_70) -> (i32)  : i32 {
      %mul3A_190 = arith.constant 16 : i32
      %mul3A_191 = arith.muli %scan3A_188, %mul3A_190 : i32
      %add3A_192 = arith.constant 64 : i32
      %add3A_193 = arith.addi %add3A_192, %mul3A_191 : i32
      %mul3A_194 = arith.constant 16 : i32
      %mul3A_195 = arith.muli %scan3A_188, %mul3A_194 : i32
      %get3A = arith.index_cast %add3A_193 : i32 to index
      %get3A_196 = tpu.vector_load %arg8[%get3A] {strides = array<i32>} : memref<2560xi32, #tpu.memory_space<vmem>>, vector<16xi32>,
      %mul3A_197 = arith.constant 2 : i32
      %mul3A_198 = vector.broadcast %mul3A_197 : i32 to vector<16xi32>
      %mul3A_199 = arith.muli %get3A_196, %mul3A_198 : vector<16xi32>
      %add3A_200 = vector.broadcast %arg0 : i32 to vector<16xi32>
      %add3A_201 = arith.addi %mul3A_199, %add3A_200 : vector<16xi32>
      %swap3A = arith.index_cast %mul3A_195 : i32 to index
      %swap3A_202 = tpu.vector_load %arg13[%swap3A] {strides = array<i32>} : memref<64xi32, #tpu.memory_space<vmem>>, vector<16xi32>,
      tpu.vector_store %arg13[%swap3A], %add3A_201 {strides = array<i32>} : memref<64xi32, #tpu.memory_space<vmem>>, vector<16xi32>,
      %get3A_203 = arith.index_cast %add3A_193 : i32 to index
      %get3A_204 = tpu.vector_load %arg9[%get3A_203] {strides = array<i32>} : memref<2560xi32, #tpu.memory_space<vmem>>, vector<16xi32>,
      %swap3A_205 = arith.index_cast %mul3A_195 : i32 to index
      %swap3A_206 = tpu.vector_load %arg17[%swap3A_205] {strides = array<i32>} : memref<64xi32, #tpu.memory_space<vmem>>, vector<16xi32>,
      tpu.vector_store %arg17[%swap3A_205], %get3A_204 {strides = array<i32>} : memref<64xi32, #tpu.memory_space<vmem>>, vector<16xi32>,
      %scan3A_207 = arith.constant 0 : i32
      scf.yield %scan3A_207 : i32
    }
    %scan3A_76 = arith.constant 4 : i32
    %dma_start3A_77 = arith.constant 0 : i32
    %dma_start3A_78 = arith.constant 0 : i32
    %dma_start3A_79 = tpu.memref_slice %arg2[%dma_start3A_77, %dma_start3A_78] : memref<20000x128xf32, #tpu.memory_space<hbm>> -> memref<20000x128xf32, #tpu.memory_space<hbm>>
    tpu.enqueue_indirect_dma source(%dma_start3A_79 : memref<20000x128xf32, #tpu.memory_space<hbm>>) target(%arg21 : memref<64x128xf32, #tpu.memory_space<vmem>>) offsets(%arg13 : memref<64xi32, #tpu.memory_space<vmem>>) semaphore(%arg26 : memref<!tpu.dma_semaphore, #tpu.memory_space<semaphore_mem>>)
    %scan3A_80 = arith.constant 0 : i32
    %scan3A_81 = arith.constant 0 : i32
    %scan3A_82 = arith.constant 10 : i32
    %scan3A_83 = arith.addi %scan3A_81, %scan3A_82 : i32
    %scan3A_84 = arith.constant 1 : i32
    %scan3A_85 = scf.for %scan3A_188 = %scan3A_81 to %scan3A_83 step %scan3A_84 iter_args(%scan3A_189 = %scan3A_80) -> (i32)  : i32 {
      %mul3A_190 = arith.constant 4 : i32
      %mul3A_191 = arith.muli %mul3A_190, %scan3A_188 : i32
      %add3A_192 = arith.constant 0 : i32
      %add3A_193 = arith.addi %mul3A_191, %add3A_192 : i32
      %mul3A_194 = arith.constant 4 : i32
      %mul3A_195 = arith.muli %mul3A_194, %scan3A_188 : i32
      %add3A_196 = arith.constant 0 : i32
      %add3A_197 = arith.addi %mul3A_195, %add3A_196 : i32
      %add3A_198 = arith.constant 2 : i32
      %add3A_199 = arith.addi %add3A_197, %add3A_198 : i32
      %lt3A = arith.constant 40 : i32
      %lt3A_200 = arith.cmpi slt, %add3A_199, %lt3A : i32
      %mul3A_201 = arith.constant 4 : i32
      %mul3A_202 = arith.muli %mul3A_201, %scan3A_188 : i32
      %add3A_203 = arith.constant 0 : i32
      %add3A_204 = arith.addi %mul3A_202, %add3A_203 : i32
      %add3A_205 = arith.constant 2 : i32
      %add3A_206 = arith.addi %add3A_204, %add3A_205 : i32
      %ge3A = arith.constant 4 : i32
      %ge3A_207 = arith.cmpi sge, %add3A_206, %ge3A : i32
      %and3A = arith.andi %lt3A_200, %ge3A_207 : i1
      %convert_element_type3A = arith.extui %and3A : i1 to i32
      %cond3A = arith.constant 0 : i32
      %cond3A_208 = arith.cmpi ne, %convert_element_type3A, %cond3A : i32
      scf.if %cond3A_208 {
        %dma_wait3A_378 = arith.constant 0 : i32
        %dma_wait3A_379 = arith.constant 0 : i32
        %dma_wait3A_380 = tpu.memref_slice %arg24[%dma_wait3A_378, %dma_wait3A_379] : memref<10112x128xf32, #tpu.memory_space<vmem_shared>> -> memref<10112x128xf32, #tpu.memory_space<vmem_shared>>
        tpu.wait_indirect_dma semaphore(%arg31 : memref<!tpu.dma_semaphore, #tpu.memory_space<semaphore_mem>>) src(%arg22 : memref<64x128xf32, #tpu.memory_space<vmem>>) dst(%dma_wait3A_380 : memref<10112x128xf32, #tpu.memory_space<vmem_shared>>)
      } else {
      }
      %mul3A_209 = arith.constant 4 : i32
      %mul3A_210 = arith.muli %mul3A_209, %scan3A_188 : i32
      %add3A_211 = arith.constant 0 : i32
      %add3A_212 = arith.addi %mul3A_210, %add3A_211 : i32
      %add3A_213 = arith.constant 2 : i32
      %add3A_214 = arith.addi %add3A_212, %add3A_213 : i32
      %lt3A_215 = arith.constant 40 : i32
      %lt3A_216 = arith.cmpi slt, %add3A_214, %lt3A_215 : i32
      %convert_element_type3A_217 = arith.extui %lt3A_216 : i1 to i32
      %cond3A_218 = arith.constant 0 : i32
      %cond3A_219 = arith.cmpi ne, %convert_element_type3A_217, %cond3A_218 : i32
      scf.if %cond3A_219 {
        %add3A_378 = arith.constant 2 : i32
        %add3A_379 = arith.addi %add3A_193, %add3A_378 : i32
        %scan3A_380 = arith.constant 0 : i32
        %scan3A_381 = arith.constant 0 : i32
        %scan3A_382 = arith.constant 4 : i32
        %scan3A_383 = arith.addi %scan3A_381, %scan3A_382 : i32
        %scan3A_384 = arith.constant 1 : i32
        %scan3A_385 = scf.for %scan3A_390 = %scan3A_381 to %scan3A_383 step %scan3A_384 iter_args(%scan3A_391 = %scan3A_380) -> (i32)  : i32 {
          %mul3A_392 = arith.constant 64 : i32
          %mul3A_393 = arith.muli %add3A_379, %mul3A_392 : i32
          %mul3A_394 = arith.constant 16 : i32
          %mul3A_395 = arith.muli %scan3A_390, %mul3A_394 : i32
          %add3A_396 = arith.addi %mul3A_393, %mul3A_395 : i32
          %mul3A_397 = arith.constant 16 : i32
          %mul3A_398 = arith.muli %scan3A_390, %mul3A_397 : i32
          %get3A = arith.index_cast %add3A_396 : i32 to index
          %get3A_399 = tpu.vector_load %arg8[%get3A] {strides = array<i32>} : memref<2560xi32, #tpu.memory_space<vmem>>, vector<16xi32>,
          %mul3A_400 = arith.constant 2 : i32
          %mul3A_401 = vector.broadcast %mul3A_400 : i32 to vector<16xi32>
          %mul3A_402 = arith.muli %get3A_399, %mul3A_401 : vector<16xi32>
          %add3A_403 = vector.broadcast %arg0 : i32 to vector<16xi32>
          %add3A_404 = arith.addi %mul3A_402, %add3A_403 : vector<16xi32>
          %swap3A = arith.index_cast %mul3A_398 : i32 to index
          %swap3A_405 = tpu.vector_load %arg14[%swap3A] {strides = array<i32>} : memref<64xi32, #tpu.memory_space<vmem>>, vector<16xi32>,
          tpu.vector_store %arg14[%swap3A], %add3A_404 {strides = array<i32>} : memref<64xi32, #tpu.memory_space<vmem>>, vector<16xi32>,
          %get3A_406 = arith.index_cast %add3A_396 : i32 to index
          %get3A_407 = tpu.vector_load %arg9[%get3A_406] {strides = array<i32>} : memref<2560xi32, #tpu.memory_space<vmem>>, vector<16xi32>,
          %swap3A_408 = arith.index_cast %mul3A_398 : i32 to index
          %swap3A_409 = tpu.vector_load %arg18[%swap3A_408] {strides = array<i32>} : memref<64xi32, #tpu.memory_space<vmem>>, vector<16xi32>,
          tpu.vector_store %arg18[%swap3A_408], %get3A_407 {strides = array<i32>} : memref<64xi32, #tpu.memory_space<vmem>>, vector<16xi32>,
          %scan3A_410 = arith.constant 0 : i32
          scf.yield %scan3A_410 : i32
        }
        %scan3A_386 = arith.constant 4 : i32
        %dma_start3A_387 = arith.constant 0 : i32
        %dma_start3A_388 = arith.constant 0 : i32
        %dma_start3A_389 = tpu.memref_slice %arg2[%dma_start3A_387, %dma_start3A_388] : memref<20000x128xf32, #tpu.memory_space<hbm>> -> memref<20000x128xf32, #tpu.memory_space<hbm>>
        tpu.enqueue_indirect_dma source(%dma_start3A_389 : memref<20000x128xf32, #tpu.memory_space<hbm>>) target(%arg22 : memref<64x128xf32, #tpu.memory_space<vmem>>) offsets(%arg14 : memref<64xi32, #tpu.memory_space<vmem>>) semaphore(%arg27 : memref<!tpu.dma_semaphore, #tpu.memory_space<semaphore_mem>>)
      } else {
      }
      %dma_wait3A_220 = arith.constant 0 : i32
      %dma_wait3A_221 = arith.constant 0 : i32
      %dma_wait3A_222 = tpu.memref_slice %arg2[%dma_wait3A_220, %dma_wait3A_221] : memref<20000x128xf32, #tpu.memory_space<hbm>> -> memref<20000x128xf32, #tpu.memory_space<hbm>>
      tpu.wait_indirect_dma semaphore(%arg25 : memref<!tpu.dma_semaphore, #tpu.memory_space<semaphore_mem>>) src(%dma_wait3A_222 : memref<20000x128xf32, #tpu.memory_space<hbm>>) dst(%arg20 : memref<64x128xf32, #tpu.memory_space<vmem>>)
      %scan3A_223 = arith.constant 0 : i32
      %scan3A_224 = arith.constant 0 : i32
      %scan3A_225 = arith.constant 64 : i32
      %scan3A_226 = arith.addi %scan3A_224, %scan3A_225 : i32
      %scan3A_227 = arith.constant 1 : i32
      %scan3A_228 = scf.for %scan3A_378 = %scan3A_224 to %scan3A_226 step %scan3A_227 iter_args(%scan3A_379 = %scan3A_223) -> (i32)  : i32 {
        %broadcast_in_dim3A = arith.constant 0 : i32
        %broadcast_in_dim3A_380 = vector.broadcast %broadcast_in_dim3A : i32 to vector<16xi32>
        %mul3A_381 = arith.constant 64 : i32
        %mul3A_382 = arith.muli %add3A_193, %mul3A_381 : i32
        %add3A_383 = arith.addi %mul3A_382, %scan3A_378 : i32
        %add3A_384 = vector.broadcast %add3A_383 : i32 to vector<16xi32>
        %add3A_385 = arith.addi %broadcast_in_dim3A_380, %add3A_384 : vector<16xi32>
        %gather3A = tpu.vector_load_idx %arg10[%add3A_385] : memref<2560xf32, #tpu.memory_space<vmem>>[vector<16xi32>], vector<16xf32>,
        %gather3A_386 = tpu.vector_load_idx %arg11[%add3A_385] : memref<2560xf32, #tpu.memory_space<vmem>>[vector<16xi32>], vector<16xf32>,
        %get3A = arith.index_cast %scan3A_378 : i32 to index
        %get3A_387 = arith.constant 0 : index
        %get3A_388 = tpu.vector_load %arg20[%get3A, %get3A_387] {strides = array<i32>} : memref<64x128xf32, #tpu.memory_space<vmem>>, vector<16xf32>,
        %mul3A_389 = arith.mulf %get3A_388, %gather3A : vector<16xf32>
        %swap3A = arith.index_cast %scan3A_378 : i32 to index
        %swap3A_390 = arith.constant 0 : index
        %swap3A_391 = tpu.vector_load %arg20[%swap3A, %swap3A_390] {strides = array<i32>} : memref<64x128xf32, #tpu.memory_space<vmem>>, vector<16xf32>,
        tpu.vector_store %arg20[%swap3A, %swap3A_390], %mul3A_389 {strides = array<i32>} : memref<64x128xf32, #tpu.memory_space<vmem>>, vector<16xf32>,
        %get3A_392 = arith.index_cast %scan3A_378 : i32 to index
        %get3A_393 = arith.constant 16 : index
        %get3A_394 = tpu.vector_load %arg20[%get3A_392, %get3A_393] {strides = array<i32>} : memref<64x128xf32, #tpu.memory_space<vmem>>, vector<16xf32>,
        %mul3A_395 = arith.mulf %get3A_394, %gather3A : vector<16xf32>
        %swap3A_396 = arith.index_cast %scan3A_378 : i32 to index
        %swap3A_397 = arith.constant 16 : index
        %swap3A_398 = tpu.vector_load %arg20[%swap3A_396, %swap3A_397] {strides = array<i32>} : memref<64x128xf32, #tpu.memory_space<vmem>>, vector<16xf32>,
        tpu.vector_store %arg20[%swap3A_396, %swap3A_397], %mul3A_395 {strides = array<i32>} : memref<64x128xf32, #tpu.memory_space<vmem>>, vector<16xf32>,
        %get3A_399 = arith.index_cast %scan3A_378 : i32 to index
        %get3A_400 = arith.constant 32 : index
        %get3A_401 = tpu.vector_load %arg20[%get3A_399, %get3A_400] {strides = array<i32>} : memref<64x128xf32, #tpu.memory_space<vmem>>, vector<16xf32>,
        %mul3A_402 = arith.mulf %get3A_401, %gather3A : vector<16xf32>
        %swap3A_403 = arith.index_cast %scan3A_378 : i32 to index
        %swap3A_404 = arith.constant 32 : index
        %swap3A_405 = tpu.vector_load %arg20[%swap3A_403, %swap3A_404] {strides = array<i32>} : memref<64x128xf32, #tpu.memory_space<vmem>>, vector<16xf32>,
        tpu.vector_store %arg20[%swap3A_403, %swap3A_404], %mul3A_402 {strides = array<i32>} : memref<64x128xf32, #tpu.memory_space<vmem>>, vector<16xf32>,
        %get3A_406 = arith.index_cast %scan3A_378 : i32 to index
        %get3A_407 = arith.constant 48 : index
        %get3A_408 = tpu.vector_load %arg20[%get3A_406, %get3A_407] {strides = array<i32>} : memref<64x128xf32, #tpu.memory_space<vmem>>, vector<16xf32>,
        %mul3A_409 = arith.mulf %get3A_408, %gather3A : vector<16xf32>
        %swap3A_410 = arith.index_cast %scan3A_378 : i32 to index
        %swap3A_411 = arith.constant 48 : index
        %swap3A_412 = tpu.vector_load %arg20[%swap3A_410, %swap3A_411] {strides = array<i32>} : memref<64x128xf32, #tpu.memory_space<vmem>>, vector<16xf32>,
        tpu.vector_store %arg20[%swap3A_410, %swap3A_411], %mul3A_409 {strides = array<i32>} : memref<64x128xf32, #tpu.memory_space<vmem>>, vector<16xf32>,
        %get3A_413 = arith.index_cast %scan3A_378 : i32 to index
        %get3A_414 = arith.constant 64 : index
        %get3A_415 = tpu.vector_load %arg20[%get3A_413, %get3A_414] {strides = array<i32>} : memref<64x128xf32, #tpu.memory_space<vmem>>, vector<16xf32>,
        %mul3A_416 = arith.mulf %get3A_415, %gather3A_386 : vector<16xf32>
        %swap3A_417 = arith.index_cast %scan3A_378 : i32 to index
        %swap3A_418 = arith.constant 64 : index
        %swap3A_419 = tpu.vector_load %arg20[%swap3A_417, %swap3A_418] {strides = array<i32>} : memref<64x128xf32, #tpu.memory_space<vmem>>, vector<16xf32>,
        tpu.vector_store %arg20[%swap3A_417, %swap3A_418], %mul3A_416 {strides = array<i32>} : memref<64x128xf32, #tpu.memory_space<vmem>>, vector<16xf32>,
        %get3A_420 = arith.index_cast %scan3A_378 : i32 to index
        %get3A_421 = arith.constant 80 : index
        %get3A_422 = tpu.vector_load %arg20[%get3A_420, %get3A_421] {strides = array<i32>} : memref<64x128xf32, #tpu.memory_space<vmem>>, vector<16xf32>,
        %mul3A_423 = arith.mulf %get3A_422, %gather3A_386 : vector<16xf32>
        %swap3A_424 = arith.index_cast %scan3A_378 : i32 to index
        %swap3A_425 = arith.constant 80 : index
        %swap3A_426 = tpu.vector_load %arg20[%swap3A_424, %swap3A_425] {strides = array<i32>} : memref<64x128xf32, #tpu.memory_space<vmem>>, vector<16xf32>,
        tpu.vector_store %arg20[%swap3A_424, %swap3A_425], %mul3A_423 {strides = array<i32>} : memref<64x128xf32, #tpu.memory_space<vmem>>, vector<16xf32>,
        %get3A_427 = arith.index_cast %scan3A_378 : i32 to index
        %get3A_428 = arith.constant 96 : index
        %get3A_429 = tpu.vector_load %arg20[%get3A_427, %get3A_428] {strides = array<i32>} : memref<64x128xf32, #tpu.memory_space<vmem>>, vector<16xf32>,
        %mul3A_430 = arith.mulf %get3A_429, %gather3A_386 : vector<16xf32>
        %swap3A_431 = arith.index_cast %scan3A_378 : i32 to index
        %swap3A_432 = arith.constant 96 : index
        %swap3A_433 = tpu.vector_load %arg20[%swap3A_431, %swap3A_432] {strides = array<i32>} : memref<64x128xf32, #tpu.memory_space<vmem>>, vector<16xf32>,
        tpu.vector_store %arg20[%swap3A_431, %swap3A_432], %mul3A_430 {strides = array<i32>} : memref<64x128xf32, #tpu.memory_space<vmem>>, vector<16xf32>,
        %get3A_434 = arith.index_cast %scan3A_378 : i32 to index
        %get3A_435 = arith.constant 112 : index
        %get3A_436 = tpu.vector_load %arg20[%get3A_434, %get3A_435] {strides = array<i32>} : memref<64x128xf32, #tpu.memory_space<vmem>>, vector<16xf32>,
        %mul3A_437 = arith.mulf %get3A_436, %gather3A_386 : vector<16xf32>
        %swap3A_438 = arith.index_cast %scan3A_378 : i32 to index
        %swap3A_439 = arith.constant 112 : index
        %swap3A_440 = tpu.vector_load %arg20[%swap3A_438, %swap3A_439] {strides = array<i32>} : memref<64x128xf32, #tpu.memory_space<vmem>>, vector<16xf32>,
        tpu.vector_store %arg20[%swap3A_438, %swap3A_439], %mul3A_437 {strides = array<i32>} : memref<64x128xf32, #tpu.memory_space<vmem>>, vector<16xf32>,
        %scan3A_441 = arith.constant 0 : i32
        scf.yield %scan3A_441 : i32
      }
      %scan3A_229 = arith.constant 64 : i32
      %dma_start3A_230 = arith.constant 0 : i32
      %dma_start3A_231 = arith.constant 0 : i32
      %dma_start3A_232 = tpu.memref_slice %arg24[%dma_start3A_230, %dma_start3A_231] : memref<10112x128xf32, #tpu.memory_space<vmem_shared>> -> memref<10112x128xf32, #tpu.memory_space<vmem_shared>>
      tpu.enqueue_indirect_dma source(%arg20 : memref<64x128xf32, #tpu.memory_space<vmem>>) target(%dma_start3A_232 : memref<10112x128xf32, #tpu.memory_space<vmem_shared>>) offsets(%arg16 : memref<64xi32, #tpu.memory_space<vmem>>) semaphore(%arg29 : memref<!tpu.dma_semaphore, #tpu.memory_space<semaphore_mem>>) {add = true}
      %mul3A_233 = arith.constant 4 : i32
      %mul3A_234 = arith.muli %mul3A_233, %scan3A_188 : i32
      %add3A_235 = arith.constant 1 : i32
      %add3A_236 = arith.addi %mul3A_234, %add3A_235 : i32
      %mul3A_237 = arith.constant 4 : i32
      %mul3A_238 = arith.muli %mul3A_237, %scan3A_188 : i32
      %add3A_239 = arith.constant 1 : i32
      %add3A_240 = arith.addi %mul3A_238, %add3A_239 : i32
      %add3A_241 = arith.constant 2 : i32
      %add3A_242 = arith.addi %add3A_240, %add3A_241 : i32
      %lt3A_243 = arith.constant 40 : i32
      %lt3A_244 = arith.cmpi slt, %add3A_242, %lt3A_243 : i32
      %mul3A_245 = arith.constant 4 : i32
      %mul3A_246 = arith.muli %mul3A_245, %scan3A_188 : i32
      %add3A_247 = arith.constant 1 : i32
      %add3A_248 = arith.addi %mul3A_246, %add3A_247 : i32
      %add3A_249 = arith.constant 2 : i32
      %add3A_250 = arith.addi %add3A_248, %add3A_249 : i32
      %ge3A_251 = arith.constant 4 : i32
      %ge3A_252 = arith.cmpi sge, %add3A_250, %ge3A_251 : i32
      %and3A_253 = arith.andi %lt3A_244, %ge3A_252 : i1
      %convert_element_type3A_254 = arith.extui %and3A_253 : i1 to i32
      %cond3A_255 = arith.constant 0 : i32
      %cond3A_256 = arith.cmpi ne, %convert_element_type3A_254, %cond3A_255 : i32
      scf.if %cond3A_256 {
        %dma_wait3A_378 = arith.constant 0 : i32
        %dma_wait3A_379 = arith.constant 0 : i32
        %dma_wait3A_380 = tpu.memref_slice %arg24[%dma_wait3A_378, %dma_wait3A_379] : memref<10112x128xf32, #tpu.memory_space<vmem_shared>> -> memref<10112x128xf32, #tpu.memory_space<vmem_shared>>
        tpu.wait_indirect_dma semaphore(%arg32 : memref<!tpu.dma_semaphore, #tpu.memory_space<semaphore_mem>>) src(%arg23 : memref<64x128xf32, #tpu.memory_space<vmem>>) dst(%dma_wait3A_380 : memref<10112x128xf32, #tpu.memory_space<vmem_shared>>)
      } else {
      }
      %mul3A_257 = arith.constant 4 : i32
      %mul3A_258 = arith.muli %mul3A_257, %scan3A_188 : i32
      %add3A_259 = arith.constant 1 : i32
      %add3A_260 = arith.addi %mul3A_258, %add3A_259 : i32
      %add3A_261 = arith.constant 2 : i32
      %add3A_262 = arith.addi %add3A_260, %add3A_261 : i32
      %lt3A_263 = arith.constant 40 : i32
      %lt3A_264 = arith.cmpi slt, %add3A_262, %lt3A_263 : i32
      %convert_element_type3A_265 = arith.extui %lt3A_264 : i1 to i32
      %cond3A_266 = arith.constant 0 : i32
      %cond3A_267 = arith.cmpi ne, %convert_element_type3A_265, %cond3A_266 : i32
      scf.if %cond3A_267 {
        %add3A_378 = arith.constant 2 : i32
        %add3A_379 = arith.addi %add3A_236, %add3A_378 : i32
        %scan3A_380 = arith.constant 0 : i32
        %scan3A_381 = arith.constant 0 : i32
        %scan3A_382 = arith.constant 4 : i32
        %scan3A_383 = arith.addi %scan3A_381, %scan3A_382 : i32
        %scan3A_384 = arith.constant 1 : i32
        %scan3A_385 = scf.for %scan3A_390 = %scan3A_381 to %scan3A_383 step %scan3A_384 iter_args(%scan3A_391 = %scan3A_380) -> (i32)  : i32 {
          %mul3A_392 = arith.constant 64 : i32
          %mul3A_393 = arith.muli %add3A_379, %mul3A_392 : i32
          %mul3A_394 = arith.constant 16 : i32
          %mul3A_395 = arith.muli %scan3A_390, %mul3A_394 : i32
          %add3A_396 = arith.addi %mul3A_393, %mul3A_395 : i32
          %mul3A_397 = arith.constant 16 : i32
          %mul3A_398 = arith.muli %scan3A_390, %mul3A_397 : i32
          %get3A = arith.index_cast %add3A_396 : i32 to index
          %get3A_399 = tpu.vector_load %arg8[%get3A] {strides = array<i32>} : memref<2560xi32, #tpu.memory_space<vmem>>, vector<16xi32>,
          %mul3A_400 = arith.constant 2 : i32
          %mul3A_401 = vector.broadcast %mul3A_400 : i32 to vector<16xi32>
          %mul3A_402 = arith.muli %get3A_399, %mul3A_401 : vector<16xi32>
          %add3A_403 = vector.broadcast %arg0 : i32 to vector<16xi32>
          %add3A_404 = arith.addi %mul3A_402, %add3A_403 : vector<16xi32>
          %swap3A = arith.index_cast %mul3A_398 : i32 to index
          %swap3A_405 = tpu.vector_load %arg15[%swap3A] {strides = array<i32>} : memref<64xi32, #tpu.memory_space<vmem>>, vector<16xi32>,
          tpu.vector_store %arg15[%swap3A], %add3A_404 {strides = array<i32>} : memref<64xi32, #tpu.memory_space<vmem>>, vector<16xi32>,
          %get3A_406 = arith.index_cast %add3A_396 : i32 to index
          %get3A_407 = tpu.vector_load %arg9[%get3A_406] {strides = array<i32>} : memref<2560xi32, #tpu.memory_space<vmem>>, vector<16xi32>,
          %swap3A_408 = arith.index_cast %mul3A_398 : i32 to index
          %swap3A_409 = tpu.vector_load %arg19[%swap3A_408] {strides = array<i32>} : memref<64xi32, #tpu.memory_space<vmem>>, vector<16xi32>,
          tpu.vector_store %arg19[%swap3A_408], %get3A_407 {strides = array<i32>} : memref<64xi32, #tpu.memory_space<vmem>>, vector<16xi32>,
          %scan3A_410 = arith.constant 0 : i32
          scf.yield %scan3A_410 : i32
        }
        %scan3A_386 = arith.constant 4 : i32
        %dma_start3A_387 = arith.constant 0 : i32
        %dma_start3A_388 = arith.constant 0 : i32
        %dma_start3A_389 = tpu.memref_slice %arg2[%dma_start3A_387, %dma_start3A_388] : memref<20000x128xf32, #tpu.memory_space<hbm>> -> memref<20000x128xf32, #tpu.memory_space<hbm>>
        tpu.enqueue_indirect_dma source(%dma_start3A_389 : memref<20000x128xf32, #tpu.memory_space<hbm>>) target(%arg23 : memref<64x128xf32, #tpu.memory_space<vmem>>) offsets(%arg15 : memref<64xi32, #tpu.memory_space<vmem>>) semaphore(%arg28 : memref<!tpu.dma_semaphore, #tpu.memory_space<semaphore_mem>>)
      } else {
      }
      %dma_wait3A_268 = arith.constant 0 : i32
      %dma_wait3A_269 = arith.constant 0 : i32
      %dma_wait3A_270 = tpu.memref_slice %arg2[%dma_wait3A_268, %dma_wait3A_269] : memref<20000x128xf32, #tpu.memory_space<hbm>> -> memref<20000x128xf32, #tpu.memory_space<hbm>>
      tpu.wait_indirect_dma semaphore(%arg26 : memref<!tpu.dma_semaphore, #tpu.memory_space<semaphore_mem>>) src(%dma_wait3A_270 : memref<20000x128xf32, #tpu.memory_space<hbm>>) dst(%arg21 : memref<64x128xf32, #tpu.memory_space<vmem>>)
      %scan3A_271 = arith.constant 0 : i32
      %scan3A_272 = arith.constant 0 : i32
      %scan3A_273 = arith.constant 64 : i32
      %scan3A_274 = arith.addi %scan3A_272, %scan3A_273 : i32
      %scan3A_275 = arith.constant 1 : i32
      %scan3A_276 = scf.for %scan3A_378 = %scan3A_272 to %scan3A_274 step %scan3A_275 iter_args(%scan3A_379 = %scan3A_271) -> (i32)  : i32 {
        %broadcast_in_dim3A = arith.constant 0 : i32
        %broadcast_in_dim3A_380 = vector.broadcast %broadcast_in_dim3A : i32 to vector<16xi32>
        %mul3A_381 = arith.constant 64 : i32
        %mul3A_382 = arith.muli %add3A_236, %mul3A_381 : i32
        %add3A_383 = arith.addi %mul3A_382, %scan3A_378 : i32
        %add3A_384 = vector.broadcast %add3A_383 : i32 to vector<16xi32>
        %add3A_385 = arith.addi %broadcast_in_dim3A_380, %add3A_384 : vector<16xi32>
        %gather3A = tpu.vector_load_idx %arg10[%add3A_385] : memref<2560xf32, #tpu.memory_space<vmem>>[vector<16xi32>], vector<16xf32>,
        %gather3A_386 = tpu.vector_load_idx %arg11[%add3A_385] : memref<2560xf32, #tpu.memory_space<vmem>>[vector<16xi32>], vector<16xf32>,
        %get3A = arith.index_cast %scan3A_378 : i32 to index
        %get3A_387 = arith.constant 0 : index
        %get3A_388 = tpu.vector_load %arg21[%get3A, %get3A_387] {strides = array<i32>} : memref<64x128xf32, #tpu.memory_space<vmem>>, vector<16xf32>,
        %mul3A_389 = arith.mulf %get3A_388, %gather3A : vector<16xf32>
        %swap3A = arith.index_cast %scan3A_378 : i32 to index
        %swap3A_390 = arith.constant 0 : index
        %swap3A_391 = tpu.vector_load %arg21[%swap3A, %swap3A_390] {strides = array<i32>} : memref<64x128xf32, #tpu.memory_space<vmem>>, vector<16xf32>,
        tpu.vector_store %arg21[%swap3A, %swap3A_390], %mul3A_389 {strides = array<i32>} : memref<64x128xf32, #tpu.memory_space<vmem>>, vector<16xf32>,
        %get3A_392 = arith.index_cast %scan3A_378 : i32 to index
        %get3A_393 = arith.constant 16 : index
        %get3A_394 = tpu.vector_load %arg21[%get3A_392, %get3A_393] {strides = array<i32>} : memref<64x128xf32, #tpu.memory_space<vmem>>, vector<16xf32>,
        %mul3A_395 = arith.mulf %get3A_394, %gather3A : vector<16xf32>
        %swap3A_396 = arith.index_cast %scan3A_378 : i32 to index
        %swap3A_397 = arith.constant 16 : index
        %swap3A_398 = tpu.vector_load %arg21[%swap3A_396, %swap3A_397] {strides = array<i32>} : memref<64x128xf32, #tpu.memory_space<vmem>>, vector<16xf32>,
        tpu.vector_store %arg21[%swap3A_396, %swap3A_397], %mul3A_395 {strides = array<i32>} : memref<64x128xf32, #tpu.memory_space<vmem>>, vector<16xf32>,
        %get3A_399 = arith.index_cast %scan3A_378 : i32 to index
        %get3A_400 = arith.constant 32 : index
        %get3A_401 = tpu.vector_load %arg21[%get3A_399, %get3A_400] {strides = array<i32>} : memref<64x128xf32, #tpu.memory_space<vmem>>, vector<16xf32>,
        %mul3A_402 = arith.mulf %get3A_401, %gather3A : vector<16xf32>
        %swap3A_403 = arith.index_cast %scan3A_378 : i32 to index
        %swap3A_404 = arith.constant 32 : index
        %swap3A_405 = tpu.vector_load %arg21[%swap3A_403, %swap3A_404] {strides = array<i32>} : memref<64x128xf32, #tpu.memory_space<vmem>>, vector<16xf32>,
        tpu.vector_store %arg21[%swap3A_403, %swap3A_404], %mul3A_402 {strides = array<i32>} : memref<64x128xf32, #tpu.memory_space<vmem>>, vector<16xf32>,
        %get3A_406 = arith.index_cast %scan3A_378 : i32 to index
        %get3A_407 = arith.constant 48 : index
        %get3A_408 = tpu.vector_load %arg21[%get3A_406, %get3A_407] {strides = array<i32>} : memref<64x128xf32, #tpu.memory_space<vmem>>, vector<16xf32>,
        %mul3A_409 = arith.mulf %get3A_408, %gather3A : vector<16xf32>
        %swap3A_410 = arith.index_cast %scan3A_378 : i32 to index
        %swap3A_411 = arith.constant 48 : index
        %swap3A_412 = tpu.vector_load %arg21[%swap3A_410, %swap3A_411] {strides = array<i32>} : memref<64x128xf32, #tpu.memory_space<vmem>>, vector<16xf32>,
        tpu.vector_store %arg21[%swap3A_410, %swap3A_411], %mul3A_409 {strides = array<i32>} : memref<64x128xf32, #tpu.memory_space<vmem>>, vector<16xf32>,
        %get3A_413 = arith.index_cast %scan3A_378 : i32 to index
        %get3A_414 = arith.constant 64 : index
        %get3A_415 = tpu.vector_load %arg21[%get3A_413, %get3A_414] {strides = array<i32>} : memref<64x128xf32, #tpu.memory_space<vmem>>, vector<16xf32>,
        %mul3A_416 = arith.mulf %get3A_415, %gather3A_386 : vector<16xf32>
        %swap3A_417 = arith.index_cast %scan3A_378 : i32 to index
        %swap3A_418 = arith.constant 64 : index
        %swap3A_419 = tpu.vector_load %arg21[%swap3A_417, %swap3A_418] {strides = array<i32>} : memref<64x128xf32, #tpu.memory_space<vmem>>, vector<16xf32>,
        tpu.vector_store %arg21[%swap3A_417, %swap3A_418], %mul3A_416 {strides = array<i32>} : memref<64x128xf32, #tpu.memory_space<vmem>>, vector<16xf32>,
        %get3A_420 = arith.index_cast %scan3A_378 : i32 to index
        %get3A_421 = arith.constant 80 : index
        %get3A_422 = tpu.vector_load %arg21[%get3A_420, %get3A_421] {strides = array<i32>} : memref<64x128xf32, #tpu.memory_space<vmem>>, vector<16xf32>,
        %mul3A_423 = arith.mulf %get3A_422, %gather3A_386 : vector<16xf32>
        %swap3A_424 = arith.index_cast %scan3A_378 : i32 to index
        %swap3A_425 = arith.constant 80 : index
        %swap3A_426 = tpu.vector_load %arg21[%swap3A_424, %swap3A_425] {strides = array<i32>} : memref<64x128xf32, #tpu.memory_space<vmem>>, vector<16xf32>,
        tpu.vector_store %arg21[%swap3A_424, %swap3A_425], %mul3A_423 {strides = array<i32>} : memref<64x128xf32, #tpu.memory_space<vmem>>, vector<16xf32>,
        %get3A_427 = arith.index_cast %scan3A_378 : i32 to index
        %get3A_428 = arith.constant 96 : index
        %get3A_429 = tpu.vector_load %arg21[%get3A_427, %get3A_428] {strides = array<i32>} : memref<64x128xf32, #tpu.memory_space<vmem>>, vector<16xf32>,
        %mul3A_430 = arith.mulf %get3A_429, %gather3A_386 : vector<16xf32>
        %swap3A_431 = arith.index_cast %scan3A_378 : i32 to index
        %swap3A_432 = arith.constant 96 : index
        %swap3A_433 = tpu.vector_load %arg21[%swap3A_431, %swap3A_432] {strides = array<i32>} : memref<64x128xf32, #tpu.memory_space<vmem>>, vector<16xf32>,
        tpu.vector_store %arg21[%swap3A_431, %swap3A_432], %mul3A_430 {strides = array<i32>} : memref<64x128xf32, #tpu.memory_space<vmem>>, vector<16xf32>,
        %get3A_434 = arith.index_cast %scan3A_378 : i32 to index
        %get3A_435 = arith.constant 112 : index
        %get3A_436 = tpu.vector_load %arg21[%get3A_434, %get3A_435] {strides = array<i32>} : memref<64x128xf32, #tpu.memory_space<vmem>>, vector<16xf32>,
        %mul3A_437 = arith.mulf %get3A_436, %gather3A_386 : vector<16xf32>
        %swap3A_438 = arith.index_cast %scan3A_378 : i32 to index
        %swap3A_439 = arith.constant 112 : index
        %swap3A_440 = tpu.vector_load %arg21[%swap3A_438, %swap3A_439] {strides = array<i32>} : memref<64x128xf32, #tpu.memory_space<vmem>>, vector<16xf32>,
        tpu.vector_store %arg21[%swap3A_438, %swap3A_439], %mul3A_437 {strides = array<i32>} : memref<64x128xf32, #tpu.memory_space<vmem>>, vector<16xf32>,
        %scan3A_441 = arith.constant 0 : i32
        scf.yield %scan3A_441 : i32
      }
      %scan3A_277 = arith.constant 64 : i32
      %dma_start3A_278 = arith.constant 0 : i32
      %dma_start3A_279 = arith.constant 0 : i32
      %dma_start3A_280 = tpu.memref_slice %arg24[%dma_start3A_278, %dma_start3A_279] : memref<10112x128xf32, #tpu.memory_space<vmem_shared>> -> memref<10112x128xf32, #tpu.memory_space<vmem_shared>>
      tpu.enqueue_indirect_dma source(%arg21 : memref<64x128xf32, #tpu.memory_space<vmem>>) target(%dma_start3A_280 : memref<10112x128xf32, #tpu.memory_space<vmem_shared>>) offsets(%arg17 : memref<64xi32, #tpu.memory_space<vmem>>) semaphore(%arg30 : memref<!tpu.dma_semaphore, #tpu.memory_space<semaphore_mem>>) {add = true}
      %mul3A_281 = arith.constant 4 : i32
      %mul3A_282 = arith.muli %mul3A_281, %scan3A_188 : i32
      %add3A_283 = arith.constant 2 : i32
      %add3A_284 = arith.addi %mul3A_282, %add3A_283 : i32
      %mul3A_285 = arith.constant 4 : i32
      %mul3A_286 = arith.muli %mul3A_285, %scan3A_188 : i32
      %add3A_287 = arith.constant 2 : i32
      %add3A_288 = arith.addi %mul3A_286, %add3A_287 : i32
      %add3A_289 = arith.constant 2 : i32
      %add3A_290 = arith.addi %add3A_288, %add3A_289 : i32
      %lt3A_291 = arith.constant 40 : i32
      %lt3A_292 = arith.cmpi slt, %add3A_290, %lt3A_291 : i32
      %mul3A_293 = arith.constant 4 : i32
      %mul3A_294 = arith.muli %mul3A_293, %scan3A_188 : i32
      %add3A_295 = arith.constant 2 : i32
      %add3A_296 = arith.addi %mul3A_294, %add3A_295 : i32
      %add3A_297 = arith.constant 2 : i32
      %add3A_298 = arith.addi %add3A_296, %add3A_297 : i32
      %ge3A_299 = arith.constant 4 : i32
      %ge3A_300 = arith.cmpi sge, %add3A_298, %ge3A_299 : i32
      %and3A_301 = arith.andi %lt3A_292, %ge3A_300 : i1
      %convert_element_type3A_302 = arith.extui %and3A_301 : i1 to i32
      %cond3A_303 = arith.constant 0 : i32
      %cond3A_304 = arith.cmpi ne, %convert_element_type3A_302, %cond3A_303 : i32
      scf.if %cond3A_304 {
        %dma_wait3A_378 = arith.constant 0 : i32
        %dma_wait3A_379 = arith.constant 0 : i32
        %dma_wait3A_380 = tpu.memref_slice %arg24[%dma_wait3A_378, %dma_wait3A_379] : memref<10112x128xf32, #tpu.memory_space<vmem_shared>> -> memref<10112x128xf32, #tpu.memory_space<vmem_shared>>
        tpu.wait_indirect_dma semaphore(%arg29 : memref<!tpu.dma_semaphore, #tpu.memory_space<semaphore_mem>>) src(%arg20 : memref<64x128xf32, #tpu.memory_space<vmem>>) dst(%dma_wait3A_380 : memref<10112x128xf32, #tpu.memory_space<vmem_shared>>)
      } else {
      }
      %mul3A_305 = arith.constant 4 : i32
      %mul3A_306 = arith.muli %mul3A_305, %scan3A_188 : i32
      %add3A_307 = arith.constant 2 : i32
      %add3A_308 = arith.addi %mul3A_306, %add3A_307 : i32
      %add3A_309 = arith.constant 2 : i32
      %add3A_310 = arith.addi %add3A_308, %add3A_309 : i32
      %lt3A_311 = arith.constant 40 : i32
      %lt3A_312 = arith.cmpi slt, %add3A_310, %lt3A_311 : i32
      %convert_element_type3A_313 = arith.extui %lt3A_312 : i1 to i32
      %cond3A_314 = arith.constant 0 : i32
      %cond3A_315 = arith.cmpi ne, %convert_element_type3A_313, %cond3A_314 : i32
      scf.if %cond3A_315 {
        %add3A_378 = arith.constant 2 : i32
        %add3A_379 = arith.addi %add3A_284, %add3A_378 : i32
        %scan3A_380 = arith.constant 0 : i32
        %scan3A_381 = arith.constant 0 : i32
        %scan3A_382 = arith.constant 4 : i32
        %scan3A_383 = arith.addi %scan3A_381, %scan3A_382 : i32
        %scan3A_384 = arith.constant 1 : i32
        %scan3A_385 = scf.for %scan3A_390 = %scan3A_381 to %scan3A_383 step %scan3A_384 iter_args(%scan3A_391 = %scan3A_380) -> (i32)  : i32 {
          %mul3A_392 = arith.constant 64 : i32
          %mul3A_393 = arith.muli %add3A_379, %mul3A_392 : i32
          %mul3A_394 = arith.constant 16 : i32
          %mul3A_395 = arith.muli %scan3A_390, %mul3A_394 : i32
          %add3A_396 = arith.addi %mul3A_393, %mul3A_395 : i32
          %mul3A_397 = arith.constant 16 : i32
          %mul3A_398 = arith.muli %scan3A_390, %mul3A_397 : i32
          %get3A = arith.index_cast %add3A_396 : i32 to index
          %get3A_399 = tpu.vector_load %arg8[%get3A] {strides = array<i32>} : memref<2560xi32, #tpu.memory_space<vmem>>, vector<16xi32>,
          %mul3A_400 = arith.constant 2 : i32
          %mul3A_401 = vector.broadcast %mul3A_400 : i32 to vector<16xi32>
          %mul3A_402 = arith.muli %get3A_399, %mul3A_401 : vector<16xi32>
          %add3A_403 = vector.broadcast %arg0 : i32 to vector<16xi32>
          %add3A_404 = arith.addi %mul3A_402, %add3A_403 : vector<16xi32>
          %swap3A = arith.index_cast %mul3A_398 : i32 to index
          %swap3A_405 = tpu.vector_load %arg12[%swap3A] {strides = array<i32>} : memref<64xi32, #tpu.memory_space<vmem>>, vector<16xi32>,
          tpu.vector_store %arg12[%swap3A], %add3A_404 {strides = array<i32>} : memref<64xi32, #tpu.memory_space<vmem>>, vector<16xi32>,
          %get3A_406 = arith.index_cast %add3A_396 : i32 to index
          %get3A_407 = tpu.vector_load %arg9[%get3A_406] {strides = array<i32>} : memref<2560xi32, #tpu.memory_space<vmem>>, vector<16xi32>,
          %swap3A_408 = arith.index_cast %mul3A_398 : i32 to index
          %swap3A_409 = tpu.vector_load %arg16[%swap3A_408] {strides = array<i32>} : memref<64xi32, #tpu.memory_space<vmem>>, vector<16xi32>,
          tpu.vector_store %arg16[%swap3A_408], %get3A_407 {strides = array<i32>} : memref<64xi32, #tpu.memory_space<vmem>>, vector<16xi32>,
          %scan3A_410 = arith.constant 0 : i32
          scf.yield %scan3A_410 : i32
        }
        %scan3A_386 = arith.constant 4 : i32
        %dma_start3A_387 = arith.constant 0 : i32
        %dma_start3A_388 = arith.constant 0 : i32
        %dma_start3A_389 = tpu.memref_slice %arg2[%dma_start3A_387, %dma_start3A_388] : memref<20000x128xf32, #tpu.memory_space<hbm>> -> memref<20000x128xf32, #tpu.memory_space<hbm>>
        tpu.enqueue_indirect_dma source(%dma_start3A_389 : memref<20000x128xf32, #tpu.memory_space<hbm>>) target(%arg20 : memref<64x128xf32, #tpu.memory_space<vmem>>) offsets(%arg12 : memref<64xi32, #tpu.memory_space<vmem>>) semaphore(%arg25 : memref<!tpu.dma_semaphore, #tpu.memory_space<semaphore_mem>>)
      } else {
      }
      %dma_wait3A_316 = arith.constant 0 : i32
      %dma_wait3A_317 = arith.constant 0 : i32
      %dma_wait3A_318 = tpu.memref_slice %arg2[%dma_wait3A_316, %dma_wait3A_317] : memref<20000x128xf32, #tpu.memory_space<hbm>> -> memref<20000x128xf32, #tpu.memory_space<hbm>>
      tpu.wait_indirect_dma semaphore(%arg27 : memref<!tpu.dma_semaphore, #tpu.memory_space<semaphore_mem>>) src(%dma_wait3A_318 : memref<20000x128xf32, #tpu.memory_space<hbm>>) dst(%arg22 : memref<64x128xf32, #tpu.memory_space<vmem>>)
      %scan3A_319 = arith.constant 0 : i32
      %scan3A_320 = arith.constant 0 : i32
      %scan3A_321 = arith.constant 64 : i32
      %scan3A_322 = arith.addi %scan3A_320, %scan3A_321 : i32
      %scan3A_323 = arith.constant 1 : i32
      %scan3A_324 = scf.for %scan3A_378 = %scan3A_320 to %scan3A_322 step %scan3A_323 iter_args(%scan3A_379 = %scan3A_319) -> (i32)  : i32 {
        %broadcast_in_dim3A = arith.constant 0 : i32
        %broadcast_in_dim3A_380 = vector.broadcast %broadcast_in_dim3A : i32 to vector<16xi32>
        %mul3A_381 = arith.constant 64 : i32
        %mul3A_382 = arith.muli %add3A_284, %mul3A_381 : i32
        %add3A_383 = arith.addi %mul3A_382, %scan3A_378 : i32
        %add3A_384 = vector.broadcast %add3A_383 : i32 to vector<16xi32>
        %add3A_385 = arith.addi %broadcast_in_dim3A_380, %add3A_384 : vector<16xi32>
        %gather3A = tpu.vector_load_idx %arg10[%add3A_385] : memref<2560xf32, #tpu.memory_space<vmem>>[vector<16xi32>], vector<16xf32>,
        %gather3A_386 = tpu.vector_load_idx %arg11[%add3A_385] : memref<2560xf32, #tpu.memory_space<vmem>>[vector<16xi32>], vector<16xf32>,
        %get3A = arith.index_cast %scan3A_378 : i32 to index
        %get3A_387 = arith.constant 0 : index
        %get3A_388 = tpu.vector_load %arg22[%get3A, %get3A_387] {strides = array<i32>} : memref<64x128xf32, #tpu.memory_space<vmem>>, vector<16xf32>,
        %mul3A_389 = arith.mulf %get3A_388, %gather3A : vector<16xf32>
        %swap3A = arith.index_cast %scan3A_378 : i32 to index
        %swap3A_390 = arith.constant 0 : index
        %swap3A_391 = tpu.vector_load %arg22[%swap3A, %swap3A_390] {strides = array<i32>} : memref<64x128xf32, #tpu.memory_space<vmem>>, vector<16xf32>,
        tpu.vector_store %arg22[%swap3A, %swap3A_390], %mul3A_389 {strides = array<i32>} : memref<64x128xf32, #tpu.memory_space<vmem>>, vector<16xf32>,
        %get3A_392 = arith.index_cast %scan3A_378 : i32 to index
        %get3A_393 = arith.constant 16 : index
        %get3A_394 = tpu.vector_load %arg22[%get3A_392, %get3A_393] {strides = array<i32>} : memref<64x128xf32, #tpu.memory_space<vmem>>, vector<16xf32>,
        %mul3A_395 = arith.mulf %get3A_394, %gather3A : vector<16xf32>
        %swap3A_396 = arith.index_cast %scan3A_378 : i32 to index
        %swap3A_397 = arith.constant 16 : index
        %swap3A_398 = tpu.vector_load %arg22[%swap3A_396, %swap3A_397] {strides = array<i32>} : memref<64x128xf32, #tpu.memory_space<vmem>>, vector<16xf32>,
        tpu.vector_store %arg22[%swap3A_396, %swap3A_397], %mul3A_395 {strides = array<i32>} : memref<64x128xf32, #tpu.memory_space<vmem>>, vector<16xf32>,
        %get3A_399 = arith.index_cast %scan3A_378 : i32 to index
        %get3A_400 = arith.constant 32 : index
        %get3A_401 = tpu.vector_load %arg22[%get3A_399, %get3A_400] {strides = array<i32>} : memref<64x128xf32, #tpu.memory_space<vmem>>, vector<16xf32>,
        %mul3A_402 = arith.mulf %get3A_401, %gather3A : vector<16xf32>
        %swap3A_403 = arith.index_cast %scan3A_378 : i32 to index
        %swap3A_404 = arith.constant 32 : index
        %swap3A_405 = tpu.vector_load %arg22[%swap3A_403, %swap3A_404] {strides = array<i32>} : memref<64x128xf32, #tpu.memory_space<vmem>>, vector<16xf32>,
        tpu.vector_store %arg22[%swap3A_403, %swap3A_404], %mul3A_402 {strides = array<i32>} : memref<64x128xf32, #tpu.memory_space<vmem>>, vector<16xf32>,
        %get3A_406 = arith.index_cast %scan3A_378 : i32 to index
        %get3A_407 = arith.constant 48 : index
        %get3A_408 = tpu.vector_load %arg22[%get3A_406, %get3A_407] {strides = array<i32>} : memref<64x128xf32, #tpu.memory_space<vmem>>, vector<16xf32>,
        %mul3A_409 = arith.mulf %get3A_408, %gather3A : vector<16xf32>
        %swap3A_410 = arith.index_cast %scan3A_378 : i32 to index
        %swap3A_411 = arith.constant 48 : index
        %swap3A_412 = tpu.vector_load %arg22[%swap3A_410, %swap3A_411] {strides = array<i32>} : memref<64x128xf32, #tpu.memory_space<vmem>>, vector<16xf32>,
        tpu.vector_store %arg22[%swap3A_410, %swap3A_411], %mul3A_409 {strides = array<i32>} : memref<64x128xf32, #tpu.memory_space<vmem>>, vector<16xf32>,
        %get3A_413 = arith.index_cast %scan3A_378 : i32 to index
        %get3A_414 = arith.constant 64 : index
        %get3A_415 = tpu.vector_load %arg22[%get3A_413, %get3A_414] {strides = array<i32>} : memref<64x128xf32, #tpu.memory_space<vmem>>, vector<16xf32>,
        %mul3A_416 = arith.mulf %get3A_415, %gather3A_386 : vector<16xf32>
        %swap3A_417 = arith.index_cast %scan3A_378 : i32 to index
        %swap3A_418 = arith.constant 64 : index
        %swap3A_419 = tpu.vector_load %arg22[%swap3A_417, %swap3A_418] {strides = array<i32>} : memref<64x128xf32, #tpu.memory_space<vmem>>, vector<16xf32>,
        tpu.vector_store %arg22[%swap3A_417, %swap3A_418], %mul3A_416 {strides = array<i32>} : memref<64x128xf32, #tpu.memory_space<vmem>>, vector<16xf32>,
        %get3A_420 = arith.index_cast %scan3A_378 : i32 to index
        %get3A_421 = arith.constant 80 : index
        %get3A_422 = tpu.vector_load %arg22[%get3A_420, %get3A_421] {strides = array<i32>} : memref<64x128xf32, #tpu.memory_space<vmem>>, vector<16xf32>,
        %mul3A_423 = arith.mulf %get3A_422, %gather3A_386 : vector<16xf32>
        %swap3A_424 = arith.index_cast %scan3A_378 : i32 to index
        %swap3A_425 = arith.constant 80 : index
        %swap3A_426 = tpu.vector_load %arg22[%swap3A_424, %swap3A_425] {strides = array<i32>} : memref<64x128xf32, #tpu.memory_space<vmem>>, vector<16xf32>,
        tpu.vector_store %arg22[%swap3A_424, %swap3A_425], %mul3A_423 {strides = array<i32>} : memref<64x128xf32, #tpu.memory_space<vmem>>, vector<16xf32>,
        %get3A_427 = arith.index_cast %scan3A_378 : i32 to index
        %get3A_428 = arith.constant 96 : index
        %get3A_429 = tpu.vector_load %arg22[%get3A_427, %get3A_428] {strides = array<i32>} : memref<64x128xf32, #tpu.memory_space<vmem>>, vector<16xf32>,
        %mul3A_430 = arith.mulf %get3A_429, %gather3A_386 : vector<16xf32>
        %swap3A_431 = arith.index_cast %scan3A_378 : i32 to index
        %swap3A_432 = arith.constant 96 : index
        %swap3A_433 = tpu.vector_load %arg22[%swap3A_431, %swap3A_432] {strides = array<i32>} : memref<64x128xf32, #tpu.memory_space<vmem>>, vector<16xf32>,
        tpu.vector_store %arg22[%swap3A_431, %swap3A_432], %mul3A_430 {strides = array<i32>} : memref<64x128xf32, #tpu.memory_space<vmem>>, vector<16xf32>,
        %get3A_434 = arith.index_cast %scan3A_378 : i32 to index
        %get3A_435 = arith.constant 112 : index
        %get3A_436 = tpu.vector_load %arg22[%get3A_434, %get3A_435] {strides = array<i32>} : memref<64x128xf32, #tpu.memory_space<vmem>>, vector<16xf32>,
        %mul3A_437 = arith.mulf %get3A_436, %gather3A_386 : vector<16xf32>
        %swap3A_438 = arith.index_cast %scan3A_378 : i32 to index
        %swap3A_439 = arith.constant 112 : index
        %swap3A_440 = tpu.vector_load %arg22[%swap3A_438, %swap3A_439] {strides = array<i32>} : memref<64x128xf32, #tpu.memory_space<vmem>>, vector<16xf32>,
        tpu.vector_store %arg22[%swap3A_438, %swap3A_439], %mul3A_437 {strides = array<i32>} : memref<64x128xf32, #tpu.memory_space<vmem>>, vector<16xf32>,
        %scan3A_441 = arith.constant 0 : i32
        scf.yield %scan3A_441 : i32
      }
      %scan3A_325 = arith.constant 64 : i32
      %dma_start3A_326 = arith.constant 0 : i32
      %dma_start3A_327 = arith.constant 0 : i32
      %dma_start3A_328 = tpu.memref_slice %arg24[%dma_start3A_326, %dma_start3A_327] : memref<10112x128xf32, #tpu.memory_space<vmem_shared>> -> memref<10112x128xf32, #tpu.memory_space<vmem_shared>>
      tpu.enqueue_indirect_dma source(%arg22 : memref<64x128xf32, #tpu.memory_space<vmem>>) target(%dma_start3A_328 : memref<10112x128xf32, #tpu.memory_space<vmem_shared>>) offsets(%arg18 : memref<64xi32, #tpu.memory_space<vmem>>) semaphore(%arg31 : memref<!tpu.dma_semaphore, #tpu.memory_space<semaphore_mem>>) {add = true}
      %mul3A_329 = arith.constant 4 : i32
      %mul3A_330 = arith.muli %mul3A_329, %scan3A_188 : i32
      %add3A_331 = arith.constant 3 : i32
      %add3A_332 = arith.addi %mul3A_330, %add3A_331 : i32
      %mul3A_333 = arith.constant 4 : i32
      %mul3A_334 = arith.muli %mul3A_333, %scan3A_188 : i32
      %add3A_335 = arith.constant 3 : i32
      %add3A_336 = arith.addi %mul3A_334, %add3A_335 : i32
      %add3A_337 = arith.constant 2 : i32
      %add3A_338 = arith.addi %add3A_336, %add3A_337 : i32
      %lt3A_339 = arith.constant 40 : i32
      %lt3A_340 = arith.cmpi slt, %add3A_338, %lt3A_339 : i32
      %mul3A_341 = arith.constant 4 : i32
      %mul3A_342 = arith.muli %mul3A_341, %scan3A_188 : i32
      %add3A_343 = arith.constant 3 : i32
      %add3A_344 = arith.addi %mul3A_342, %add3A_343 : i32
      %add3A_345 = arith.constant 2 : i32
      %add3A_346 = arith.addi %add3A_344, %add3A_345 : i32
      %ge3A_347 = arith.constant 4 : i32
      %ge3A_348 = arith.cmpi sge, %add3A_346, %ge3A_347 : i32
      %and3A_349 = arith.andi %lt3A_340, %ge3A_348 : i1
      %convert_element_type3A_350 = arith.extui %and3A_349 : i1 to i32
      %cond3A_351 = arith.constant 0 : i32
      %cond3A_352 = arith.cmpi ne, %convert_element_type3A_350, %cond3A_351 : i32
      scf.if %cond3A_352 {
        %dma_wait3A_378 = arith.constant 0 : i32
        %dma_wait3A_379 = arith.constant 0 : i32
        %dma_wait3A_380 = tpu.memref_slice %arg24[%dma_wait3A_378, %dma_wait3A_379] : memref<10112x128xf32, #tpu.memory_space<vmem_shared>> -> memref<10112x128xf32, #tpu.memory_space<vmem_shared>>
        tpu.wait_indirect_dma semaphore(%arg30 : memref<!tpu.dma_semaphore, #tpu.memory_space<semaphore_mem>>) src(%arg21 : memref<64x128xf32, #tpu.memory_space<vmem>>) dst(%dma_wait3A_380 : memref<10112x128xf32, #tpu.memory_space<vmem_shared>>)
      } else {
      }
      %mul3A_353 = arith.constant 4 : i32
      %mul3A_354 = arith.muli %mul3A_353, %scan3A_188 : i32
      %add3A_355 = arith.constant 3 : i32
      %add3A_356 = arith.addi %mul3A_354, %add3A_355 : i32
      %add3A_357 = arith.constant 2 : i32
      %add3A_358 = arith.addi %add3A_356, %add3A_357 : i32
      %lt3A_359 = arith.constant 40 : i32
      %lt3A_360 = arith.cmpi slt, %add3A_358, %lt3A_359 : i32
      %convert_element_type3A_361 = arith.extui %lt3A_360 : i1 to i32
      %cond3A_362 = arith.constant 0 : i32
      %cond3A_363 = arith.cmpi ne, %convert_element_type3A_361, %cond3A_362 : i32
      scf.if %cond3A_363 {
        %add3A_378 = arith.constant 2 : i32
        %add3A_379 = arith.addi %add3A_332, %add3A_378 : i32
        %scan3A_380 = arith.constant 0 : i32
        %scan3A_381 = arith.constant 0 : i32
        %scan3A_382 = arith.constant 4 : i32
        %scan3A_383 = arith.addi %scan3A_381, %scan3A_382 : i32
        %scan3A_384 = arith.constant 1 : i32
        %scan3A_385 = scf.for %scan3A_390 = %scan3A_381 to %scan3A_383 step %scan3A_384 iter_args(%scan3A_391 = %scan3A_380) -> (i32)  : i32 {
          %mul3A_392 = arith.constant 64 : i32
          %mul3A_393 = arith.muli %add3A_379, %mul3A_392 : i32
          %mul3A_394 = arith.constant 16 : i32
          %mul3A_395 = arith.muli %scan3A_390, %mul3A_394 : i32
          %add3A_396 = arith.addi %mul3A_393, %mul3A_395 : i32
          %mul3A_397 = arith.constant 16 : i32
          %mul3A_398 = arith.muli %scan3A_390, %mul3A_397 : i32
          %get3A = arith.index_cast %add3A_396 : i32 to index
          %get3A_399 = tpu.vector_load %arg8[%get3A] {strides = array<i32>} : memref<2560xi32, #tpu.memory_space<vmem>>, vector<16xi32>,
          %mul3A_400 = arith.constant 2 : i32
          %mul3A_401 = vector.broadcast %mul3A_400 : i32 to vector<16xi32>
          %mul3A_402 = arith.muli %get3A_399, %mul3A_401 : vector<16xi32>
          %add3A_403 = vector.broadcast %arg0 : i32 to vector<16xi32>
          %add3A_404 = arith.addi %mul3A_402, %add3A_403 : vector<16xi32>
          %swap3A = arith.index_cast %mul3A_398 : i32 to index
          %swap3A_405 = tpu.vector_load %arg13[%swap3A] {strides = array<i32>} : memref<64xi32, #tpu.memory_space<vmem>>, vector<16xi32>,
          tpu.vector_store %arg13[%swap3A], %add3A_404 {strides = array<i32>} : memref<64xi32, #tpu.memory_space<vmem>>, vector<16xi32>,
          %get3A_406 = arith.index_cast %add3A_396 : i32 to index
          %get3A_407 = tpu.vector_load %arg9[%get3A_406] {strides = array<i32>} : memref<2560xi32, #tpu.memory_space<vmem>>, vector<16xi32>,
          %swap3A_408 = arith.index_cast %mul3A_398 : i32 to index
          %swap3A_409 = tpu.vector_load %arg17[%swap3A_408] {strides = array<i32>} : memref<64xi32, #tpu.memory_space<vmem>>, vector<16xi32>,
          tpu.vector_store %arg17[%swap3A_408], %get3A_407 {strides = array<i32>} : memref<64xi32, #tpu.memory_space<vmem>>, vector<16xi32>,
          %scan3A_410 = arith.constant 0 : i32
          scf.yield %scan3A_410 : i32
        }
        %scan3A_386 = arith.constant 4 : i32
        %dma_start3A_387 = arith.constant 0 : i32
        %dma_start3A_388 = arith.constant 0 : i32
        %dma_start3A_389 = tpu.memref_slice %arg2[%dma_start3A_387, %dma_start3A_388] : memref<20000x128xf32, #tpu.memory_space<hbm>> -> memref<20000x128xf32, #tpu.memory_space<hbm>>
        tpu.enqueue_indirect_dma source(%dma_start3A_389 : memref<20000x128xf32, #tpu.memory_space<hbm>>) target(%arg21 : memref<64x128xf32, #tpu.memory_space<vmem>>) offsets(%arg13 : memref<64xi32, #tpu.memory_space<vmem>>) semaphore(%arg26 : memref<!tpu.dma_semaphore, #tpu.memory_space<semaphore_mem>>)
      } else {
      }
      %dma_wait3A_364 = arith.constant 0 : i32
      %dma_wait3A_365 = arith.constant 0 : i32
      %dma_wait3A_366 = tpu.memref_slice %arg2[%dma_wait3A_364, %dma_wait3A_365] : memref<20000x128xf32, #tpu.memory_space<hbm>> -> memref<20000x128xf32, #tpu.memory_space<hbm>>
      tpu.wait_indirect_dma semaphore(%arg28 : memref<!tpu.dma_semaphore, #tpu.memory_space<semaphore_mem>>) src(%dma_wait3A_366 : memref<20000x128xf32, #tpu.memory_space<hbm>>) dst(%arg23 : memref<64x128xf32, #tpu.memory_space<vmem>>)
      %scan3A_367 = arith.constant 0 : i32
      %scan3A_368 = arith.constant 0 : i32
      %scan3A_369 = arith.constant 64 : i32
      %scan3A_370 = arith.addi %scan3A_368, %scan3A_369 : i32
      %scan3A_371 = arith.constant 1 : i32
      %scan3A_372 = scf.for %scan3A_378 = %scan3A_368 to %scan3A_370 step %scan3A_371 iter_args(%scan3A_379 = %scan3A_367) -> (i32)  : i32 {
        %broadcast_in_dim3A = arith.constant 0 : i32
        %broadcast_in_dim3A_380 = vector.broadcast %broadcast_in_dim3A : i32 to vector<16xi32>
        %mul3A_381 = arith.constant 64 : i32
        %mul3A_382 = arith.muli %add3A_332, %mul3A_381 : i32
        %add3A_383 = arith.addi %mul3A_382, %scan3A_378 : i32
        %add3A_384 = vector.broadcast %add3A_383 : i32 to vector<16xi32>
        %add3A_385 = arith.addi %broadcast_in_dim3A_380, %add3A_384 : vector<16xi32>
        %gather3A = tpu.vector_load_idx %arg10[%add3A_385] : memref<2560xf32, #tpu.memory_space<vmem>>[vector<16xi32>], vector<16xf32>,
        %gather3A_386 = tpu.vector_load_idx %arg11[%add3A_385] : memref<2560xf32, #tpu.memory_space<vmem>>[vector<16xi32>], vector<16xf32>,
        %get3A = arith.index_cast %scan3A_378 : i32 to index
        %get3A_387 = arith.constant 0 : index
        %get3A_388 = tpu.vector_load %arg23[%get3A, %get3A_387] {strides = array<i32>} : memref<64x128xf32, #tpu.memory_space<vmem>>, vector<16xf32>,
        %mul3A_389 = arith.mulf %get3A_388, %gather3A : vector<16xf32>
        %swap3A = arith.index_cast %scan3A_378 : i32 to index
        %swap3A_390 = arith.constant 0 : index
        %swap3A_391 = tpu.vector_load %arg23[%swap3A, %swap3A_390] {strides = array<i32>} : memref<64x128xf32, #tpu.memory_space<vmem>>, vector<16xf32>,
        tpu.vector_store %arg23[%swap3A, %swap3A_390], %mul3A_389 {strides = array<i32>} : memref<64x128xf32, #tpu.memory_space<vmem>>, vector<16xf32>,
        %get3A_392 = arith.index_cast %scan3A_378 : i32 to index
        %get3A_393 = arith.constant 16 : index
        %get3A_394 = tpu.vector_load %arg23[%get3A_392, %get3A_393] {strides = array<i32>} : memref<64x128xf32, #tpu.memory_space<vmem>>, vector<16xf32>,
        %mul3A_395 = arith.mulf %get3A_394, %gather3A : vector<16xf32>
        %swap3A_396 = arith.index_cast %scan3A_378 : i32 to index
        %swap3A_397 = arith.constant 16 : index
        %swap3A_398 = tpu.vector_load %arg23[%swap3A_396, %swap3A_397] {strides = array<i32>} : memref<64x128xf32, #tpu.memory_space<vmem>>, vector<16xf32>,
        tpu.vector_store %arg23[%swap3A_396, %swap3A_397], %mul3A_395 {strides = array<i32>} : memref<64x128xf32, #tpu.memory_space<vmem>>, vector<16xf32>,
        %get3A_399 = arith.index_cast %scan3A_378 : i32 to index
        %get3A_400 = arith.constant 32 : index
        %get3A_401 = tpu.vector_load %arg23[%get3A_399, %get3A_400] {strides = array<i32>} : memref<64x128xf32, #tpu.memory_space<vmem>>, vector<16xf32>,
        %mul3A_402 = arith.mulf %get3A_401, %gather3A : vector<16xf32>
        %swap3A_403 = arith.index_cast %scan3A_378 : i32 to index
        %swap3A_404 = arith.constant 32 : index
        %swap3A_405 = tpu.vector_load %arg23[%swap3A_403, %swap3A_404] {strides = array<i32>} : memref<64x128xf32, #tpu.memory_space<vmem>>, vector<16xf32>,
        tpu.vector_store %arg23[%swap3A_403, %swap3A_404], %mul3A_402 {strides = array<i32>} : memref<64x128xf32, #tpu.memory_space<vmem>>, vector<16xf32>,
        %get3A_406 = arith.index_cast %scan3A_378 : i32 to index
        %get3A_407 = arith.constant 48 : index
        %get3A_408 = tpu.vector_load %arg23[%get3A_406, %get3A_407] {strides = array<i32>} : memref<64x128xf32, #tpu.memory_space<vmem>>, vector<16xf32>,
        %mul3A_409 = arith.mulf %get3A_408, %gather3A : vector<16xf32>
        %swap3A_410 = arith.index_cast %scan3A_378 : i32 to index
        %swap3A_411 = arith.constant 48 : index
        %swap3A_412 = tpu.vector_load %arg23[%swap3A_410, %swap3A_411] {strides = array<i32>} : memref<64x128xf32, #tpu.memory_space<vmem>>, vector<16xf32>,
        tpu.vector_store %arg23[%swap3A_410, %swap3A_411], %mul3A_409 {strides = array<i32>} : memref<64x128xf32, #tpu.memory_space<vmem>>, vector<16xf32>,
        %get3A_413 = arith.index_cast %scan3A_378 : i32 to index
        %get3A_414 = arith.constant 64 : index
        %get3A_415 = tpu.vector_load %arg23[%get3A_413, %get3A_414] {strides = array<i32>} : memref<64x128xf32, #tpu.memory_space<vmem>>, vector<16xf32>,
        %mul3A_416 = arith.mulf %get3A_415, %gather3A_386 : vector<16xf32>
        %swap3A_417 = arith.index_cast %scan3A_378 : i32 to index
        %swap3A_418 = arith.constant 64 : index
        %swap3A_419 = tpu.vector_load %arg23[%swap3A_417, %swap3A_418] {strides = array<i32>} : memref<64x128xf32, #tpu.memory_space<vmem>>, vector<16xf32>,
        tpu.vector_store %arg23[%swap3A_417, %swap3A_418], %mul3A_416 {strides = array<i32>} : memref<64x128xf32, #tpu.memory_space<vmem>>, vector<16xf32>,
        %get3A_420 = arith.index_cast %scan3A_378 : i32 to index
        %get3A_421 = arith.constant 80 : index
        %get3A_422 = tpu.vector_load %arg23[%get3A_420, %get3A_421] {strides = array<i32>} : memref<64x128xf32, #tpu.memory_space<vmem>>, vector<16xf32>,
        %mul3A_423 = arith.mulf %get3A_422, %gather3A_386 : vector<16xf32>
        %swap3A_424 = arith.index_cast %scan3A_378 : i32 to index
        %swap3A_425 = arith.constant 80 : index
        %swap3A_426 = tpu.vector_load %arg23[%swap3A_424, %swap3A_425] {strides = array<i32>} : memref<64x128xf32, #tpu.memory_space<vmem>>, vector<16xf32>,
        tpu.vector_store %arg23[%swap3A_424, %swap3A_425], %mul3A_423 {strides = array<i32>} : memref<64x128xf32, #tpu.memory_space<vmem>>, vector<16xf32>,
        %get3A_427 = arith.index_cast %scan3A_378 : i32 to index
        %get3A_428 = arith.constant 96 : index
        %get3A_429 = tpu.vector_load %arg23[%get3A_427, %get3A_428] {strides = array<i32>} : memref<64x128xf32, #tpu.memory_space<vmem>>, vector<16xf32>,
        %mul3A_430 = arith.mulf %get3A_429, %gather3A_386 : vector<16xf32>
        %swap3A_431 = arith.index_cast %scan3A_378 : i32 to index
        %swap3A_432 = arith.constant 96 : index
        %swap3A_433 = tpu.vector_load %arg23[%swap3A_431, %swap3A_432] {strides = array<i32>} : memref<64x128xf32, #tpu.memory_space<vmem>>, vector<16xf32>,
        tpu.vector_store %arg23[%swap3A_431, %swap3A_432], %mul3A_430 {strides = array<i32>} : memref<64x128xf32, #tpu.memory_space<vmem>>, vector<16xf32>,
        %get3A_434 = arith.index_cast %scan3A_378 : i32 to index
        %get3A_435 = arith.constant 112 : index
        %get3A_436 = tpu.vector_load %arg23[%get3A_434, %get3A_435] {strides = array<i32>} : memref<64x128xf32, #tpu.memory_space<vmem>>, vector<16xf32>,
        %mul3A_437 = arith.mulf %get3A_436, %gather3A_386 : vector<16xf32>
        %swap3A_438 = arith.index_cast %scan3A_378 : i32 to index
        %swap3A_439 = arith.constant 112 : index
        %swap3A_440 = tpu.vector_load %arg23[%swap3A_438, %swap3A_439] {strides = array<i32>} : memref<64x128xf32, #tpu.memory_space<vmem>>, vector<16xf32>,
        tpu.vector_store %arg23[%swap3A_438, %swap3A_439], %mul3A_437 {strides = array<i32>} : memref<64x128xf32, #tpu.memory_space<vmem>>, vector<16xf32>,
        %scan3A_441 = arith.constant 0 : i32
        scf.yield %scan3A_441 : i32
      }
      %scan3A_373 = arith.constant 64 : i32
      %dma_start3A_374 = arith.constant 0 : i32
      %dma_start3A_375 = arith.constant 0 : i32
      %dma_start3A_376 = tpu.memref_slice %arg24[%dma_start3A_374, %dma_start3A_375] : memref<10112x128xf32, #tpu.memory_space<vmem_shared>> -> memref<10112x128xf32, #tpu.memory_space<vmem_shared>>
      tpu.enqueue_indirect_dma source(%arg23 : memref<64x128xf32, #tpu.memory_space<vmem>>) target(%dma_start3A_376 : memref<10112x128xf32, #tpu.memory_space<vmem_shared>>) offsets(%arg19 : memref<64xi32, #tpu.memory_space<vmem>>) semaphore(%arg32 : memref<!tpu.dma_semaphore, #tpu.memory_space<semaphore_mem>>) {add = true}
      %scan3A_377 = arith.constant 0 : i32
      scf.yield %scan3A_377 : i32
    }
    %scan3A_86 = arith.constant 10 : i32
    %dma_wait3A_87 = arith.constant 0 : i32
    %dma_wait3A_88 = arith.constant 0 : i32
    %dma_wait3A_89 = tpu.memref_slice %arg24[%dma_wait3A_87, %dma_wait3A_88] : memref<10112x128xf32, #tpu.memory_space<vmem_shared>> -> memref<10112x128xf32, #tpu.memory_space<vmem_shared>>
    tpu.wait_indirect_dma semaphore(%arg31 : memref<!tpu.dma_semaphore, #tpu.memory_space<semaphore_mem>>) src(%arg22 : memref<64x128xf32, #tpu.memory_space<vmem>>) dst(%dma_wait3A_89 : memref<10112x128xf32, #tpu.memory_space<vmem_shared>>)
    %dma_wait3A_90 = arith.constant 0 : i32
    %dma_wait3A_91 = arith.constant 0 : i32
    %dma_wait3A_92 = tpu.memref_slice %arg24[%dma_wait3A_90, %dma_wait3A_91] : memref<10112x128xf32, #tpu.memory_space<vmem_shared>> -> memref<10112x128xf32, #tpu.memory_space<vmem_shared>>
    tpu.wait_indirect_dma semaphore(%arg32 : memref<!tpu.dma_semaphore, #tpu.memory_space<semaphore_mem>>) src(%arg23 : memref<64x128xf32, #tpu.memory_space<vmem>>) dst(%dma_wait3A_92 : memref<10112x128xf32, #tpu.memory_space<vmem_shared>>)
    %add3A_93 = arith.constant 5120 : i32
    %add3A_94 = arith.addi %mul3A_2, %add3A_93 : i32
    "tpu.region"() ({
      %run_scoped3A = tpu.sem_alloc : memref<!tpu.dma_semaphore, #tpu.memory_space<semaphore_mem>>
      %dma_start3A_188 = tpu.memref_slice %arg4[%add3A_94] : memref<163840xi32, #tpu.memory_space<hbm>> -> memref<2560xi32, #tpu.memory_space<hbm>>
      %dma_start3A_189 = tpu.memref_slice %arg4[%add3A_94] : memref<163840xi32, #tpu.memory_space<hbm>> -> memref<2560xi32, #tpu.memory_space<hbm>>
      tpu.enqueue_dma source(%dma_start3A_189 : memref<2560xi32, #tpu.memory_space<hbm>>) target(%arg8 : memref<2560xi32, #tpu.memory_space<vmem>>) target_semaphore(%run_scoped3A : memref<!tpu.dma_semaphore, #tpu.memory_space<semaphore_mem>>)
      %dma_wait3A_190 = tpu.memref_slice %arg4[%add3A_94] : memref<163840xi32, #tpu.memory_space<hbm>> -> memref<2560xi32, #tpu.memory_space<hbm>>
      %dma_wait3A_191 = tpu.memref_slice %arg4[%add3A_94] : memref<163840xi32, #tpu.memory_space<hbm>> -> memref<2560xi32, #tpu.memory_space<hbm>>
      tpu.wait_dma2 semaphore(%run_scoped3A : memref<!tpu.dma_semaphore, #tpu.memory_space<semaphore_mem>>) src(%dma_wait3A_191 : memref<2560xi32, #tpu.memory_space<hbm>>) dst(%arg8 : memref<2560xi32, #tpu.memory_space<vmem>>)
      tpu.yield
    }) : () -> ()
    "tpu.region"() ({
      %run_scoped3A = tpu.sem_alloc : memref<!tpu.dma_semaphore, #tpu.memory_space<semaphore_mem>>
      %dma_start3A_188 = tpu.memref_slice %arg5[%add3A_94] : memref<163840xi32, #tpu.memory_space<hbm>> -> memref<2560xi32, #tpu.memory_space<hbm>>
      %dma_start3A_189 = tpu.memref_slice %arg5[%add3A_94] : memref<163840xi32, #tpu.memory_space<hbm>> -> memref<2560xi32, #tpu.memory_space<hbm>>
      tpu.enqueue_dma source(%dma_start3A_189 : memref<2560xi32, #tpu.memory_space<hbm>>) target(%arg9 : memref<2560xi32, #tpu.memory_space<vmem>>) target_semaphore(%run_scoped3A : memref<!tpu.dma_semaphore, #tpu.memory_space<semaphore_mem>>)
      %dma_wait3A_190 = tpu.memref_slice %arg5[%add3A_94] : memref<163840xi32, #tpu.memory_space<hbm>> -> memref<2560xi32, #tpu.memory_space<hbm>>
      %dma_wait3A_191 = tpu.memref_slice %arg5[%add3A_94] : memref<163840xi32, #tpu.memory_space<hbm>> -> memref<2560xi32, #tpu.memory_space<hbm>>
      tpu.wait_dma2 semaphore(%run_scoped3A : memref<!tpu.dma_semaphore, #tpu.memory_space<semaphore_mem>>) src(%dma_wait3A_191 : memref<2560xi32, #tpu.memory_space<hbm>>) dst(%arg9 : memref<2560xi32, #tpu.memory_space<vmem>>)
      tpu.yield
    }) : () -> ()
    %mul3A_95 = arith.constant 2 : i32
    %mul3A_96 = arith.muli %mul3A_95, %arg0 : i32
    %mul3A_97 = arith.constant 163840 : i32
    %mul3A_98 = arith.muli %mul3A_96, %mul3A_97 : i32
    %add3A_99 = arith.addi %mul3A_98, %add3A_94 : i32
    "tpu.region"() ({
      %run_scoped3A = tpu.sem_alloc : memref<!tpu.dma_semaphore, #tpu.memory_space<semaphore_mem>>
      %dma_start3A_188 = tpu.memref_slice %arg3[%add3A_99] : memref<655360xf32, #tpu.memory_space<hbm>> -> memref<2560xf32, #tpu.memory_space<hbm>>
      %dma_start3A_189 = tpu.memref_slice %arg3[%add3A_99] : memref<655360xf32, #tpu.memory_space<hbm>> -> memref<2560xf32, #tpu.memory_space<hbm>>
      tpu.enqueue_dma source(%dma_start3A_189 : memref<2560xf32, #tpu.memory_space<hbm>>) target(%arg10 : memref<2560xf32, #tpu.memory_space<vmem>>) target_semaphore(%run_scoped3A : memref<!tpu.dma_semaphore, #tpu.memory_space<semaphore_mem>>)
      %dma_wait3A_190 = tpu.memref_slice %arg3[%add3A_99] : memref<655360xf32, #tpu.memory_space<hbm>> -> memref<2560xf32, #tpu.memory_space<hbm>>
      %dma_wait3A_191 = tpu.memref_slice %arg3[%add3A_99] : memref<655360xf32, #tpu.memory_space<hbm>> -> memref<2560xf32, #tpu.memory_space<hbm>>
      tpu.wait_dma2 semaphore(%run_scoped3A : memref<!tpu.dma_semaphore, #tpu.memory_space<semaphore_mem>>) src(%dma_wait3A_191 : memref<2560xf32, #tpu.memory_space<hbm>>) dst(%arg10 : memref<2560xf32, #tpu.memory_space<vmem>>)
      tpu.yield
    }) : () -> ()
    %mul3A_100 = arith.constant 2 : i32
    %mul3A_101 = arith.muli %mul3A_100, %arg0 : i32
    %add3A_102 = arith.constant 1 : i32
    %add3A_103 = arith.addi %mul3A_101, %add3A_102 : i32
    %mul3A_104 = arith.constant 163840 : i32
    %mul3A_105 = arith.muli %add3A_103, %mul3A_104 : i32
    %add3A_106 = arith.addi %mul3A_105, %add3A_94 : i32
    "tpu.region"() ({
      %run_scoped3A = tpu.sem_alloc : memref<!tpu.dma_semaphore, #tpu.memory_space<semaphore_mem>>
      %dma_start3A_188 = tpu.memref_slice %arg3[%add3A_106] : memref<655360xf32, #tpu.memory_space<hbm>> -> memref<2560xf32, #tpu.memory_space<hbm>>
      %dma_start3A_189 = tpu.memref_slice %arg3[%add3A_106] : memref<655360xf32, #tpu.memory_space<hbm>> -> memref<2560xf32, #tpu.memory_space<hbm>>
      tpu.enqueue_dma source(%dma_start3A_189 : memref<2560xf32, #tpu.memory_space<hbm>>) target(%arg11 : memref<2560xf32, #tpu.memory_space<vmem>>) target_semaphore(%run_scoped3A : memref<!tpu.dma_semaphore, #tpu.memory_space<semaphore_mem>>)
      %dma_wait3A_190 = tpu.memref_slice %arg3[%add3A_106] : memref<655360xf32, #tpu.memory_space<hbm>> -> memref<2560xf32, #tpu.memory_space<hbm>>
      %dma_wait3A_191 = tpu.memref_slice %arg3[%add3A_106] : memref<655360xf32, #tpu.memory_space<hbm>> -> memref<2560xf32, #tpu.memory_space<hbm>>
      tpu.wait_dma2 semaphore(%run_scoped3A : memref<!tpu.dma_semaphore, #tpu.memory_space<semaphore_mem>>) src(%dma_wait3A_191 : memref<2560xf32, #tpu.memory_space<hbm>>) dst(%arg11 : memref<2560xf32, #tpu.memory_space<vmem>>)
      tpu.yield
    }) : () -> ()
    %scan3A_107 = arith.constant 0 : i32
    %scan3A_108 = arith.constant 0 : i32
    %scan3A_109 = arith.constant 4 : i32
    %scan3A_110 = arith.addi %scan3A_108, %scan3A_109 : i32
    %scan3A_111 = arith.constant 1 : i32
    %scan3A_112 = scf.for %scan3A_188 = %scan3A_108 to %scan3A_110 step %scan3A_111 iter_args(%scan3A_189 = %scan3A_107) -> (i32)  : i32 {
      %mul3A_190 = arith.constant 16 : i32
      %mul3A_191 = arith.muli %scan3A_188, %mul3A_190 : i32
      %add3A_192 = arith.constant 0 : i32
      %add3A_193 = arith.addi %add3A_192, %mul3A_191 : i32
      %mul3A_194 = arith.constant 16 : i32
      %mul3A_195 = arith.muli %scan3A_188, %mul3A_194 : i32
      %get3A = arith.index_cast %add3A_193 : i32 to index
      %get3A_196 = tpu.vector_load %arg8[%get3A] {strides = array<i32>} : memref<2560xi32, #tpu.memory_space<vmem>>, vector<16xi32>,
      %mul3A_197 = arith.constant 2 : i32
      %mul3A_198 = vector.broadcast %mul3A_197 : i32 to vector<16xi32>
      %mul3A_199 = arith.muli %get3A_196, %mul3A_198 : vector<16xi32>
      %add3A_200 = vector.broadcast %arg0 : i32 to vector<16xi32>
      %add3A_201 = arith.addi %mul3A_199, %add3A_200 : vector<16xi32>
      %swap3A = arith.index_cast %mul3A_195 : i32 to index
      %swap3A_202 = tpu.vector_load %arg12[%swap3A] {strides = array<i32>} : memref<64xi32, #tpu.memory_space<vmem>>, vector<16xi32>,
      tpu.vector_store %arg12[%swap3A], %add3A_201 {strides = array<i32>} : memref<64xi32, #tpu.memory_space<vmem>>, vector<16xi32>,
      %get3A_203 = arith.index_cast %add3A_193 : i32 to index
      %get3A_204 = tpu.vector_load %arg9[%get3A_203] {strides = array<i32>} : memref<2560xi32, #tpu.memory_space<vmem>>, vector<16xi32>,
      %swap3A_205 = arith.index_cast %mul3A_195 : i32 to index
      %swap3A_206 = tpu.vector_load %arg16[%swap3A_205] {strides = array<i32>} : memref<64xi32, #tpu.memory_space<vmem>>, vector<16xi32>,
      tpu.vector_store %arg16[%swap3A_205], %get3A_204 {strides = array<i32>} : memref<64xi32, #tpu.memory_space<vmem>>, vector<16xi32>,
      %scan3A_207 = arith.constant 0 : i32
      scf.yield %scan3A_207 : i32
    }
    %scan3A_113 = arith.constant 4 : i32
    %dma_start3A_114 = arith.constant 0 : i32
    %dma_start3A_115 = arith.constant 0 : i32
    %dma_start3A_116 = tpu.memref_slice %arg2[%dma_start3A_114, %dma_start3A_115] : memref<20000x128xf32, #tpu.memory_space<hbm>> -> memref<20000x128xf32, #tpu.memory_space<hbm>>
    tpu.enqueue_indirect_dma source(%dma_start3A_116 : memref<20000x128xf32, #tpu.memory_space<hbm>>) target(%arg20 : memref<64x128xf32, #tpu.memory_space<vmem>>) offsets(%arg12 : memref<64xi32, #tpu.memory_space<vmem>>) semaphore(%arg25 : memref<!tpu.dma_semaphore, #tpu.memory_space<semaphore_mem>>)
    %scan3A_117 = arith.constant 0 : i32
    %scan3A_118 = arith.constant 0 : i32
    %scan3A_119 = arith.constant 4 : i32
    %scan3A_120 = arith.addi %scan3A_118, %scan3A_119 : i32
    %scan3A_121 = arith.constant 1 : i32
    %scan3A_122 = scf.for %scan3A_188 = %scan3A_118 to %scan3A_120 step %scan3A_121 iter_args(%scan3A_189 = %scan3A_117) -> (i32)  : i32 {
      %mul3A_190 = arith.constant 16 : i32
      %mul3A_191 = arith.muli %scan3A_188, %mul3A_190 : i32
      %add3A_192 = arith.constant 64 : i32
      %add3A_193 = arith.addi %add3A_192, %mul3A_191 : i32
      %mul3A_194 = arith.constant 16 : i32
      %mul3A_195 = arith.muli %scan3A_188, %mul3A_194 : i32
      %get3A = arith.index_cast %add3A_193 : i32 to index
      %get3A_196 = tpu.vector_load %arg8[%get3A] {strides = array<i32>} : memref<2560xi32, #tpu.memory_space<vmem>>, vector<16xi32>,
      %mul3A_197 = arith.constant 2 : i32
      %mul3A_198 = vector.broadcast %mul3A_197 : i32 to vector<16xi32>
      %mul3A_199 = arith.muli %get3A_196, %mul3A_198 : vector<16xi32>
      %add3A_200 = vector.broadcast %arg0 : i32 to vector<16xi32>
      %add3A_201 = arith.addi %mul3A_199, %add3A_200 : vector<16xi32>
      %swap3A = arith.index_cast %mul3A_195 : i32 to index
      %swap3A_202 = tpu.vector_load %arg13[%swap3A] {strides = array<i32>} : memref<64xi32, #tpu.memory_space<vmem>>, vector<16xi32>,
      tpu.vector_store %arg13[%swap3A], %add3A_201 {strides = array<i32>} : memref<64xi32, #tpu.memory_space<vmem>>, vector<16xi32>,
      %get3A_203 = arith.index_cast %add3A_193 : i32 to index
      %get3A_204 = tpu.vector_load %arg9[%get3A_203] {strides = array<i32>} : memref<2560xi32, #tpu.memory_space<vmem>>, vector<16xi32>,
      %swap3A_205 = arith.index_cast %mul3A_195 : i32 to index
      %swap3A_206 = tpu.vector_load %arg17[%swap3A_205] {strides = array<i32>} : memref<64xi32, #tpu.memory_space<vmem>>, vector<16xi32>,
      tpu.vector_store %arg17[%swap3A_205], %get3A_204 {strides = array<i32>} : memref<64xi32, #tpu.memory_space<vmem>>, vector<16xi32>,
      %scan3A_207 = arith.constant 0 : i32
      scf.yield %scan3A_207 : i32
    }
    %scan3A_123 = arith.constant 4 : i32
    %dma_start3A_124 = arith.constant 0 : i32
    %dma_start3A_125 = arith.constant 0 : i32
    %dma_start3A_126 = tpu.memref_slice %arg2[%dma_start3A_124, %dma_start3A_125] : memref<20000x128xf32, #tpu.memory_space<hbm>> -> memref<20000x128xf32, #tpu.memory_space<hbm>>
    tpu.enqueue_indirect_dma source(%dma_start3A_126 : memref<20000x128xf32, #tpu.memory_space<hbm>>) target(%arg21 : memref<64x128xf32, #tpu.memory_space<vmem>>) offsets(%arg13 : memref<64xi32, #tpu.memory_space<vmem>>) semaphore(%arg26 : memref<!tpu.dma_semaphore, #tpu.memory_space<semaphore_mem>>)
    %scan3A_127 = arith.constant 0 : i32
    %scan3A_128 = arith.constant 0 : i32
    %scan3A_129 = arith.constant 10 : i32
    %scan3A_130 = arith.addi %scan3A_128, %scan3A_129 : i32
    %scan3A_131 = arith.constant 1 : i32
    %scan3A_132 = scf.for %scan3A_188 = %scan3A_128 to %scan3A_130 step %scan3A_131 iter_args(%scan3A_189 = %scan3A_127) -> (i32)  : i32 {
      %mul3A_190 = arith.constant 4 : i32
      %mul3A_191 = arith.muli %mul3A_190, %scan3A_188 : i32
      %add3A_192 = arith.constant 0 : i32
      %add3A_193 = arith.addi %mul3A_191, %add3A_192 : i32
      %mul3A_194 = arith.constant 4 : i32
      %mul3A_195 = arith.muli %mul3A_194, %scan3A_188 : i32
      %add3A_196 = arith.constant 0 : i32
      %add3A_197 = arith.addi %mul3A_195, %add3A_196 : i32
      %add3A_198 = arith.constant 2 : i32
      %add3A_199 = arith.addi %add3A_197, %add3A_198 : i32
      %lt3A = arith.constant 40 : i32
      %lt3A_200 = arith.cmpi slt, %add3A_199, %lt3A : i32
      %mul3A_201 = arith.constant 4 : i32
      %mul3A_202 = arith.muli %mul3A_201, %scan3A_188 : i32
      %add3A_203 = arith.constant 0 : i32
      %add3A_204 = arith.addi %mul3A_202, %add3A_203 : i32
      %add3A_205 = arith.constant 2 : i32
      %add3A_206 = arith.addi %add3A_204, %add3A_205 : i32
      %ge3A = arith.constant 4 : i32
      %ge3A_207 = arith.cmpi sge, %add3A_206, %ge3A : i32
      %and3A = arith.andi %lt3A_200, %ge3A_207 : i1
      %convert_element_type3A = arith.extui %and3A : i1 to i32
      %cond3A = arith.constant 0 : i32
      %cond3A_208 = arith.cmpi ne, %convert_element_type3A, %cond3A : i32
      scf.if %cond3A_208 {
        %dma_wait3A_378 = arith.constant 0 : i32
        %dma_wait3A_379 = arith.constant 0 : i32
        %dma_wait3A_380 = tpu.memref_slice %arg24[%dma_wait3A_378, %dma_wait3A_379] : memref<10112x128xf32, #tpu.memory_space<vmem_shared>> -> memref<10112x128xf32, #tpu.memory_space<vmem_shared>>
        tpu.wait_indirect_dma semaphore(%arg31 : memref<!tpu.dma_semaphore, #tpu.memory_space<semaphore_mem>>) src(%arg22 : memref<64x128xf32, #tpu.memory_space<vmem>>) dst(%dma_wait3A_380 : memref<10112x128xf32, #tpu.memory_space<vmem_shared>>)
      } else {
      }
      %mul3A_209 = arith.constant 4 : i32
      %mul3A_210 = arith.muli %mul3A_209, %scan3A_188 : i32
      %add3A_211 = arith.constant 0 : i32
      %add3A_212 = arith.addi %mul3A_210, %add3A_211 : i32
      %add3A_213 = arith.constant 2 : i32
      %add3A_214 = arith.addi %add3A_212, %add3A_213 : i32
      %lt3A_215 = arith.constant 40 : i32
      %lt3A_216 = arith.cmpi slt, %add3A_214, %lt3A_215 : i32
      %convert_element_type3A_217 = arith.extui %lt3A_216 : i1 to i32
      %cond3A_218 = arith.constant 0 : i32
      %cond3A_219 = arith.cmpi ne, %convert_element_type3A_217, %cond3A_218 : i32
      scf.if %cond3A_219 {
        %add3A_378 = arith.constant 2 : i32
        %add3A_379 = arith.addi %add3A_193, %add3A_378 : i32
        %scan3A_380 = arith.constant 0 : i32
        %scan3A_381 = arith.constant 0 : i32
        %scan3A_382 = arith.constant 4 : i32
        %scan3A_383 = arith.addi %scan3A_381, %scan3A_382 : i32
        %scan3A_384 = arith.constant 1 : i32
        %scan3A_385 = scf.for %scan3A_390 = %scan3A_381 to %scan3A_383 step %scan3A_384 iter_args(%scan3A_391 = %scan3A_380) -> (i32)  : i32 {
          %mul3A_392 = arith.constant 64 : i32
          %mul3A_393 = arith.muli %add3A_379, %mul3A_392 : i32
          %mul3A_394 = arith.constant 16 : i32
          %mul3A_395 = arith.muli %scan3A_390, %mul3A_394 : i32
          %add3A_396 = arith.addi %mul3A_393, %mul3A_395 : i32
          %mul3A_397 = arith.constant 16 : i32
          %mul3A_398 = arith.muli %scan3A_390, %mul3A_397 : i32
          %get3A = arith.index_cast %add3A_396 : i32 to index
          %get3A_399 = tpu.vector_load %arg8[%get3A] {strides = array<i32>} : memref<2560xi32, #tpu.memory_space<vmem>>, vector<16xi32>,
          %mul3A_400 = arith.constant 2 : i32
          %mul3A_401 = vector.broadcast %mul3A_400 : i32 to vector<16xi32>
          %mul3A_402 = arith.muli %get3A_399, %mul3A_401 : vector<16xi32>
          %add3A_403 = vector.broadcast %arg0 : i32 to vector<16xi32>
          %add3A_404 = arith.addi %mul3A_402, %add3A_403 : vector<16xi32>
          %swap3A = arith.index_cast %mul3A_398 : i32 to index
          %swap3A_405 = tpu.vector_load %arg14[%swap3A] {strides = array<i32>} : memref<64xi32, #tpu.memory_space<vmem>>, vector<16xi32>,
          tpu.vector_store %arg14[%swap3A], %add3A_404 {strides = array<i32>} : memref<64xi32, #tpu.memory_space<vmem>>, vector<16xi32>,
          %get3A_406 = arith.index_cast %add3A_396 : i32 to index
          %get3A_407 = tpu.vector_load %arg9[%get3A_406] {strides = array<i32>} : memref<2560xi32, #tpu.memory_space<vmem>>, vector<16xi32>,
          %swap3A_408 = arith.index_cast %mul3A_398 : i32 to index
          %swap3A_409 = tpu.vector_load %arg18[%swap3A_408] {strides = array<i32>} : memref<64xi32, #tpu.memory_space<vmem>>, vector<16xi32>,
          tpu.vector_store %arg18[%swap3A_408], %get3A_407 {strides = array<i32>} : memref<64xi32, #tpu.memory_space<vmem>>, vector<16xi32>,
          %scan3A_410 = arith.constant 0 : i32
          scf.yield %scan3A_410 : i32
        }
        %scan3A_386 = arith.constant 4 : i32
        %dma_start3A_387 = arith.constant 0 : i32
        %dma_start3A_388 = arith.constant 0 : i32
        %dma_start3A_389 = tpu.memref_slice %arg2[%dma_start3A_387, %dma_start3A_388] : memref<20000x128xf32, #tpu.memory_space<hbm>> -> memref<20000x128xf32, #tpu.memory_space<hbm>>
        tpu.enqueue_indirect_dma source(%dma_start3A_389 : memref<20000x128xf32, #tpu.memory_space<hbm>>) target(%arg22 : memref<64x128xf32, #tpu.memory_space<vmem>>) offsets(%arg14 : memref<64xi32, #tpu.memory_space<vmem>>) semaphore(%arg27 : memref<!tpu.dma_semaphore, #tpu.memory_space<semaphore_mem>>)
      } else {
      }
      %dma_wait3A_220 = arith.constant 0 : i32
      %dma_wait3A_221 = arith.constant 0 : i32
      %dma_wait3A_222 = tpu.memref_slice %arg2[%dma_wait3A_220, %dma_wait3A_221] : memref<20000x128xf32, #tpu.memory_space<hbm>> -> memref<20000x128xf32, #tpu.memory_space<hbm>>
      tpu.wait_indirect_dma semaphore(%arg25 : memref<!tpu.dma_semaphore, #tpu.memory_space<semaphore_mem>>) src(%dma_wait3A_222 : memref<20000x128xf32, #tpu.memory_space<hbm>>) dst(%arg20 : memref<64x128xf32, #tpu.memory_space<vmem>>)
      %scan3A_223 = arith.constant 0 : i32
      %scan3A_224 = arith.constant 0 : i32
      %scan3A_225 = arith.constant 64 : i32
      %scan3A_226 = arith.addi %scan3A_224, %scan3A_225 : i32
      %scan3A_227 = arith.constant 1 : i32
      %scan3A_228 = scf.for %scan3A_378 = %scan3A_224 to %scan3A_226 step %scan3A_227 iter_args(%scan3A_379 = %scan3A_223) -> (i32)  : i32 {
        %broadcast_in_dim3A = arith.constant 0 : i32
        %broadcast_in_dim3A_380 = vector.broadcast %broadcast_in_dim3A : i32 to vector<16xi32>
        %mul3A_381 = arith.constant 64 : i32
        %mul3A_382 = arith.muli %add3A_193, %mul3A_381 : i32
        %add3A_383 = arith.addi %mul3A_382, %scan3A_378 : i32
        %add3A_384 = vector.broadcast %add3A_383 : i32 to vector<16xi32>
        %add3A_385 = arith.addi %broadcast_in_dim3A_380, %add3A_384 : vector<16xi32>
        %gather3A = tpu.vector_load_idx %arg10[%add3A_385] : memref<2560xf32, #tpu.memory_space<vmem>>[vector<16xi32>], vector<16xf32>,
        %gather3A_386 = tpu.vector_load_idx %arg11[%add3A_385] : memref<2560xf32, #tpu.memory_space<vmem>>[vector<16xi32>], vector<16xf32>,
        %get3A = arith.index_cast %scan3A_378 : i32 to index
        %get3A_387 = arith.constant 0 : index
        %get3A_388 = tpu.vector_load %arg20[%get3A, %get3A_387] {strides = array<i32>} : memref<64x128xf32, #tpu.memory_space<vmem>>, vector<16xf32>,
        %mul3A_389 = arith.mulf %get3A_388, %gather3A : vector<16xf32>
        %swap3A = arith.index_cast %scan3A_378 : i32 to index
        %swap3A_390 = arith.constant 0 : index
        %swap3A_391 = tpu.vector_load %arg20[%swap3A, %swap3A_390] {strides = array<i32>} : memref<64x128xf32, #tpu.memory_space<vmem>>, vector<16xf32>,
        tpu.vector_store %arg20[%swap3A, %swap3A_390], %mul3A_389 {strides = array<i32>} : memref<64x128xf32, #tpu.memory_space<vmem>>, vector<16xf32>,
        %get3A_392 = arith.index_cast %scan3A_378 : i32 to index
        %get3A_393 = arith.constant 16 : index
        %get3A_394 = tpu.vector_load %arg20[%get3A_392, %get3A_393] {strides = array<i32>} : memref<64x128xf32, #tpu.memory_space<vmem>>, vector<16xf32>,
        %mul3A_395 = arith.mulf %get3A_394, %gather3A : vector<16xf32>
        %swap3A_396 = arith.index_cast %scan3A_378 : i32 to index
        %swap3A_397 = arith.constant 16 : index
        %swap3A_398 = tpu.vector_load %arg20[%swap3A_396, %swap3A_397] {strides = array<i32>} : memref<64x128xf32, #tpu.memory_space<vmem>>, vector<16xf32>,
        tpu.vector_store %arg20[%swap3A_396, %swap3A_397], %mul3A_395 {strides = array<i32>} : memref<64x128xf32, #tpu.memory_space<vmem>>, vector<16xf32>,
        %get3A_399 = arith.index_cast %scan3A_378 : i32 to index
        %get3A_400 = arith.constant 32 : index
        %get3A_401 = tpu.vector_load %arg20[%get3A_399, %get3A_400] {strides = array<i32>} : memref<64x128xf32, #tpu.memory_space<vmem>>, vector<16xf32>,
        %mul3A_402 = arith.mulf %get3A_401, %gather3A : vector<16xf32>
        %swap3A_403 = arith.index_cast %scan3A_378 : i32 to index
        %swap3A_404 = arith.constant 32 : index
        %swap3A_405 = tpu.vector_load %arg20[%swap3A_403, %swap3A_404] {strides = array<i32>} : memref<64x128xf32, #tpu.memory_space<vmem>>, vector<16xf32>,
        tpu.vector_store %arg20[%swap3A_403, %swap3A_404], %mul3A_402 {strides = array<i32>} : memref<64x128xf32, #tpu.memory_space<vmem>>, vector<16xf32>,
        %get3A_406 = arith.index_cast %scan3A_378 : i32 to index
        %get3A_407 = arith.constant 48 : index
        %get3A_408 = tpu.vector_load %arg20[%get3A_406, %get3A_407] {strides = array<i32>} : memref<64x128xf32, #tpu.memory_space<vmem>>, vector<16xf32>,
        %mul3A_409 = arith.mulf %get3A_408, %gather3A : vector<16xf32>
        %swap3A_410 = arith.index_cast %scan3A_378 : i32 to index
        %swap3A_411 = arith.constant 48 : index
        %swap3A_412 = tpu.vector_load %arg20[%swap3A_410, %swap3A_411] {strides = array<i32>} : memref<64x128xf32, #tpu.memory_space<vmem>>, vector<16xf32>,
        tpu.vector_store %arg20[%swap3A_410, %swap3A_411], %mul3A_409 {strides = array<i32>} : memref<64x128xf32, #tpu.memory_space<vmem>>, vector<16xf32>,
        %get3A_413 = arith.index_cast %scan3A_378 : i32 to index
        %get3A_414 = arith.constant 64 : index
        %get3A_415 = tpu.vector_load %arg20[%get3A_413, %get3A_414] {strides = array<i32>} : memref<64x128xf32, #tpu.memory_space<vmem>>, vector<16xf32>,
        %mul3A_416 = arith.mulf %get3A_415, %gather3A_386 : vector<16xf32>
        %swap3A_417 = arith.index_cast %scan3A_378 : i32 to index
        %swap3A_418 = arith.constant 64 : index
        %swap3A_419 = tpu.vector_load %arg20[%swap3A_417, %swap3A_418] {strides = array<i32>} : memref<64x128xf32, #tpu.memory_space<vmem>>, vector<16xf32>,
        tpu.vector_store %arg20[%swap3A_417, %swap3A_418], %mul3A_416 {strides = array<i32>} : memref<64x128xf32, #tpu.memory_space<vmem>>, vector<16xf32>,
        %get3A_420 = arith.index_cast %scan3A_378 : i32 to index
        %get3A_421 = arith.constant 80 : index
        %get3A_422 = tpu.vector_load %arg20[%get3A_420, %get3A_421] {strides = array<i32>} : memref<64x128xf32, #tpu.memory_space<vmem>>, vector<16xf32>,
        %mul3A_423 = arith.mulf %get3A_422, %gather3A_386 : vector<16xf32>
        %swap3A_424 = arith.index_cast %scan3A_378 : i32 to index
        %swap3A_425 = arith.constant 80 : index
        %swap3A_426 = tpu.vector_load %arg20[%swap3A_424, %swap3A_425] {strides = array<i32>} : memref<64x128xf32, #tpu.memory_space<vmem>>, vector<16xf32>,
        tpu.vector_store %arg20[%swap3A_424, %swap3A_425], %mul3A_423 {strides = array<i32>} : memref<64x128xf32, #tpu.memory_space<vmem>>, vector<16xf32>,
        %get3A_427 = arith.index_cast %scan3A_378 : i32 to index
        %get3A_428 = arith.constant 96 : index
        %get3A_429 = tpu.vector_load %arg20[%get3A_427, %get3A_428] {strides = array<i32>} : memref<64x128xf32, #tpu.memory_space<vmem>>, vector<16xf32>,
        %mul3A_430 = arith.mulf %get3A_429, %gather3A_386 : vector<16xf32>
        %swap3A_431 = arith.index_cast %scan3A_378 : i32 to index
        %swap3A_432 = arith.constant 96 : index
        %swap3A_433 = tpu.vector_load %arg20[%swap3A_431, %swap3A_432] {strides = array<i32>} : memref<64x128xf32, #tpu.memory_space<vmem>>, vector<16xf32>,
        tpu.vector_store %arg20[%swap3A_431, %swap3A_432], %mul3A_430 {strides = array<i32>} : memref<64x128xf32, #tpu.memory_space<vmem>>, vector<16xf32>,
        %get3A_434 = arith.index_cast %scan3A_378 : i32 to index
        %get3A_435 = arith.constant 112 : index
        %get3A_436 = tpu.vector_load %arg20[%get3A_434, %get3A_435] {strides = array<i32>} : memref<64x128xf32, #tpu.memory_space<vmem>>, vector<16xf32>,
        %mul3A_437 = arith.mulf %get3A_436, %gather3A_386 : vector<16xf32>
        %swap3A_438 = arith.index_cast %scan3A_378 : i32 to index
        %swap3A_439 = arith.constant 112 : index
        %swap3A_440 = tpu.vector_load %arg20[%swap3A_438, %swap3A_439] {strides = array<i32>} : memref<64x128xf32, #tpu.memory_space<vmem>>, vector<16xf32>,
        tpu.vector_store %arg20[%swap3A_438, %swap3A_439], %mul3A_437 {strides = array<i32>} : memref<64x128xf32, #tpu.memory_space<vmem>>, vector<16xf32>,
        %scan3A_441 = arith.constant 0 : i32
        scf.yield %scan3A_441 : i32
      }
      %scan3A_229 = arith.constant 64 : i32
      %dma_start3A_230 = arith.constant 0 : i32
      %dma_start3A_231 = arith.constant 0 : i32
      %dma_start3A_232 = tpu.memref_slice %arg24[%dma_start3A_230, %dma_start3A_231] : memref<10112x128xf32, #tpu.memory_space<vmem_shared>> -> memref<10112x128xf32, #tpu.memory_space<vmem_shared>>
      tpu.enqueue_indirect_dma source(%arg20 : memref<64x128xf32, #tpu.memory_space<vmem>>) target(%dma_start3A_232 : memref<10112x128xf32, #tpu.memory_space<vmem_shared>>) offsets(%arg16 : memref<64xi32, #tpu.memory_space<vmem>>) semaphore(%arg29 : memref<!tpu.dma_semaphore, #tpu.memory_space<semaphore_mem>>) {add = true}
      %mul3A_233 = arith.constant 4 : i32
      %mul3A_234 = arith.muli %mul3A_233, %scan3A_188 : i32
      %add3A_235 = arith.constant 1 : i32
      %add3A_236 = arith.addi %mul3A_234, %add3A_235 : i32
      %mul3A_237 = arith.constant 4 : i32
      %mul3A_238 = arith.muli %mul3A_237, %scan3A_188 : i32
      %add3A_239 = arith.constant 1 : i32
      %add3A_240 = arith.addi %mul3A_238, %add3A_239 : i32
      %add3A_241 = arith.constant 2 : i32
      %add3A_242 = arith.addi %add3A_240, %add3A_241 : i32
      %lt3A_243 = arith.constant 40 : i32
      %lt3A_244 = arith.cmpi slt, %add3A_242, %lt3A_243 : i32
      %mul3A_245 = arith.constant 4 : i32
      %mul3A_246 = arith.muli %mul3A_245, %scan3A_188 : i32
      %add3A_247 = arith.constant 1 : i32
      %add3A_248 = arith.addi %mul3A_246, %add3A_247 : i32
      %add3A_249 = arith.constant 2 : i32
      %add3A_250 = arith.addi %add3A_248, %add3A_249 : i32
      %ge3A_251 = arith.constant 4 : i32
      %ge3A_252 = arith.cmpi sge, %add3A_250, %ge3A_251 : i32
      %and3A_253 = arith.andi %lt3A_244, %ge3A_252 : i1
      %convert_element_type3A_254 = arith.extui %and3A_253 : i1 to i32
      %cond3A_255 = arith.constant 0 : i32
      %cond3A_256 = arith.cmpi ne, %convert_element_type3A_254, %cond3A_255 : i32
      scf.if %cond3A_256 {
        %dma_wait3A_378 = arith.constant 0 : i32
        %dma_wait3A_379 = arith.constant 0 : i32
        %dma_wait3A_380 = tpu.memref_slice %arg24[%dma_wait3A_378, %dma_wait3A_379] : memref<10112x128xf32, #tpu.memory_space<vmem_shared>> -> memref<10112x128xf32, #tpu.memory_space<vmem_shared>>
        tpu.wait_indirect_dma semaphore(%arg32 : memref<!tpu.dma_semaphore, #tpu.memory_space<semaphore_mem>>) src(%arg23 : memref<64x128xf32, #tpu.memory_space<vmem>>) dst(%dma_wait3A_380 : memref<10112x128xf32, #tpu.memory_space<vmem_shared>>)
      } else {
      }
      %mul3A_257 = arith.constant 4 : i32
      %mul3A_258 = arith.muli %mul3A_257, %scan3A_188 : i32
      %add3A_259 = arith.constant 1 : i32
      %add3A_260 = arith.addi %mul3A_258, %add3A_259 : i32
      %add3A_261 = arith.constant 2 : i32
      %add3A_262 = arith.addi %add3A_260, %add3A_261 : i32
      %lt3A_263 = arith.constant 40 : i32
      %lt3A_264 = arith.cmpi slt, %add3A_262, %lt3A_263 : i32
      %convert_element_type3A_265 = arith.extui %lt3A_264 : i1 to i32
      %cond3A_266 = arith.constant 0 : i32
      %cond3A_267 = arith.cmpi ne, %convert_element_type3A_265, %cond3A_266 : i32
      scf.if %cond3A_267 {
        %add3A_378 = arith.constant 2 : i32
        %add3A_379 = arith.addi %add3A_236, %add3A_378 : i32
        %scan3A_380 = arith.constant 0 : i32
        %scan3A_381 = arith.constant 0 : i32
        %scan3A_382 = arith.constant 4 : i32
        %scan3A_383 = arith.addi %scan3A_381, %scan3A_382 : i32
        %scan3A_384 = arith.constant 1 : i32
        %scan3A_385 = scf.for %scan3A_390 = %scan3A_381 to %scan3A_383 step %scan3A_384 iter_args(%scan3A_391 = %scan3A_380) -> (i32)  : i32 {
          %mul3A_392 = arith.constant 64 : i32
          %mul3A_393 = arith.muli %add3A_379, %mul3A_392 : i32
          %mul3A_394 = arith.constant 16 : i32
          %mul3A_395 = arith.muli %scan3A_390, %mul3A_394 : i32
          %add3A_396 = arith.addi %mul3A_393, %mul3A_395 : i32
          %mul3A_397 = arith.constant 16 : i32
          %mul3A_398 = arith.muli %scan3A_390, %mul3A_397 : i32
          %get3A = arith.index_cast %add3A_396 : i32 to index
          %get3A_399 = tpu.vector_load %arg8[%get3A] {strides = array<i32>} : memref<2560xi32, #tpu.memory_space<vmem>>, vector<16xi32>,
          %mul3A_400 = arith.constant 2 : i32
          %mul3A_401 = vector.broadcast %mul3A_400 : i32 to vector<16xi32>
          %mul3A_402 = arith.muli %get3A_399, %mul3A_401 : vector<16xi32>
          %add3A_403 = vector.broadcast %arg0 : i32 to vector<16xi32>
          %add3A_404 = arith.addi %mul3A_402, %add3A_403 : vector<16xi32>
          %swap3A = arith.index_cast %mul3A_398 : i32 to index
          %swap3A_405 = tpu.vector_load %arg15[%swap3A] {strides = array<i32>} : memref<64xi32, #tpu.memory_space<vmem>>, vector<16xi32>,
          tpu.vector_store %arg15[%swap3A], %add3A_404 {strides = array<i32>} : memref<64xi32, #tpu.memory_space<vmem>>, vector<16xi32>,
          %get3A_406 = arith.index_cast %add3A_396 : i32 to index
          %get3A_407 = tpu.vector_load %arg9[%get3A_406] {strides = array<i32>} : memref<2560xi32, #tpu.memory_space<vmem>>, vector<16xi32>,
          %swap3A_408 = arith.index_cast %mul3A_398 : i32 to index
          %swap3A_409 = tpu.vector_load %arg19[%swap3A_408] {strides = array<i32>} : memref<64xi32, #tpu.memory_space<vmem>>, vector<16xi32>,
          tpu.vector_store %arg19[%swap3A_408], %get3A_407 {strides = array<i32>} : memref<64xi32, #tpu.memory_space<vmem>>, vector<16xi32>,
          %scan3A_410 = arith.constant 0 : i32
          scf.yield %scan3A_410 : i32
        }
        %scan3A_386 = arith.constant 4 : i32
        %dma_start3A_387 = arith.constant 0 : i32
        %dma_start3A_388 = arith.constant 0 : i32
        %dma_start3A_389 = tpu.memref_slice %arg2[%dma_start3A_387, %dma_start3A_388] : memref<20000x128xf32, #tpu.memory_space<hbm>> -> memref<20000x128xf32, #tpu.memory_space<hbm>>
        tpu.enqueue_indirect_dma source(%dma_start3A_389 : memref<20000x128xf32, #tpu.memory_space<hbm>>) target(%arg23 : memref<64x128xf32, #tpu.memory_space<vmem>>) offsets(%arg15 : memref<64xi32, #tpu.memory_space<vmem>>) semaphore(%arg28 : memref<!tpu.dma_semaphore, #tpu.memory_space<semaphore_mem>>)
      } else {
      }
      %dma_wait3A_268 = arith.constant 0 : i32
      %dma_wait3A_269 = arith.constant 0 : i32
      %dma_wait3A_270 = tpu.memref_slice %arg2[%dma_wait3A_268, %dma_wait3A_269] : memref<20000x128xf32, #tpu.memory_space<hbm>> -> memref<20000x128xf32, #tpu.memory_space<hbm>>
      tpu.wait_indirect_dma semaphore(%arg26 : memref<!tpu.dma_semaphore, #tpu.memory_space<semaphore_mem>>) src(%dma_wait3A_270 : memref<20000x128xf32, #tpu.memory_space<hbm>>) dst(%arg21 : memref<64x128xf32, #tpu.memory_space<vmem>>)
      %scan3A_271 = arith.constant 0 : i32
      %scan3A_272 = arith.constant 0 : i32
      %scan3A_273 = arith.constant 64 : i32
      %scan3A_274 = arith.addi %scan3A_272, %scan3A_273 : i32
      %scan3A_275 = arith.constant 1 : i32
      %scan3A_276 = scf.for %scan3A_378 = %scan3A_272 to %scan3A_274 step %scan3A_275 iter_args(%scan3A_379 = %scan3A_271) -> (i32)  : i32 {
        %broadcast_in_dim3A = arith.constant 0 : i32
        %broadcast_in_dim3A_380 = vector.broadcast %broadcast_in_dim3A : i32 to vector<16xi32>
        %mul3A_381 = arith.constant 64 : i32
        %mul3A_382 = arith.muli %add3A_236, %mul3A_381 : i32
        %add3A_383 = arith.addi %mul3A_382, %scan3A_378 : i32
        %add3A_384 = vector.broadcast %add3A_383 : i32 to vector<16xi32>
        %add3A_385 = arith.addi %broadcast_in_dim3A_380, %add3A_384 : vector<16xi32>
        %gather3A = tpu.vector_load_idx %arg10[%add3A_385] : memref<2560xf32, #tpu.memory_space<vmem>>[vector<16xi32>], vector<16xf32>,
        %gather3A_386 = tpu.vector_load_idx %arg11[%add3A_385] : memref<2560xf32, #tpu.memory_space<vmem>>[vector<16xi32>], vector<16xf32>,
        %get3A = arith.index_cast %scan3A_378 : i32 to index
        %get3A_387 = arith.constant 0 : index
        %get3A_388 = tpu.vector_load %arg21[%get3A, %get3A_387] {strides = array<i32>} : memref<64x128xf32, #tpu.memory_space<vmem>>, vector<16xf32>,
        %mul3A_389 = arith.mulf %get3A_388, %gather3A : vector<16xf32>
        %swap3A = arith.index_cast %scan3A_378 : i32 to index
        %swap3A_390 = arith.constant 0 : index
        %swap3A_391 = tpu.vector_load %arg21[%swap3A, %swap3A_390] {strides = array<i32>} : memref<64x128xf32, #tpu.memory_space<vmem>>, vector<16xf32>,
        tpu.vector_store %arg21[%swap3A, %swap3A_390], %mul3A_389 {strides = array<i32>} : memref<64x128xf32, #tpu.memory_space<vmem>>, vector<16xf32>,
        %get3A_392 = arith.index_cast %scan3A_378 : i32 to index
        %get3A_393 = arith.constant 16 : index
        %get3A_394 = tpu.vector_load %arg21[%get3A_392, %get3A_393] {strides = array<i32>} : memref<64x128xf32, #tpu.memory_space<vmem>>, vector<16xf32>,
        %mul3A_395 = arith.mulf %get3A_394, %gather3A : vector<16xf32>
        %swap3A_396 = arith.index_cast %scan3A_378 : i32 to index
        %swap3A_397 = arith.constant 16 : index
        %swap3A_398 = tpu.vector_load %arg21[%swap3A_396, %swap3A_397] {strides = array<i32>} : memref<64x128xf32, #tpu.memory_space<vmem>>, vector<16xf32>,
        tpu.vector_store %arg21[%swap3A_396, %swap3A_397], %mul3A_395 {strides = array<i32>} : memref<64x128xf32, #tpu.memory_space<vmem>>, vector<16xf32>,
        %get3A_399 = arith.index_cast %scan3A_378 : i32 to index
        %get3A_400 = arith.constant 32 : index
        %get3A_401 = tpu.vector_load %arg21[%get3A_399, %get3A_400] {strides = array<i32>} : memref<64x128xf32, #tpu.memory_space<vmem>>, vector<16xf32>,
        %mul3A_402 = arith.mulf %get3A_401, %gather3A : vector<16xf32>
        %swap3A_403 = arith.index_cast %scan3A_378 : i32 to index
        %swap3A_404 = arith.constant 32 : index
        %swap3A_405 = tpu.vector_load %arg21[%swap3A_403, %swap3A_404] {strides = array<i32>} : memref<64x128xf32, #tpu.memory_space<vmem>>, vector<16xf32>,
        tpu.vector_store %arg21[%swap3A_403, %swap3A_404], %mul3A_402 {strides = array<i32>} : memref<64x128xf32, #tpu.memory_space<vmem>>, vector<16xf32>,
        %get3A_406 = arith.index_cast %scan3A_378 : i32 to index
        %get3A_407 = arith.constant 48 : index
        %get3A_408 = tpu.vector_load %arg21[%get3A_406, %get3A_407] {strides = array<i32>} : memref<64x128xf32, #tpu.memory_space<vmem>>, vector<16xf32>,
        %mul3A_409 = arith.mulf %get3A_408, %gather3A : vector<16xf32>
        %swap3A_410 = arith.index_cast %scan3A_378 : i32 to index
        %swap3A_411 = arith.constant 48 : index
        %swap3A_412 = tpu.vector_load %arg21[%swap3A_410, %swap3A_411] {strides = array<i32>} : memref<64x128xf32, #tpu.memory_space<vmem>>, vector<16xf32>,
        tpu.vector_store %arg21[%swap3A_410, %swap3A_411], %mul3A_409 {strides = array<i32>} : memref<64x128xf32, #tpu.memory_space<vmem>>, vector<16xf32>,
        %get3A_413 = arith.index_cast %scan3A_378 : i32 to index
        %get3A_414 = arith.constant 64 : index
        %get3A_415 = tpu.vector_load %arg21[%get3A_413, %get3A_414] {strides = array<i32>} : memref<64x128xf32, #tpu.memory_space<vmem>>, vector<16xf32>,
        %mul3A_416 = arith.mulf %get3A_415, %gather3A_386 : vector<16xf32>
        %swap3A_417 = arith.index_cast %scan3A_378 : i32 to index
        %swap3A_418 = arith.constant 64 : index
        %swap3A_419 = tpu.vector_load %arg21[%swap3A_417, %swap3A_418] {strides = array<i32>} : memref<64x128xf32, #tpu.memory_space<vmem>>, vector<16xf32>,
        tpu.vector_store %arg21[%swap3A_417, %swap3A_418], %mul3A_416 {strides = array<i32>} : memref<64x128xf32, #tpu.memory_space<vmem>>, vector<16xf32>,
        %get3A_420 = arith.index_cast %scan3A_378 : i32 to index
        %get3A_421 = arith.constant 80 : index
        %get3A_422 = tpu.vector_load %arg21[%get3A_420, %get3A_421] {strides = array<i32>} : memref<64x128xf32, #tpu.memory_space<vmem>>, vector<16xf32>,
        %mul3A_423 = arith.mulf %get3A_422, %gather3A_386 : vector<16xf32>
        %swap3A_424 = arith.index_cast %scan3A_378 : i32 to index
        %swap3A_425 = arith.constant 80 : index
        %swap3A_426 = tpu.vector_load %arg21[%swap3A_424, %swap3A_425] {strides = array<i32>} : memref<64x128xf32, #tpu.memory_space<vmem>>, vector<16xf32>,
        tpu.vector_store %arg21[%swap3A_424, %swap3A_425], %mul3A_423 {strides = array<i32>} : memref<64x128xf32, #tpu.memory_space<vmem>>, vector<16xf32>,
        %get3A_427 = arith.index_cast %scan3A_378 : i32 to index
        %get3A_428 = arith.constant 96 : index
        %get3A_429 = tpu.vector_load %arg21[%get3A_427, %get3A_428] {strides = array<i32>} : memref<64x128xf32, #tpu.memory_space<vmem>>, vector<16xf32>,
        %mul3A_430 = arith.mulf %get3A_429, %gather3A_386 : vector<16xf32>
        %swap3A_431 = arith.index_cast %scan3A_378 : i32 to index
        %swap3A_432 = arith.constant 96 : index
        %swap3A_433 = tpu.vector_load %arg21[%swap3A_431, %swap3A_432] {strides = array<i32>} : memref<64x128xf32, #tpu.memory_space<vmem>>, vector<16xf32>,
        tpu.vector_store %arg21[%swap3A_431, %swap3A_432], %mul3A_430 {strides = array<i32>} : memref<64x128xf32, #tpu.memory_space<vmem>>, vector<16xf32>,
        %get3A_434 = arith.index_cast %scan3A_378 : i32 to index
        %get3A_435 = arith.constant 112 : index
        %get3A_436 = tpu.vector_load %arg21[%get3A_434, %get3A_435] {strides = array<i32>} : memref<64x128xf32, #tpu.memory_space<vmem>>, vector<16xf32>,
        %mul3A_437 = arith.mulf %get3A_436, %gather3A_386 : vector<16xf32>
        %swap3A_438 = arith.index_cast %scan3A_378 : i32 to index
        %swap3A_439 = arith.constant 112 : index
        %swap3A_440 = tpu.vector_load %arg21[%swap3A_438, %swap3A_439] {strides = array<i32>} : memref<64x128xf32, #tpu.memory_space<vmem>>, vector<16xf32>,
        tpu.vector_store %arg21[%swap3A_438, %swap3A_439], %mul3A_437 {strides = array<i32>} : memref<64x128xf32, #tpu.memory_space<vmem>>, vector<16xf32>,
        %scan3A_441 = arith.constant 0 : i32
        scf.yield %scan3A_441 : i32
      }
      %scan3A_277 = arith.constant 64 : i32
      %dma_start3A_278 = arith.constant 0 : i32
      %dma_start3A_279 = arith.constant 0 : i32
      %dma_start3A_280 = tpu.memref_slice %arg24[%dma_start3A_278, %dma_start3A_279] : memref<10112x128xf32, #tpu.memory_space<vmem_shared>> -> memref<10112x128xf32, #tpu.memory_space<vmem_shared>>
      tpu.enqueue_indirect_dma source(%arg21 : memref<64x128xf32, #tpu.memory_space<vmem>>) target(%dma_start3A_280 : memref<10112x128xf32, #tpu.memory_space<vmem_shared>>) offsets(%arg17 : memref<64xi32, #tpu.memory_space<vmem>>) semaphore(%arg30 : memref<!tpu.dma_semaphore, #tpu.memory_space<semaphore_mem>>) {add = true}
      %mul3A_281 = arith.constant 4 : i32
      %mul3A_282 = arith.muli %mul3A_281, %scan3A_188 : i32
      %add3A_283 = arith.constant 2 : i32
      %add3A_284 = arith.addi %mul3A_282, %add3A_283 : i32
      %mul3A_285 = arith.constant 4 : i32
      %mul3A_286 = arith.muli %mul3A_285, %scan3A_188 : i32
      %add3A_287 = arith.constant 2 : i32
      %add3A_288 = arith.addi %mul3A_286, %add3A_287 : i32
      %add3A_289 = arith.constant 2 : i32
      %add3A_290 = arith.addi %add3A_288, %add3A_289 : i32
      %lt3A_291 = arith.constant 40 : i32
      %lt3A_292 = arith.cmpi slt, %add3A_290, %lt3A_291 : i32
      %mul3A_293 = arith.constant 4 : i32
      %mul3A_294 = arith.muli %mul3A_293, %scan3A_188 : i32
      %add3A_295 = arith.constant 2 : i32
      %add3A_296 = arith.addi %mul3A_294, %add3A_295 : i32
      %add3A_297 = arith.constant 2 : i32
      %add3A_298 = arith.addi %add3A_296, %add3A_297 : i32
      %ge3A_299 = arith.constant 4 : i32
      %ge3A_300 = arith.cmpi sge, %add3A_298, %ge3A_299 : i32
      %and3A_301 = arith.andi %lt3A_292, %ge3A_300 : i1
      %convert_element_type3A_302 = arith.extui %and3A_301 : i1 to i32
      %cond3A_303 = arith.constant 0 : i32
      %cond3A_304 = arith.cmpi ne, %convert_element_type3A_302, %cond3A_303 : i32
      scf.if %cond3A_304 {
        %dma_wait3A_378 = arith.constant 0 : i32
        %dma_wait3A_379 = arith.constant 0 : i32
        %dma_wait3A_380 = tpu.memref_slice %arg24[%dma_wait3A_378, %dma_wait3A_379] : memref<10112x128xf32, #tpu.memory_space<vmem_shared>> -> memref<10112x128xf32, #tpu.memory_space<vmem_shared>>
        tpu.wait_indirect_dma semaphore(%arg29 : memref<!tpu.dma_semaphore, #tpu.memory_space<semaphore_mem>>) src(%arg20 : memref<64x128xf32, #tpu.memory_space<vmem>>) dst(%dma_wait3A_380 : memref<10112x128xf32, #tpu.memory_space<vmem_shared>>)
      } else {
      }
      %mul3A_305 = arith.constant 4 : i32
      %mul3A_306 = arith.muli %mul3A_305, %scan3A_188 : i32
      %add3A_307 = arith.constant 2 : i32
      %add3A_308 = arith.addi %mul3A_306, %add3A_307 : i32
      %add3A_309 = arith.constant 2 : i32
      %add3A_310 = arith.addi %add3A_308, %add3A_309 : i32
      %lt3A_311 = arith.constant 40 : i32
      %lt3A_312 = arith.cmpi slt, %add3A_310, %lt3A_311 : i32
      %convert_element_type3A_313 = arith.extui %lt3A_312 : i1 to i32
      %cond3A_314 = arith.constant 0 : i32
      %cond3A_315 = arith.cmpi ne, %convert_element_type3A_313, %cond3A_314 : i32
      scf.if %cond3A_315 {
        %add3A_378 = arith.constant 2 : i32
        %add3A_379 = arith.addi %add3A_284, %add3A_378 : i32
        %scan3A_380 = arith.constant 0 : i32
        %scan3A_381 = arith.constant 0 : i32
        %scan3A_382 = arith.constant 4 : i32
        %scan3A_383 = arith.addi %scan3A_381, %scan3A_382 : i32
        %scan3A_384 = arith.constant 1 : i32
        %scan3A_385 = scf.for %scan3A_390 = %scan3A_381 to %scan3A_383 step %scan3A_384 iter_args(%scan3A_391 = %scan3A_380) -> (i32)  : i32 {
          %mul3A_392 = arith.constant 64 : i32
          %mul3A_393 = arith.muli %add3A_379, %mul3A_392 : i32
          %mul3A_394 = arith.constant 16 : i32
          %mul3A_395 = arith.muli %scan3A_390, %mul3A_394 : i32
          %add3A_396 = arith.addi %mul3A_393, %mul3A_395 : i32
          %mul3A_397 = arith.constant 16 : i32
          %mul3A_398 = arith.muli %scan3A_390, %mul3A_397 : i32
          %get3A = arith.index_cast %add3A_396 : i32 to index
          %get3A_399 = tpu.vector_load %arg8[%get3A] {strides = array<i32>} : memref<2560xi32, #tpu.memory_space<vmem>>, vector<16xi32>,
          %mul3A_400 = arith.constant 2 : i32
          %mul3A_401 = vector.broadcast %mul3A_400 : i32 to vector<16xi32>
          %mul3A_402 = arith.muli %get3A_399, %mul3A_401 : vector<16xi32>
          %add3A_403 = vector.broadcast %arg0 : i32 to vector<16xi32>
          %add3A_404 = arith.addi %mul3A_402, %add3A_403 : vector<16xi32>
          %swap3A = arith.index_cast %mul3A_398 : i32 to index
          %swap3A_405 = tpu.vector_load %arg12[%swap3A] {strides = array<i32>} : memref<64xi32, #tpu.memory_space<vmem>>, vector<16xi32>,
          tpu.vector_store %arg12[%swap3A], %add3A_404 {strides = array<i32>} : memref<64xi32, #tpu.memory_space<vmem>>, vector<16xi32>,
          %get3A_406 = arith.index_cast %add3A_396 : i32 to index
          %get3A_407 = tpu.vector_load %arg9[%get3A_406] {strides = array<i32>} : memref<2560xi32, #tpu.memory_space<vmem>>, vector<16xi32>,
          %swap3A_408 = arith.index_cast %mul3A_398 : i32 to index
          %swap3A_409 = tpu.vector_load %arg16[%swap3A_408] {strides = array<i32>} : memref<64xi32, #tpu.memory_space<vmem>>, vector<16xi32>,
          tpu.vector_store %arg16[%swap3A_408], %get3A_407 {strides = array<i32>} : memref<64xi32, #tpu.memory_space<vmem>>, vector<16xi32>,
          %scan3A_410 = arith.constant 0 : i32
          scf.yield %scan3A_410 : i32
        }
        %scan3A_386 = arith.constant 4 : i32
        %dma_start3A_387 = arith.constant 0 : i32
        %dma_start3A_388 = arith.constant 0 : i32
        %dma_start3A_389 = tpu.memref_slice %arg2[%dma_start3A_387, %dma_start3A_388] : memref<20000x128xf32, #tpu.memory_space<hbm>> -> memref<20000x128xf32, #tpu.memory_space<hbm>>
        tpu.enqueue_indirect_dma source(%dma_start3A_389 : memref<20000x128xf32, #tpu.memory_space<hbm>>) target(%arg20 : memref<64x128xf32, #tpu.memory_space<vmem>>) offsets(%arg12 : memref<64xi32, #tpu.memory_space<vmem>>) semaphore(%arg25 : memref<!tpu.dma_semaphore, #tpu.memory_space<semaphore_mem>>)
      } else {
      }
      %dma_wait3A_316 = arith.constant 0 : i32
      %dma_wait3A_317 = arith.constant 0 : i32
      %dma_wait3A_318 = tpu.memref_slice %arg2[%dma_wait3A_316, %dma_wait3A_317] : memref<20000x128xf32, #tpu.memory_space<hbm>> -> memref<20000x128xf32, #tpu.memory_space<hbm>>
      tpu.wait_indirect_dma semaphore(%arg27 : memref<!tpu.dma_semaphore, #tpu.memory_space<semaphore_mem>>) src(%dma_wait3A_318 : memref<20000x128xf32, #tpu.memory_space<hbm>>) dst(%arg22 : memref<64x128xf32, #tpu.memory_space<vmem>>)
      %scan3A_319 = arith.constant 0 : i32
      %scan3A_320 = arith.constant 0 : i32
      %scan3A_321 = arith.constant 64 : i32
      %scan3A_322 = arith.addi %scan3A_320, %scan3A_321 : i32
      %scan3A_323 = arith.constant 1 : i32
      %scan3A_324 = scf.for %scan3A_378 = %scan3A_320 to %scan3A_322 step %scan3A_323 iter_args(%scan3A_379 = %scan3A_319) -> (i32)  : i32 {
        %broadcast_in_dim3A = arith.constant 0 : i32
        %broadcast_in_dim3A_380 = vector.broadcast %broadcast_in_dim3A : i32 to vector<16xi32>
        %mul3A_381 = arith.constant 64 : i32
        %mul3A_382 = arith.muli %add3A_284, %mul3A_381 : i32
        %add3A_383 = arith.addi %mul3A_382, %scan3A_378 : i32
        %add3A_384 = vector.broadcast %add3A_383 : i32 to vector<16xi32>
        %add3A_385 = arith.addi %broadcast_in_dim3A_380, %add3A_384 : vector<16xi32>
        %gather3A = tpu.vector_load_idx %arg10[%add3A_385] : memref<2560xf32, #tpu.memory_space<vmem>>[vector<16xi32>], vector<16xf32>,
        %gather3A_386 = tpu.vector_load_idx %arg11[%add3A_385] : memref<2560xf32, #tpu.memory_space<vmem>>[vector<16xi32>], vector<16xf32>,
        %get3A = arith.index_cast %scan3A_378 : i32 to index
        %get3A_387 = arith.constant 0 : index
        %get3A_388 = tpu.vector_load %arg22[%get3A, %get3A_387] {strides = array<i32>} : memref<64x128xf32, #tpu.memory_space<vmem>>, vector<16xf32>,
        %mul3A_389 = arith.mulf %get3A_388, %gather3A : vector<16xf32>
        %swap3A = arith.index_cast %scan3A_378 : i32 to index
        %swap3A_390 = arith.constant 0 : index
        %swap3A_391 = tpu.vector_load %arg22[%swap3A, %swap3A_390] {strides = array<i32>} : memref<64x128xf32, #tpu.memory_space<vmem>>, vector<16xf32>,
        tpu.vector_store %arg22[%swap3A, %swap3A_390], %mul3A_389 {strides = array<i32>} : memref<64x128xf32, #tpu.memory_space<vmem>>, vector<16xf32>,
        %get3A_392 = arith.index_cast %scan3A_378 : i32 to index
        %get3A_393 = arith.constant 16 : index
        %get3A_394 = tpu.vector_load %arg22[%get3A_392, %get3A_393] {strides = array<i32>} : memref<64x128xf32, #tpu.memory_space<vmem>>, vector<16xf32>,
        %mul3A_395 = arith.mulf %get3A_394, %gather3A : vector<16xf32>
        %swap3A_396 = arith.index_cast %scan3A_378 : i32 to index
        %swap3A_397 = arith.constant 16 : index
        %swap3A_398 = tpu.vector_load %arg22[%swap3A_396, %swap3A_397] {strides = array<i32>} : memref<64x128xf32, #tpu.memory_space<vmem>>, vector<16xf32>,
        tpu.vector_store %arg22[%swap3A_396, %swap3A_397], %mul3A_395 {strides = array<i32>} : memref<64x128xf32, #tpu.memory_space<vmem>>, vector<16xf32>,
        %get3A_399 = arith.index_cast %scan3A_378 : i32 to index
        %get3A_400 = arith.constant 32 : index
        %get3A_401 = tpu.vector_load %arg22[%get3A_399, %get3A_400] {strides = array<i32>} : memref<64x128xf32, #tpu.memory_space<vmem>>, vector<16xf32>,
        %mul3A_402 = arith.mulf %get3A_401, %gather3A : vector<16xf32>
        %swap3A_403 = arith.index_cast %scan3A_378 : i32 to index
        %swap3A_404 = arith.constant 32 : index
        %swap3A_405 = tpu.vector_load %arg22[%swap3A_403, %swap3A_404] {strides = array<i32>} : memref<64x128xf32, #tpu.memory_space<vmem>>, vector<16xf32>,
        tpu.vector_store %arg22[%swap3A_403, %swap3A_404], %mul3A_402 {strides = array<i32>} : memref<64x128xf32, #tpu.memory_space<vmem>>, vector<16xf32>,
        %get3A_406 = arith.index_cast %scan3A_378 : i32 to index
        %get3A_407 = arith.constant 48 : index
        %get3A_408 = tpu.vector_load %arg22[%get3A_406, %get3A_407] {strides = array<i32>} : memref<64x128xf32, #tpu.memory_space<vmem>>, vector<16xf32>,
        %mul3A_409 = arith.mulf %get3A_408, %gather3A : vector<16xf32>
        %swap3A_410 = arith.index_cast %scan3A_378 : i32 to index
        %swap3A_411 = arith.constant 48 : index
        %swap3A_412 = tpu.vector_load %arg22[%swap3A_410, %swap3A_411] {strides = array<i32>} : memref<64x128xf32, #tpu.memory_space<vmem>>, vector<16xf32>,
        tpu.vector_store %arg22[%swap3A_410, %swap3A_411], %mul3A_409 {strides = array<i32>} : memref<64x128xf32, #tpu.memory_space<vmem>>, vector<16xf32>,
        %get3A_413 = arith.index_cast %scan3A_378 : i32 to index
        %get3A_414 = arith.constant 64 : index
        %get3A_415 = tpu.vector_load %arg22[%get3A_413, %get3A_414] {strides = array<i32>} : memref<64x128xf32, #tpu.memory_space<vmem>>, vector<16xf32>,
        %mul3A_416 = arith.mulf %get3A_415, %gather3A_386 : vector<16xf32>
        %swap3A_417 = arith.index_cast %scan3A_378 : i32 to index
        %swap3A_418 = arith.constant 64 : index
        %swap3A_419 = tpu.vector_load %arg22[%swap3A_417, %swap3A_418] {strides = array<i32>} : memref<64x128xf32, #tpu.memory_space<vmem>>, vector<16xf32>,
        tpu.vector_store %arg22[%swap3A_417, %swap3A_418], %mul3A_416 {strides = array<i32>} : memref<64x128xf32, #tpu.memory_space<vmem>>, vector<16xf32>,
        %get3A_420 = arith.index_cast %scan3A_378 : i32 to index
        %get3A_421 = arith.constant 80 : index
        %get3A_422 = tpu.vector_load %arg22[%get3A_420, %get3A_421] {strides = array<i32>} : memref<64x128xf32, #tpu.memory_space<vmem>>, vector<16xf32>,
        %mul3A_423 = arith.mulf %get3A_422, %gather3A_386 : vector<16xf32>
        %swap3A_424 = arith.index_cast %scan3A_378 : i32 to index
        %swap3A_425 = arith.constant 80 : index
        %swap3A_426 = tpu.vector_load %arg22[%swap3A_424, %swap3A_425] {strides = array<i32>} : memref<64x128xf32, #tpu.memory_space<vmem>>, vector<16xf32>,
        tpu.vector_store %arg22[%swap3A_424, %swap3A_425], %mul3A_423 {strides = array<i32>} : memref<64x128xf32, #tpu.memory_space<vmem>>, vector<16xf32>,
        %get3A_427 = arith.index_cast %scan3A_378 : i32 to index
        %get3A_428 = arith.constant 96 : index
        %get3A_429 = tpu.vector_load %arg22[%get3A_427, %get3A_428] {strides = array<i32>} : memref<64x128xf32, #tpu.memory_space<vmem>>, vector<16xf32>,
        %mul3A_430 = arith.mulf %get3A_429, %gather3A_386 : vector<16xf32>
        %swap3A_431 = arith.index_cast %scan3A_378 : i32 to index
        %swap3A_432 = arith.constant 96 : index
        %swap3A_433 = tpu.vector_load %arg22[%swap3A_431, %swap3A_432] {strides = array<i32>} : memref<64x128xf32, #tpu.memory_space<vmem>>, vector<16xf32>,
        tpu.vector_store %arg22[%swap3A_431, %swap3A_432], %mul3A_430 {strides = array<i32>} : memref<64x128xf32, #tpu.memory_space<vmem>>, vector<16xf32>,
        %get3A_434 = arith.index_cast %scan3A_378 : i32 to index
        %get3A_435 = arith.constant 112 : index
        %get3A_436 = tpu.vector_load %arg22[%get3A_434, %get3A_435] {strides = array<i32>} : memref<64x128xf32, #tpu.memory_space<vmem>>, vector<16xf32>,
        %mul3A_437 = arith.mulf %get3A_436, %gather3A_386 : vector<16xf32>
        %swap3A_438 = arith.index_cast %scan3A_378 : i32 to index
        %swap3A_439 = arith.constant 112 : index
        %swap3A_440 = tpu.vector_load %arg22[%swap3A_438, %swap3A_439] {strides = array<i32>} : memref<64x128xf32, #tpu.memory_space<vmem>>, vector<16xf32>,
        tpu.vector_store %arg22[%swap3A_438, %swap3A_439], %mul3A_437 {strides = array<i32>} : memref<64x128xf32, #tpu.memory_space<vmem>>, vector<16xf32>,
        %scan3A_441 = arith.constant 0 : i32
        scf.yield %scan3A_441 : i32
      }
      %scan3A_325 = arith.constant 64 : i32
      %dma_start3A_326 = arith.constant 0 : i32
      %dma_start3A_327 = arith.constant 0 : i32
      %dma_start3A_328 = tpu.memref_slice %arg24[%dma_start3A_326, %dma_start3A_327] : memref<10112x128xf32, #tpu.memory_space<vmem_shared>> -> memref<10112x128xf32, #tpu.memory_space<vmem_shared>>
      tpu.enqueue_indirect_dma source(%arg22 : memref<64x128xf32, #tpu.memory_space<vmem>>) target(%dma_start3A_328 : memref<10112x128xf32, #tpu.memory_space<vmem_shared>>) offsets(%arg18 : memref<64xi32, #tpu.memory_space<vmem>>) semaphore(%arg31 : memref<!tpu.dma_semaphore, #tpu.memory_space<semaphore_mem>>) {add = true}
      %mul3A_329 = arith.constant 4 : i32
      %mul3A_330 = arith.muli %mul3A_329, %scan3A_188 : i32
      %add3A_331 = arith.constant 3 : i32
      %add3A_332 = arith.addi %mul3A_330, %add3A_331 : i32
      %mul3A_333 = arith.constant 4 : i32
      %mul3A_334 = arith.muli %mul3A_333, %scan3A_188 : i32
      %add3A_335 = arith.constant 3 : i32
      %add3A_336 = arith.addi %mul3A_334, %add3A_335 : i32
      %add3A_337 = arith.constant 2 : i32
      %add3A_338 = arith.addi %add3A_336, %add3A_337 : i32
      %lt3A_339 = arith.constant 40 : i32
      %lt3A_340 = arith.cmpi slt, %add3A_338, %lt3A_339 : i32
      %mul3A_341 = arith.constant 4 : i32
      %mul3A_342 = arith.muli %mul3A_341, %scan3A_188 : i32
      %add3A_343 = arith.constant 3 : i32
      %add3A_344 = arith.addi %mul3A_342, %add3A_343 : i32
      %add3A_345 = arith.constant 2 : i32
      %add3A_346 = arith.addi %add3A_344, %add3A_345 : i32
      %ge3A_347 = arith.constant 4 : i32
      %ge3A_348 = arith.cmpi sge, %add3A_346, %ge3A_347 : i32
      %and3A_349 = arith.andi %lt3A_340, %ge3A_348 : i1
      %convert_element_type3A_350 = arith.extui %and3A_349 : i1 to i32
      %cond3A_351 = arith.constant 0 : i32
      %cond3A_352 = arith.cmpi ne, %convert_element_type3A_350, %cond3A_351 : i32
      scf.if %cond3A_352 {
        %dma_wait3A_378 = arith.constant 0 : i32
        %dma_wait3A_379 = arith.constant 0 : i32
        %dma_wait3A_380 = tpu.memref_slice %arg24[%dma_wait3A_378, %dma_wait3A_379] : memref<10112x128xf32, #tpu.memory_space<vmem_shared>> -> memref<10112x128xf32, #tpu.memory_space<vmem_shared>>
        tpu.wait_indirect_dma semaphore(%arg30 : memref<!tpu.dma_semaphore, #tpu.memory_space<semaphore_mem>>) src(%arg21 : memref<64x128xf32, #tpu.memory_space<vmem>>) dst(%dma_wait3A_380 : memref<10112x128xf32, #tpu.memory_space<vmem_shared>>)
      } else {
      }
      %mul3A_353 = arith.constant 4 : i32
      %mul3A_354 = arith.muli %mul3A_353, %scan3A_188 : i32
      %add3A_355 = arith.constant 3 : i32
      %add3A_356 = arith.addi %mul3A_354, %add3A_355 : i32
      %add3A_357 = arith.constant 2 : i32
      %add3A_358 = arith.addi %add3A_356, %add3A_357 : i32
      %lt3A_359 = arith.constant 40 : i32
      %lt3A_360 = arith.cmpi slt, %add3A_358, %lt3A_359 : i32
      %convert_element_type3A_361 = arith.extui %lt3A_360 : i1 to i32
      %cond3A_362 = arith.constant 0 : i32
      %cond3A_363 = arith.cmpi ne, %convert_element_type3A_361, %cond3A_362 : i32
      scf.if %cond3A_363 {
        %add3A_378 = arith.constant 2 : i32
        %add3A_379 = arith.addi %add3A_332, %add3A_378 : i32
        %scan3A_380 = arith.constant 0 : i32
        %scan3A_381 = arith.constant 0 : i32
        %scan3A_382 = arith.constant 4 : i32
        %scan3A_383 = arith.addi %scan3A_381, %scan3A_382 : i32
        %scan3A_384 = arith.constant 1 : i32
        %scan3A_385 = scf.for %scan3A_390 = %scan3A_381 to %scan3A_383 step %scan3A_384 iter_args(%scan3A_391 = %scan3A_380) -> (i32)  : i32 {
          %mul3A_392 = arith.constant 64 : i32
          %mul3A_393 = arith.muli %add3A_379, %mul3A_392 : i32
          %mul3A_394 = arith.constant 16 : i32
          %mul3A_395 = arith.muli %scan3A_390, %mul3A_394 : i32
          %add3A_396 = arith.addi %mul3A_393, %mul3A_395 : i32
          %mul3A_397 = arith.constant 16 : i32
          %mul3A_398 = arith.muli %scan3A_390, %mul3A_397 : i32
          %get3A = arith.index_cast %add3A_396 : i32 to index
          %get3A_399 = tpu.vector_load %arg8[%get3A] {strides = array<i32>} : memref<2560xi32, #tpu.memory_space<vmem>>, vector<16xi32>,
          %mul3A_400 = arith.constant 2 : i32
          %mul3A_401 = vector.broadcast %mul3A_400 : i32 to vector<16xi32>
          %mul3A_402 = arith.muli %get3A_399, %mul3A_401 : vector<16xi32>
          %add3A_403 = vector.broadcast %arg0 : i32 to vector<16xi32>
          %add3A_404 = arith.addi %mul3A_402, %add3A_403 : vector<16xi32>
          %swap3A = arith.index_cast %mul3A_398 : i32 to index
          %swap3A_405 = tpu.vector_load %arg13[%swap3A] {strides = array<i32>} : memref<64xi32, #tpu.memory_space<vmem>>, vector<16xi32>,
          tpu.vector_store %arg13[%swap3A], %add3A_404 {strides = array<i32>} : memref<64xi32, #tpu.memory_space<vmem>>, vector<16xi32>,
          %get3A_406 = arith.index_cast %add3A_396 : i32 to index
          %get3A_407 = tpu.vector_load %arg9[%get3A_406] {strides = array<i32>} : memref<2560xi32, #tpu.memory_space<vmem>>, vector<16xi32>,
          %swap3A_408 = arith.index_cast %mul3A_398 : i32 to index
          %swap3A_409 = tpu.vector_load %arg17[%swap3A_408] {strides = array<i32>} : memref<64xi32, #tpu.memory_space<vmem>>, vector<16xi32>,
          tpu.vector_store %arg17[%swap3A_408], %get3A_407 {strides = array<i32>} : memref<64xi32, #tpu.memory_space<vmem>>, vector<16xi32>,
          %scan3A_410 = arith.constant 0 : i32
          scf.yield %scan3A_410 : i32
        }
        %scan3A_386 = arith.constant 4 : i32
        %dma_start3A_387 = arith.constant 0 : i32
        %dma_start3A_388 = arith.constant 0 : i32
        %dma_start3A_389 = tpu.memref_slice %arg2[%dma_start3A_387, %dma_start3A_388] : memref<20000x128xf32, #tpu.memory_space<hbm>> -> memref<20000x128xf32, #tpu.memory_space<hbm>>
        tpu.enqueue_indirect_dma source(%dma_start3A_389 : memref<20000x128xf32, #tpu.memory_space<hbm>>) target(%arg21 : memref<64x128xf32, #tpu.memory_space<vmem>>) offsets(%arg13 : memref<64xi32, #tpu.memory_space<vmem>>) semaphore(%arg26 : memref<!tpu.dma_semaphore, #tpu.memory_space<semaphore_mem>>)
      } else {
      }
      %dma_wait3A_364 = arith.constant 0 : i32
      %dma_wait3A_365 = arith.constant 0 : i32
      %dma_wait3A_366 = tpu.memref_slice %arg2[%dma_wait3A_364, %dma_wait3A_365] : memref<20000x128xf32, #tpu.memory_space<hbm>> -> memref<20000x128xf32, #tpu.memory_space<hbm>>
      tpu.wait_indirect_dma semaphore(%arg28 : memref<!tpu.dma_semaphore, #tpu.memory_space<semaphore_mem>>) src(%dma_wait3A_366 : memref<20000x128xf32, #tpu.memory_space<hbm>>) dst(%arg23 : memref<64x128xf32, #tpu.memory_space<vmem>>)
      %scan3A_367 = arith.constant 0 : i32
      %scan3A_368 = arith.constant 0 : i32
      %scan3A_369 = arith.constant 64 : i32
      %scan3A_370 = arith.addi %scan3A_368, %scan3A_369 : i32
      %scan3A_371 = arith.constant 1 : i32
      %scan3A_372 = scf.for %scan3A_378 = %scan3A_368 to %scan3A_370 step %scan3A_371 iter_args(%scan3A_379 = %scan3A_367) -> (i32)  : i32 {
        %broadcast_in_dim3A = arith.constant 0 : i32
        %broadcast_in_dim3A_380 = vector.broadcast %broadcast_in_dim3A : i32 to vector<16xi32>
        %mul3A_381 = arith.constant 64 : i32
        %mul3A_382 = arith.muli %add3A_332, %mul3A_381 : i32
        %add3A_383 = arith.addi %mul3A_382, %scan3A_378 : i32
        %add3A_384 = vector.broadcast %add3A_383 : i32 to vector<16xi32>
        %add3A_385 = arith.addi %broadcast_in_dim3A_380, %add3A_384 : vector<16xi32>
        %gather3A = tpu.vector_load_idx %arg10[%add3A_385] : memref<2560xf32, #tpu.memory_space<vmem>>[vector<16xi32>], vector<16xf32>,
        %gather3A_386 = tpu.vector_load_idx %arg11[%add3A_385] : memref<2560xf32, #tpu.memory_space<vmem>>[vector<16xi32>], vector<16xf32>,
        %get3A = arith.index_cast %scan3A_378 : i32 to index
        %get3A_387 = arith.constant 0 : index
        %get3A_388 = tpu.vector_load %arg23[%get3A, %get3A_387] {strides = array<i32>} : memref<64x128xf32, #tpu.memory_space<vmem>>, vector<16xf32>,
        %mul3A_389 = arith.mulf %get3A_388, %gather3A : vector<16xf32>
        %swap3A = arith.index_cast %scan3A_378 : i32 to index
        %swap3A_390 = arith.constant 0 : index
        %swap3A_391 = tpu.vector_load %arg23[%swap3A, %swap3A_390] {strides = array<i32>} : memref<64x128xf32, #tpu.memory_space<vmem>>, vector<16xf32>,
        tpu.vector_store %arg23[%swap3A, %swap3A_390], %mul3A_389 {strides = array<i32>} : memref<64x128xf32, #tpu.memory_space<vmem>>, vector<16xf32>,
        %get3A_392 = arith.index_cast %scan3A_378 : i32 to index
        %get3A_393 = arith.constant 16 : index
        %get3A_394 = tpu.vector_load %arg23[%get3A_392, %get3A_393] {strides = array<i32>} : memref<64x128xf32, #tpu.memory_space<vmem>>, vector<16xf32>,
        %mul3A_395 = arith.mulf %get3A_394, %gather3A : vector<16xf32>
        %swap3A_396 = arith.index_cast %scan3A_378 : i32 to index
        %swap3A_397 = arith.constant 16 : index
        %swap3A_398 = tpu.vector_load %arg23[%swap3A_396, %swap3A_397] {strides = array<i32>} : memref<64x128xf32, #tpu.memory_space<vmem>>, vector<16xf32>,
        tpu.vector_store %arg23[%swap3A_396, %swap3A_397], %mul3A_395 {strides = array<i32>} : memref<64x128xf32, #tpu.memory_space<vmem>>, vector<16xf32>,
        %get3A_399 = arith.index_cast %scan3A_378 : i32 to index
        %get3A_400 = arith.constant 32 : index
        %get3A_401 = tpu.vector_load %arg23[%get3A_399, %get3A_400] {strides = array<i32>} : memref<64x128xf32, #tpu.memory_space<vmem>>, vector<16xf32>,
        %mul3A_402 = arith.mulf %get3A_401, %gather3A : vector<16xf32>
        %swap3A_403 = arith.index_cast %scan3A_378 : i32 to index
        %swap3A_404 = arith.constant 32 : index
        %swap3A_405 = tpu.vector_load %arg23[%swap3A_403, %swap3A_404] {strides = array<i32>} : memref<64x128xf32, #tpu.memory_space<vmem>>, vector<16xf32>,
        tpu.vector_store %arg23[%swap3A_403, %swap3A_404], %mul3A_402 {strides = array<i32>} : memref<64x128xf32, #tpu.memory_space<vmem>>, vector<16xf32>,
        %get3A_406 = arith.index_cast %scan3A_378 : i32 to index
        %get3A_407 = arith.constant 48 : index
        %get3A_408 = tpu.vector_load %arg23[%get3A_406, %get3A_407] {strides = array<i32>} : memref<64x128xf32, #tpu.memory_space<vmem>>, vector<16xf32>,
        %mul3A_409 = arith.mulf %get3A_408, %gather3A : vector<16xf32>
        %swap3A_410 = arith.index_cast %scan3A_378 : i32 to index
        %swap3A_411 = arith.constant 48 : index
        %swap3A_412 = tpu.vector_load %arg23[%swap3A_410, %swap3A_411] {strides = array<i32>} : memref<64x128xf32, #tpu.memory_space<vmem>>, vector<16xf32>,
        tpu.vector_store %arg23[%swap3A_410, %swap3A_411], %mul3A_409 {strides = array<i32>} : memref<64x128xf32, #tpu.memory_space<vmem>>, vector<16xf32>,
        %get3A_413 = arith.index_cast %scan3A_378 : i32 to index
        %get3A_414 = arith.constant 64 : index
        %get3A_415 = tpu.vector_load %arg23[%get3A_413, %get3A_414] {strides = array<i32>} : memref<64x128xf32, #tpu.memory_space<vmem>>, vector<16xf32>,
        %mul3A_416 = arith.mulf %get3A_415, %gather3A_386 : vector<16xf32>
        %swap3A_417 = arith.index_cast %scan3A_378 : i32 to index
        %swap3A_418 = arith.constant 64 : index
        %swap3A_419 = tpu.vector_load %arg23[%swap3A_417, %swap3A_418] {strides = array<i32>} : memref<64x128xf32, #tpu.memory_space<vmem>>, vector<16xf32>,
        tpu.vector_store %arg23[%swap3A_417, %swap3A_418], %mul3A_416 {strides = array<i32>} : memref<64x128xf32, #tpu.memory_space<vmem>>, vector<16xf32>,
        %get3A_420 = arith.index_cast %scan3A_378 : i32 to index
        %get3A_421 = arith.constant 80 : index
        %get3A_422 = tpu.vector_load %arg23[%get3A_420, %get3A_421] {strides = array<i32>} : memref<64x128xf32, #tpu.memory_space<vmem>>, vector<16xf32>,
        %mul3A_423 = arith.mulf %get3A_422, %gather3A_386 : vector<16xf32>
        %swap3A_424 = arith.index_cast %scan3A_378 : i32 to index
        %swap3A_425 = arith.constant 80 : index
        %swap3A_426 = tpu.vector_load %arg23[%swap3A_424, %swap3A_425] {strides = array<i32>} : memref<64x128xf32, #tpu.memory_space<vmem>>, vector<16xf32>,
        tpu.vector_store %arg23[%swap3A_424, %swap3A_425], %mul3A_423 {strides = array<i32>} : memref<64x128xf32, #tpu.memory_space<vmem>>, vector<16xf32>,
        %get3A_427 = arith.index_cast %scan3A_378 : i32 to index
        %get3A_428 = arith.constant 96 : index
        %get3A_429 = tpu.vector_load %arg23[%get3A_427, %get3A_428] {strides = array<i32>} : memref<64x128xf32, #tpu.memory_space<vmem>>, vector<16xf32>,
        %mul3A_430 = arith.mulf %get3A_429, %gather3A_386 : vector<16xf32>
        %swap3A_431 = arith.index_cast %scan3A_378 : i32 to index
        %swap3A_432 = arith.constant 96 : index
        %swap3A_433 = tpu.vector_load %arg23[%swap3A_431, %swap3A_432] {strides = array<i32>} : memref<64x128xf32, #tpu.memory_space<vmem>>, vector<16xf32>,
        tpu.vector_store %arg23[%swap3A_431, %swap3A_432], %mul3A_430 {strides = array<i32>} : memref<64x128xf32, #tpu.memory_space<vmem>>, vector<16xf32>,
        %get3A_434 = arith.index_cast %scan3A_378 : i32 to index
        %get3A_435 = arith.constant 112 : index
        %get3A_436 = tpu.vector_load %arg23[%get3A_434, %get3A_435] {strides = array<i32>} : memref<64x128xf32, #tpu.memory_space<vmem>>, vector<16xf32>,
        %mul3A_437 = arith.mulf %get3A_436, %gather3A_386 : vector<16xf32>
        %swap3A_438 = arith.index_cast %scan3A_378 : i32 to index
        %swap3A_439 = arith.constant 112 : index
        %swap3A_440 = tpu.vector_load %arg23[%swap3A_438, %swap3A_439] {strides = array<i32>} : memref<64x128xf32, #tpu.memory_space<vmem>>, vector<16xf32>,
        tpu.vector_store %arg23[%swap3A_438, %swap3A_439], %mul3A_437 {strides = array<i32>} : memref<64x128xf32, #tpu.memory_space<vmem>>, vector<16xf32>,
        %scan3A_441 = arith.constant 0 : i32
        scf.yield %scan3A_441 : i32
      }
      %scan3A_373 = arith.constant 64 : i32
      %dma_start3A_374 = arith.constant 0 : i32
      %dma_start3A_375 = arith.constant 0 : i32
      %dma_start3A_376 = tpu.memref_slice %arg24[%dma_start3A_374, %dma_start3A_375] : memref<10112x128xf32, #tpu.memory_space<vmem_shared>> -> memref<10112x128xf32, #tpu.memory_space<vmem_shared>>
      tpu.enqueue_indirect_dma source(%arg23 : memref<64x128xf32, #tpu.memory_space<vmem>>) target(%dma_start3A_376 : memref<10112x128xf32, #tpu.memory_space<vmem_shared>>) offsets(%arg19 : memref<64xi32, #tpu.memory_space<vmem>>) semaphore(%arg32 : memref<!tpu.dma_semaphore, #tpu.memory_space<semaphore_mem>>) {add = true}
      %scan3A_377 = arith.constant 0 : i32
      scf.yield %scan3A_377 : i32
    }
    %scan3A_133 = arith.constant 10 : i32
    %dma_wait3A_134 = arith.constant 0 : i32
    %dma_wait3A_135 = arith.constant 0 : i32
    %dma_wait3A_136 = tpu.memref_slice %arg24[%dma_wait3A_134, %dma_wait3A_135] : memref<10112x128xf32, #tpu.memory_space<vmem_shared>> -> memref<10112x128xf32, #tpu.memory_space<vmem_shared>>
    tpu.wait_indirect_dma semaphore(%arg31 : memref<!tpu.dma_semaphore, #tpu.memory_space<semaphore_mem>>) src(%arg22 : memref<64x128xf32, #tpu.memory_space<vmem>>) dst(%dma_wait3A_136 : memref<10112x128xf32, #tpu.memory_space<vmem_shared>>)
    %dma_wait3A_137 = arith.constant 0 : i32
    %dma_wait3A_138 = arith.constant 0 : i32
    %dma_wait3A_139 = tpu.memref_slice %arg24[%dma_wait3A_137, %dma_wait3A_138] : memref<10112x128xf32, #tpu.memory_space<vmem_shared>> -> memref<10112x128xf32, #tpu.memory_space<vmem_shared>>
    tpu.wait_indirect_dma semaphore(%arg32 : memref<!tpu.dma_semaphore, #tpu.memory_space<semaphore_mem>>) src(%arg23 : memref<64x128xf32, #tpu.memory_space<vmem>>) dst(%dma_wait3A_139 : memref<10112x128xf32, #tpu.memory_space<vmem_shared>>)
    %add3A_140 = arith.constant 7680 : i32
    %add3A_141 = arith.addi %mul3A_2, %add3A_140 : i32
    "tpu.region"() ({
      %run_scoped3A = tpu.sem_alloc : memref<!tpu.dma_semaphore, #tpu.memory_space<semaphore_mem>>
      %dma_start3A_188 = tpu.memref_slice %arg4[%add3A_141] : memref<163840xi32, #tpu.memory_space<hbm>> -> memref<2560xi32, #tpu.memory_space<hbm>>
      %dma_start3A_189 = tpu.memref_slice %arg4[%add3A_141] : memref<163840xi32, #tpu.memory_space<hbm>> -> memref<2560xi32, #tpu.memory_space<hbm>>
      tpu.enqueue_dma source(%dma_start3A_189 : memref<2560xi32, #tpu.memory_space<hbm>>) target(%arg8 : memref<2560xi32, #tpu.memory_space<vmem>>) target_semaphore(%run_scoped3A : memref<!tpu.dma_semaphore, #tpu.memory_space<semaphore_mem>>)
      %dma_wait3A_190 = tpu.memref_slice %arg4[%add3A_141] : memref<163840xi32, #tpu.memory_space<hbm>> -> memref<2560xi32, #tpu.memory_space<hbm>>
      %dma_wait3A_191 = tpu.memref_slice %arg4[%add3A_141] : memref<163840xi32, #tpu.memory_space<hbm>> -> memref<2560xi32, #tpu.memory_space<hbm>>
      tpu.wait_dma2 semaphore(%run_scoped3A : memref<!tpu.dma_semaphore, #tpu.memory_space<semaphore_mem>>) src(%dma_wait3A_191 : memref<2560xi32, #tpu.memory_space<hbm>>) dst(%arg8 : memref<2560xi32, #tpu.memory_space<vmem>>)
      tpu.yield
    }) : () -> ()
    "tpu.region"() ({
      %run_scoped3A = tpu.sem_alloc : memref<!tpu.dma_semaphore, #tpu.memory_space<semaphore_mem>>
      %dma_start3A_188 = tpu.memref_slice %arg5[%add3A_141] : memref<163840xi32, #tpu.memory_space<hbm>> -> memref<2560xi32, #tpu.memory_space<hbm>>
      %dma_start3A_189 = tpu.memref_slice %arg5[%add3A_141] : memref<163840xi32, #tpu.memory_space<hbm>> -> memref<2560xi32, #tpu.memory_space<hbm>>
      tpu.enqueue_dma source(%dma_start3A_189 : memref<2560xi32, #tpu.memory_space<hbm>>) target(%arg9 : memref<2560xi32, #tpu.memory_space<vmem>>) target_semaphore(%run_scoped3A : memref<!tpu.dma_semaphore, #tpu.memory_space<semaphore_mem>>)
      %dma_wait3A_190 = tpu.memref_slice %arg5[%add3A_141] : memref<163840xi32, #tpu.memory_space<hbm>> -> memref<2560xi32, #tpu.memory_space<hbm>>
      %dma_wait3A_191 = tpu.memref_slice %arg5[%add3A_141] : memref<163840xi32, #tpu.memory_space<hbm>> -> memref<2560xi32, #tpu.memory_space<hbm>>
      tpu.wait_dma2 semaphore(%run_scoped3A : memref<!tpu.dma_semaphore, #tpu.memory_space<semaphore_mem>>) src(%dma_wait3A_191 : memref<2560xi32, #tpu.memory_space<hbm>>) dst(%arg9 : memref<2560xi32, #tpu.memory_space<vmem>>)
      tpu.yield
    }) : () -> ()
    %mul3A_142 = arith.constant 2 : i32
    %mul3A_143 = arith.muli %mul3A_142, %arg0 : i32
    %mul3A_144 = arith.constant 163840 : i32
    %mul3A_145 = arith.muli %mul3A_143, %mul3A_144 : i32
    %add3A_146 = arith.addi %mul3A_145, %add3A_141 : i32
    "tpu.region"() ({
      %run_scoped3A = tpu.sem_alloc : memref<!tpu.dma_semaphore, #tpu.memory_space<semaphore_mem>>
      %dma_start3A_188 = tpu.memref_slice %arg3[%add3A_146] : memref<655360xf32, #tpu.memory_space<hbm>> -> memref<2560xf32, #tpu.memory_space<hbm>>
      %dma_start3A_189 = tpu.memref_slice %arg3[%add3A_146] : memref<655360xf32, #tpu.memory_space<hbm>> -> memref<2560xf32, #tpu.memory_space<hbm>>
      tpu.enqueue_dma source(%dma_start3A_189 : memref<2560xf32, #tpu.memory_space<hbm>>) target(%arg10 : memref<2560xf32, #tpu.memory_space<vmem>>) target_semaphore(%run_scoped3A : memref<!tpu.dma_semaphore, #tpu.memory_space<semaphore_mem>>)
      %dma_wait3A_190 = tpu.memref_slice %arg3[%add3A_146] : memref<655360xf32, #tpu.memory_space<hbm>> -> memref<2560xf32, #tpu.memory_space<hbm>>
      %dma_wait3A_191 = tpu.memref_slice %arg3[%add3A_146] : memref<655360xf32, #tpu.memory_space<hbm>> -> memref<2560xf32, #tpu.memory_space<hbm>>
      tpu.wait_dma2 semaphore(%run_scoped3A : memref<!tpu.dma_semaphore, #tpu.memory_space<semaphore_mem>>) src(%dma_wait3A_191 : memref<2560xf32, #tpu.memory_space<hbm>>) dst(%arg10 : memref<2560xf32, #tpu.memory_space<vmem>>)
      tpu.yield
    }) : () -> ()
    %mul3A_147 = arith.constant 2 : i32
    %mul3A_148 = arith.muli %mul3A_147, %arg0 : i32
    %add3A_149 = arith.constant 1 : i32
    %add3A_150 = arith.addi %mul3A_148, %add3A_149 : i32
    %mul3A_151 = arith.constant 163840 : i32
    %mul3A_152 = arith.muli %add3A_150, %mul3A_151 : i32
    %add3A_153 = arith.addi %mul3A_152, %add3A_141 : i32
    "tpu.region"() ({
      %run_scoped3A = tpu.sem_alloc : memref<!tpu.dma_semaphore, #tpu.memory_space<semaphore_mem>>
      %dma_start3A_188 = tpu.memref_slice %arg3[%add3A_153] : memref<655360xf32, #tpu.memory_space<hbm>> -> memref<2560xf32, #tpu.memory_space<hbm>>
      %dma_start3A_189 = tpu.memref_slice %arg3[%add3A_153] : memref<655360xf32, #tpu.memory_space<hbm>> -> memref<2560xf32, #tpu.memory_space<hbm>>
      tpu.enqueue_dma source(%dma_start3A_189 : memref<2560xf32, #tpu.memory_space<hbm>>) target(%arg11 : memref<2560xf32, #tpu.memory_space<vmem>>) target_semaphore(%run_scoped3A : memref<!tpu.dma_semaphore, #tpu.memory_space<semaphore_mem>>)
      %dma_wait3A_190 = tpu.memref_slice %arg3[%add3A_153] : memref<655360xf32, #tpu.memory_space<hbm>> -> memref<2560xf32, #tpu.memory_space<hbm>>
      %dma_wait3A_191 = tpu.memref_slice %arg3[%add3A_153] : memref<655360xf32, #tpu.memory_space<hbm>> -> memref<2560xf32, #tpu.memory_space<hbm>>
      tpu.wait_dma2 semaphore(%run_scoped3A : memref<!tpu.dma_semaphore, #tpu.memory_space<semaphore_mem>>) src(%dma_wait3A_191 : memref<2560xf32, #tpu.memory_space<hbm>>) dst(%arg11 : memref<2560xf32, #tpu.memory_space<vmem>>)
      tpu.yield
    }) : () -> ()
    %scan3A_154 = arith.constant 0 : i32
    %scan3A_155 = arith.constant 0 : i32
    %scan3A_156 = arith.constant 4 : i32
    %scan3A_157 = arith.addi %scan3A_155, %scan3A_156 : i32
    %scan3A_158 = arith.constant 1 : i32
    %scan3A_159 = scf.for %scan3A_188 = %scan3A_155 to %scan3A_157 step %scan3A_158 iter_args(%scan3A_189 = %scan3A_154) -> (i32)  : i32 {
      %mul3A_190 = arith.constant 16 : i32
      %mul3A_191 = arith.muli %scan3A_188, %mul3A_190 : i32
      %add3A_192 = arith.constant 0 : i32
      %add3A_193 = arith.addi %add3A_192, %mul3A_191 : i32
      %mul3A_194 = arith.constant 16 : i32
      %mul3A_195 = arith.muli %scan3A_188, %mul3A_194 : i32
      %get3A = arith.index_cast %add3A_193 : i32 to index
      %get3A_196 = tpu.vector_load %arg8[%get3A] {strides = array<i32>} : memref<2560xi32, #tpu.memory_space<vmem>>, vector<16xi32>,
      %mul3A_197 = arith.constant 2 : i32
      %mul3A_198 = vector.broadcast %mul3A_197 : i32 to vector<16xi32>
      %mul3A_199 = arith.muli %get3A_196, %mul3A_198 : vector<16xi32>
      %add3A_200 = vector.broadcast %arg0 : i32 to vector<16xi32>
      %add3A_201 = arith.addi %mul3A_199, %add3A_200 : vector<16xi32>
      %swap3A = arith.index_cast %mul3A_195 : i32 to index
      %swap3A_202 = tpu.vector_load %arg12[%swap3A] {strides = array<i32>} : memref<64xi32, #tpu.memory_space<vmem>>, vector<16xi32>,
      tpu.vector_store %arg12[%swap3A], %add3A_201 {strides = array<i32>} : memref<64xi32, #tpu.memory_space<vmem>>, vector<16xi32>,
      %get3A_203 = arith.index_cast %add3A_193 : i32 to index
      %get3A_204 = tpu.vector_load %arg9[%get3A_203] {strides = array<i32>} : memref<2560xi32, #tpu.memory_space<vmem>>, vector<16xi32>,
      %swap3A_205 = arith.index_cast %mul3A_195 : i32 to index
      %swap3A_206 = tpu.vector_load %arg16[%swap3A_205] {strides = array<i32>} : memref<64xi32, #tpu.memory_space<vmem>>, vector<16xi32>,
      tpu.vector_store %arg16[%swap3A_205], %get3A_204 {strides = array<i32>} : memref<64xi32, #tpu.memory_space<vmem>>, vector<16xi32>,
      %scan3A_207 = arith.constant 0 : i32
      scf.yield %scan3A_207 : i32
    }
    %scan3A_160 = arith.constant 4 : i32
    %dma_start3A_161 = arith.constant 0 : i32
    %dma_start3A_162 = arith.constant 0 : i32
    %dma_start3A_163 = tpu.memref_slice %arg2[%dma_start3A_161, %dma_start3A_162] : memref<20000x128xf32, #tpu.memory_space<hbm>> -> memref<20000x128xf32, #tpu.memory_space<hbm>>
    tpu.enqueue_indirect_dma source(%dma_start3A_163 : memref<20000x128xf32, #tpu.memory_space<hbm>>) target(%arg20 : memref<64x128xf32, #tpu.memory_space<vmem>>) offsets(%arg12 : memref<64xi32, #tpu.memory_space<vmem>>) semaphore(%arg25 : memref<!tpu.dma_semaphore, #tpu.memory_space<semaphore_mem>>)
    %scan3A_164 = arith.constant 0 : i32
    %scan3A_165 = arith.constant 0 : i32
    %scan3A_166 = arith.constant 4 : i32
    %scan3A_167 = arith.addi %scan3A_165, %scan3A_166 : i32
    %scan3A_168 = arith.constant 1 : i32
    %scan3A_169 = scf.for %scan3A_188 = %scan3A_165 to %scan3A_167 step %scan3A_168 iter_args(%scan3A_189 = %scan3A_164) -> (i32)  : i32 {
      %mul3A_190 = arith.constant 16 : i32
      %mul3A_191 = arith.muli %scan3A_188, %mul3A_190 : i32
      %add3A_192 = arith.constant 64 : i32
      %add3A_193 = arith.addi %add3A_192, %mul3A_191 : i32
      %mul3A_194 = arith.constant 16 : i32
      %mul3A_195 = arith.muli %scan3A_188, %mul3A_194 : i32
      %get3A = arith.index_cast %add3A_193 : i32 to index
      %get3A_196 = tpu.vector_load %arg8[%get3A] {strides = array<i32>} : memref<2560xi32, #tpu.memory_space<vmem>>, vector<16xi32>,
      %mul3A_197 = arith.constant 2 : i32
      %mul3A_198 = vector.broadcast %mul3A_197 : i32 to vector<16xi32>
      %mul3A_199 = arith.muli %get3A_196, %mul3A_198 : vector<16xi32>
      %add3A_200 = vector.broadcast %arg0 : i32 to vector<16xi32>
      %add3A_201 = arith.addi %mul3A_199, %add3A_200 : vector<16xi32>
      %swap3A = arith.index_cast %mul3A_195 : i32 to index
      %swap3A_202 = tpu.vector_load %arg13[%swap3A] {strides = array<i32>} : memref<64xi32, #tpu.memory_space<vmem>>, vector<16xi32>,
      tpu.vector_store %arg13[%swap3A], %add3A_201 {strides = array<i32>} : memref<64xi32, #tpu.memory_space<vmem>>, vector<16xi32>,
      %get3A_203 = arith.index_cast %add3A_193 : i32 to index
      %get3A_204 = tpu.vector_load %arg9[%get3A_203] {strides = array<i32>} : memref<2560xi32, #tpu.memory_space<vmem>>, vector<16xi32>,
      %swap3A_205 = arith.index_cast %mul3A_195 : i32 to index
      %swap3A_206 = tpu.vector_load %arg17[%swap3A_205] {strides = array<i32>} : memref<64xi32, #tpu.memory_space<vmem>>, vector<16xi32>,
      tpu.vector_store %arg17[%swap3A_205], %get3A_204 {strides = array<i32>} : memref<64xi32, #tpu.memory_space<vmem>>, vector<16xi32>,
      %scan3A_207 = arith.constant 0 : i32
      scf.yield %scan3A_207 : i32
    }
    %scan3A_170 = arith.constant 4 : i32
    %dma_start3A_171 = arith.constant 0 : i32
    %dma_start3A_172 = arith.constant 0 : i32
    %dma_start3A_173 = tpu.memref_slice %arg2[%dma_start3A_171, %dma_start3A_172] : memref<20000x128xf32, #tpu.memory_space<hbm>> -> memref<20000x128xf32, #tpu.memory_space<hbm>>
    tpu.enqueue_indirect_dma source(%dma_start3A_173 : memref<20000x128xf32, #tpu.memory_space<hbm>>) target(%arg21 : memref<64x128xf32, #tpu.memory_space<vmem>>) offsets(%arg13 : memref<64xi32, #tpu.memory_space<vmem>>) semaphore(%arg26 : memref<!tpu.dma_semaphore, #tpu.memory_space<semaphore_mem>>)
    %scan3A_174 = arith.constant 0 : i32
    %scan3A_175 = arith.constant 0 : i32
    %scan3A_176 = arith.constant 10 : i32
    %scan3A_177 = arith.addi %scan3A_175, %scan3A_176 : i32
    %scan3A_178 = arith.constant 1 : i32
    %scan3A_179 = scf.for %scan3A_188 = %scan3A_175 to %scan3A_177 step %scan3A_178 iter_args(%scan3A_189 = %scan3A_174) -> (i32)  : i32 {
      %mul3A_190 = arith.constant 4 : i32
      %mul3A_191 = arith.muli %mul3A_190, %scan3A_188 : i32
      %add3A_192 = arith.constant 0 : i32
      %add3A_193 = arith.addi %mul3A_191, %add3A_192 : i32
      %mul3A_194 = arith.constant 4 : i32
      %mul3A_195 = arith.muli %mul3A_194, %scan3A_188 : i32
      %add3A_196 = arith.constant 0 : i32
      %add3A_197 = arith.addi %mul3A_195, %add3A_196 : i32
      %add3A_198 = arith.constant 2 : i32
      %add3A_199 = arith.addi %add3A_197, %add3A_198 : i32
      %lt3A = arith.constant 40 : i32
      %lt3A_200 = arith.cmpi slt, %add3A_199, %lt3A : i32
      %mul3A_201 = arith.constant 4 : i32
      %mul3A_202 = arith.muli %mul3A_201, %scan3A_188 : i32
      %add3A_203 = arith.constant 0 : i32
      %add3A_204 = arith.addi %mul3A_202, %add3A_203 : i32
      %add3A_205 = arith.constant 2 : i32
      %add3A_206 = arith.addi %add3A_204, %add3A_205 : i32
      %ge3A = arith.constant 4 : i32
      %ge3A_207 = arith.cmpi sge, %add3A_206, %ge3A : i32
      %and3A = arith.andi %lt3A_200, %ge3A_207 : i1
      %convert_element_type3A = arith.extui %and3A : i1 to i32
      %cond3A = arith.constant 0 : i32
      %cond3A_208 = arith.cmpi ne, %convert_element_type3A, %cond3A : i32
      scf.if %cond3A_208 {
        %dma_wait3A_378 = arith.constant 0 : i32
        %dma_wait3A_379 = arith.constant 0 : i32
        %dma_wait3A_380 = tpu.memref_slice %arg24[%dma_wait3A_378, %dma_wait3A_379] : memref<10112x128xf32, #tpu.memory_space<vmem_shared>> -> memref<10112x128xf32, #tpu.memory_space<vmem_shared>>
        tpu.wait_indirect_dma semaphore(%arg31 : memref<!tpu.dma_semaphore, #tpu.memory_space<semaphore_mem>>) src(%arg22 : memref<64x128xf32, #tpu.memory_space<vmem>>) dst(%dma_wait3A_380 : memref<10112x128xf32, #tpu.memory_space<vmem_shared>>)
      } else {
      }
      %mul3A_209 = arith.constant 4 : i32
      %mul3A_210 = arith.muli %mul3A_209, %scan3A_188 : i32
      %add3A_211 = arith.constant 0 : i32
      %add3A_212 = arith.addi %mul3A_210, %add3A_211 : i32
      %add3A_213 = arith.constant 2 : i32
      %add3A_214 = arith.addi %add3A_212, %add3A_213 : i32
      %lt3A_215 = arith.constant 40 : i32
      %lt3A_216 = arith.cmpi slt, %add3A_214, %lt3A_215 : i32
      %convert_element_type3A_217 = arith.extui %lt3A_216 : i1 to i32
      %cond3A_218 = arith.constant 0 : i32
      %cond3A_219 = arith.cmpi ne, %convert_element_type3A_217, %cond3A_218 : i32
      scf.if %cond3A_219 {
        %add3A_378 = arith.constant 2 : i32
        %add3A_379 = arith.addi %add3A_193, %add3A_378 : i32
        %scan3A_380 = arith.constant 0 : i32
        %scan3A_381 = arith.constant 0 : i32
        %scan3A_382 = arith.constant 4 : i32
        %scan3A_383 = arith.addi %scan3A_381, %scan3A_382 : i32
        %scan3A_384 = arith.constant 1 : i32
        %scan3A_385 = scf.for %scan3A_390 = %scan3A_381 to %scan3A_383 step %scan3A_384 iter_args(%scan3A_391 = %scan3A_380) -> (i32)  : i32 {
          %mul3A_392 = arith.constant 64 : i32
          %mul3A_393 = arith.muli %add3A_379, %mul3A_392 : i32
          %mul3A_394 = arith.constant 16 : i32
          %mul3A_395 = arith.muli %scan3A_390, %mul3A_394 : i32
          %add3A_396 = arith.addi %mul3A_393, %mul3A_395 : i32
          %mul3A_397 = arith.constant 16 : i32
          %mul3A_398 = arith.muli %scan3A_390, %mul3A_397 : i32
          %get3A = arith.index_cast %add3A_396 : i32 to index
          %get3A_399 = tpu.vector_load %arg8[%get3A] {strides = array<i32>} : memref<2560xi32, #tpu.memory_space<vmem>>, vector<16xi32>,
          %mul3A_400 = arith.constant 2 : i32
          %mul3A_401 = vector.broadcast %mul3A_400 : i32 to vector<16xi32>
          %mul3A_402 = arith.muli %get3A_399, %mul3A_401 : vector<16xi32>
          %add3A_403 = vector.broadcast %arg0 : i32 to vector<16xi32>
          %add3A_404 = arith.addi %mul3A_402, %add3A_403 : vector<16xi32>
          %swap3A = arith.index_cast %mul3A_398 : i32 to index
          %swap3A_405 = tpu.vector_load %arg14[%swap3A] {strides = array<i32>} : memref<64xi32, #tpu.memory_space<vmem>>, vector<16xi32>,
          tpu.vector_store %arg14[%swap3A], %add3A_404 {strides = array<i32>} : memref<64xi32, #tpu.memory_space<vmem>>, vector<16xi32>,
          %get3A_406 = arith.index_cast %add3A_396 : i32 to index
          %get3A_407 = tpu.vector_load %arg9[%get3A_406] {strides = array<i32>} : memref<2560xi32, #tpu.memory_space<vmem>>, vector<16xi32>,
          %swap3A_408 = arith.index_cast %mul3A_398 : i32 to index
          %swap3A_409 = tpu.vector_load %arg18[%swap3A_408] {strides = array<i32>} : memref<64xi32, #tpu.memory_space<vmem>>, vector<16xi32>,
          tpu.vector_store %arg18[%swap3A_408], %get3A_407 {strides = array<i32>} : memref<64xi32, #tpu.memory_space<vmem>>, vector<16xi32>,
          %scan3A_410 = arith.constant 0 : i32
          scf.yield %scan3A_410 : i32
        }
        %scan3A_386 = arith.constant 4 : i32
        %dma_start3A_387 = arith.constant 0 : i32
        %dma_start3A_388 = arith.constant 0 : i32
        %dma_start3A_389 = tpu.memref_slice %arg2[%dma_start3A_387, %dma_start3A_388] : memref<20000x128xf32, #tpu.memory_space<hbm>> -> memref<20000x128xf32, #tpu.memory_space<hbm>>
        tpu.enqueue_indirect_dma source(%dma_start3A_389 : memref<20000x128xf32, #tpu.memory_space<hbm>>) target(%arg22 : memref<64x128xf32, #tpu.memory_space<vmem>>) offsets(%arg14 : memref<64xi32, #tpu.memory_space<vmem>>) semaphore(%arg27 : memref<!tpu.dma_semaphore, #tpu.memory_space<semaphore_mem>>)
      } else {
      }
      %dma_wait3A_220 = arith.constant 0 : i32
      %dma_wait3A_221 = arith.constant 0 : i32
      %dma_wait3A_222 = tpu.memref_slice %arg2[%dma_wait3A_220, %dma_wait3A_221] : memref<20000x128xf32, #tpu.memory_space<hbm>> -> memref<20000x128xf32, #tpu.memory_space<hbm>>
      tpu.wait_indirect_dma semaphore(%arg25 : memref<!tpu.dma_semaphore, #tpu.memory_space<semaphore_mem>>) src(%dma_wait3A_222 : memref<20000x128xf32, #tpu.memory_space<hbm>>) dst(%arg20 : memref<64x128xf32, #tpu.memory_space<vmem>>)
      %scan3A_223 = arith.constant 0 : i32
      %scan3A_224 = arith.constant 0 : i32
      %scan3A_225 = arith.constant 64 : i32
      %scan3A_226 = arith.addi %scan3A_224, %scan3A_225 : i32
      %scan3A_227 = arith.constant 1 : i32
      %scan3A_228 = scf.for %scan3A_378 = %scan3A_224 to %scan3A_226 step %scan3A_227 iter_args(%scan3A_379 = %scan3A_223) -> (i32)  : i32 {
        %broadcast_in_dim3A = arith.constant 0 : i32
        %broadcast_in_dim3A_380 = vector.broadcast %broadcast_in_dim3A : i32 to vector<16xi32>
        %mul3A_381 = arith.constant 64 : i32
        %mul3A_382 = arith.muli %add3A_193, %mul3A_381 : i32
        %add3A_383 = arith.addi %mul3A_382, %scan3A_378 : i32
        %add3A_384 = vector.broadcast %add3A_383 : i32 to vector<16xi32>
        %add3A_385 = arith.addi %broadcast_in_dim3A_380, %add3A_384 : vector<16xi32>
        %gather3A = tpu.vector_load_idx %arg10[%add3A_385] : memref<2560xf32, #tpu.memory_space<vmem>>[vector<16xi32>], vector<16xf32>,
        %gather3A_386 = tpu.vector_load_idx %arg11[%add3A_385] : memref<2560xf32, #tpu.memory_space<vmem>>[vector<16xi32>], vector<16xf32>,
        %get3A = arith.index_cast %scan3A_378 : i32 to index
        %get3A_387 = arith.constant 0 : index
        %get3A_388 = tpu.vector_load %arg20[%get3A, %get3A_387] {strides = array<i32>} : memref<64x128xf32, #tpu.memory_space<vmem>>, vector<16xf32>,
        %mul3A_389 = arith.mulf %get3A_388, %gather3A : vector<16xf32>
        %swap3A = arith.index_cast %scan3A_378 : i32 to index
        %swap3A_390 = arith.constant 0 : index
        %swap3A_391 = tpu.vector_load %arg20[%swap3A, %swap3A_390] {strides = array<i32>} : memref<64x128xf32, #tpu.memory_space<vmem>>, vector<16xf32>,
        tpu.vector_store %arg20[%swap3A, %swap3A_390], %mul3A_389 {strides = array<i32>} : memref<64x128xf32, #tpu.memory_space<vmem>>, vector<16xf32>,
        %get3A_392 = arith.index_cast %scan3A_378 : i32 to index
        %get3A_393 = arith.constant 16 : index
        %get3A_394 = tpu.vector_load %arg20[%get3A_392, %get3A_393] {strides = array<i32>} : memref<64x128xf32, #tpu.memory_space<vmem>>, vector<16xf32>,
        %mul3A_395 = arith.mulf %get3A_394, %gather3A : vector<16xf32>
        %swap3A_396 = arith.index_cast %scan3A_378 : i32 to index
        %swap3A_397 = arith.constant 16 : index
        %swap3A_398 = tpu.vector_load %arg20[%swap3A_396, %swap3A_397] {strides = array<i32>} : memref<64x128xf32, #tpu.memory_space<vmem>>, vector<16xf32>,
        tpu.vector_store %arg20[%swap3A_396, %swap3A_397], %mul3A_395 {strides = array<i32>} : memref<64x128xf32, #tpu.memory_space<vmem>>, vector<16xf32>,
        %get3A_399 = arith.index_cast %scan3A_378 : i32 to index
        %get3A_400 = arith.constant 32 : index
        %get3A_401 = tpu.vector_load %arg20[%get3A_399, %get3A_400] {strides = array<i32>} : memref<64x128xf32, #tpu.memory_space<vmem>>, vector<16xf32>,
        %mul3A_402 = arith.mulf %get3A_401, %gather3A : vector<16xf32>
        %swap3A_403 = arith.index_cast %scan3A_378 : i32 to index
        %swap3A_404 = arith.constant 32 : index
        %swap3A_405 = tpu.vector_load %arg20[%swap3A_403, %swap3A_404] {strides = array<i32>} : memref<64x128xf32, #tpu.memory_space<vmem>>, vector<16xf32>,
        tpu.vector_store %arg20[%swap3A_403, %swap3A_404], %mul3A_402 {strides = array<i32>} : memref<64x128xf32, #tpu.memory_space<vmem>>, vector<16xf32>,
        %get3A_406 = arith.index_cast %scan3A_378 : i32 to index
        %get3A_407 = arith.constant 48 : index
        %get3A_408 = tpu.vector_load %arg20[%get3A_406, %get3A_407] {strides = array<i32>} : memref<64x128xf32, #tpu.memory_space<vmem>>, vector<16xf32>,
        %mul3A_409 = arith.mulf %get3A_408, %gather3A : vector<16xf32>
        %swap3A_410 = arith.index_cast %scan3A_378 : i32 to index
        %swap3A_411 = arith.constant 48 : index
        %swap3A_412 = tpu.vector_load %arg20[%swap3A_410, %swap3A_411] {strides = array<i32>} : memref<64x128xf32, #tpu.memory_space<vmem>>, vector<16xf32>,
        tpu.vector_store %arg20[%swap3A_410, %swap3A_411], %mul3A_409 {strides = array<i32>} : memref<64x128xf32, #tpu.memory_space<vmem>>, vector<16xf32>,
        %get3A_413 = arith.index_cast %scan3A_378 : i32 to index
        %get3A_414 = arith.constant 64 : index
        %get3A_415 = tpu.vector_load %arg20[%get3A_413, %get3A_414] {strides = array<i32>} : memref<64x128xf32, #tpu.memory_space<vmem>>, vector<16xf32>,
        %mul3A_416 = arith.mulf %get3A_415, %gather3A_386 : vector<16xf32>
        %swap3A_417 = arith.index_cast %scan3A_378 : i32 to index
        %swap3A_418 = arith.constant 64 : index
        %swap3A_419 = tpu.vector_load %arg20[%swap3A_417, %swap3A_418] {strides = array<i32>} : memref<64x128xf32, #tpu.memory_space<vmem>>, vector<16xf32>,
        tpu.vector_store %arg20[%swap3A_417, %swap3A_418], %mul3A_416 {strides = array<i32>} : memref<64x128xf32, #tpu.memory_space<vmem>>, vector<16xf32>,
        %get3A_420 = arith.index_cast %scan3A_378 : i32 to index
        %get3A_421 = arith.constant 80 : index
        %get3A_422 = tpu.vector_load %arg20[%get3A_420, %get3A_421] {strides = array<i32>} : memref<64x128xf32, #tpu.memory_space<vmem>>, vector<16xf32>,
        %mul3A_423 = arith.mulf %get3A_422, %gather3A_386 : vector<16xf32>
        %swap3A_424 = arith.index_cast %scan3A_378 : i32 to index
        %swap3A_425 = arith.constant 80 : index
        %swap3A_426 = tpu.vector_load %arg20[%swap3A_424, %swap3A_425] {strides = array<i32>} : memref<64x128xf32, #tpu.memory_space<vmem>>, vector<16xf32>,
        tpu.vector_store %arg20[%swap3A_424, %swap3A_425], %mul3A_423 {strides = array<i32>} : memref<64x128xf32, #tpu.memory_space<vmem>>, vector<16xf32>,
        %get3A_427 = arith.index_cast %scan3A_378 : i32 to index
        %get3A_428 = arith.constant 96 : index
        %get3A_429 = tpu.vector_load %arg20[%get3A_427, %get3A_428] {strides = array<i32>} : memref<64x128xf32, #tpu.memory_space<vmem>>, vector<16xf32>,
        %mul3A_430 = arith.mulf %get3A_429, %gather3A_386 : vector<16xf32>
        %swap3A_431 = arith.index_cast %scan3A_378 : i32 to index
        %swap3A_432 = arith.constant 96 : index
        %swap3A_433 = tpu.vector_load %arg20[%swap3A_431, %swap3A_432] {strides = array<i32>} : memref<64x128xf32, #tpu.memory_space<vmem>>, vector<16xf32>,
        tpu.vector_store %arg20[%swap3A_431, %swap3A_432], %mul3A_430 {strides = array<i32>} : memref<64x128xf32, #tpu.memory_space<vmem>>, vector<16xf32>,
        %get3A_434 = arith.index_cast %scan3A_378 : i32 to index
        %get3A_435 = arith.constant 112 : index
        %get3A_436 = tpu.vector_load %arg20[%get3A_434, %get3A_435] {strides = array<i32>} : memref<64x128xf32, #tpu.memory_space<vmem>>, vector<16xf32>,
        %mul3A_437 = arith.mulf %get3A_436, %gather3A_386 : vector<16xf32>
        %swap3A_438 = arith.index_cast %scan3A_378 : i32 to index
        %swap3A_439 = arith.constant 112 : index
        %swap3A_440 = tpu.vector_load %arg20[%swap3A_438, %swap3A_439] {strides = array<i32>} : memref<64x128xf32, #tpu.memory_space<vmem>>, vector<16xf32>,
        tpu.vector_store %arg20[%swap3A_438, %swap3A_439], %mul3A_437 {strides = array<i32>} : memref<64x128xf32, #tpu.memory_space<vmem>>, vector<16xf32>,
        %scan3A_441 = arith.constant 0 : i32
        scf.yield %scan3A_441 : i32
      }
      %scan3A_229 = arith.constant 64 : i32
      %dma_start3A_230 = arith.constant 0 : i32
      %dma_start3A_231 = arith.constant 0 : i32
      %dma_start3A_232 = tpu.memref_slice %arg24[%dma_start3A_230, %dma_start3A_231] : memref<10112x128xf32, #tpu.memory_space<vmem_shared>> -> memref<10112x128xf32, #tpu.memory_space<vmem_shared>>
      tpu.enqueue_indirect_dma source(%arg20 : memref<64x128xf32, #tpu.memory_space<vmem>>) target(%dma_start3A_232 : memref<10112x128xf32, #tpu.memory_space<vmem_shared>>) offsets(%arg16 : memref<64xi32, #tpu.memory_space<vmem>>) semaphore(%arg29 : memref<!tpu.dma_semaphore, #tpu.memory_space<semaphore_mem>>) {add = true}
      %mul3A_233 = arith.constant 4 : i32
      %mul3A_234 = arith.muli %mul3A_233, %scan3A_188 : i32
      %add3A_235 = arith.constant 1 : i32
      %add3A_236 = arith.addi %mul3A_234, %add3A_235 : i32
      %mul3A_237 = arith.constant 4 : i32
      %mul3A_238 = arith.muli %mul3A_237, %scan3A_188 : i32
      %add3A_239 = arith.constant 1 : i32
      %add3A_240 = arith.addi %mul3A_238, %add3A_239 : i32
      %add3A_241 = arith.constant 2 : i32
      %add3A_242 = arith.addi %add3A_240, %add3A_241 : i32
      %lt3A_243 = arith.constant 40 : i32
      %lt3A_244 = arith.cmpi slt, %add3A_242, %lt3A_243 : i32
      %mul3A_245 = arith.constant 4 : i32
      %mul3A_246 = arith.muli %mul3A_245, %scan3A_188 : i32
      %add3A_247 = arith.constant 1 : i32
      %add3A_248 = arith.addi %mul3A_246, %add3A_247 : i32
      %add3A_249 = arith.constant 2 : i32
      %add3A_250 = arith.addi %add3A_248, %add3A_249 : i32
      %ge3A_251 = arith.constant 4 : i32
      %ge3A_252 = arith.cmpi sge, %add3A_250, %ge3A_251 : i32
      %and3A_253 = arith.andi %lt3A_244, %ge3A_252 : i1
      %convert_element_type3A_254 = arith.extui %and3A_253 : i1 to i32
      %cond3A_255 = arith.constant 0 : i32
      %cond3A_256 = arith.cmpi ne, %convert_element_type3A_254, %cond3A_255 : i32
      scf.if %cond3A_256 {
        %dma_wait3A_378 = arith.constant 0 : i32
        %dma_wait3A_379 = arith.constant 0 : i32
        %dma_wait3A_380 = tpu.memref_slice %arg24[%dma_wait3A_378, %dma_wait3A_379] : memref<10112x128xf32, #tpu.memory_space<vmem_shared>> -> memref<10112x128xf32, #tpu.memory_space<vmem_shared>>
        tpu.wait_indirect_dma semaphore(%arg32 : memref<!tpu.dma_semaphore, #tpu.memory_space<semaphore_mem>>) src(%arg23 : memref<64x128xf32, #tpu.memory_space<vmem>>) dst(%dma_wait3A_380 : memref<10112x128xf32, #tpu.memory_space<vmem_shared>>)
      } else {
      }
      %mul3A_257 = arith.constant 4 : i32
      %mul3A_258 = arith.muli %mul3A_257, %scan3A_188 : i32
      %add3A_259 = arith.constant 1 : i32
      %add3A_260 = arith.addi %mul3A_258, %add3A_259 : i32
      %add3A_261 = arith.constant 2 : i32
      %add3A_262 = arith.addi %add3A_260, %add3A_261 : i32
      %lt3A_263 = arith.constant 40 : i32
      %lt3A_264 = arith.cmpi slt, %add3A_262, %lt3A_263 : i32
      %convert_element_type3A_265 = arith.extui %lt3A_264 : i1 to i32
      %cond3A_266 = arith.constant 0 : i32
      %cond3A_267 = arith.cmpi ne, %convert_element_type3A_265, %cond3A_266 : i32
      scf.if %cond3A_267 {
        %add3A_378 = arith.constant 2 : i32
        %add3A_379 = arith.addi %add3A_236, %add3A_378 : i32
        %scan3A_380 = arith.constant 0 : i32
        %scan3A_381 = arith.constant 0 : i32
        %scan3A_382 = arith.constant 4 : i32
        %scan3A_383 = arith.addi %scan3A_381, %scan3A_382 : i32
        %scan3A_384 = arith.constant 1 : i32
        %scan3A_385 = scf.for %scan3A_390 = %scan3A_381 to %scan3A_383 step %scan3A_384 iter_args(%scan3A_391 = %scan3A_380) -> (i32)  : i32 {
          %mul3A_392 = arith.constant 64 : i32
          %mul3A_393 = arith.muli %add3A_379, %mul3A_392 : i32
          %mul3A_394 = arith.constant 16 : i32
          %mul3A_395 = arith.muli %scan3A_390, %mul3A_394 : i32
          %add3A_396 = arith.addi %mul3A_393, %mul3A_395 : i32
          %mul3A_397 = arith.constant 16 : i32
          %mul3A_398 = arith.muli %scan3A_390, %mul3A_397 : i32
          %get3A = arith.index_cast %add3A_396 : i32 to index
          %get3A_399 = tpu.vector_load %arg8[%get3A] {strides = array<i32>} : memref<2560xi32, #tpu.memory_space<vmem>>, vector<16xi32>,
          %mul3A_400 = arith.constant 2 : i32
          %mul3A_401 = vector.broadcast %mul3A_400 : i32 to vector<16xi32>
          %mul3A_402 = arith.muli %get3A_399, %mul3A_401 : vector<16xi32>
          %add3A_403 = vector.broadcast %arg0 : i32 to vector<16xi32>
          %add3A_404 = arith.addi %mul3A_402, %add3A_403 : vector<16xi32>
          %swap3A = arith.index_cast %mul3A_398 : i32 to index
          %swap3A_405 = tpu.vector_load %arg15[%swap3A] {strides = array<i32>} : memref<64xi32, #tpu.memory_space<vmem>>, vector<16xi32>,
          tpu.vector_store %arg15[%swap3A], %add3A_404 {strides = array<i32>} : memref<64xi32, #tpu.memory_space<vmem>>, vector<16xi32>,
          %get3A_406 = arith.index_cast %add3A_396 : i32 to index
          %get3A_407 = tpu.vector_load %arg9[%get3A_406] {strides = array<i32>} : memref<2560xi32, #tpu.memory_space<vmem>>, vector<16xi32>,
          %swap3A_408 = arith.index_cast %mul3A_398 : i32 to index
          %swap3A_409 = tpu.vector_load %arg19[%swap3A_408] {strides = array<i32>} : memref<64xi32, #tpu.memory_space<vmem>>, vector<16xi32>,
          tpu.vector_store %arg19[%swap3A_408], %get3A_407 {strides = array<i32>} : memref<64xi32, #tpu.memory_space<vmem>>, vector<16xi32>,
          %scan3A_410 = arith.constant 0 : i32
          scf.yield %scan3A_410 : i32
        }
        %scan3A_386 = arith.constant 4 : i32
        %dma_start3A_387 = arith.constant 0 : i32
        %dma_start3A_388 = arith.constant 0 : i32
        %dma_start3A_389 = tpu.memref_slice %arg2[%dma_start3A_387, %dma_start3A_388] : memref<20000x128xf32, #tpu.memory_space<hbm>> -> memref<20000x128xf32, #tpu.memory_space<hbm>>
        tpu.enqueue_indirect_dma source(%dma_start3A_389 : memref<20000x128xf32, #tpu.memory_space<hbm>>) target(%arg23 : memref<64x128xf32, #tpu.memory_space<vmem>>) offsets(%arg15 : memref<64xi32, #tpu.memory_space<vmem>>) semaphore(%arg28 : memref<!tpu.dma_semaphore, #tpu.memory_space<semaphore_mem>>)
      } else {
      }
      %dma_wait3A_268 = arith.constant 0 : i32
      %dma_wait3A_269 = arith.constant 0 : i32
      %dma_wait3A_270 = tpu.memref_slice %arg2[%dma_wait3A_268, %dma_wait3A_269] : memref<20000x128xf32, #tpu.memory_space<hbm>> -> memref<20000x128xf32, #tpu.memory_space<hbm>>
      tpu.wait_indirect_dma semaphore(%arg26 : memref<!tpu.dma_semaphore, #tpu.memory_space<semaphore_mem>>) src(%dma_wait3A_270 : memref<20000x128xf32, #tpu.memory_space<hbm>>) dst(%arg21 : memref<64x128xf32, #tpu.memory_space<vmem>>)
      %scan3A_271 = arith.constant 0 : i32
      %scan3A_272 = arith.constant 0 : i32
      %scan3A_273 = arith.constant 64 : i32
      %scan3A_274 = arith.addi %scan3A_272, %scan3A_273 : i32
      %scan3A_275 = arith.constant 1 : i32
      %scan3A_276 = scf.for %scan3A_378 = %scan3A_272 to %scan3A_274 step %scan3A_275 iter_args(%scan3A_379 = %scan3A_271) -> (i32)  : i32 {
        %broadcast_in_dim3A = arith.constant 0 : i32
        %broadcast_in_dim3A_380 = vector.broadcast %broadcast_in_dim3A : i32 to vector<16xi32>
        %mul3A_381 = arith.constant 64 : i32
        %mul3A_382 = arith.muli %add3A_236, %mul3A_381 : i32
        %add3A_383 = arith.addi %mul3A_382, %scan3A_378 : i32
        %add3A_384 = vector.broadcast %add3A_383 : i32 to vector<16xi32>
        %add3A_385 = arith.addi %broadcast_in_dim3A_380, %add3A_384 : vector<16xi32>
        %gather3A = tpu.vector_load_idx %arg10[%add3A_385] : memref<2560xf32, #tpu.memory_space<vmem>>[vector<16xi32>], vector<16xf32>,
        %gather3A_386 = tpu.vector_load_idx %arg11[%add3A_385] : memref<2560xf32, #tpu.memory_space<vmem>>[vector<16xi32>], vector<16xf32>,
        %get3A = arith.index_cast %scan3A_378 : i32 to index
        %get3A_387 = arith.constant 0 : index
        %get3A_388 = tpu.vector_load %arg21[%get3A, %get3A_387] {strides = array<i32>} : memref<64x128xf32, #tpu.memory_space<vmem>>, vector<16xf32>,
        %mul3A_389 = arith.mulf %get3A_388, %gather3A : vector<16xf32>
        %swap3A = arith.index_cast %scan3A_378 : i32 to index
        %swap3A_390 = arith.constant 0 : index
        %swap3A_391 = tpu.vector_load %arg21[%swap3A, %swap3A_390] {strides = array<i32>} : memref<64x128xf32, #tpu.memory_space<vmem>>, vector<16xf32>,
        tpu.vector_store %arg21[%swap3A, %swap3A_390], %mul3A_389 {strides = array<i32>} : memref<64x128xf32, #tpu.memory_space<vmem>>, vector<16xf32>,
        %get3A_392 = arith.index_cast %scan3A_378 : i32 to index
        %get3A_393 = arith.constant 16 : index
        %get3A_394 = tpu.vector_load %arg21[%get3A_392, %get3A_393] {strides = array<i32>} : memref<64x128xf32, #tpu.memory_space<vmem>>, vector<16xf32>,
        %mul3A_395 = arith.mulf %get3A_394, %gather3A : vector<16xf32>
        %swap3A_396 = arith.index_cast %scan3A_378 : i32 to index
        %swap3A_397 = arith.constant 16 : index
        %swap3A_398 = tpu.vector_load %arg21[%swap3A_396, %swap3A_397] {strides = array<i32>} : memref<64x128xf32, #tpu.memory_space<vmem>>, vector<16xf32>,
        tpu.vector_store %arg21[%swap3A_396, %swap3A_397], %mul3A_395 {strides = array<i32>} : memref<64x128xf32, #tpu.memory_space<vmem>>, vector<16xf32>,
        %get3A_399 = arith.index_cast %scan3A_378 : i32 to index
        %get3A_400 = arith.constant 32 : index
        %get3A_401 = tpu.vector_load %arg21[%get3A_399, %get3A_400] {strides = array<i32>} : memref<64x128xf32, #tpu.memory_space<vmem>>, vector<16xf32>,
        %mul3A_402 = arith.mulf %get3A_401, %gather3A : vector<16xf32>
        %swap3A_403 = arith.index_cast %scan3A_378 : i32 to index
        %swap3A_404 = arith.constant 32 : index
        %swap3A_405 = tpu.vector_load %arg21[%swap3A_403, %swap3A_404] {strides = array<i32>} : memref<64x128xf32, #tpu.memory_space<vmem>>, vector<16xf32>,
        tpu.vector_store %arg21[%swap3A_403, %swap3A_404], %mul3A_402 {strides = array<i32>} : memref<64x128xf32, #tpu.memory_space<vmem>>, vector<16xf32>,
        %get3A_406 = arith.index_cast %scan3A_378 : i32 to index
        %get3A_407 = arith.constant 48 : index
        %get3A_408 = tpu.vector_load %arg21[%get3A_406, %get3A_407] {strides = array<i32>} : memref<64x128xf32, #tpu.memory_space<vmem>>, vector<16xf32>,
        %mul3A_409 = arith.mulf %get3A_408, %gather3A : vector<16xf32>
        %swap3A_410 = arith.index_cast %scan3A_378 : i32 to index
        %swap3A_411 = arith.constant 48 : index
        %swap3A_412 = tpu.vector_load %arg21[%swap3A_410, %swap3A_411] {strides = array<i32>} : memref<64x128xf32, #tpu.memory_space<vmem>>, vector<16xf32>,
        tpu.vector_store %arg21[%swap3A_410, %swap3A_411], %mul3A_409 {strides = array<i32>} : memref<64x128xf32, #tpu.memory_space<vmem>>, vector<16xf32>,
        %get3A_413 = arith.index_cast %scan3A_378 : i32 to index
        %get3A_414 = arith.constant 64 : index
        %get3A_415 = tpu.vector_load %arg21[%get3A_413, %get3A_414] {strides = array<i32>} : memref<64x128xf32, #tpu.memory_space<vmem>>, vector<16xf32>,
        %mul3A_416 = arith.mulf %get3A_415, %gather3A_386 : vector<16xf32>
        %swap3A_417 = arith.index_cast %scan3A_378 : i32 to index
        %swap3A_418 = arith.constant 64 : index
        %swap3A_419 = tpu.vector_load %arg21[%swap3A_417, %swap3A_418] {strides = array<i32>} : memref<64x128xf32, #tpu.memory_space<vmem>>, vector<16xf32>,
        tpu.vector_store %arg21[%swap3A_417, %swap3A_418], %mul3A_416 {strides = array<i32>} : memref<64x128xf32, #tpu.memory_space<vmem>>, vector<16xf32>,
        %get3A_420 = arith.index_cast %scan3A_378 : i32 to index
        %get3A_421 = arith.constant 80 : index
        %get3A_422 = tpu.vector_load %arg21[%get3A_420, %get3A_421] {strides = array<i32>} : memref<64x128xf32, #tpu.memory_space<vmem>>, vector<16xf32>,
        %mul3A_423 = arith.mulf %get3A_422, %gather3A_386 : vector<16xf32>
        %swap3A_424 = arith.index_cast %scan3A_378 : i32 to index
        %swap3A_425 = arith.constant 80 : index
        %swap3A_426 = tpu.vector_load %arg21[%swap3A_424, %swap3A_425] {strides = array<i32>} : memref<64x128xf32, #tpu.memory_space<vmem>>, vector<16xf32>,
        tpu.vector_store %arg21[%swap3A_424, %swap3A_425], %mul3A_423 {strides = array<i32>} : memref<64x128xf32, #tpu.memory_space<vmem>>, vector<16xf32>,
        %get3A_427 = arith.index_cast %scan3A_378 : i32 to index
        %get3A_428 = arith.constant 96 : index
        %get3A_429 = tpu.vector_load %arg21[%get3A_427, %get3A_428] {strides = array<i32>} : memref<64x128xf32, #tpu.memory_space<vmem>>, vector<16xf32>,
        %mul3A_430 = arith.mulf %get3A_429, %gather3A_386 : vector<16xf32>
        %swap3A_431 = arith.index_cast %scan3A_378 : i32 to index
        %swap3A_432 = arith.constant 96 : index
        %swap3A_433 = tpu.vector_load %arg21[%swap3A_431, %swap3A_432] {strides = array<i32>} : memref<64x128xf32, #tpu.memory_space<vmem>>, vector<16xf32>,
        tpu.vector_store %arg21[%swap3A_431, %swap3A_432], %mul3A_430 {strides = array<i32>} : memref<64x128xf32, #tpu.memory_space<vmem>>, vector<16xf32>,
        %get3A_434 = arith.index_cast %scan3A_378 : i32 to index
        %get3A_435 = arith.constant 112 : index
        %get3A_436 = tpu.vector_load %arg21[%get3A_434, %get3A_435] {strides = array<i32>} : memref<64x128xf32, #tpu.memory_space<vmem>>, vector<16xf32>,
        %mul3A_437 = arith.mulf %get3A_436, %gather3A_386 : vector<16xf32>
        %swap3A_438 = arith.index_cast %scan3A_378 : i32 to index
        %swap3A_439 = arith.constant 112 : index
        %swap3A_440 = tpu.vector_load %arg21[%swap3A_438, %swap3A_439] {strides = array<i32>} : memref<64x128xf32, #tpu.memory_space<vmem>>, vector<16xf32>,
        tpu.vector_store %arg21[%swap3A_438, %swap3A_439], %mul3A_437 {strides = array<i32>} : memref<64x128xf32, #tpu.memory_space<vmem>>, vector<16xf32>,
        %scan3A_441 = arith.constant 0 : i32
        scf.yield %scan3A_441 : i32
      }
      %scan3A_277 = arith.constant 64 : i32
      %dma_start3A_278 = arith.constant 0 : i32
      %dma_start3A_279 = arith.constant 0 : i32
      %dma_start3A_280 = tpu.memref_slice %arg24[%dma_start3A_278, %dma_start3A_279] : memref<10112x128xf32, #tpu.memory_space<vmem_shared>> -> memref<10112x128xf32, #tpu.memory_space<vmem_shared>>
      tpu.enqueue_indirect_dma source(%arg21 : memref<64x128xf32, #tpu.memory_space<vmem>>) target(%dma_start3A_280 : memref<10112x128xf32, #tpu.memory_space<vmem_shared>>) offsets(%arg17 : memref<64xi32, #tpu.memory_space<vmem>>) semaphore(%arg30 : memref<!tpu.dma_semaphore, #tpu.memory_space<semaphore_mem>>) {add = true}
      %mul3A_281 = arith.constant 4 : i32
      %mul3A_282 = arith.muli %mul3A_281, %scan3A_188 : i32
      %add3A_283 = arith.constant 2 : i32
      %add3A_284 = arith.addi %mul3A_282, %add3A_283 : i32
      %mul3A_285 = arith.constant 4 : i32
      %mul3A_286 = arith.muli %mul3A_285, %scan3A_188 : i32
      %add3A_287 = arith.constant 2 : i32
      %add3A_288 = arith.addi %mul3A_286, %add3A_287 : i32
      %add3A_289 = arith.constant 2 : i32
      %add3A_290 = arith.addi %add3A_288, %add3A_289 : i32
      %lt3A_291 = arith.constant 40 : i32
      %lt3A_292 = arith.cmpi slt, %add3A_290, %lt3A_291 : i32
      %mul3A_293 = arith.constant 4 : i32
      %mul3A_294 = arith.muli %mul3A_293, %scan3A_188 : i32
      %add3A_295 = arith.constant 2 : i32
      %add3A_296 = arith.addi %mul3A_294, %add3A_295 : i32
      %add3A_297 = arith.constant 2 : i32
      %add3A_298 = arith.addi %add3A_296, %add3A_297 : i32
      %ge3A_299 = arith.constant 4 : i32
      %ge3A_300 = arith.cmpi sge, %add3A_298, %ge3A_299 : i32
      %and3A_301 = arith.andi %lt3A_292, %ge3A_300 : i1
      %convert_element_type3A_302 = arith.extui %and3A_301 : i1 to i32
      %cond3A_303 = arith.constant 0 : i32
      %cond3A_304 = arith.cmpi ne, %convert_element_type3A_302, %cond3A_303 : i32
      scf.if %cond3A_304 {
        %dma_wait3A_378 = arith.constant 0 : i32
        %dma_wait3A_379 = arith.constant 0 : i32
        %dma_wait3A_380 = tpu.memref_slice %arg24[%dma_wait3A_378, %dma_wait3A_379] : memref<10112x128xf32, #tpu.memory_space<vmem_shared>> -> memref<10112x128xf32, #tpu.memory_space<vmem_shared>>
        tpu.wait_indirect_dma semaphore(%arg29 : memref<!tpu.dma_semaphore, #tpu.memory_space<semaphore_mem>>) src(%arg20 : memref<64x128xf32, #tpu.memory_space<vmem>>) dst(%dma_wait3A_380 : memref<10112x128xf32, #tpu.memory_space<vmem_shared>>)
      } else {
      }
      %mul3A_305 = arith.constant 4 : i32
      %mul3A_306 = arith.muli %mul3A_305, %scan3A_188 : i32
      %add3A_307 = arith.constant 2 : i32
      %add3A_308 = arith.addi %mul3A_306, %add3A_307 : i32
      %add3A_309 = arith.constant 2 : i32
      %add3A_310 = arith.addi %add3A_308, %add3A_309 : i32
      %lt3A_311 = arith.constant 40 : i32
      %lt3A_312 = arith.cmpi slt, %add3A_310, %lt3A_311 : i32
      %convert_element_type3A_313 = arith.extui %lt3A_312 : i1 to i32
      %cond3A_314 = arith.constant 0 : i32
      %cond3A_315 = arith.cmpi ne, %convert_element_type3A_313, %cond3A_314 : i32
      scf.if %cond3A_315 {
        %add3A_378 = arith.constant 2 : i32
        %add3A_379 = arith.addi %add3A_284, %add3A_378 : i32
        %scan3A_380 = arith.constant 0 : i32
        %scan3A_381 = arith.constant 0 : i32
        %scan3A_382 = arith.constant 4 : i32
        %scan3A_383 = arith.addi %scan3A_381, %scan3A_382 : i32
        %scan3A_384 = arith.constant 1 : i32
        %scan3A_385 = scf.for %scan3A_390 = %scan3A_381 to %scan3A_383 step %scan3A_384 iter_args(%scan3A_391 = %scan3A_380) -> (i32)  : i32 {
          %mul3A_392 = arith.constant 64 : i32
          %mul3A_393 = arith.muli %add3A_379, %mul3A_392 : i32
          %mul3A_394 = arith.constant 16 : i32
          %mul3A_395 = arith.muli %scan3A_390, %mul3A_394 : i32
          %add3A_396 = arith.addi %mul3A_393, %mul3A_395 : i32
          %mul3A_397 = arith.constant 16 : i32
          %mul3A_398 = arith.muli %scan3A_390, %mul3A_397 : i32
          %get3A = arith.index_cast %add3A_396 : i32 to index
          %get3A_399 = tpu.vector_load %arg8[%get3A] {strides = array<i32>} : memref<2560xi32, #tpu.memory_space<vmem>>, vector<16xi32>,
          %mul3A_400 = arith.constant 2 : i32
          %mul3A_401 = vector.broadcast %mul3A_400 : i32 to vector<16xi32>
          %mul3A_402 = arith.muli %get3A_399, %mul3A_401 : vector<16xi32>
          %add3A_403 = vector.broadcast %arg0 : i32 to vector<16xi32>
          %add3A_404 = arith.addi %mul3A_402, %add3A_403 : vector<16xi32>
          %swap3A = arith.index_cast %mul3A_398 : i32 to index
          %swap3A_405 = tpu.vector_load %arg12[%swap3A] {strides = array<i32>} : memref<64xi32, #tpu.memory_space<vmem>>, vector<16xi32>,
          tpu.vector_store %arg12[%swap3A], %add3A_404 {strides = array<i32>} : memref<64xi32, #tpu.memory_space<vmem>>, vector<16xi32>,
          %get3A_406 = arith.index_cast %add3A_396 : i32 to index
          %get3A_407 = tpu.vector_load %arg9[%get3A_406] {strides = array<i32>} : memref<2560xi32, #tpu.memory_space<vmem>>, vector<16xi32>,
          %swap3A_408 = arith.index_cast %mul3A_398 : i32 to index
          %swap3A_409 = tpu.vector_load %arg16[%swap3A_408] {strides = array<i32>} : memref<64xi32, #tpu.memory_space<vmem>>, vector<16xi32>,
          tpu.vector_store %arg16[%swap3A_408], %get3A_407 {strides = array<i32>} : memref<64xi32, #tpu.memory_space<vmem>>, vector<16xi32>,
          %scan3A_410 = arith.constant 0 : i32
          scf.yield %scan3A_410 : i32
        }
        %scan3A_386 = arith.constant 4 : i32
        %dma_start3A_387 = arith.constant 0 : i32
        %dma_start3A_388 = arith.constant 0 : i32
        %dma_start3A_389 = tpu.memref_slice %arg2[%dma_start3A_387, %dma_start3A_388] : memref<20000x128xf32, #tpu.memory_space<hbm>> -> memref<20000x128xf32, #tpu.memory_space<hbm>>
        tpu.enqueue_indirect_dma source(%dma_start3A_389 : memref<20000x128xf32, #tpu.memory_space<hbm>>) target(%arg20 : memref<64x128xf32, #tpu.memory_space<vmem>>) offsets(%arg12 : memref<64xi32, #tpu.memory_space<vmem>>) semaphore(%arg25 : memref<!tpu.dma_semaphore, #tpu.memory_space<semaphore_mem>>)
      } else {
      }
      %dma_wait3A_316 = arith.constant 0 : i32
      %dma_wait3A_317 = arith.constant 0 : i32
      %dma_wait3A_318 = tpu.memref_slice %arg2[%dma_wait3A_316, %dma_wait3A_317] : memref<20000x128xf32, #tpu.memory_space<hbm>> -> memref<20000x128xf32, #tpu.memory_space<hbm>>
      tpu.wait_indirect_dma semaphore(%arg27 : memref<!tpu.dma_semaphore, #tpu.memory_space<semaphore_mem>>) src(%dma_wait3A_318 : memref<20000x128xf32, #tpu.memory_space<hbm>>) dst(%arg22 : memref<64x128xf32, #tpu.memory_space<vmem>>)
      %scan3A_319 = arith.constant 0 : i32
      %scan3A_320 = arith.constant 0 : i32
      %scan3A_321 = arith.constant 64 : i32
      %scan3A_322 = arith.addi %scan3A_320, %scan3A_321 : i32
      %scan3A_323 = arith.constant 1 : i32
      %scan3A_324 = scf.for %scan3A_378 = %scan3A_320 to %scan3A_322 step %scan3A_323 iter_args(%scan3A_379 = %scan3A_319) -> (i32)  : i32 {
        %broadcast_in_dim3A = arith.constant 0 : i32
        %broadcast_in_dim3A_380 = vector.broadcast %broadcast_in_dim3A : i32 to vector<16xi32>
        %mul3A_381 = arith.constant 64 : i32
        %mul3A_382 = arith.muli %add3A_284, %mul3A_381 : i32
        %add3A_383 = arith.addi %mul3A_382, %scan3A_378 : i32
        %add3A_384 = vector.broadcast %add3A_383 : i32 to vector<16xi32>
        %add3A_385 = arith.addi %broadcast_in_dim3A_380, %add3A_384 : vector<16xi32>
        %gather3A = tpu.vector_load_idx %arg10[%add3A_385] : memref<2560xf32, #tpu.memory_space<vmem>>[vector<16xi32>], vector<16xf32>,
        %gather3A_386 = tpu.vector_load_idx %arg11[%add3A_385] : memref<2560xf32, #tpu.memory_space<vmem>>[vector<16xi32>], vector<16xf32>,
        %get3A = arith.index_cast %scan3A_378 : i32 to index
        %get3A_387 = arith.constant 0 : index
        %get3A_388 = tpu.vector_load %arg22[%get3A, %get3A_387] {strides = array<i32>} : memref<64x128xf32, #tpu.memory_space<vmem>>, vector<16xf32>,
        %mul3A_389 = arith.mulf %get3A_388, %gather3A : vector<16xf32>
        %swap3A = arith.index_cast %scan3A_378 : i32 to index
        %swap3A_390 = arith.constant 0 : index
        %swap3A_391 = tpu.vector_load %arg22[%swap3A, %swap3A_390] {strides = array<i32>} : memref<64x128xf32, #tpu.memory_space<vmem>>, vector<16xf32>,
        tpu.vector_store %arg22[%swap3A, %swap3A_390], %mul3A_389 {strides = array<i32>} : memref<64x128xf32, #tpu.memory_space<vmem>>, vector<16xf32>,
        %get3A_392 = arith.index_cast %scan3A_378 : i32 to index
        %get3A_393 = arith.constant 16 : index
        %get3A_394 = tpu.vector_load %arg22[%get3A_392, %get3A_393] {strides = array<i32>} : memref<64x128xf32, #tpu.memory_space<vmem>>, vector<16xf32>,
        %mul3A_395 = arith.mulf %get3A_394, %gather3A : vector<16xf32>
        %swap3A_396 = arith.index_cast %scan3A_378 : i32 to index
        %swap3A_397 = arith.constant 16 : index
        %swap3A_398 = tpu.vector_load %arg22[%swap3A_396, %swap3A_397] {strides = array<i32>} : memref<64x128xf32, #tpu.memory_space<vmem>>, vector<16xf32>,
        tpu.vector_store %arg22[%swap3A_396, %swap3A_397], %mul3A_395 {strides = array<i32>} : memref<64x128xf32, #tpu.memory_space<vmem>>, vector<16xf32>,
        %get3A_399 = arith.index_cast %scan3A_378 : i32 to index
        %get3A_400 = arith.constant 32 : index
        %get3A_401 = tpu.vector_load %arg22[%get3A_399, %get3A_400] {strides = array<i32>} : memref<64x128xf32, #tpu.memory_space<vmem>>, vector<16xf32>,
        %mul3A_402 = arith.mulf %get3A_401, %gather3A : vector<16xf32>
        %swap3A_403 = arith.index_cast %scan3A_378 : i32 to index
        %swap3A_404 = arith.constant 32 : index
        %swap3A_405 = tpu.vector_load %arg22[%swap3A_403, %swap3A_404] {strides = array<i32>} : memref<64x128xf32, #tpu.memory_space<vmem>>, vector<16xf32>,
        tpu.vector_store %arg22[%swap3A_403, %swap3A_404], %mul3A_402 {strides = array<i32>} : memref<64x128xf32, #tpu.memory_space<vmem>>, vector<16xf32>,
        %get3A_406 = arith.index_cast %scan3A_378 : i32 to index
        %get3A_407 = arith.constant 48 : index
        %get3A_408 = tpu.vector_load %arg22[%get3A_406, %get3A_407] {strides = array<i32>} : memref<64x128xf32, #tpu.memory_space<vmem>>, vector<16xf32>,
        %mul3A_409 = arith.mulf %get3A_408, %gather3A : vector<16xf32>
        %swap3A_410 = arith.index_cast %scan3A_378 : i32 to index
        %swap3A_411 = arith.constant 48 : index
        %swap3A_412 = tpu.vector_load %arg22[%swap3A_410, %swap3A_411] {strides = array<i32>} : memref<64x128xf32, #tpu.memory_space<vmem>>, vector<16xf32>,
        tpu.vector_store %arg22[%swap3A_410, %swap3A_411], %mul3A_409 {strides = array<i32>} : memref<64x128xf32, #tpu.memory_space<vmem>>, vector<16xf32>,
        %get3A_413 = arith.index_cast %scan3A_378 : i32 to index
        %get3A_414 = arith.constant 64 : index
        %get3A_415 = tpu.vector_load %arg22[%get3A_413, %get3A_414] {strides = array<i32>} : memref<64x128xf32, #tpu.memory_space<vmem>>, vector<16xf32>,
        %mul3A_416 = arith.mulf %get3A_415, %gather3A_386 : vector<16xf32>
        %swap3A_417 = arith.index_cast %scan3A_378 : i32 to index
        %swap3A_418 = arith.constant 64 : index
        %swap3A_419 = tpu.vector_load %arg22[%swap3A_417, %swap3A_418] {strides = array<i32>} : memref<64x128xf32, #tpu.memory_space<vmem>>, vector<16xf32>,
        tpu.vector_store %arg22[%swap3A_417, %swap3A_418], %mul3A_416 {strides = array<i32>} : memref<64x128xf32, #tpu.memory_space<vmem>>, vector<16xf32>,
        %get3A_420 = arith.index_cast %scan3A_378 : i32 to index
        %get3A_421 = arith.constant 80 : index
        %get3A_422 = tpu.vector_load %arg22[%get3A_420, %get3A_421] {strides = array<i32>} : memref<64x128xf32, #tpu.memory_space<vmem>>, vector<16xf32>,
        %mul3A_423 = arith.mulf %get3A_422, %gather3A_386 : vector<16xf32>
        %swap3A_424 = arith.index_cast %scan3A_378 : i32 to index
        %swap3A_425 = arith.constant 80 : index
        %swap3A_426 = tpu.vector_load %arg22[%swap3A_424, %swap3A_425] {strides = array<i32>} : memref<64x128xf32, #tpu.memory_space<vmem>>, vector<16xf32>,
        tpu.vector_store %arg22[%swap3A_424, %swap3A_425], %mul3A_423 {strides = array<i32>} : memref<64x128xf32, #tpu.memory_space<vmem>>, vector<16xf32>,
        %get3A_427 = arith.index_cast %scan3A_378 : i32 to index
        %get3A_428 = arith.constant 96 : index
        %get3A_429 = tpu.vector_load %arg22[%get3A_427, %get3A_428] {strides = array<i32>} : memref<64x128xf32, #tpu.memory_space<vmem>>, vector<16xf32>,
        %mul3A_430 = arith.mulf %get3A_429, %gather3A_386 : vector<16xf32>
        %swap3A_431 = arith.index_cast %scan3A_378 : i32 to index
        %swap3A_432 = arith.constant 96 : index
        %swap3A_433 = tpu.vector_load %arg22[%swap3A_431, %swap3A_432] {strides = array<i32>} : memref<64x128xf32, #tpu.memory_space<vmem>>, vector<16xf32>,
        tpu.vector_store %arg22[%swap3A_431, %swap3A_432], %mul3A_430 {strides = array<i32>} : memref<64x128xf32, #tpu.memory_space<vmem>>, vector<16xf32>,
        %get3A_434 = arith.index_cast %scan3A_378 : i32 to index
        %get3A_435 = arith.constant 112 : index
        %get3A_436 = tpu.vector_load %arg22[%get3A_434, %get3A_435] {strides = array<i32>} : memref<64x128xf32, #tpu.memory_space<vmem>>, vector<16xf32>,
        %mul3A_437 = arith.mulf %get3A_436, %gather3A_386 : vector<16xf32>
        %swap3A_438 = arith.index_cast %scan3A_378 : i32 to index
        %swap3A_439 = arith.constant 112 : index
        %swap3A_440 = tpu.vector_load %arg22[%swap3A_438, %swap3A_439] {strides = array<i32>} : memref<64x128xf32, #tpu.memory_space<vmem>>, vector<16xf32>,
        tpu.vector_store %arg22[%swap3A_438, %swap3A_439], %mul3A_437 {strides = array<i32>} : memref<64x128xf32, #tpu.memory_space<vmem>>, vector<16xf32>,
        %scan3A_441 = arith.constant 0 : i32
        scf.yield %scan3A_441 : i32
      }
      %scan3A_325 = arith.constant 64 : i32
      %dma_start3A_326 = arith.constant 0 : i32
      %dma_start3A_327 = arith.constant 0 : i32
      %dma_start3A_328 = tpu.memref_slice %arg24[%dma_start3A_326, %dma_start3A_327] : memref<10112x128xf32, #tpu.memory_space<vmem_shared>> -> memref<10112x128xf32, #tpu.memory_space<vmem_shared>>
      tpu.enqueue_indirect_dma source(%arg22 : memref<64x128xf32, #tpu.memory_space<vmem>>) target(%dma_start3A_328 : memref<10112x128xf32, #tpu.memory_space<vmem_shared>>) offsets(%arg18 : memref<64xi32, #tpu.memory_space<vmem>>) semaphore(%arg31 : memref<!tpu.dma_semaphore, #tpu.memory_space<semaphore_mem>>) {add = true}
      %mul3A_329 = arith.constant 4 : i32
      %mul3A_330 = arith.muli %mul3A_329, %scan3A_188 : i32
      %add3A_331 = arith.constant 3 : i32
      %add3A_332 = arith.addi %mul3A_330, %add3A_331 : i32
      %mul3A_333 = arith.constant 4 : i32
      %mul3A_334 = arith.muli %mul3A_333, %scan3A_188 : i32
      %add3A_335 = arith.constant 3 : i32
      %add3A_336 = arith.addi %mul3A_334, %add3A_335 : i32
      %add3A_337 = arith.constant 2 : i32
      %add3A_338 = arith.addi %add3A_336, %add3A_337 : i32
      %lt3A_339 = arith.constant 40 : i32
      %lt3A_340 = arith.cmpi slt, %add3A_338, %lt3A_339 : i32
      %mul3A_341 = arith.constant 4 : i32
      %mul3A_342 = arith.muli %mul3A_341, %scan3A_188 : i32
      %add3A_343 = arith.constant 3 : i32
      %add3A_344 = arith.addi %mul3A_342, %add3A_343 : i32
      %add3A_345 = arith.constant 2 : i32
      %add3A_346 = arith.addi %add3A_344, %add3A_345 : i32
      %ge3A_347 = arith.constant 4 : i32
      %ge3A_348 = arith.cmpi sge, %add3A_346, %ge3A_347 : i32
      %and3A_349 = arith.andi %lt3A_340, %ge3A_348 : i1
      %convert_element_type3A_350 = arith.extui %and3A_349 : i1 to i32
      %cond3A_351 = arith.constant 0 : i32
      %cond3A_352 = arith.cmpi ne, %convert_element_type3A_350, %cond3A_351 : i32
      scf.if %cond3A_352 {
        %dma_wait3A_378 = arith.constant 0 : i32
        %dma_wait3A_379 = arith.constant 0 : i32
        %dma_wait3A_380 = tpu.memref_slice %arg24[%dma_wait3A_378, %dma_wait3A_379] : memref<10112x128xf32, #tpu.memory_space<vmem_shared>> -> memref<10112x128xf32, #tpu.memory_space<vmem_shared>>
        tpu.wait_indirect_dma semaphore(%arg30 : memref<!tpu.dma_semaphore, #tpu.memory_space<semaphore_mem>>) src(%arg21 : memref<64x128xf32, #tpu.memory_space<vmem>>) dst(%dma_wait3A_380 : memref<10112x128xf32, #tpu.memory_space<vmem_shared>>)
      } else {
      }
      %mul3A_353 = arith.constant 4 : i32
      %mul3A_354 = arith.muli %mul3A_353, %scan3A_188 : i32
      %add3A_355 = arith.constant 3 : i32
      %add3A_356 = arith.addi %mul3A_354, %add3A_355 : i32
      %add3A_357 = arith.constant 2 : i32
      %add3A_358 = arith.addi %add3A_356, %add3A_357 : i32
      %lt3A_359 = arith.constant 40 : i32
      %lt3A_360 = arith.cmpi slt, %add3A_358, %lt3A_359 : i32
      %convert_element_type3A_361 = arith.extui %lt3A_360 : i1 to i32
      %cond3A_362 = arith.constant 0 : i32
      %cond3A_363 = arith.cmpi ne, %convert_element_type3A_361, %cond3A_362 : i32
      scf.if %cond3A_363 {
        %add3A_378 = arith.constant 2 : i32
        %add3A_379 = arith.addi %add3A_332, %add3A_378 : i32
        %scan3A_380 = arith.constant 0 : i32
        %scan3A_381 = arith.constant 0 : i32
        %scan3A_382 = arith.constant 4 : i32
        %scan3A_383 = arith.addi %scan3A_381, %scan3A_382 : i32
        %scan3A_384 = arith.constant 1 : i32
        %scan3A_385 = scf.for %scan3A_390 = %scan3A_381 to %scan3A_383 step %scan3A_384 iter_args(%scan3A_391 = %scan3A_380) -> (i32)  : i32 {
          %mul3A_392 = arith.constant 64 : i32
          %mul3A_393 = arith.muli %add3A_379, %mul3A_392 : i32
          %mul3A_394 = arith.constant 16 : i32
          %mul3A_395 = arith.muli %scan3A_390, %mul3A_394 : i32
          %add3A_396 = arith.addi %mul3A_393, %mul3A_395 : i32
          %mul3A_397 = arith.constant 16 : i32
          %mul3A_398 = arith.muli %scan3A_390, %mul3A_397 : i32
          %get3A = arith.index_cast %add3A_396 : i32 to index
          %get3A_399 = tpu.vector_load %arg8[%get3A] {strides = array<i32>} : memref<2560xi32, #tpu.memory_space<vmem>>, vector<16xi32>,
          %mul3A_400 = arith.constant 2 : i32
          %mul3A_401 = vector.broadcast %mul3A_400 : i32 to vector<16xi32>
          %mul3A_402 = arith.muli %get3A_399, %mul3A_401 : vector<16xi32>
          %add3A_403 = vector.broadcast %arg0 : i32 to vector<16xi32>
          %add3A_404 = arith.addi %mul3A_402, %add3A_403 : vector<16xi32>
          %swap3A = arith.index_cast %mul3A_398 : i32 to index
          %swap3A_405 = tpu.vector_load %arg13[%swap3A] {strides = array<i32>} : memref<64xi32, #tpu.memory_space<vmem>>, vector<16xi32>,
          tpu.vector_store %arg13[%swap3A], %add3A_404 {strides = array<i32>} : memref<64xi32, #tpu.memory_space<vmem>>, vector<16xi32>,
          %get3A_406 = arith.index_cast %add3A_396 : i32 to index
          %get3A_407 = tpu.vector_load %arg9[%get3A_406] {strides = array<i32>} : memref<2560xi32, #tpu.memory_space<vmem>>, vector<16xi32>,
          %swap3A_408 = arith.index_cast %mul3A_398 : i32 to index
          %swap3A_409 = tpu.vector_load %arg17[%swap3A_408] {strides = array<i32>} : memref<64xi32, #tpu.memory_space<vmem>>, vector<16xi32>,
          tpu.vector_store %arg17[%swap3A_408], %get3A_407 {strides = array<i32>} : memref<64xi32, #tpu.memory_space<vmem>>, vector<16xi32>,
          %scan3A_410 = arith.constant 0 : i32
          scf.yield %scan3A_410 : i32
        }
        %scan3A_386 = arith.constant 4 : i32
        %dma_start3A_387 = arith.constant 0 : i32
        %dma_start3A_388 = arith.constant 0 : i32
        %dma_start3A_389 = tpu.memref_slice %arg2[%dma_start3A_387, %dma_start3A_388] : memref<20000x128xf32, #tpu.memory_space<hbm>> -> memref<20000x128xf32, #tpu.memory_space<hbm>>
        tpu.enqueue_indirect_dma source(%dma_start3A_389 : memref<20000x128xf32, #tpu.memory_space<hbm>>) target(%arg21 : memref<64x128xf32, #tpu.memory_space<vmem>>) offsets(%arg13 : memref<64xi32, #tpu.memory_space<vmem>>) semaphore(%arg26 : memref<!tpu.dma_semaphore, #tpu.memory_space<semaphore_mem>>)
      } else {
      }
      %dma_wait3A_364 = arith.constant 0 : i32
      %dma_wait3A_365 = arith.constant 0 : i32
      %dma_wait3A_366 = tpu.memref_slice %arg2[%dma_wait3A_364, %dma_wait3A_365] : memref<20000x128xf32, #tpu.memory_space<hbm>> -> memref<20000x128xf32, #tpu.memory_space<hbm>>
      tpu.wait_indirect_dma semaphore(%arg28 : memref<!tpu.dma_semaphore, #tpu.memory_space<semaphore_mem>>) src(%dma_wait3A_366 : memref<20000x128xf32, #tpu.memory_space<hbm>>) dst(%arg23 : memref<64x128xf32, #tpu.memory_space<vmem>>)
      %scan3A_367 = arith.constant 0 : i32
      %scan3A_368 = arith.constant 0 : i32
      %scan3A_369 = arith.constant 64 : i32
      %scan3A_370 = arith.addi %scan3A_368, %scan3A_369 : i32
      %scan3A_371 = arith.constant 1 : i32
      %scan3A_372 = scf.for %scan3A_378 = %scan3A_368 to %scan3A_370 step %scan3A_371 iter_args(%scan3A_379 = %scan3A_367) -> (i32)  : i32 {
        %broadcast_in_dim3A = arith.constant 0 : i32
        %broadcast_in_dim3A_380 = vector.broadcast %broadcast_in_dim3A : i32 to vector<16xi32>
        %mul3A_381 = arith.constant 64 : i32
        %mul3A_382 = arith.muli %add3A_332, %mul3A_381 : i32
        %add3A_383 = arith.addi %mul3A_382, %scan3A_378 : i32
        %add3A_384 = vector.broadcast %add3A_383 : i32 to vector<16xi32>
        %add3A_385 = arith.addi %broadcast_in_dim3A_380, %add3A_384 : vector<16xi32>
        %gather3A = tpu.vector_load_idx %arg10[%add3A_385] : memref<2560xf32, #tpu.memory_space<vmem>>[vector<16xi32>], vector<16xf32>,
        %gather3A_386 = tpu.vector_load_idx %arg11[%add3A_385] : memref<2560xf32, #tpu.memory_space<vmem>>[vector<16xi32>], vector<16xf32>,
        %get3A = arith.index_cast %scan3A_378 : i32 to index
        %get3A_387 = arith.constant 0 : index
        %get3A_388 = tpu.vector_load %arg23[%get3A, %get3A_387] {strides = array<i32>} : memref<64x128xf32, #tpu.memory_space<vmem>>, vector<16xf32>,
        %mul3A_389 = arith.mulf %get3A_388, %gather3A : vector<16xf32>
        %swap3A = arith.index_cast %scan3A_378 : i32 to index
        %swap3A_390 = arith.constant 0 : index
        %swap3A_391 = tpu.vector_load %arg23[%swap3A, %swap3A_390] {strides = array<i32>} : memref<64x128xf32, #tpu.memory_space<vmem>>, vector<16xf32>,
        tpu.vector_store %arg23[%swap3A, %swap3A_390], %mul3A_389 {strides = array<i32>} : memref<64x128xf32, #tpu.memory_space<vmem>>, vector<16xf32>,
        %get3A_392 = arith.index_cast %scan3A_378 : i32 to index
        %get3A_393 = arith.constant 16 : index
        %get3A_394 = tpu.vector_load %arg23[%get3A_392, %get3A_393] {strides = array<i32>} : memref<64x128xf32, #tpu.memory_space<vmem>>, vector<16xf32>,
        %mul3A_395 = arith.mulf %get3A_394, %gather3A : vector<16xf32>
        %swap3A_396 = arith.index_cast %scan3A_378 : i32 to index
        %swap3A_397 = arith.constant 16 : index
        %swap3A_398 = tpu.vector_load %arg23[%swap3A_396, %swap3A_397] {strides = array<i32>} : memref<64x128xf32, #tpu.memory_space<vmem>>, vector<16xf32>,
        tpu.vector_store %arg23[%swap3A_396, %swap3A_397], %mul3A_395 {strides = array<i32>} : memref<64x128xf32, #tpu.memory_space<vmem>>, vector<16xf32>,
        %get3A_399 = arith.index_cast %scan3A_378 : i32 to index
        %get3A_400 = arith.constant 32 : index
        %get3A_401 = tpu.vector_load %arg23[%get3A_399, %get3A_400] {strides = array<i32>} : memref<64x128xf32, #tpu.memory_space<vmem>>, vector<16xf32>,
        %mul3A_402 = arith.mulf %get3A_401, %gather3A : vector<16xf32>
        %swap3A_403 = arith.index_cast %scan3A_378 : i32 to index
        %swap3A_404 = arith.constant 32 : index
        %swap3A_405 = tpu.vector_load %arg23[%swap3A_403, %swap3A_404] {strides = array<i32>} : memref<64x128xf32, #tpu.memory_space<vmem>>, vector<16xf32>,
        tpu.vector_store %arg23[%swap3A_403, %swap3A_404], %mul3A_402 {strides = array<i32>} : memref<64x128xf32, #tpu.memory_space<vmem>>, vector<16xf32>,
        %get3A_406 = arith.index_cast %scan3A_378 : i32 to index
        %get3A_407 = arith.constant 48 : index
        %get3A_408 = tpu.vector_load %arg23[%get3A_406, %get3A_407] {strides = array<i32>} : memref<64x128xf32, #tpu.memory_space<vmem>>, vector<16xf32>,
        %mul3A_409 = arith.mulf %get3A_408, %gather3A : vector<16xf32>
        %swap3A_410 = arith.index_cast %scan3A_378 : i32 to index
        %swap3A_411 = arith.constant 48 : index
        %swap3A_412 = tpu.vector_load %arg23[%swap3A_410, %swap3A_411] {strides = array<i32>} : memref<64x128xf32, #tpu.memory_space<vmem>>, vector<16xf32>,
        tpu.vector_store %arg23[%swap3A_410, %swap3A_411], %mul3A_409 {strides = array<i32>} : memref<64x128xf32, #tpu.memory_space<vmem>>, vector<16xf32>,
        %get3A_413 = arith.index_cast %scan3A_378 : i32 to index
        %get3A_414 = arith.constant 64 : index
        %get3A_415 = tpu.vector_load %arg23[%get3A_413, %get3A_414] {strides = array<i32>} : memref<64x128xf32, #tpu.memory_space<vmem>>, vector<16xf32>,
        %mul3A_416 = arith.mulf %get3A_415, %gather3A_386 : vector<16xf32>
        %swap3A_417 = arith.index_cast %scan3A_378 : i32 to index
        %swap3A_418 = arith.constant 64 : index
        %swap3A_419 = tpu.vector_load %arg23[%swap3A_417, %swap3A_418] {strides = array<i32>} : memref<64x128xf32, #tpu.memory_space<vmem>>, vector<16xf32>,
        tpu.vector_store %arg23[%swap3A_417, %swap3A_418], %mul3A_416 {strides = array<i32>} : memref<64x128xf32, #tpu.memory_space<vmem>>, vector<16xf32>,
        %get3A_420 = arith.index_cast %scan3A_378 : i32 to index
        %get3A_421 = arith.constant 80 : index
        %get3A_422 = tpu.vector_load %arg23[%get3A_420, %get3A_421] {strides = array<i32>} : memref<64x128xf32, #tpu.memory_space<vmem>>, vector<16xf32>,
        %mul3A_423 = arith.mulf %get3A_422, %gather3A_386 : vector<16xf32>
        %swap3A_424 = arith.index_cast %scan3A_378 : i32 to index
        %swap3A_425 = arith.constant 80 : index
        %swap3A_426 = tpu.vector_load %arg23[%swap3A_424, %swap3A_425] {strides = array<i32>} : memref<64x128xf32, #tpu.memory_space<vmem>>, vector<16xf32>,
        tpu.vector_store %arg23[%swap3A_424, %swap3A_425], %mul3A_423 {strides = array<i32>} : memref<64x128xf32, #tpu.memory_space<vmem>>, vector<16xf32>,
        %get3A_427 = arith.index_cast %scan3A_378 : i32 to index
        %get3A_428 = arith.constant 96 : index
        %get3A_429 = tpu.vector_load %arg23[%get3A_427, %get3A_428] {strides = array<i32>} : memref<64x128xf32, #tpu.memory_space<vmem>>, vector<16xf32>,
        %mul3A_430 = arith.mulf %get3A_429, %gather3A_386 : vector<16xf32>
        %swap3A_431 = arith.index_cast %scan3A_378 : i32 to index
        %swap3A_432 = arith.constant 96 : index
        %swap3A_433 = tpu.vector_load %arg23[%swap3A_431, %swap3A_432] {strides = array<i32>} : memref<64x128xf32, #tpu.memory_space<vmem>>, vector<16xf32>,
        tpu.vector_store %arg23[%swap3A_431, %swap3A_432], %mul3A_430 {strides = array<i32>} : memref<64x128xf32, #tpu.memory_space<vmem>>, vector<16xf32>,
        %get3A_434 = arith.index_cast %scan3A_378 : i32 to index
        %get3A_435 = arith.constant 112 : index
        %get3A_436 = tpu.vector_load %arg23[%get3A_434, %get3A_435] {strides = array<i32>} : memref<64x128xf32, #tpu.memory_space<vmem>>, vector<16xf32>,
        %mul3A_437 = arith.mulf %get3A_436, %gather3A_386 : vector<16xf32>
        %swap3A_438 = arith.index_cast %scan3A_378 : i32 to index
        %swap3A_439 = arith.constant 112 : index
        %swap3A_440 = tpu.vector_load %arg23[%swap3A_438, %swap3A_439] {strides = array<i32>} : memref<64x128xf32, #tpu.memory_space<vmem>>, vector<16xf32>,
        tpu.vector_store %arg23[%swap3A_438, %swap3A_439], %mul3A_437 {strides = array<i32>} : memref<64x128xf32, #tpu.memory_space<vmem>>, vector<16xf32>,
        %scan3A_441 = arith.constant 0 : i32
        scf.yield %scan3A_441 : i32
      }
      %scan3A_373 = arith.constant 64 : i32
      %dma_start3A_374 = arith.constant 0 : i32
      %dma_start3A_375 = arith.constant 0 : i32
      %dma_start3A_376 = tpu.memref_slice %arg24[%dma_start3A_374, %dma_start3A_375] : memref<10112x128xf32, #tpu.memory_space<vmem_shared>> -> memref<10112x128xf32, #tpu.memory_space<vmem_shared>>
      tpu.enqueue_indirect_dma source(%arg23 : memref<64x128xf32, #tpu.memory_space<vmem>>) target(%dma_start3A_376 : memref<10112x128xf32, #tpu.memory_space<vmem_shared>>) offsets(%arg19 : memref<64xi32, #tpu.memory_space<vmem>>) semaphore(%arg32 : memref<!tpu.dma_semaphore, #tpu.memory_space<semaphore_mem>>) {add = true}
      %scan3A_377 = arith.constant 0 : i32
      scf.yield %scan3A_377 : i32
    }
    %scan3A_180 = arith.constant 10 : i32
    %dma_wait3A_181 = arith.constant 0 : i32
    %dma_wait3A_182 = arith.constant 0 : i32
    %dma_wait3A_183 = tpu.memref_slice %arg24[%dma_wait3A_181, %dma_wait3A_182] : memref<10112x128xf32, #tpu.memory_space<vmem_shared>> -> memref<10112x128xf32, #tpu.memory_space<vmem_shared>>
    tpu.wait_indirect_dma semaphore(%arg31 : memref<!tpu.dma_semaphore, #tpu.memory_space<semaphore_mem>>) src(%arg22 : memref<64x128xf32, #tpu.memory_space<vmem>>) dst(%dma_wait3A_183 : memref<10112x128xf32, #tpu.memory_space<vmem_shared>>)
    %dma_wait3A_184 = arith.constant 0 : i32
    %dma_wait3A_185 = arith.constant 0 : i32
    %dma_wait3A_186 = tpu.memref_slice %arg24[%dma_wait3A_184, %dma_wait3A_185] : memref<10112x128xf32, #tpu.memory_space<vmem_shared>> -> memref<10112x128xf32, #tpu.memory_space<vmem_shared>>
    tpu.wait_indirect_dma semaphore(%arg32 : memref<!tpu.dma_semaphore, #tpu.memory_space<semaphore_mem>>) src(%arg23 : memref<64x128xf32, #tpu.memory_space<vmem>>) dst(%dma_wait3A_186 : memref<10112x128xf32, #tpu.memory_space<vmem_shared>>)
    %barrier3A_187 = arith.constant 0 : index
    tpu.barrier barrier_id(%barrier3A_187)
    "tpu.region"() ({
      %run_scoped3A = tpu.sem_alloc : memref<!tpu.dma_semaphore, #tpu.memory_space<semaphore_mem>>
      %dma_start3A_188 = arith.constant 0 : i32
      %dma_start3A_189 = tpu.memref_slice %arg7[%arg0, %mul3A_0, %dma_start3A_188] : memref<2x10112x128xf32, #tpu.memory_space<hbm>> -> memref<1x632x128xf32, #tpu.memory_space<hbm>>
      %dma_start3A_190 = tpu.memref_squeeze %dma_start3A_189 : memref<1x632x128xf32, #tpu.memory_space<hbm>> -> memref<632x128xf32, #tpu.memory_space<hbm>>
      %dma_start3A_191 = arith.constant 0 : i32
      %dma_start3A_192 = tpu.memref_slice %arg24[%mul3A_0, %dma_start3A_191] : memref<10112x128xf32, #tpu.memory_space<vmem_shared>> -> memref<632x128xf32, #tpu.memory_space<vmem_shared>>
      tpu.enqueue_dma source(%dma_start3A_192 : memref<632x128xf32, #tpu.memory_space<vmem_shared>>) target(%dma_start3A_190 : memref<632x128xf32, #tpu.memory_space<hbm>>) target_semaphore(%run_scoped3A : memref<!tpu.dma_semaphore, #tpu.memory_space<semaphore_mem>>)
      %dma_wait3A_193 = arith.constant 0 : i32
      %dma_wait3A_194 = tpu.memref_slice %arg7[%arg0, %mul3A_0, %dma_wait3A_193] : memref<2x10112x128xf32, #tpu.memory_space<hbm>> -> memref<1x632x128xf32, #tpu.memory_space<hbm>>
      %dma_wait3A_195 = tpu.memref_squeeze %dma_wait3A_194 : memref<1x632x128xf32, #tpu.memory_space<hbm>> -> memref<632x128xf32, #tpu.memory_space<hbm>>
      %dma_wait3A_196 = arith.constant 0 : i32
      %dma_wait3A_197 = tpu.memref_slice %arg24[%mul3A_0, %dma_wait3A_196] : memref<10112x128xf32, #tpu.memory_space<vmem_shared>> -> memref<632x128xf32, #tpu.memory_space<vmem_shared>>
      tpu.wait_dma2 semaphore(%run_scoped3A : memref<!tpu.dma_semaphore, #tpu.memory_space<semaphore_mem>>) src(%dma_wait3A_197 : memref<632x128xf32, #tpu.memory_space<vmem_shared>>) dst(%dma_wait3A_195 : memref<632x128xf32, #tpu.memory_space<hbm>>)
      tpu.yield
    }) : () -> ()
    return
  }
}

module attributes {stable_mosaic.version = 14 : i64} {
  func.func @_pre_body(%arg0: i32, %arg1: memref<1000x256xf32, #tpu.memory_space<vmem>>, %arg2: memref<256x256xf32, #tpu.memory_space<vmem>>, %arg3: memref<1x256xf32, #tpu.memory_space<vmem>>, %arg4: memref<1x256xf32, #tpu.memory_space<vmem>>, %arg5: memref<1000x256xf32, #tpu.memory_space<vmem>>, %arg6: memref<1000x4xf32, #tpu.memory_space<vmem>>, %arg7: memref<1000x4xf32, #tpu.memory_space<vmem>>) attributes {dimension_semantics = [#tpu.dimension_semantics<arbitrary>], iteration_bounds = array<i64: 10>, scalar_prefetch = 0 : i64, scratch_operands = 0 : i64, tpu.core_type = #tpu.core_type<tc>, window_params = [{transform_indices = @transform_0, window_bounds = array<i64: 1000, 256>}, {pipeline_mode = #tpu.pipeline_mode<synchronous>, transform_indices = @transform_1, window_bounds = array<i64: 256, 256>}, {pipeline_mode = #tpu.pipeline_mode<synchronous>, transform_indices = @transform_2, window_bounds = array<i64: 1, 256>}, {pipeline_mode = #tpu.pipeline_mode<synchronous>, transform_indices = @transform_3, window_bounds = array<i64: 1, 256>}, {transform_indices = @transform_4, window_bounds = array<i64: 1000, 256>}, {transform_indices = @transform_5, window_bounds = array<i64: 1000, 4>}, {transform_indices = @transform_6, window_bounds = array<i64: 1000, 4>}]} {
    %get3A = arith.constant 0 : index
    %get3A_0 = arith.constant 0 : index
    %get3A_1 = vector.load %arg1[%get3A, %get3A_0] : memref<1000x256xf32, #tpu.memory_space<vmem>>, vector<1000x256xf32>
    %get3A_2 = arith.constant 0 : index
    %get3A_3 = arith.constant 0 : index
    %get3A_4 = vector.load %arg2[%get3A_2, %get3A_3] : memref<256x256xf32, #tpu.memory_space<vmem>>, vector<256x256xf32>
    %dot_general3A = arith.constant dense<0.000000e+00> : vector<1000x256xf32>
    %dot_general3A_5 = tpu.matmul %get3A_1, %get3A_4, %dot_general3A {dimension_numbers = #tpu.dot_dimension_numbers<[1], [0], [0], [1], [0, 0, 1, 1], [], []>, transpose_lhs_hint = false} : vector<1000x256xf32>, vector<256x256xf32>, vector<1000x256xf32> -> vector<1000x256xf32>
    %swap3A = arith.constant 0 : index
    %swap3A_6 = arith.constant 0 : index
    %swap3A_7 = vector.load %arg5[%swap3A, %swap3A_6] : memref<1000x256xf32, #tpu.memory_space<vmem>>, vector<1000x256xf32>
    tpu.vector_store %arg5[%swap3A, %swap3A_6], %dot_general3A_5 {strides = array<i32>} : memref<1000x256xf32, #tpu.memory_space<vmem>>, vector<1000x256xf32>,
    %iota3A = tpu.iota {dimensions = array<i32: 0>} : vector<256x4xi32>
    %jit3A = arith.constant 64 : i32
    %div3A = vector.broadcast %jit3A : i32 to vector<256x4xi32>
    %div3A_8 = arith.divsi %iota3A, %div3A : vector<256x4xi32>
    %sign3A = arith.constant 0 : i32
    %sign3A_9 = vector.broadcast %sign3A : i32 to vector<256x4xi32>
    %sign3A_10 = arith.cmpi sgt, %iota3A, %sign3A_9 : vector<256x4xi32>
    %sign3A_11 = arith.extui %sign3A_10 : vector<256x4xi1> to vector<256x4xi32>
    %sign3A_12 = arith.constant 0 : i32
    %sign3A_13 = vector.broadcast %sign3A_12 : i32 to vector<256x4xi32>
    %sign3A_14 = arith.cmpi slt, %iota3A, %sign3A_13 : vector<256x4xi32>
    %sign3A_15 = arith.extui %sign3A_14 : vector<256x4xi1> to vector<256x4xi32>
    %sign3A_16 = arith.subi %sign3A_11, %sign3A_15 : vector<256x4xi32>
    %sign3A_17 = arith.constant 0 : i32
    %sign3A_18 = arith.cmpi sgt, %jit3A, %sign3A_17 : i32
    %sign3A_19 = arith.extui %sign3A_18 : i1 to i32
    %sign3A_20 = arith.constant 0 : i32
    %sign3A_21 = arith.cmpi slt, %jit3A, %sign3A_20 : i32
    %sign3A_22 = arith.extui %sign3A_21 : i1 to i32
    %sign3A_23 = arith.subi %sign3A_19, %sign3A_22 : i32
    %ne3A = vector.broadcast %sign3A_23 : i32 to vector<256x4xi32>
    %ne3A_24 = arith.cmpi ne, %sign3A_16, %ne3A : vector<256x4xi32>
    %rem3A = vector.broadcast %jit3A : i32 to vector<256x4xi32>
    %rem3A_25 = arith.remsi %iota3A, %rem3A : vector<256x4xi32>
    %ne3A_26 = arith.constant 0 : i32
    %ne3A_27 = vector.broadcast %ne3A_26 : i32 to vector<256x4xi32>
    %ne3A_28 = arith.cmpi ne, %rem3A_25, %ne3A_27 : vector<256x4xi32>
    %and3A = arith.andi %ne3A_24, %ne3A_28 : vector<256x4xi1>
    %sub3A = arith.constant 1 : i32
    %sub3A_29 = vector.broadcast %sub3A : i32 to vector<256x4xi32>
    %sub3A_30 = arith.subi %div3A_8, %sub3A_29 : vector<256x4xi32>
    %select_n3A = arith.select %and3A, %sub3A_30, %div3A_8 : vector<256x4xi1>, vector<256x4xi32>
    %iota3A_31 = tpu.iota {dimensions = array<i32: 1>} : vector<256x4xi32>
    %eq3A = arith.cmpi eq, %select_n3A, %iota3A_31 : vector<256x4xi32>
    %convert_element_type3A = arith.extui %eq3A : vector<256x4xi1> to vector<256x4xi32>
    %convert_element_type3A_32 = arith.sitofp %convert_element_type3A : vector<256x4xi32> to vector<256x4xf32>
    %get3A_33 = arith.constant 0 : index
    %get3A_34 = arith.constant 0 : index
    %get3A_35 = vector.load %arg3[%get3A_33, %get3A_34] : memref<1x256xf32, #tpu.memory_space<vmem>>, vector<1x256xf32>
    %mul3A = vector.broadcast %get3A_35 : vector<1x256xf32> to vector<1000x256xf32>
    %mul3A_36 = arith.mulf %dot_general3A_5, %mul3A : vector<1000x256xf32>
    %dot_general3A_37 = arith.constant dense<0.000000e+00> : vector<1000x4xf32>
    %dot_general3A_38 = tpu.matmul %mul3A_36, %convert_element_type3A_32, %dot_general3A_37 {dimension_numbers = #tpu.dot_dimension_numbers<[1], [0], [0], [1], [0, 0, 1, 1], [], []>, transpose_lhs_hint = false} : vector<1000x256xf32>, vector<256x4xf32>, vector<1000x4xf32> -> vector<1000x4xf32>
    %swap3A_39 = arith.constant 0 : index
    %swap3A_40 = arith.constant 0 : index
    %swap3A_41 = vector.load %arg6[%swap3A_39, %swap3A_40] : memref<1000x4xf32, #tpu.memory_space<vmem>>, vector<1000x4xf32>
    tpu.vector_store %arg6[%swap3A_39, %swap3A_40], %dot_general3A_38 {strides = array<i32>} : memref<1000x4xf32, #tpu.memory_space<vmem>>, vector<1000x4xf32>,
    %get3A_42 = arith.constant 0 : index
    %get3A_43 = arith.constant 0 : index
    %get3A_44 = vector.load %arg4[%get3A_42, %get3A_43] : memref<1x256xf32, #tpu.memory_space<vmem>>, vector<1x256xf32>
    %mul3A_45 = vector.broadcast %get3A_44 : vector<1x256xf32> to vector<1000x256xf32>
    %mul3A_46 = arith.mulf %dot_general3A_5, %mul3A_45 : vector<1000x256xf32>
    %dot_general3A_47 = arith.constant dense<0.000000e+00> : vector<1000x4xf32>
    %dot_general3A_48 = tpu.matmul %mul3A_46, %convert_element_type3A_32, %dot_general3A_47 {dimension_numbers = #tpu.dot_dimension_numbers<[1], [0], [0], [1], [0, 0, 1, 1], [], []>, transpose_lhs_hint = false} : vector<1000x256xf32>, vector<256x4xf32>, vector<1000x4xf32> -> vector<1000x4xf32>
    %swap3A_49 = arith.constant 0 : index
    %swap3A_50 = arith.constant 0 : index
    %swap3A_51 = vector.load %arg7[%swap3A_49, %swap3A_50] : memref<1000x4xf32, #tpu.memory_space<vmem>>, vector<1000x4xf32>
    tpu.vector_store %arg7[%swap3A_49, %swap3A_50], %dot_general3A_48 {strides = array<i32>} : memref<1000x4xf32, #tpu.memory_space<vmem>>, vector<1000x4xf32>,
    return
  }
  func.func @transform_0(%arg0: i32) -> (i32, i32) {
    %c0_i32 = arith.constant 0 : i32
    %c0_i32_0 = arith.constant 0 : i32
    return %arg0, %c0_i32 : i32, i32
  }
  func.func @transform_1(%arg0: i32) -> (i32, i32) {
    %c0_i32 = arith.constant 0 : i32
    %c0_i32_0 = arith.constant 0 : i32
    %c0_i32_1 = arith.constant 0 : i32
    return %c0_i32, %c0_i32_0 : i32, i32
  }
  func.func @transform_2(%arg0: i32) -> (i32, i32) {
    %c0_i32 = arith.constant 0 : i32
    %c0_i32_0 = arith.constant 0 : i32
    %c0_i32_1 = arith.constant 0 : i32
    return %c0_i32, %c0_i32_0 : i32, i32
  }
  func.func @transform_3(%arg0: i32) -> (i32, i32) {
    %c0_i32 = arith.constant 0 : i32
    %c0_i32_0 = arith.constant 0 : i32
    %c0_i32_1 = arith.constant 0 : i32
    return %c0_i32, %c0_i32_0 : i32, i32
  }
  func.func @transform_4(%arg0: i32) -> (i32, i32) {
    %c0_i32 = arith.constant 0 : i32
    %c0_i32_0 = arith.constant 0 : i32
    return %arg0, %c0_i32 : i32, i32
  }
  func.func @transform_5(%arg0: i32) -> (i32, i32) {
    %c0_i32 = arith.constant 0 : i32
    %c0_i32_0 = arith.constant 0 : i32
    return %arg0, %c0_i32 : i32, i32
  }
  func.func @transform_6(%arg0: i32) -> (i32, i32) {
    %c0_i32 = arith.constant 0 : i32
    %c0_i32_0 = arith.constant 0 : i32
    return %arg0, %c0_i32 : i32, i32
  }
}

module attributes {stable_mosaic.version = 14 : i64} {
  func.func @_dred_body(%arg0: memref<2x2x16x10112xf32, #tpu.memory_space<vmem>>, %arg1: memref<10112x4xf32, #tpu.memory_space<vmem>>) attributes {dimension_semantics = [], scalar_prefetch = 0 : i64, scratch_operands = 0 : i64, tpu.core_type = #tpu.core_type<tc>} {
    %get3A = arith.constant 0 : index
    %get3A_0 = arith.constant 0 : index
    %get3A_1 = arith.constant 0 : index
    %get3A_2 = arith.constant 0 : index
    %get3A_3 = vector.load %arg0[%get3A, %get3A_0, %get3A_1, %get3A_2] : memref<2x2x16x10112xf32, #tpu.memory_space<vmem>>, vector<1x1x16x10112xf32>
    %get3A_4 = vector.shape_cast %get3A_3 : vector<1x1x16x10112xf32> to vector<16x10112xf32>
    %reduce_sum3A = arith.constant dense<0.000000e+00> : vector<10112xf32>
    %reduce_sum3A_5 = vector.multi_reduction <add>, %get3A_4, %reduce_sum3A [0] : vector<16x10112xf32> to vector<10112xf32>
    %broadcast_in_dim3A = vector.shape_cast %reduce_sum3A_5 : vector<10112xf32> to vector<1x10112xf32>
    %max3A = arith.constant 9.99999993E-9 : f32
    %max3A_6 = vector.broadcast %max3A : f32 to vector<1x10112xf32>
    %max3A_7 = arith.maximumf %broadcast_in_dim3A, %max3A_6 : vector<1x10112xf32>
    %div3A = arith.constant 1.000000e+00 : f32
    %div3A_8 = vector.broadcast %div3A : f32 to vector<1x10112xf32>
    %div3A_9 = arith.divf %div3A_8, %max3A_7 : vector<1x10112xf32>
    %transpose3A = tpu.transpose %div3A_9, [1, 0] : vector<1x10112xf32> -> vector<10112x1xf32>
    %get3A_10 = arith.constant 0 : index
    %get3A_11 = arith.constant 1 : index
    %get3A_12 = arith.constant 0 : index
    %get3A_13 = arith.constant 0 : index
    %get3A_14 = vector.load %arg0[%get3A_10, %get3A_11, %get3A_12, %get3A_13] : memref<2x2x16x10112xf32, #tpu.memory_space<vmem>>, vector<1x1x16x10112xf32>
    %get3A_15 = vector.shape_cast %get3A_14 : vector<1x1x16x10112xf32> to vector<16x10112xf32>
    %reduce_sum3A_16 = arith.constant dense<0.000000e+00> : vector<10112xf32>
    %reduce_sum3A_17 = vector.multi_reduction <add>, %get3A_15, %reduce_sum3A_16 [0] : vector<16x10112xf32> to vector<10112xf32>
    %broadcast_in_dim3A_18 = vector.shape_cast %reduce_sum3A_17 : vector<10112xf32> to vector<1x10112xf32>
    %max3A_19 = arith.constant 9.99999993E-9 : f32
    %max3A_20 = vector.broadcast %max3A_19 : f32 to vector<1x10112xf32>
    %max3A_21 = arith.maximumf %broadcast_in_dim3A_18, %max3A_20 : vector<1x10112xf32>
    %div3A_22 = arith.constant 1.000000e+00 : f32
    %div3A_23 = vector.broadcast %div3A_22 : f32 to vector<1x10112xf32>
    %div3A_24 = arith.divf %div3A_23, %max3A_21 : vector<1x10112xf32>
    %transpose3A_25 = tpu.transpose %div3A_24, [1, 0] : vector<1x10112xf32> -> vector<10112x1xf32>
    %get3A_26 = arith.constant 1 : index
    %get3A_27 = arith.constant 0 : index
    %get3A_28 = arith.constant 0 : index
    %get3A_29 = arith.constant 0 : index
    %get3A_30 = vector.load %arg0[%get3A_26, %get3A_27, %get3A_28, %get3A_29] : memref<2x2x16x10112xf32, #tpu.memory_space<vmem>>, vector<1x1x16x10112xf32>
    %get3A_31 = vector.shape_cast %get3A_30 : vector<1x1x16x10112xf32> to vector<16x10112xf32>
    %reduce_sum3A_32 = arith.constant dense<0.000000e+00> : vector<10112xf32>
    %reduce_sum3A_33 = vector.multi_reduction <add>, %get3A_31, %reduce_sum3A_32 [0] : vector<16x10112xf32> to vector<10112xf32>
    %broadcast_in_dim3A_34 = vector.shape_cast %reduce_sum3A_33 : vector<10112xf32> to vector<1x10112xf32>
    %max3A_35 = arith.constant 9.99999993E-9 : f32
    %max3A_36 = vector.broadcast %max3A_35 : f32 to vector<1x10112xf32>
    %max3A_37 = arith.maximumf %broadcast_in_dim3A_34, %max3A_36 : vector<1x10112xf32>
    %div3A_38 = arith.constant 1.000000e+00 : f32
    %div3A_39 = vector.broadcast %div3A_38 : f32 to vector<1x10112xf32>
    %div3A_40 = arith.divf %div3A_39, %max3A_37 : vector<1x10112xf32>
    %transpose3A_41 = tpu.transpose %div3A_40, [1, 0] : vector<1x10112xf32> -> vector<10112x1xf32>
    %get3A_42 = arith.constant 1 : index
    %get3A_43 = arith.constant 1 : index
    %get3A_44 = arith.constant 0 : index
    %get3A_45 = arith.constant 0 : index
    %get3A_46 = vector.load %arg0[%get3A_42, %get3A_43, %get3A_44, %get3A_45] : memref<2x2x16x10112xf32, #tpu.memory_space<vmem>>, vector<1x1x16x10112xf32>
    %get3A_47 = vector.shape_cast %get3A_46 : vector<1x1x16x10112xf32> to vector<16x10112xf32>
    %reduce_sum3A_48 = arith.constant dense<0.000000e+00> : vector<10112xf32>
    %reduce_sum3A_49 = vector.multi_reduction <add>, %get3A_47, %reduce_sum3A_48 [0] : vector<16x10112xf32> to vector<10112xf32>
    %broadcast_in_dim3A_50 = vector.shape_cast %reduce_sum3A_49 : vector<10112xf32> to vector<1x10112xf32>
    %max3A_51 = arith.constant 9.99999993E-9 : f32
    %max3A_52 = vector.broadcast %max3A_51 : f32 to vector<1x10112xf32>
    %max3A_53 = arith.maximumf %broadcast_in_dim3A_50, %max3A_52 : vector<1x10112xf32>
    %div3A_54 = arith.constant 1.000000e+00 : f32
    %div3A_55 = vector.broadcast %div3A_54 : f32 to vector<1x10112xf32>
    %div3A_56 = arith.divf %div3A_55, %max3A_53 : vector<1x10112xf32>
    %transpose3A_57 = tpu.transpose %div3A_56, [1, 0] : vector<1x10112xf32> -> vector<10112x1xf32>
    %concatenate3A = tpu.concatenate %transpose3A, %transpose3A_25, %transpose3A_41, %transpose3A_57 in 1 : vector<10112x1xf32>, vector<10112x1xf32>, vector<10112x1xf32>, vector<10112x1xf32> -> vector<10112x4xf32>
    %swap3A = arith.constant 0 : index
    %swap3A_58 = arith.constant 0 : index
    %swap3A_59 = vector.load %arg1[%swap3A, %swap3A_58] : memref<10112x4xf32, #tpu.memory_space<vmem>>, vector<10112x4xf32>
    tpu.vector_store %arg1[%swap3A, %swap3A_58], %concatenate3A {strides = array<i32>} : memref<10112x4xf32, #tpu.memory_space<vmem>>, vector<10112x4xf32>,
    return
  }
}

module attributes {stable_mosaic.version = 14 : i64} {
  func.func @_div_body(%arg0: i32, %arg1: memref<2x1000x128xf32, #tpu.memory_space<vmem>>, %arg2: memref<1000x4xf32, #tpu.memory_space<vmem>>, %arg3: memref<1000x256xf32, #tpu.memory_space<vmem>>) attributes {dimension_semantics = [#tpu.dimension_semantics<arbitrary>], iteration_bounds = array<i64: 10>, scalar_prefetch = 0 : i64, scratch_operands = 0 : i64, tpu.core_type = #tpu.core_type<tc>, window_params = [{transform_indices = @transform_0, window_bounds = array<i64: 2, 1000, 128>}, {transform_indices = @transform_1, window_bounds = array<i64: 1000, 4>}, {transform_indices = @transform_2, window_bounds = array<i64: 1000, 256>}]} {
    %get3A = arith.constant 0 : index
    %get3A_0 = arith.constant 0 : index
    %get3A_1 = arith.constant 0 : index
    %get3A_2 = vector.load %arg1[%get3A, %get3A_0, %get3A_1] : memref<2x1000x128xf32, #tpu.memory_space<vmem>>, vector<1x1000x64xf32>
    %get3A_3 = vector.shape_cast %get3A_2 : vector<1x1000x64xf32> to vector<1000x64xf32>
    %get3A_4 = arith.constant 0 : index
    %get3A_5 = arith.constant 0 : index
    %get3A_6 = vector.load %arg2[%get3A_4, %get3A_5] : memref<1000x4xf32, #tpu.memory_space<vmem>>, vector<1000x1xf32>
    %broadcast_in_dim3A = vector.shape_cast %get3A_6 : vector<1000x1xf32> to vector<1000x1xf32>
    %broadcast_in_dim3A_7 = vector.broadcast %broadcast_in_dim3A : vector<1000x1xf32> to vector<1000x64xf32>
    %mul3A = arith.mulf %get3A_3, %broadcast_in_dim3A_7 : vector<1000x64xf32>
    %get3A_8 = arith.constant 0 : index
    %get3A_9 = arith.constant 0 : index
    %get3A_10 = arith.constant 64 : index
    %get3A_11 = vector.load %arg1[%get3A_8, %get3A_9, %get3A_10] : memref<2x1000x128xf32, #tpu.memory_space<vmem>>, vector<1x1000x64xf32>
    %get3A_12 = vector.shape_cast %get3A_11 : vector<1x1000x64xf32> to vector<1000x64xf32>
    %get3A_13 = arith.constant 0 : index
    %get3A_14 = arith.constant 1 : index
    %get3A_15 = vector.load %arg2[%get3A_13, %get3A_14] : memref<1000x4xf32, #tpu.memory_space<vmem>>, vector<1000x1xf32>
    %broadcast_in_dim3A_16 = vector.shape_cast %get3A_15 : vector<1000x1xf32> to vector<1000x1xf32>
    %broadcast_in_dim3A_17 = vector.broadcast %broadcast_in_dim3A_16 : vector<1000x1xf32> to vector<1000x64xf32>
    %mul3A_18 = arith.mulf %get3A_12, %broadcast_in_dim3A_17 : vector<1000x64xf32>
    %get3A_19 = arith.constant 1 : index
    %get3A_20 = arith.constant 0 : index
    %get3A_21 = arith.constant 0 : index
    %get3A_22 = vector.load %arg1[%get3A_19, %get3A_20, %get3A_21] : memref<2x1000x128xf32, #tpu.memory_space<vmem>>, vector<1x1000x64xf32>
    %get3A_23 = vector.shape_cast %get3A_22 : vector<1x1000x64xf32> to vector<1000x64xf32>
    %get3A_24 = arith.constant 0 : index
    %get3A_25 = arith.constant 2 : index
    %get3A_26 = vector.load %arg2[%get3A_24, %get3A_25] : memref<1000x4xf32, #tpu.memory_space<vmem>>, vector<1000x1xf32>
    %broadcast_in_dim3A_27 = vector.shape_cast %get3A_26 : vector<1000x1xf32> to vector<1000x1xf32>
    %broadcast_in_dim3A_28 = vector.broadcast %broadcast_in_dim3A_27 : vector<1000x1xf32> to vector<1000x64xf32>
    %mul3A_29 = arith.mulf %get3A_23, %broadcast_in_dim3A_28 : vector<1000x64xf32>
    %get3A_30 = arith.constant 1 : index
    %get3A_31 = arith.constant 0 : index
    %get3A_32 = arith.constant 64 : index
    %get3A_33 = vector.load %arg1[%get3A_30, %get3A_31, %get3A_32] : memref<2x1000x128xf32, #tpu.memory_space<vmem>>, vector<1x1000x64xf32>
    %get3A_34 = vector.shape_cast %get3A_33 : vector<1x1000x64xf32> to vector<1000x64xf32>
    %get3A_35 = arith.constant 0 : index
    %get3A_36 = arith.constant 3 : index
    %get3A_37 = vector.load %arg2[%get3A_35, %get3A_36] : memref<1000x4xf32, #tpu.memory_space<vmem>>, vector<1000x1xf32>
    %broadcast_in_dim3A_38 = vector.shape_cast %get3A_37 : vector<1000x1xf32> to vector<1000x1xf32>
    %broadcast_in_dim3A_39 = vector.broadcast %broadcast_in_dim3A_38 : vector<1000x1xf32> to vector<1000x64xf32>
    %mul3A_40 = arith.mulf %get3A_34, %broadcast_in_dim3A_39 : vector<1000x64xf32>
    %concatenate3A = tpu.concatenate %mul3A, %mul3A_18, %mul3A_29, %mul3A_40 in 1 : vector<1000x64xf32>, vector<1000x64xf32>, vector<1000x64xf32>, vector<1000x64xf32> -> vector<1000x256xf32>
    %swap3A = arith.constant 0 : index
    %swap3A_41 = arith.constant 0 : index
    %swap3A_42 = vector.load %arg3[%swap3A, %swap3A_41] : memref<1000x256xf32, #tpu.memory_space<vmem>>, vector<1000x256xf32>
    tpu.vector_store %arg3[%swap3A, %swap3A_41], %concatenate3A {strides = array<i32>} : memref<1000x256xf32, #tpu.memory_space<vmem>>, vector<1000x256xf32>,
    return
  }
  func.func @transform_0(%arg0: i32) -> (i32, i32, i32) {
    %c0_i32 = arith.constant 0 : i32
    %c0_i32_0 = arith.constant 0 : i32
    %c0_i32_1 = arith.constant 0 : i32
    return %c0_i32, %arg0, %c0_i32_0 : i32, i32, i32
  }
  func.func @transform_1(%arg0: i32) -> (i32, i32) {
    %c0_i32 = arith.constant 0 : i32
    %c0_i32_0 = arith.constant 0 : i32
    return %arg0, %c0_i32 : i32, i32
  }
  func.func @transform_2(%arg0: i32) -> (i32, i32) {
    %c0_i32 = arith.constant 0 : i32
    %c0_i32_0 = arith.constant 0 : i32
    return %arg0, %c0_i32 : i32, i32
  }
}

</mosaic_0001>

<sc_bundles>
// kernel: kernel.10.cloned.1.call-start
scs
__scs_entry_jumppad:
0x0: {  	(pc) =	sbr.rel $0x88, $3  }
0x1: {  	(tag) =	ssettag $0x0;
	lr =	simm.s32 $0x1  }
0x2: {  	[smem:$0x3F9C] =	sst lr;
	_ =	strace $0xD0000000  }
0x3: {  	_ = 	snop  }
0x4: {  	_ = 	snop  }
0x5: {  	_ = 	snop  }
0x6: {  	_ = 	snop  }
0x7: {  	_ = 	snop  }
__scs_overlays_trampoline_lowered:
0x8: {  	[smem:$0x3FAB] =	sst s0  }
0x9: {  	[smem:$0x3FAC] =	sst s1  }
0xa: {  	[smem:$0x3FAD] =	sst s2  }
0xb: {  	[smem:$0x3FAE] =	sst s3  }
0xc: {  	[smem:$0x3FAF] =	sst s4  }
0xd: {  	[smem:$0x3FB0] =	sst s5  }
0xe: {  	[smem:$0x3FB1] =	sst s6  }
0xf: {  	[smem:$0x3FB2] =	sst s7  }
0x10: {  	[smem:$0x3FB3] =	sst s8  }
0x11: {  	[smem:$0x3FB4] =	sst s9;
	s0 =	simm.s32 @!p0 $0x0  }
0x12: {  	s1 =	sld [smem:$0x3F9A];
	s0 =	simm.s32 @p0 $0x1  }
0x13: {  	[smem:$0x3FB5] =	sst s0;
	s0 =	simm.s32 @!p1 $0x0  }
0x14: {  	s2 =	sld [smem:$0x3F99];
	s0 =	simm.s32 @p1 $0x1  }
0x15: {  	[smem:$0x3FB6] =	sst s0;
	s0 =	simm.s32 @!p2 $0x0  }
0x16: {  	s3 =	sld [smem:$0x3FDB];
	s0 =	simm.s32 @p2 $0x1  }
0x17: {  	s4 =	simm.s32 $0x1BF5;
	[smem:$0x3FB8] =	sst s0  }
0x18: {  	s0 =	sld [smem:$0x3F9B];
	_ =	swait.ge [sflag:s4], $0x0  }
0x19: {  	s7 =	sld [smem:$0x3F9C]  }
0x1a: {  	s8 =	sadd.s32 $0xFFFFE003, lr  }
0x1b: {  	s9 =	sadd.s32 $0xFFFFFEF7, lr;
	s5 =	simm.s32 $0xFFFFFFFF;
	p2 =	slt.u32 s8, $0xFFFFF086  }
0x1c: {  	p1 =	slt.u32 s9, $0xF7A;
	s5 =	simm.s32 @!p2 $0x0  }
0x1d: {  	s5 =	simm.s32 @p1 $0x1;
	p0 =	seq.s32 s7, s2  }
0x1e: {  	s7 =	smul.u32 @!p0 $0xF7A, s2;
	p2 =	seq.s32 @!p0 s5, $0x0  }
0x1f: {  	s9 =	smul.u32 $0xF7A, s1;
	s8 =	simm.s32 @!p0 $0x1BF5;
	p2 =	por !p2, p0  }
0x20: {  	[sflag:s8] =	ssyncset.s32 @!p0 $0xFFFFF086;
	s6 =	sadd.s32 @!p0 s3, s7;
	s7 =	simm.s32 @!p0 $0x108  }
0x21: {  	s3 =	sadd.s32 s3, s9;
	s6 =	sadd.s32 @!p0 $0x88, s6;
	s7 =	simm.s32 @p2 $0x1082  }
0x22: {  	[simem:s7], [sflag:s8] =	dma.local @!p0 [hbm:s6], $0xF7A  }
0x23: {  	s9 =	sor.u32 $0xD0000000, s2;
	s6 =	simm.s32 $0x108;
	_ =	swait.ge @!p0 [sflag:s8], $0x0  }
0x24: {  	s3 =	sadd.s32 $0x88, s3;
	s6 =	simm.s32 @!p1 $0x1082;
	[sflag:s4] =	ssyncset.s32 $0xFFFFF086  }
0x25: {  	[simem:s6], [sflag:s4] =	dma.local [hbm:s3], $0xF7A  }
0x26: {  	[smem:$0x3F9C] =	sst s1;
	(tag) =	ssettag s2;
	_ =	strace s9  }
0x27: {  	s1 =	sld [smem:$0x3FAC]  }
0x28: {  	s2 =	sld [smem:$0x3FAD]  }
0x29: {  	s4 =	sld [smem:$0x3FAF]  }
0x2a: {  	p0 =	seq.s32 s5, $0x0;
	s5 =	sld [smem:$0x3FB0]  }
0x2b: {  	s6 =	sld [smem:$0x3FB1]  }
0x2c: {  	s7 =	sld [smem:$0x3FB2]  }
0x2d: {  	s3 =	simm.s32 $0x108;
	s8 =	sld [smem:$0x3FB3]  }
0x2e: {  	s3 =	simm.s32 @!p0 $0x1082;
	s9 =	sld [smem:$0x3FB4]  }
0x2f: {  	lr =	sadd.s32 s0, s3;
	s0 =	sld [smem:$0x3FAB]  }
0x30: {  	s3 =	sld [smem:$0x3FAE]  }
0x31: {  	[smem:$0x3FB7] =	sst s10  }
0x32: {  	s10 =	sld [smem:$0x3FB5];
	_ =	sdelay $0x3  }
0x33: {  	p0 =	seq.s32 s10, $0x1;
	s10 =	sld [smem:$0x3FB7];
	_ =	sdelay $0x3  }
0x34: {  	[smem:$0x3FB7] =	sst s10  }
0x35: {  	s10 =	sld [smem:$0x3FB6];
	_ =	sdelay $0x3  }
0x36: {  	p1 =	seq.s32 s10, $0x1;
	s10 =	sld [smem:$0x3FB7];
	_ =	sdelay $0x3  }
0x37: {  	[smem:$0x3FB7] =	sst s10  }
0x38: {  	s10 =	sld [smem:$0x3FB8]  }
0x39: {  	_ = 	snop;
	(pc) =	sbr.ind lr, $3  }
0x3a: {  	_ = 	snop  }
0x3b: {  	_ = 	snop  }
0x3c: {  	p2 =	seq.s32 s10, $0x1;
	s10 =	sld [smem:$0x3FB7]  }
0x3d: {  	_ =	shalt  }
0x3e: {  	_ =	shalt  }
0x3f: {  	_ =	shalt  }
0x40: {  	_ =	shalt  }
0x41: {  	_ =	shalt  }
0x42: {  	_ =	shalt  }
0x43: {  	_ =	shalt  }
0x44: {  	_ =	shalt  }
0x45: {  	_ =	shalt  }
0x46: {  	_ =	shalt  }
0x47: {  	_ =	shalt  }
0x48: {  	_ =	shalt  }
0x49: {  	_ =	shalt  }
0x4a: {  	_ =	shalt  }
0x4b: {  	_ =	shalt  }
0x4c: {  	_ =	shalt  }
0x4d: {  	_ =	shalt  }
0x4e: {  	_ =	shalt  }
0x4f: {  	_ =	shalt  }
0x50: {  	_ =	shalt  }
0x51: {  	_ =	shalt  }
0x52: {  	_ =	shalt  }
0x53: {  	_ =	shalt  }
0x54: {  	_ =	shalt  }
0x55: {  	_ =	shalt  }
0x56: {  	_ =	shalt  }
0x57: {  	_ =	shalt  }
0x58: {  	_ =	shalt  }
0x59: {  	_ =	shalt  }
0x5a: {  	_ =	shalt  }
0x5b: {  	_ =	shalt  }
0x5c: {  	_ =	shalt  }
0x5d: {  	_ =	shalt  }
0x5e: {  	_ =	shalt  }
0x5f: {  	_ =	shalt  }
0x60: {  	_ =	shalt  }
0x61: {  	_ =	shalt  }
0x62: {  	_ =	shalt  }
0x63: {  	_ =	shalt  }
0x64: {  	_ =	shalt  }
0x65: {  	_ =	shalt  }
0x66: {  	_ =	shalt  }
0x67: {  	_ =	shalt  }
0x68: {  	_ =	shalt  }
0x69: {  	_ =	shalt  }
0x6a: {  	_ =	shalt  }
0x6b: {  	_ =	shalt  }
0x6c: {  	_ =	shalt  }
0x6d: {  	_ =	shalt  }
0x6e: {  	_ =	shalt  }
0x6f: {  	_ =	shalt  }
0x70: {  	_ =	shalt  }
0x71: {  	_ =	shalt  }
0x72: {  	_ =	shalt  }
0x73: {  	_ =	shalt  }
0x74: {  	_ =	shalt  }
0x75: {  	_ =	shalt  }
0x76: {  	_ =	shalt  }
0x77: {  	_ =	shalt  }
0x78: {  	_ =	shalt  }
0x79: {  	_ =	shalt  }
0x7a: {  	_ =	shalt  }
0x7b: {  	_ =	shalt  }
0x7c: {  	_ =	shalt  }
0x7d: {  	_ =	shalt  }
0x7e: {  	_ =	shalt  }
0x7f: {  	_ =	shalt  }
0x80: {  	_ =	shalt  }
0x81: {  	_ =	shalt  }
0x82: {  	_ =	shalt  }
0x83: {  	_ =	shalt  }
0x84: {  	_ =	shalt  }
0x85: {  	_ =	shalt  }
0x86: {  	_ =	shalt  }
0x87: {  	_ =	shalt  }
.Lfunc_end0:
.L_simem_size_0:
called_computation.1_lowered:
.L_overlay_start_0:
0x88: {  	s2 =	sld [smem:$0x3FD9]  }
0x89: {  	s3 =	sld [smem:$0x3FFE];
	_ =	sdelay $0x1  }
0x8a: {  	s1 =	srdreg.scid  }
0x8b: {  	s0 =	sand.u32 $0x1, s1  }
0x8c: {  	s17 =	sshll.u32 s0, $0xA;
	s2 =	sadd.s32 s3, s2  }
0x8d: {  	s2 =	sadd.s32 s2, s17  }
0x8e: {  	[smem:$0x3FC3] =	sst s2  }
0x8f: {  	_ = 	snop  }
0x90: {  	s2 =	sld [smem:$0x3FD0];
	(tm) =	ssettm $0x1  }
0x91: {  	s18 =	sld [smem:$0x3FFB];
	_ =	sdelay $0x3  }
0x92: {  	_ =	strace s18  }
0x93: {  	s3 =	sld [smem:$0x3FFC];
	_ =	sdelay $0x3  }
0x94: {  	_ =	strace s3  }
0x95: {  	s3 =	sld [smem:$0x3FFD];
	_ =	sdelay $0x3  }
0x96: {  	_ =	strace s3  }
0x97: {  	_ =	strace $0x8FFFFFFF  }
0x98: {  	s19 =	sld [smem:$0x3FDB];
	_ =	sdelay $0x1  }
0x99: {  	s4 =	simm.s32 $_scs_section_size  }
0x9a: {  	s5 =	simm.s32 $_size__tile_overlayer_lowered;
	s6 =	simm.s32 $_tile_overlayer_lowered  }
0x9b: {  	s22 =	simm.s32 $0x1BFF;
	s21 =	sshll.u32 s6, $0x1;
	s3 =	sadd.s32 s4, s19  }
0x9c: {  	s7 =	simm.s32 $0x0;
	s20 =	sshll.u32 s5, $0x1;
	s5 =	sadd.s32 s21, s3  }
0x9d: {  	[timem:s7], [sflag:s22] =	dma.local [hbm:s5], s20  }
0x9e: {  	_ =	swait.ge [sflag:s22], s20  }
0x9f: {  	s4 =	ssub.s32 $0x0, s20;
	[sflag:s22] =	ssyncset.done $0x0  }
0xa0: {  	[sflag:s22] =	ssyncadd.s32 s4;
	_ =	sdelay $0x1  }
0xa1: {  	s23 =	simm.s32 $0x1B8B  }
0xa2: {  	_ =	swait.ge [sflag:s23], $0x1  }
0xa3: {  	[sflag:s23] =	ssyncset.done $0x0  }
0xa4: {  	s25 =	simm.s32 $0x1B8E;
	s24 =	sld [smem:$0x3FFE];
	[sflag:s23] =	ssyncadd.s32 $0xFFFFFFFF  }
0xa5: {  	s26 =	simm.s32 $execute0_lowered;
	[smem:$0x3FD2] =	sst s25  }
0xa6: {  	s5 =	sshll.u32 s26, $0x1;
	_ =	strace $0x80000049;
	[dreg:$0x1] =	wrdreg $0xFFFFFFFF  }
0xa7: {  	s28 =	simm.s32 $_size_execute0_lowered;
	s3 =	sadd.s32 s3, s5;
	[dreg:$0x0] =	wrdreg $0x0  }
0xa8: {  	s5 =	sshll.u32 s28, $0x1;
	[dreg:$0x2] =	wrdreg s3  }
0xa9: {  	[dreg:$0x3] =	wrdreg s5  }
0xaa: {  	[dreg:$0x4] =	wrdreg $0xC0  }
0xab: {  	_ =	task [dreg:s7], $0x5FFFF  }
0xac: {  	[dreg:$0x1] =	wrdreg $0xFFFFFFFF  }
0xad: {  	[dreg:$0x0] =	wrdreg $0x60  }
0xae: {  	[dreg:$0x2] =	wrdreg s2  }
0xaf: {  	[dreg:$0x3] =	wrdreg s24  }
0xb0: {  	[dreg:$0x4] =	wrdreg $0xAC000  }
0xb1: {  	[dreg:$0x5] =	wrdreg $0x9  }
0xb2: {  	_ =	task.clear_ibuf [dreg:s7], $0x6FFFF;
	_ =	strace $0x90000049  }
0xb3: {  	s29 =	simm.s32 $0x9;
	_ =	strace $0x8000004B  }
0xb4: {  	_ =	swait.ge [sflag:s29], $0x1  }
0xb5: {  	[sflag:s29] =	ssyncadd.s32 $0xFFFFFFFF  }
0xb6: {  	_ =	strace $0x9000004B  }
0xb7: {  	_ =	sfence  }
0xb8: {  	s30 =	sld [smem:$0x0];
	_ =	sdelay $0x2  }
0xb9: {  	s31 =	sshll.u32 s1, $0xD;
	s1 =	sshrl.u32 s1, $0x2  }
0xba: {  	s3 =	sand.u32 $0x4000, s31;
	s1 =	sadd.s32 s1, s30  }
0xbb: {  	s0 =	sor.u32 s3, s0;
	s1 =	sshll.u32 s1, $0x11  }
0xbc: {  	s0 =	sor.u32 s1, s0  }
0xbd: {  	s0 =	sadd.s32 $0x8F2B, s0  }
0xbe: {  	[sflag:s0] =	ssyncadd.remote.s32 $0x1  }
0xbf: {  	_ =	sfence.sel $0xFFFF  }
0xc0: {  	[dreg:$0x0] =	wrdreg $0xFFFFFFFF;
	(pc) =	sbr.abs _section_cstart, $3  }
0xc1: {  	[dreg:$0x1] =	wrdreg $0xFFFFFFFF  }
0xc2: {  	_ =	task.clear_ibuf [dreg:s7], $0x2FFFF;
	_ =	strace $0x9FFFFFFF  }
0xc3: {  	(tm) =	ssettm $0x7FFFFFFF  }
tec
execute0_lowered:
.L_overlay_start_1:
0x0: {  	(tag) =	ssettag $0x1  }
0x1: {  	s1 =	rddreg [dreg:$0x0]  }
0x2: {  	s0 =	rddreg [dreg:$0x1]  }
0x3: {  	s3 =	rddreg [dreg:$0x2]  }
0x4: {  	s2 =	srdreg.scid;
	s18 =	stileid.u32  }
0x5: {  	s19 =	simm.s32 $0x0;
	s29 =	simm.s32 $0x1400;
	s6 =	smul.u32 $0x2800, s18  }
0x6: {  	s30 =	simm.s32 $0x1E00;
	s2 =	sand.u32 $0x1, s2;
	s8 =	smul.u32 $0x13C00, s18  }
0x7: {  	s5 =	sadd.s32 $0x3600, s0;
	s7 =	sadd.s32 $0x8600, s0;
	s4 =	smul.u32 $0x13C000, s2  }
0x8: {  	[smem:$0x7FF] =	sst s19;
	s9 =	ssub.s32 $0x2, s2;
	s12 =	smul.u32 $0x50000, s2  }
0x9: {  	s10 =	sshrl.u32 s9, $0x1;
	s11 =	sshrl.u32 s6, $0x3;
	s20 =	sadd.s32 $0xA00, s6  }
0xa: {  	s22 =	sadd.s32 $0x1400, s6;
	s4 =	sadd.s32 s8, s4;
	s8 =	ssub.s32 s9, s10  }
0xb: {  	s31 =	sadd.s32 s5, s11;
	s10 =	sadd.s32 s7, s11;
	s11 =	sadd.s32 $0x28000, s12  }
0xc: {  	s21 =	sadd.s32 s6, s12;
	s14 =	sshrl.u32 s20, $0x3;
	s23 =	sadd.s32 s12, s20  }
0xd: {  	s16 =	sshrl.u32 s22, $0x3;
	s26 =	sadd.s32 s12, s22;
	[dreg:$0x4] =	wrdreg s31  }
0xe: {  	s9 =	simm.s32 $0x1;
	[dreg:$0x5] =	wrdreg s10;
	s13 =	sadd.s32 s6, s11  }
0xf: {  	s15 =	sadd.s32 s5, s14;
	s14 =	sadd.s32 s7, s14;
	s6 =	sadd.s32 $0x1E00, s6  }
0x10: {  	s10 =	sadd.s32 s20, s11;
	s17 =	sadd.s32 s5, s16;
	[dreg:$0x6] =	wrdreg s15  }
0x11: {  	s16 =	sadd.s32 s7, s16;
	s28 =	sadd.s32 s22, s11;
	[dreg:$0x7] =	wrdreg s14  }
0x12: {  	s31 =	sadd.s32 $0x21200, s0;
	s4 =	sshrl.u32 s4, $0x3;
	[dreg:$0x8] =	wrdreg s17  }
0x13: {  	s24 =	sshrl.u32 s6, $0x3;
	[dreg:$0x9] =	wrdreg s16;
	s12 =	sadd.s32 s12, s6  }
0x14: {  	s6 =	sadd.s32 s6, s11;
	s11 =	sshrl.u32 s21, $0x3;
	s14 =	sshrl.u32 s13, $0x3  }
0x15: {  	s16 =	sshrl.u32 s23, $0x3;
	s10 =	sshrl.u32 s10, $0x3;
	s23 =	smul.u32 $0x4F000, s18  }
0x16: {  	s4 =	sadd.s32 s4, s0;
	s0 =	sadd.s32 $0xE00, s0;
	s13 =	simm.s32 $0x2  }
0x17: {  	s15 =	simm.s32 $0x3;
	s5 =	sadd.s32 s5, s24;
	s25 =	sadd.s32 s7, s24  }
0x18: {  	s11 =	sadd.s32 s31, s11;
	s17 =	sadd.s32 s31, s16;
	s10 =	sadd.s32 s31, s10  }
0x19: {  	s7 =	sshrl.u32 s28, $0x3;
	s21 =	sshrl.u32 s12, $0x3;
	[dreg:$0xa] =	wrdreg s5  }
0x1a: {  	s22 =	sshrl.u32 s6, $0x3;
	s28 =	sadd.s32 $0x35200, s4;
	[dreg:$0xb] =	wrdreg s25  }
0x1b: {  	s6 =	simm.s32 $0x40;
	s12 =	simm.s32 $0x8C00;
	[dreg:$0xc] =	wrdreg s11  }
0x1c: {  	s16 =	simm.s32 $0x2B00;
	s11 =	sadd.s32 s31, s14;
	[dreg:$0xe] =	wrdreg s17  }
0x1d: {  	[dreg:$0xf] =	wrdreg s10;
	s5 =	sshrl.u32 s26, $0x3;
	s20 =	sadd.s32 s31, s7  }
0x1e: {  	s24 =	sshrl.u32 s23, $0x2;
	s26 =	sshll.u32 s18, $0x6;
	[dreg:$0xd] =	wrdreg s11  }
0x1f: {  	s7 =	simm.s32 $0x2900;
	s5 =	sadd.s32 s31, s5;
	[dreg:$0x11] =	wrdreg s20  }
0x20: {  	s10 =	simm.s32 $0x2A00;
	[dreg:$0x10] =	wrdreg s5;
	s5 =	sadd.s32 s31, s21  }
0x21: {  	s14 =	simm.s32 $0x2A80;
	[dreg:$0x12] =	wrdreg s5;
	s5 =	sadd.s32 s31, s22  }
0x22: {  	s17 =	simm.s32 $0x4;
	s18 =	simm.s32 $0x2B80;
	[dreg:$0x13] =	wrdreg s5  }
0x23: {  	s25 =	sadd.s32 s24, s3;
	_ =	strace $0x8000004A;
	[dreg:$0x14] =	wrdreg s0  }
0x24: {  	s19 =	sor.u32 $0x1C09, s26;
	s26 =	simm.s32 $0x9;
	[dreg:$0x15] =	wrdreg s25  }
0x25: {  	s11 =	simm.s32 $0x2980;
	s31 =	smax.u32 s8, $0x1;
	[dreg:$0x17] =	wrdreg s28  }
0x26: {  	s21 =	simm.s32 $0x0;
	s8 =	simm.s32 $0x6C00;
	[dreg:$0x18] =	wrdreg s31  }
0x27: {  	v0 =	vmov s2;
	s5 =	simm.s32 $0x4C00;
	s0 =	simm.s32 $0x2C00;
	[dreg:$0x16] =	wrdreg s19  }
.LBB2_1:
0x28: {  	s2 =	rddreg [dreg:$0x15]  }
0x29: {  	s23 =	rddreg [dreg:$0x14];
	s4 =	sshrl.u32 s2, $0x3  }
0x2a: {  	[dreg:$0x19] =	wrdreg s4  }
0x2b: {  	[spmem:s4], [sflag:s19] =	dma.local [hbm:s23], $0x2780  }
0x2c: {  	_ =	swait.ge [sflag:s26], $0x2780  }
0x2d: {  	[sflag:s26] =	ssyncset.done $0x0  }
0x2e: {  	[sflag:s26] =	ssyncadd.s32 $0xFFFFD880  }
0x2f: {  	[bflag:$0x0] =	sbarrier.arrive $0xFFFF  }
0x30: {  	s24 =	simm.s32 $0x0;
	s25 =	rddreg [dreg:$0x4]  }
0x31: {  	[tilespmem:s24], [sflag:$0x9] =	stream.linear.gather [hbm4b:s25+s24], $0xA00, $0x38;
	[tilespmem:$0x1E800] =	vst v63  }
0x32: {  	_ =	swait.ge [sflag:s26], $0xA00  }
0x33: {  	[sflag:s26] =	ssyncset.done $0x0  }
0x34: {  	s20 =	simm.s32 $0xA00;
	s19 =	rddreg [dreg:$0x5];
	[sflag:s26] =	ssyncadd.s32 $0xFFFFF600  }
0x35: {  	[tilespmem:s20], [sflag:$0x9] =	stream.linear.gather [hbm4b:s19+s24], $0xA00, $0x38;
	[tilespmem:$0x1E800] =	vst v63  }
0x36: {  	_ =	swait.ge [sflag:s26], $0xA00  }
0x37: {  	[sflag:s26] =	ssyncset.done $0x0  }
0x38: {  	s22 =	rddreg [dreg:$0xc];
	[sflag:s26] =	ssyncadd.s32 $0xFFFFF600  }
0x39: {  	[tilespmem:s29], [sflag:$0x9] =	stream.linear.gather [hbm4b:s22+s24], $0xA00, $0x38;
	[tilespmem:$0x1E800] =	vst v63  }
0x3a: {  	_ =	swait.ge [sflag:s26], $0xA00  }
0x3b: {  	[sflag:s26] =	ssyncset.done $0x0  }
0x3c: {  	s23 =	rddreg [dreg:$0xd];
	[sflag:s26] =	ssyncadd.s32 $0xFFFFF600  }
0x3d: {  	[tilespmem:s30], [sflag:$0x9] =	stream.linear.gather [hbm4b:s23+s24], $0xA00, $0x38;
	[tilespmem:$0x1E800] =	vst v63  }
0x3e: {  	_ =	swait.ge [sflag:s26], $0xA00  }
0x3f: {  	[sflag:s26] =	ssyncset.done $0x0  }
0x40: {  	[sflag:s26] =	ssyncadd.s32 $0xFFFFF600  }
0x41: {  	v1 =	vld [tilespmem:$0x0]  }
0x42: {  	v3 =	vld [tilespmem:$0xA00];
	_ =	sdelay $0x1  }
0x43: {  	v2 =	vld [tilespmem:$0x10]  }
0x44: {  	v5 =	vld [tilespmem:$0xA10]  }
0x45: {  	v4 =	vld [tilespmem:$0x20]  }
0x46: {  	v1 =	vshll.u32 v1, $0x1;
	[tilespmem:$0x2A00] =	vst v3;
	v3 =	vld [tilespmem:$0xA30]  }
0x47: {  	v6 =	vld [tilespmem:$0x30];
	v1 =	vor.u32 v0, v1  }
0x48: {  	[tilespmem:$0x2800] =	vst v1;
	v1 =	vshll.u32 v2, $0x1;
	v2 =	vld [tilespmem:$0xA20]  }
0x49: {  	[tilespmem:$0x2A10] =	vst v5;
	v1 =	vor.u32 v0, v1  }
0x4a: {  	[tilespmem:$0x2810] =	vst v1;
	v1 =	vshll.u32 v4, $0x1  }
0x4b: {  	v1 =	vor.u32 v0, v1;
	[tilespmem:$0x2A30] =	vst v3  }
0x4c: {  	[tilespmem:$0x2820] =	vst v1;
	v1 =	vshll.u32 v6, $0x1  }
0x4d: {  	[tilespmem:$0x2A20] =	vst v2;
	v1 =	vor.u32 v0, v1  }
0x4e: {  	s24 =	simm.s32 $0x2800;
	[tilespmem:$0x2830] =	vst v1  }
0x4f: {  	[tilespmem:s0], [sflag:$0x1] =	stream.indirect.gather [hbm4b:s1+s6], $0x80, s24, s6, $0xb8;
	[tilespmem:$0x1E800] =	vst v63  }
0x50: {  	v1 =	vld [tilespmem:$0x40]  }
0x51: {  	v3 =	vld [tilespmem:$0xA40];
	_ =	sdelay $0x1  }
0x52: {  	v2 =	vld [tilespmem:$0x50]  }
0x53: {  	v62 =	vld [tilespmem:$0xA50]  }
0x54: {  	v61 =	vld [tilespmem:$0x60]  }
0x55: {  	v1 =	vshll.u32 v1, $0x1;
	[tilespmem:$0x2A80] =	vst v3;
	v3 =	vld [tilespmem:$0xA70]  }
0x56: {  	v63 =	vld [tilespmem:$0x70];
	v1 =	vor.u32 v0, v1  }
0x57: {  	[tilespmem:$0x2880] =	vst v1;
	v1 =	vshll.u32 v2, $0x1;
	v2 =	vld [tilespmem:$0xA60]  }
0x58: {  	[tilespmem:$0x2A90] =	vst v62;
	v1 =	vor.u32 v0, v1  }
0x59: {  	[tilespmem:$0x2890] =	vst v1;
	v1 =	vshll.u32 v61, $0x1  }
0x5a: {  	v1 =	vor.u32 v0, v1;
	[tilespmem:$0x2AB0] =	vst v3  }
0x5b: {  	[tilespmem:$0x28A0] =	vst v1;
	v1 =	vshll.u32 v63, $0x1  }
0x5c: {  	[tilespmem:$0x2AA0] =	vst v2;
	v1 =	vor.u32 v0, v1  }
0x5d: {  	s28 =	simm.s32 $0x0;
	s31 =	simm.s32 $0x0;
	s25 =	simm.s32 $0x2880;
	[tilespmem:$0x28B0] =	vst v1  }
0x5e: {  	[tilespmem:s5], [sflag:$0x2] =	stream.indirect.gather [hbm4b:s1+s6], $0x80, s25, s6, $0xb8;
	[tilespmem:$0x1E800] =	vst v63  }
0x5f: {  	s4 =	simm.s32 $0x40;
	s24 =	simm.s32 $0x80;
	s25 =	simm.s32 $0xC0  }
.LBB2_2:
0x60: {  	s2 =	sshll.u32 s31, $0x2  }
0x61: {  	s2 =	sadd.s32 $0xFFFFFFFC, s2  }
0x62: {  	p0 =	sgt.u32 s2, $0x23  }
0x63: {  	s2 =	simm.s32 @!p0 $0x7  }
0x64: {  	_ =	swait.ge @!p0 [sflag:s2], $0x2000  }
0x65: {  	[sflag:s2] =	ssyncset.done @!p0 $0x0  }
0x66: {  	[sflag:s2] =	ssyncadd.s32 @!p0 $0xFFFFE000;
	s2 =	sshll.u32 s31, $0x8  }
0x67: {  	v1 =	vld [tilespmem:s2+$0x80];
	_ =	sdelay $0x4  }
0x68: {  	v1 =	vshll.u32 v1, $0x1  }
0x69: {  	v1 =	vor.u32 v0, v1  }
0x6a: {  	[tilespmem:$0x2900] =	vst v1  }
0x6b: {  	v1 =	vld [tilespmem:s2+$0xA80];
	_ =	sdelay $0x4  }
0x6c: {  	[tilespmem:$0x2B00] =	vst v1  }
0x6d: {  	v1 =	vld [tilespmem:s2+$0x90];
	_ =	sdelay $0x4  }
0x6e: {  	v1 =	vshll.u32 v1, $0x1  }
0x6f: {  	v1 =	vor.u32 v0, v1  }
0x70: {  	[tilespmem:$0x2910] =	vst v1  }
0x71: {  	v1 =	vld [tilespmem:s2+$0xA90];
	_ =	sdelay $0x4  }
0x72: {  	[tilespmem:$0x2B10] =	vst v1  }
0x73: {  	v1 =	vld [tilespmem:s2+$0xA0];
	_ =	sdelay $0x4  }
0x74: {  	v1 =	vshll.u32 v1, $0x1  }
0x75: {  	v1 =	vor.u32 v0, v1  }
0x76: {  	[tilespmem:$0x2920] =	vst v1  }
0x77: {  	v1 =	vld [tilespmem:s2+$0xAA0];
	_ =	sdelay $0x4  }
0x78: {  	[tilespmem:$0x2B20] =	vst v1  }
0x79: {  	v1 =	vld [tilespmem:s2+$0xB0];
	_ =	sdelay $0x4  }
0x7a: {  	v1 =	vshll.u32 v1, $0x1  }
0x7b: {  	v1 =	vor.u32 v0, v1  }
0x7c: {  	[tilespmem:$0x2930] =	vst v1  }
0x7d: {  	v1 =	vld [tilespmem:s2+$0xAB0];
	_ =	sdelay $0x4  }
0x7e: {  	[tilespmem:$0x2B30] =	vst v1  }
0x7f: {  	[tilespmem:s8], [sflag:$0x3] =	stream.indirect.gather [hbm4b:s1+s6], $0x80, s7, s6, $0xb8;
	[tilespmem:$0x1E800] =	vst v63  }
0x80: {  	s19 =	sadd.s32 $0x0, s28;
	_ =	swait.ge [sflag:s9], $0x2000  }
0x81: {  	v1 =	vmov s19;
	[sflag:s9] =	ssyncset.done $0x0  }
0x82: {  	s23 =	simm.s32 $0x2C40;
	[sflag:s9] =	ssyncadd.s32 $0xFFFFE000  }
0x83: {  	v8 =	vld [tilespmem:s23+$0xFFFFFFF0]  }
0x84: {  	v6 =	vld [tilespmem:s23+$0xFFFFFFC0]  }
0x85: {  	v7 =	vld [tilespmem:s23+$0xFFFFFFD0]  }
0x86: {  	v4 =	vld.idx.msk [tilespmem:v1+s29+$0x0], $0xffff  }
0x87: {  	v2 =	vld.idx.msk [tilespmem:v1+s30+$0x0], $0xffff  }
0x88: {  	v11 =	vld [tilespmem:s23+$0x0]  }
0x89: {  	v3 =	vld [tilespmem:s23+$0xFFFFFFE0]  }
0x8a: {  	v1 =	vld [tilespmem:s23+$0x30]  }
0x8b: {  	v5 =	vld [tilespmem:s23+$0x20]  }
0x8c: {  	v10 =	vmul.f32 v6, v4;
	v6 =	vld [tilespmem:s23+$0x10]  }
0x8d: {  	v7 =	vmul.f32 v7, v4  }
0x8e: {  	s22 =	simm.s32 $0x1;
	s19 =	simm.s32 $0x2C40;
	v9 =	vmul.f32 v8, v4;
	v8 =	vmul.f32 v11, v2  }
.LBB2_3:
0x8f: {  	p0 =	sne.s32 s22, $0x3F  }
0x90: {  	[tilespmem:s23+$0xFFFFFFC0] =	vst v10;
	v3 =	vmul.f32 v3, v4;
	v4 =	vmul.f32 v5, v2;
	s19 =	sadd.s32 $0x80, s19;
	s20 =	smov.u32 s22;
	s22 =	sadd.s32 $0x1, s22  }
0x91: {  	v1 =	vmul.f32 v1, v2;
	[tilespmem:s23+$0xFFFFFFF0] =	vst v9;
	v5 =	vmul.f32 v6, v2  }
0x92: {  	s20 =	sadd.s32 s20, s28;
	[tilespmem:s23+$0xFFFFFFD0] =	vst v7  }
0x93: {  	v2 =	vmov s20;
	v9 =	vld [tilespmem:s19+$0xFFFFFFF0];
	[tilespmem:s23+$0x0] =	vst v8  }
0x94: {  	v7 =	vld [tilespmem:s19+$0xFFFFFFC0];
	[tilespmem:s23+$0xFFFFFFE0] =	vst v3  }
0x95: {  	v3 =	vld [tilespmem:s19+$0xFFFFFFE0];
	[tilespmem:s23+$0x30] =	vst v1  }
0x96: {  	v1 =	vld [tilespmem:s19+$0x30];
	[tilespmem:s23+$0x10] =	vst v5  }
0x97: {  	v8 =	vld [tilespmem:s19+$0xFFFFFFD0];
	[tilespmem:s23+$0x20] =	vst v4;
	s23 =	smov.u32 s19  }
0x98: {  	v4 =	vld.idx.msk [tilespmem:v2+s29+$0x0], $0xffff  }
0x99: {  	v2 =	vld.idx.msk [tilespmem:v2+s30+$0x0], $0xffff  }
0x9a: {  	v11 =	vld [tilespmem:s19+$0x0]  }
.Ltmp0:
0x9b: {  	v5 =	vld [tilespmem:s19+$0x20];
	(pc) =	sbr.rel @p0 .LBB2_3-.Ltmp0, $3  }
0x9c: {  	v6 =	vld [tilespmem:s19+$0x10];
	_ =	sdelay $0x1  }
0x9d: {  	v10 =	vmul.f32 v7, v4;
	v7 =	vmul.f32 v8, v4  }
0x9e: {  	v9 =	vmul.f32 v9, v4;
	v8 =	vmul.f32 v11, v2  }
0x9f: {  	[tilespmem:s23+$0xFFFFFFC0] =	vst v10  }
0xa0: {  	[tilespmem:s23+$0xFFFFFFD0] =	vst v7  }
0xa1: {  	v3 =	vmul.f32 v3, v4;
	[tilespmem:s23+$0xFFFFFFF0] =	vst v9  }
0xa2: {  	v1 =	vmul.f32 v1, v2;
	[tilespmem:s23+$0x0] =	vst v8  }
0xa3: {  	v4 =	vmul.f32 v6, v2;
	[tilespmem:s23+$0xFFFFFFE0] =	vst v3  }
0xa4: {  	v2 =	vmul.f32 v5, v2;
	[tilespmem:s23+$0x30] =	vst v1  }
0xa5: {  	p0 =	seq.s32 s31, $0x0;
	[tilespmem:s23+$0x10] =	vst v4  }
0xa6: {  	s19 =	simm.s32 @!p0 $0x8;
	[tilespmem:s23+$0x20] =	vst v2  }
0xa7: {  	[spmem:s3] =	stream.indirect.scatter.add.f32 [tilespmem:s0], [sflag:$0x5], $0x80, s10, s6, $0xb8;
	[tilespmem:$0x1E800] =	vst v63  }
0xa8: {  	_ =	swait.ge @!p0 [sflag:s19], $0x2000  }
0xa9: {  	[sflag:s19] =	ssyncset.done @!p0 $0x0  }
0xaa: {  	s22 =	sor.u32 $0xC0, s2;
	[sflag:s19] =	ssyncadd.s32 @!p0 $0xFFFFE000  }
0xab: {  	v1 =	vld [tilespmem:s22+$0x0];
	_ =	sdelay $0x4  }
0xac: {  	v1 =	vshll.u32 v1, $0x1  }
0xad: {  	v1 =	vor.u32 v0, v1  }
0xae: {  	[tilespmem:$0x2980] =	vst v1  }
0xaf: {  	v1 =	vld [tilespmem:s2+$0xAC0];
	_ =	sdelay $0x4  }
0xb0: {  	s23 =	sor.u32 $0xD0, s2;
	[tilespmem:$0x2B80] =	vst v1  }
0xb1: {  	v1 =	vld [tilespmem:s23+$0x0];
	_ =	sdelay $0x4  }
0xb2: {  	v1 =	vshll.u32 v1, $0x1  }
0xb3: {  	v1 =	vor.u32 v0, v1  }
0xb4: {  	[tilespmem:$0x2990] =	vst v1  }
0xb5: {  	v1 =	vld [tilespmem:s2+$0xAD0];
	_ =	sdelay $0x4  }
0xb6: {  	s20 =	sor.u32 $0xE0, s2;
	[tilespmem:$0x2B90] =	vst v1  }
0xb7: {  	v1 =	vld [tilespmem:s20+$0x0];
	_ =	sdelay $0x4  }
0xb8: {  	v1 =	vshll.u32 v1, $0x1  }
0xb9: {  	v1 =	vor.u32 v0, v1  }
0xba: {  	[tilespmem:$0x29A0] =	vst v1  }
0xbb: {  	v1 =	vld [tilespmem:s2+$0xAE0];
	_ =	sdelay $0x4  }
0xbc: {  	s22 =	sor.u32 $0xF0, s2;
	[tilespmem:$0x2BA0] =	vst v1  }
0xbd: {  	v1 =	vld [tilespmem:s22+$0x0];
	_ =	sdelay $0x4  }
0xbe: {  	v1 =	vshll.u32 v1, $0x1  }
0xbf: {  	v1 =	vor.u32 v0, v1  }
0xc0: {  	[tilespmem:$0x29B0] =	vst v1  }
0xc1: {  	v1 =	vld [tilespmem:s2+$0xAF0];
	_ =	sdelay $0x4  }
0xc2: {  	[tilespmem:$0x2BB0] =	vst v1  }
0xc3: {  	[tilespmem:s12], [sflag:$0x4] =	stream.indirect.gather [hbm4b:s1+s6], $0x80, s11, s6, $0xb8;
	[tilespmem:$0x1E800] =	vst v63  }
0xc4: {  	s23 =	sadd.s32 $0x0, s4;
	_ =	swait.ge [sflag:s13], $0x2000  }
0xc5: {  	v1 =	vmov s23;
	[sflag:s13] =	ssyncset.done $0x0  }
0xc6: {  	s23 =	simm.s32 $0x4C40;
	[sflag:s13] =	ssyncadd.s32 $0xFFFFE000  }
0xc7: {  	v8 =	vld [tilespmem:s23+$0xFFFFFFF0]  }
0xc8: {  	v6 =	vld [tilespmem:s23+$0xFFFFFFC0]  }
0xc9: {  	v7 =	vld [tilespmem:s23+$0xFFFFFFD0]  }
0xca: {  	v4 =	vld.idx.msk [tilespmem:v1+s29+$0x0], $0xffff  }
0xcb: {  	v2 =	vld.idx.msk [tilespmem:v1+s30+$0x0], $0xffff  }
0xcc: {  	v11 =	vld [tilespmem:s23+$0x0]  }
0xcd: {  	v3 =	vld [tilespmem:s23+$0xFFFFFFE0]  }
0xce: {  	v1 =	vld [tilespmem:s23+$0x30]  }
0xcf: {  	v5 =	vld [tilespmem:s23+$0x20]  }
0xd0: {  	v10 =	vmul.f32 v6, v4;
	v6 =	vld [tilespmem:s23+$0x10]  }
0xd1: {  	v7 =	vmul.f32 v7, v4  }
0xd2: {  	s19 =	simm.s32 $0x4C40;
	s22 =	simm.s32 $0x1;
	v9 =	vmul.f32 v8, v4;
	v8 =	vmul.f32 v11, v2  }
.LBB2_5:
0xd3: {  	p0 =	sne.s32 s22, $0x3F  }
0xd4: {  	[tilespmem:s23+$0xFFFFFFC0] =	vst v10;
	v3 =	vmul.f32 v3, v4;
	v4 =	vmul.f32 v5, v2;
	s19 =	sadd.s32 $0x80, s19;
	s20 =	smov.u32 s22;
	s22 =	sadd.s32 $0x1, s22  }
0xd5: {  	v1 =	vmul.f32 v1, v2;
	[tilespmem:s23+$0xFFFFFFF0] =	vst v9;
	v5 =	vmul.f32 v6, v2  }
0xd6: {  	s20 =	sadd.s32 s20, s4;
	[tilespmem:s23+$0xFFFFFFD0] =	vst v7  }
0xd7: {  	v2 =	vmov s20;
	v9 =	vld [tilespmem:s19+$0xFFFFFFF0];
	[tilespmem:s23+$0x0] =	vst v8  }
0xd8: {  	v7 =	vld [tilespmem:s19+$0xFFFFFFC0];
	[tilespmem:s23+$0xFFFFFFE0] =	vst v3  }
0xd9: {  	v3 =	vld [tilespmem:s19+$0xFFFFFFE0];
	[tilespmem:s23+$0x30] =	vst v1  }
0xda: {  	v1 =	vld [tilespmem:s19+$0x30];
	[tilespmem:s23+$0x10] =	vst v5  }
0xdb: {  	v8 =	vld [tilespmem:s19+$0xFFFFFFD0];
	[tilespmem:s23+$0x20] =	vst v4;
	s23 =	smov.u32 s19  }
0xdc: {  	v4 =	vld.idx.msk [tilespmem:v2+s29+$0x0], $0xffff  }
0xdd: {  	v2 =	vld.idx.msk [tilespmem:v2+s30+$0x0], $0xffff  }
0xde: {  	v11 =	vld [tilespmem:s19+$0x0]  }
.Ltmp1:
0xdf: {  	v5 =	vld [tilespmem:s19+$0x20];
	(pc) =	sbr.rel @p0 .LBB2_5-.Ltmp1, $3  }
0xe0: {  	v6 =	vld [tilespmem:s19+$0x10];
	_ =	sdelay $0x1  }
0xe1: {  	v10 =	vmul.f32 v7, v4;
	v7 =	vmul.f32 v8, v4  }
0xe2: {  	v9 =	vmul.f32 v9, v4;
	v8 =	vmul.f32 v11, v2  }
0xe3: {  	[tilespmem:s23+$0xFFFFFFC0] =	vst v10  }
0xe4: {  	[tilespmem:s23+$0xFFFFFFD0] =	vst v7  }
0xe5: {  	v3 =	vmul.f32 v3, v4;
	[tilespmem:s23+$0xFFFFFFF0] =	vst v9  }
0xe6: {  	v1 =	vmul.f32 v1, v2;
	[tilespmem:s23+$0x0] =	vst v8  }
0xe7: {  	v4 =	vmul.f32 v6, v2;
	[tilespmem:s23+$0xFFFFFFE0] =	vst v3  }
0xe8: {  	v2 =	vmul.f32 v5, v2;
	[tilespmem:s23+$0x30] =	vst v1  }
0xe9: {  	p0 =	seq.s32 s31, $0x9;
	[tilespmem:s23+$0x10] =	vst v4  }
0xea: {  	s19 =	simm.s32 @!p0 $0x5;
	[tilespmem:s23+$0x20] =	vst v2  }
0xeb: {  	[spmem:s3] =	stream.indirect.scatter.add.f32 [tilespmem:s5], [sflag:$0x6], $0x80, s14, s6, $0xb8;
	[tilespmem:$0x1E800] =	vst v63  }
0xec: {  	_ =	swait.ge @!p0 [sflag:s19], $0x2000  }
0xed: {  	[sflag:s19] =	ssyncset.done @!p0 $0x0  }
0xee: {  	[sflag:s19] =	ssyncadd.s32 @!p0 $0xFFFFE000  }
0xef: {  	v1 =	vld @!p0 [tilespmem:s2+$0x100];
	_ =	sdelay $0x4  }
0xf0: {  	v1 =	vshll.u32 @!p0 v1, $0x1  }
0xf1: {  	v1 =	vor.u32 @!p0 v0, v1  }
0xf2: {  	[tilespmem:$0x2800] =	vst @!p0 v1  }
0xf3: {  	v1 =	vld @!p0 [tilespmem:s2+$0xB00];
	_ =	sdelay $0x4  }
0xf4: {  	[tilespmem:$0x2A00] =	vst @!p0 v1  }
0xf5: {  	v1 =	vld @!p0 [tilespmem:s2+$0x110];
	_ =	sdelay $0x4  }
0xf6: {  	v1 =	vshll.u32 @!p0 v1, $0x1  }
0xf7: {  	v1 =	vor.u32 @!p0 v0, v1  }
0xf8: {  	[tilespmem:$0x2810] =	vst @!p0 v1  }
0xf9: {  	v1 =	vld @!p0 [tilespmem:s2+$0xB10];
	_ =	sdelay $0x4  }
0xfa: {  	[tilespmem:$0x2A10] =	vst @!p0 v1  }
0xfb: {  	v1 =	vld @!p0 [tilespmem:s2+$0x120];
	_ =	sdelay $0x4  }
0xfc: {  	v1 =	vshll.u32 @!p0 v1, $0x1  }
0xfd: {  	v1 =	vor.u32 @!p0 v0, v1  }
0xfe: {  	[tilespmem:$0x2820] =	vst @!p0 v1  }
0xff: {  	v1 =	vld @!p0 [tilespmem:s2+$0xB20];
	_ =	sdelay $0x4  }
0x100: {  	[tilespmem:$0x2A20] =	vst @!p0 v1  }
0x101: {  	v1 =	vld @!p0 [tilespmem:s2+$0x130];
	_ =	sdelay $0x4  }
0x102: {  	v1 =	vshll.u32 @!p0 v1, $0x1  }
0x103: {  	v1 =	vor.u32 @!p0 v0, v1  }
0x104: {  	[tilespmem:$0x2830] =	vst @!p0 v1  }
0x105: {  	v1 =	vld @!p0 [tilespmem:s2+$0xB30];
	_ =	sdelay $0x4  }
0x106: {  	s20 =	simm.s32 @!p0 $0x2800;
	s22 =	simm.s32 @!p0 $0x2C00;
	s19 =	simm.s32 @!p0 $0x40;
	[tilespmem:$0x2A30] =	vst @!p0 v1  }
0x107: {  	[tilespmem:s22], [sflag:$0x1] =	stream.indirect.gather @!p0 [hbm4b:s1+s19], $0x80, s20, s19, $0xb8;
	[tilespmem:$0x1E800] =	vst v63  }
0x108: {  	s23 =	sadd.s32 $0x0, s24;
	_ =	swait.ge [sflag:s15], $0x2000  }
0x109: {  	v1 =	vmov s23;
	[sflag:s15] =	ssyncset.done $0x0  }
0x10a: {  	s23 =	simm.s32 $0x6C40;
	[sflag:s15] =	ssyncadd.s32 $0xFFFFE000  }
0x10b: {  	v8 =	vld [tilespmem:s23+$0xFFFFFFF0]  }
0x10c: {  	v6 =	vld [tilespmem:s23+$0xFFFFFFC0]  }
0x10d: {  	v7 =	vld [tilespmem:s23+$0xFFFFFFD0]  }
0x10e: {  	v4 =	vld.idx.msk [tilespmem:v1+s29+$0x0], $0xffff  }
0x10f: {  	v2 =	vld.idx.msk [tilespmem:v1+s30+$0x0], $0xffff  }
0x110: {  	v11 =	vld [tilespmem:s23+$0x0]  }
0x111: {  	v3 =	vld [tilespmem:s23+$0xFFFFFFE0]  }
0x112: {  	v1 =	vld [tilespmem:s23+$0x30]  }
0x113: {  	v5 =	vld [tilespmem:s23+$0x20]  }
0x114: {  	v10 =	vmul.f32 v6, v4;
	v6 =	vld [tilespmem:s23+$0x10]  }
0x115: {  	v7 =	vmul.f32 v7, v4  }
0x116: {  	s22 =	simm.s32 $0x1;
	s19 =	simm.s32 $0x6C40;
	v9 =	vmul.f32 v8, v4;
	v8 =	vmul.f32 v11, v2  }
.LBB2_7:
0x117: {  	p1 =	sne.s32 s22, $0x3F  }
0x118: {  	[tilespmem:s23+$0xFFFFFFC0] =	vst v10;
	v3 =	vmul.f32 v3, v4;
	v4 =	vmul.f32 v5, v2;
	s19 =	sadd.s32 $0x80, s19;
	s20 =	smov.u32 s22;
	s22 =	sadd.s32 $0x1, s22  }
0x119: {  	v1 =	vmul.f32 v1, v2;
	[tilespmem:s23+$0xFFFFFFF0] =	vst v9;
	v5 =	vmul.f32 v6, v2  }
0x11a: {  	s20 =	sadd.s32 s20, s24;
	[tilespmem:s23+$0xFFFFFFD0] =	vst v7  }
0x11b: {  	v2 =	vmov s20;
	v9 =	vld [tilespmem:s19+$0xFFFFFFF0];
	[tilespmem:s23+$0x0] =	vst v8  }
0x11c: {  	v7 =	vld [tilespmem:s19+$0xFFFFFFC0];
	[tilespmem:s23+$0xFFFFFFE0] =	vst v3  }
0x11d: {  	v3 =	vld [tilespmem:s19+$0xFFFFFFE0];
	[tilespmem:s23+$0x30] =	vst v1  }
0x11e: {  	v1 =	vld [tilespmem:s19+$0x30];
	[tilespmem:s23+$0x10] =	vst v5  }
0x11f: {  	v8 =	vld [tilespmem:s19+$0xFFFFFFD0];
	[tilespmem:s23+$0x20] =	vst v4;
	s23 =	smov.u32 s19  }
0x120: {  	v4 =	vld.idx.msk [tilespmem:v2+s29+$0x0], $0xffff  }
0x121: {  	v2 =	vld.idx.msk [tilespmem:v2+s30+$0x0], $0xffff  }
0x122: {  	v11 =	vld [tilespmem:s19+$0x0]  }
.Ltmp2:
0x123: {  	v5 =	vld [tilespmem:s19+$0x20];
	(pc) =	sbr.rel @p1 .LBB2_7-.Ltmp2, $3  }
0x124: {  	v6 =	vld [tilespmem:s19+$0x10];
	_ =	sdelay $0x1  }
0x125: {  	v10 =	vmul.f32 v7, v4;
	v7 =	vmul.f32 v8, v4  }
0x126: {  	v9 =	vmul.f32 v9, v4;
	v8 =	vmul.f32 v11, v2  }
0x127: {  	[tilespmem:s23+$0xFFFFFFC0] =	vst v10  }
0x128: {  	[tilespmem:s23+$0xFFFFFFD0] =	vst v7  }
0x129: {  	v3 =	vmul.f32 v3, v4;
	[tilespmem:s23+$0xFFFFFFF0] =	vst v9  }
0x12a: {  	v1 =	vmul.f32 v1, v2;
	[tilespmem:s23+$0x0] =	vst v8  }
0x12b: {  	v4 =	vmul.f32 v6, v2;
	[tilespmem:s23+$0xFFFFFFE0] =	vst v3  }
0x12c: {  	v2 =	vmul.f32 v5, v2;
	[tilespmem:s23+$0x30] =	vst v1  }
0x12d: {  	[tilespmem:s23+$0x10] =	vst v4  }
0x12e: {  	s19 =	simm.s32 @!p0 $0x6;
	[tilespmem:s23+$0x20] =	vst v2  }
0x12f: {  	[spmem:s3] =	stream.indirect.scatter.add.f32 [tilespmem:s8], [sflag:$0x7], $0x80, s16, s6, $0xb8;
	[tilespmem:$0x1E800] =	vst v63  }
0x130: {  	_ =	swait.ge @!p0 [sflag:s19], $0x2000  }
0x131: {  	[sflag:s19] =	ssyncset.done @!p0 $0x0  }
0x132: {  	[sflag:s19] =	ssyncadd.s32 @!p0 $0xFFFFE000  }
0x133: {  	v1 =	vld @!p0 [tilespmem:s2+$0x140];
	_ =	sdelay $0x4  }
0x134: {  	v1 =	vshll.u32 @!p0 v1, $0x1  }
0x135: {  	v1 =	vor.u32 @!p0 v0, v1  }
0x136: {  	[tilespmem:$0x2880] =	vst @!p0 v1  }
0x137: {  	v1 =	vld @!p0 [tilespmem:s2+$0xB40];
	_ =	sdelay $0x4  }
0x138: {  	[tilespmem:$0x2A80] =	vst @!p0 v1  }
0x139: {  	v1 =	vld @!p0 [tilespmem:s2+$0x150];
	_ =	sdelay $0x4  }
0x13a: {  	v1 =	vshll.u32 @!p0 v1, $0x1  }
0x13b: {  	v1 =	vor.u32 @!p0 v0, v1  }
0x13c: {  	[tilespmem:$0x2890] =	vst @!p0 v1  }
0x13d: {  	v1 =	vld @!p0 [tilespmem:s2+$0xB50];
	_ =	sdelay $0x4  }
0x13e: {  	[tilespmem:$0x2A90] =	vst @!p0 v1  }
0x13f: {  	v1 =	vld @!p0 [tilespmem:s2+$0x160];
	_ =	sdelay $0x4  }
0x140: {  	v1 =	vshll.u32 @!p0 v1, $0x1  }
0x141: {  	v1 =	vor.u32 @!p0 v0, v1  }
0x142: {  	[tilespmem:$0x28A0] =	vst @!p0 v1  }
0x143: {  	v1 =	vld @!p0 [tilespmem:s2+$0xB60];
	_ =	sdelay $0x4  }
0x144: {  	[tilespmem:$0x2AA0] =	vst @!p0 v1  }
0x145: {  	v1 =	vld @!p0 [tilespmem:s2+$0x170];
	_ =	sdelay $0x4  }
0x146: {  	v1 =	vshll.u32 @!p0 v1, $0x1  }
0x147: {  	v1 =	vor.u32 @!p0 v0, v1  }
0x148: {  	[tilespmem:$0x28B0] =	vst @!p0 v1  }
0x149: {  	v1 =	vld @!p0 [tilespmem:s2+$0xB70];
	_ =	sdelay $0x4  }
0x14a: {  	s20 =	simm.s32 @!p0 $0x4C00;
	s19 =	simm.s32 @!p0 $0x2880;
	s2 =	simm.s32 @!p0 $0x40;
	[tilespmem:$0x2AB0] =	vst @!p0 v1  }
0x14b: {  	[tilespmem:s20], [sflag:$0x2] =	stream.indirect.gather @!p0 [hbm4b:s1+s2], $0x80, s19, s2, $0xb8;
	[tilespmem:$0x1E800] =	vst v63  }
0x14c: {  	s23 =	sadd.s32 $0x0, s25;
	_ =	swait.ge [sflag:s17], $0x2000  }
0x14d: {  	v1 =	vmov s23;
	[sflag:s17] =	ssyncset.done $0x0  }
0x14e: {  	s2 =	simm.s32 $0x8C40;
	[sflag:s17] =	ssyncadd.s32 $0xFFFFE000  }
0x14f: {  	v8 =	vld [tilespmem:s2+$0xFFFFFFF0]  }
0x150: {  	v6 =	vld [tilespmem:s2+$0xFFFFFFC0]  }
0x151: {  	v7 =	vld [tilespmem:s2+$0xFFFFFFD0]  }
0x152: {  	v4 =	vld.idx.msk [tilespmem:v1+s29+$0x0], $0xffff  }
0x153: {  	v2 =	vld.idx.msk [tilespmem:v1+s30+$0x0], $0xffff  }
0x154: {  	v11 =	vld [tilespmem:s2+$0x0]  }
0x155: {  	v3 =	vld [tilespmem:s2+$0xFFFFFFE0]  }
0x156: {  	v1 =	vld [tilespmem:s2+$0x30]  }
0x157: {  	v5 =	vld [tilespmem:s2+$0x20]  }
0x158: {  	v10 =	vmul.f32 v6, v4;
	v6 =	vld [tilespmem:s2+$0x10]  }
0x159: {  	v7 =	vmul.f32 v7, v4  }
0x15a: {  	s22 =	simm.s32 $0x1;
	s19 =	simm.s32 $0x8C40;
	v9 =	vmul.f32 v8, v4;
	v8 =	vmul.f32 v11, v2  }
.LBB2_9:
0x15b: {  	p0 =	sne.s32 s22, $0x3F  }
0x15c: {  	[tilespmem:s2+$0xFFFFFFC0] =	vst v10;
	v3 =	vmul.f32 v3, v4;
	v4 =	vmul.f32 v5, v2;
	s19 =	sadd.s32 $0x80, s19;
	s20 =	smov.u32 s22;
	s22 =	sadd.s32 $0x1, s22  }
0x15d: {  	v1 =	vmul.f32 v1, v2;
	[tilespmem:s2+$0xFFFFFFF0] =	vst v9;
	v5 =	vmul.f32 v6, v2  }
0x15e: {  	s20 =	sadd.s32 s20, s25;
	[tilespmem:s2+$0xFFFFFFD0] =	vst v7  }
0x15f: {  	v2 =	vmov s20;
	v9 =	vld [tilespmem:s19+$0xFFFFFFF0];
	[tilespmem:s2+$0x0] =	vst v8  }
0x160: {  	v7 =	vld [tilespmem:s19+$0xFFFFFFC0];
	[tilespmem:s2+$0xFFFFFFE0] =	vst v3  }
0x161: {  	v3 =	vld [tilespmem:s19+$0xFFFFFFE0];
	[tilespmem:s2+$0x30] =	vst v1  }
0x162: {  	v1 =	vld [tilespmem:s19+$0x30];
	[tilespmem:s2+$0x10] =	vst v5  }
0x163: {  	v8 =	vld [tilespmem:s19+$0xFFFFFFD0];
	[tilespmem:s2+$0x20] =	vst v4;
	s2 =	smov.u32 s19  }
0x164: {  	v4 =	vld.idx.msk [tilespmem:v2+s29+$0x0], $0xffff  }
0x165: {  	v2 =	vld.idx.msk [tilespmem:v2+s30+$0x0], $0xffff  }
0x166: {  	v11 =	vld [tilespmem:s19+$0x0]  }
.Ltmp3:
0x167: {  	v5 =	vld [tilespmem:s19+$0x20];
	(pc) =	sbr.rel @p0 .LBB2_9-.Ltmp3, $3  }
0x168: {  	v6 =	vld [tilespmem:s19+$0x10];
	_ =	sdelay $0x1  }
0x169: {  	v10 =	vmul.f32 v7, v4;
	v7 =	vmul.f32 v8, v4  }
0x16a: {  	v9 =	vmul.f32 v9, v4;
	v8 =	vmul.f32 v11, v2  }
0x16b: {  	[tilespmem:s2+$0xFFFFFFC0] =	vst v10  }
0x16c: {  	[tilespmem:s2+$0xFFFFFFD0] =	vst v7  }
0x16d: {  	v3 =	vmul.f32 v3, v4;
	s31 =	sadd.s32 $0x1, s31;
	[tilespmem:s2+$0xFFFFFFF0] =	vst v9  }
0x16e: {  	v1 =	vmul.f32 v1, v2;
	[tilespmem:s2+$0x0] =	vst v8;
	p0 =	sne.s32 s31, $0xA  }
.Ltmp4:
0x16f: {  	v63 =	vmul.f32 v6, v2;
	[tilespmem:s2+$0xFFFFFFE0] =	vst v3;
	(pc) =	sbr.rel @p0 .LBB2_2-.Ltmp4, $4  }
0x170: {  	v2 =	vmul.f32 v5, v2;
	[tilespmem:s2+$0x30] =	vst v1  }
0x171: {  	s28 =	sadd.s32 $0x100, s28;
	[tilespmem:s2+$0x10] =	vst v63  }
0x172: {  	s4 =	sadd.s32 $0x100, s4;
	s24 =	sadd.s32 $0x100, s24;
	s25 =	sadd.s32 $0x100, s25;
	[tilespmem:s2+$0x20] =	vst v2  }
0x173: {  	[spmem:s3] =	stream.indirect.scatter.add.f32 [tilespmem:s12], [sflag:$0x8], $0x80, s18, s6, $0xb8;
	[tilespmem:$0x1E800] =	vst v63  }
0x174: {  	s2 =	simm.s32 $0x7  }
0x175: {  	_ =	swait.ge [sflag:s2], $0x2000  }
0x176: {  	[sflag:s2] =	ssyncset.done $0x0  }
0x177: {  	s22 =	simm.s32 $0x8;
	[sflag:s2] =	ssyncadd.s32 $0xFFFFE000  }
0x178: {  	_ =	swait.ge [sflag:s22], $0x2000  }
0x179: {  	[sflag:s22] =	ssyncset.done $0x0  }
0x17a: {  	s24 =	simm.s32 $0x0;
	s23 =	rddreg [dreg:$0x6];
	[sflag:s22] =	ssyncadd.s32 $0xFFFFE000  }
0x17b: {  	[tilespmem:s24], [sflag:$0x9] =	stream.linear.gather [hbm4b:s23+s24], $0xA00, $0x38;
	[tilespmem:$0x1E800] =	vst v63  }
0x17c: {  	_ =	swait.ge [sflag:s26], $0xA00  }
0x17d: {  	[sflag:s26] =	ssyncset.done $0x0  }
0x17e: {  	s4 =	simm.s32 $0xA00;
	s25 =	rddreg [dreg:$0x7];
	[sflag:s26] =	ssyncadd.s32 $0xFFFFF600  }
0x17f: {  	[tilespmem:s4], [sflag:$0x9] =	stream.linear.gather [hbm4b:s25+s24], $0xA00, $0x38;
	[tilespmem:$0x1E800] =	vst v63  }
0x180: {  	_ =	swait.ge [sflag:s26], $0xA00  }
0x181: {  	[sflag:s26] =	ssyncset.done $0x0  }
0x182: {  	s19 =	rddreg [dreg:$0xe];
	[sflag:s26] =	ssyncadd.s32 $0xFFFFF600  }
0x183: {  	[tilespmem:s29], [sflag:$0x9] =	stream.linear.gather [hbm4b:s19+s24], $0xA00, $0x38;
	[tilespmem:$0x1E800] =	vst v63  }
0x184: {  	_ =	swait.ge [sflag:s26], $0xA00  }
0x185: {  	[sflag:s26] =	ssyncset.done $0x0  }
0x186: {  	s20 =	rddreg [dreg:$0xf];
	[sflag:s26] =	ssyncadd.s32 $0xFFFFF600  }
0x187: {  	[tilespmem:s30], [sflag:$0x9] =	stream.linear.gather [hbm4b:s20+s24], $0xA00, $0x38;
	[tilespmem:$0x1E800] =	vst v63  }
0x188: {  	_ =	swait.ge [sflag:s26], $0xA00  }
0x189: {  	[sflag:s26] =	ssyncset.done $0x0  }
0x18a: {  	[sflag:s26] =	ssyncadd.s32 $0xFFFFF600  }
0x18b: {  	v1 =	vld [tilespmem:$0x0]  }
0x18c: {  	v3 =	vld [tilespmem:$0xA00];
	_ =	sdelay $0x1  }
0x18d: {  	v2 =	vld [tilespmem:$0x10]  }
0x18e: {  	v5 =	vld [tilespmem:$0xA10]  }
0x18f: {  	v4 =	vld [tilespmem:$0x20]  }
0x190: {  	v1 =	vshll.u32 v1, $0x1;
	[tilespmem:$0x2A00] =	vst v3;
	v3 =	vld [tilespmem:$0xA30]  }
0x191: {  	v6 =	vld [tilespmem:$0x30];
	v1 =	vor.u32 v0, v1  }
0x192: {  	[tilespmem:$0x2800] =	vst v1;
	v1 =	vshll.u32 v2, $0x1;
	v2 =	vld [tilespmem:$0xA20]  }
0x193: {  	[tilespmem:$0x2A10] =	vst v5;
	v1 =	vor.u32 v0, v1  }
0x194: {  	[tilespmem:$0x2810] =	vst v1;
	v1 =	vshll.u32 v4, $0x1  }
0x195: {  	v1 =	vor.u32 v0, v1;
	[tilespmem:$0x2A30] =	vst v3  }
0x196: {  	[tilespmem:$0x2820] =	vst v1;
	v1 =	vshll.u32 v6, $0x1  }
0x197: {  	[tilespmem:$0x2A20] =	vst v2;
	v1 =	vor.u32 v0, v1  }
0x198: {  	s22 =	simm.s32 $0x2800;
	s25 =	simm.s32 $0x40;
	[tilespmem:$0x2830] =	vst v1  }
0x199: {  	[tilespmem:s0], [sflag:$0x1] =	stream.indirect.gather [hbm4b:s1+s25], $0x80, s22, s25, $0xb8;
	[tilespmem:$0x1E800] =	vst v63  }
0x19a: {  	v1 =	vld [tilespmem:$0x40]  }
0x19b: {  	v3 =	vld [tilespmem:$0xA40];
	_ =	sdelay $0x1  }
0x19c: {  	v2 =	vld [tilespmem:$0x50]  }
0x19d: {  	v62 =	vld [tilespmem:$0xA50]  }
0x19e: {  	v61 =	vld [tilespmem:$0x60]  }
0x19f: {  	v1 =	vshll.u32 v1, $0x1;
	[tilespmem:$0x2A80] =	vst v3;
	v3 =	vld [tilespmem:$0xA70]  }
0x1a0: {  	v63 =	vld [tilespmem:$0x70];
	v1 =	vor.u32 v0, v1  }
0x1a1: {  	[tilespmem:$0x2880] =	vst v1;
	v1 =	vshll.u32 v2, $0x1;
	v2 =	vld [tilespmem:$0xA60]  }
0x1a2: {  	[tilespmem:$0x2A90] =	vst v62;
	v1 =	vor.u32 v0, v1  }
0x1a3: {  	[tilespmem:$0x2890] =	vst v1;
	v1 =	vshll.u32 v61, $0x1  }
0x1a4: {  	v1 =	vor.u32 v0, v1;
	[tilespmem:$0x2AB0] =	vst v3  }
0x1a5: {  	[tilespmem:$0x28A0] =	vst v1;
	v1 =	vshll.u32 v63, $0x1  }
0x1a6: {  	s28 =	simm.s32 $0xC0;
	[tilespmem:$0x2AA0] =	vst v2;
	v1 =	vor.u32 v0, v1  }
0x1a7: {  	s31 =	simm.s32 $0x0;
	s23 =	simm.s32 $0x2880;
	s4 =	simm.s32 $0x80;
	[tilespmem:$0x28B0] =	vst v1  }
0x1a8: {  	[tilespmem:s5], [sflag:$0x2] =	stream.indirect.gather [hbm4b:s1+s25], $0x80, s23, s25, $0xb8;
	[tilespmem:$0x1E800] =	vst v63  }
.LBB2_12:
0x1a9: {  	s2 =	sshll.u32 s31, $0x2  }
0x1aa: {  	s2 =	sadd.s32 $0xFFFFFFFC, s2  }
0x1ab: {  	p0 =	sgt.u32 s2, $0x23  }
0x1ac: {  	s2 =	simm.s32 @!p0 $0x7  }
0x1ad: {  	_ =	swait.ge @!p0 [sflag:s2], $0x2000  }
0x1ae: {  	[sflag:s2] =	ssyncset.done @!p0 $0x0  }
0x1af: {  	[sflag:s2] =	ssyncadd.s32 @!p0 $0xFFFFE000;
	s2 =	sshll.u32 s31, $0x8  }
0x1b0: {  	v1 =	vld [tilespmem:s2+$0x80];
	_ =	sdelay $0x4  }
0x1b1: {  	v1 =	vshll.u32 v1, $0x1  }
0x1b2: {  	v1 =	vor.u32 v0, v1  }
0x1b3: {  	[tilespmem:$0x2900] =	vst v1  }
0x1b4: {  	v1 =	vld [tilespmem:s2+$0xA80];
	_ =	sdelay $0x4  }
0x1b5: {  	[tilespmem:$0x2B00] =	vst v1  }
0x1b6: {  	v1 =	vld [tilespmem:s2+$0x90];
	_ =	sdelay $0x4  }
0x1b7: {  	v1 =	vshll.u32 v1, $0x1  }
0x1b8: {  	v1 =	vor.u32 v0, v1  }
0x1b9: {  	[tilespmem:$0x2910] =	vst v1  }
0x1ba: {  	v1 =	vld [tilespmem:s2+$0xA90];
	_ =	sdelay $0x4  }
0x1bb: {  	[tilespmem:$0x2B10] =	vst v1  }
0x1bc: {  	v1 =	vld [tilespmem:s2+$0xA0];
	_ =	sdelay $0x4  }
0x1bd: {  	v1 =	vshll.u32 v1, $0x1  }
0x1be: {  	v1 =	vor.u32 v0, v1  }
0x1bf: {  	[tilespmem:$0x2920] =	vst v1  }
0x1c0: {  	v1 =	vld [tilespmem:s2+$0xAA0];
	_ =	sdelay $0x4  }
0x1c1: {  	[tilespmem:$0x2B20] =	vst v1  }
0x1c2: {  	v1 =	vld [tilespmem:s2+$0xB0];
	_ =	sdelay $0x4  }
0x1c3: {  	v1 =	vshll.u32 v1, $0x1  }
0x1c4: {  	v1 =	vor.u32 v0, v1  }
0x1c5: {  	[tilespmem:$0x2930] =	vst v1  }
0x1c6: {  	v1 =	vld [tilespmem:s2+$0xAB0];
	_ =	sdelay $0x4  }
0x1c7: {  	[tilespmem:$0x2B30] =	vst v1  }
0x1c8: {  	[tilespmem:s8], [sflag:$0x3] =	stream.indirect.gather [hbm4b:s1+s6], $0x80, s7, s6, $0xb8;
	[tilespmem:$0x1E800] =	vst v63  }
0x1c9: {  	s19 =	sadd.s32 $0x0, s24;
	_ =	swait.ge [sflag:s9], $0x2000  }
0x1ca: {  	v1 =	vmov s19;
	[sflag:s9] =	ssyncset.done $0x0  }
0x1cb: {  	s23 =	simm.s32 $0x2C40;
	[sflag:s9] =	ssyncadd.s32 $0xFFFFE000  }
0x1cc: {  	v8 =	vld [tilespmem:s23+$0xFFFFFFF0]  }
0x1cd: {  	v6 =	vld [tilespmem:s23+$0xFFFFFFC0]  }
0x1ce: {  	v7 =	vld [tilespmem:s23+$0xFFFFFFD0]  }
0x1cf: {  	v4 =	vld.idx.msk [tilespmem:v1+s29+$0x0], $0xffff  }
0x1d0: {  	v2 =	vld.idx.msk [tilespmem:v1+s30+$0x0], $0xffff  }
0x1d1: {  	v11 =	vld [tilespmem:s23+$0x0]  }
0x1d2: {  	v3 =	vld [tilespmem:s23+$0xFFFFFFE0]  }
0x1d3: {  	v1 =	vld [tilespmem:s23+$0x30]  }
0x1d4: {  	v5 =	vld [tilespmem:s23+$0x20]  }
0x1d5: {  	v10 =	vmul.f32 v6, v4;
	v6 =	vld [tilespmem:s23+$0x10]  }
0x1d6: {  	v7 =	vmul.f32 v7, v4  }
0x1d7: {  	s22 =	simm.s32 $0x1;
	s19 =	simm.s32 $0x2C40;
	v9 =	vmul.f32 v8, v4;
	v8 =	vmul.f32 v11, v2  }
.LBB2_13:
0x1d8: {  	p0 =	sne.s32 s22, $0x3F  }
0x1d9: {  	[tilespmem:s23+$0xFFFFFFC0] =	vst v10;
	v3 =	vmul.f32 v3, v4;
	v4 =	vmul.f32 v5, v2;
	s19 =	sadd.s32 $0x80, s19;
	s20 =	smov.u32 s22;
	s22 =	sadd.s32 $0x1, s22  }
0x1da: {  	v1 =	vmul.f32 v1, v2;
	[tilespmem:s23+$0xFFFFFFF0] =	vst v9;
	v5 =	vmul.f32 v6, v2  }
0x1db: {  	s20 =	sadd.s32 s20, s24;
	[tilespmem:s23+$0xFFFFFFD0] =	vst v7  }
0x1dc: {  	v2 =	vmov s20;
	v9 =	vld [tilespmem:s19+$0xFFFFFFF0];
	[tilespmem:s23+$0x0] =	vst v8  }
0x1dd: {  	v7 =	vld [tilespmem:s19+$0xFFFFFFC0];
	[tilespmem:s23+$0xFFFFFFE0] =	vst v3  }
0x1de: {  	v3 =	vld [tilespmem:s19+$0xFFFFFFE0];
	[tilespmem:s23+$0x30] =	vst v1  }
0x1df: {  	v1 =	vld [tilespmem:s19+$0x30];
	[tilespmem:s23+$0x10] =	vst v5  }
0x1e0: {  	v8 =	vld [tilespmem:s19+$0xFFFFFFD0];
	[tilespmem:s23+$0x20] =	vst v4;
	s23 =	smov.u32 s19  }
0x1e1: {  	v4 =	vld.idx.msk [tilespmem:v2+s29+$0x0], $0xffff  }
0x1e2: {  	v2 =	vld.idx.msk [tilespmem:v2+s30+$0x0], $0xffff  }
0x1e3: {  	v11 =	vld [tilespmem:s19+$0x0]  }
.Ltmp5:
0x1e4: {  	v5 =	vld [tilespmem:s19+$0x20];
	(pc) =	sbr.rel @p0 .LBB2_13-.Ltmp5, $3  }
0x1e5: {  	v6 =	vld [tilespmem:s19+$0x10];
	_ =	sdelay $0x1  }
0x1e6: {  	v10 =	vmul.f32 v7, v4;
	v7 =	vmul.f32 v8, v4  }
0x1e7: {  	v9 =	vmul.f32 v9, v4;
	v8 =	vmul.f32 v11, v2  }
0x1e8: {  	[tilespmem:s23+$0xFFFFFFC0] =	vst v10  }
0x1e9: {  	[tilespmem:s23+$0xFFFFFFD0] =	vst v7  }
0x1ea: {  	v3 =	vmul.f32 v3, v4;
	[tilespmem:s23+$0xFFFFFFF0] =	vst v9  }
0x1eb: {  	v1 =	vmul.f32 v1, v2;
	[tilespmem:s23+$0x0] =	vst v8  }
0x1ec: {  	v4 =	vmul.f32 v6, v2;
	[tilespmem:s23+$0xFFFFFFE0] =	vst v3  }
0x1ed: {  	v2 =	vmul.f32 v5, v2;
	[tilespmem:s23+$0x30] =	vst v1  }
0x1ee: {  	p0 =	seq.s32 s31, $0x0;
	[tilespmem:s23+$0x10] =	vst v4  }
0x1ef: {  	s19 =	simm.s32 @!p0 $0x8;
	[tilespmem:s23+$0x20] =	vst v2  }
0x1f0: {  	[spmem:s3] =	stream.indirect.scatter.add.f32 [tilespmem:s0], [sflag:$0x5], $0x80, s10, s6, $0xb8;
	[tilespmem:$0x1E800] =	vst v63  }
0x1f1: {  	_ =	swait.ge @!p0 [sflag:s19], $0x2000  }
0x1f2: {  	[sflag:s19] =	ssyncset.done @!p0 $0x0  }
0x1f3: {  	s22 =	sor.u32 $0xC0, s2;
	[sflag:s19] =	ssyncadd.s32 @!p0 $0xFFFFE000  }
0x1f4: {  	v1 =	vld [tilespmem:s22+$0x0];
	_ =	sdelay $0x4  }
0x1f5: {  	v1 =	vshll.u32 v1, $0x1  }
0x1f6: {  	v1 =	vor.u32 v0, v1  }
0x1f7: {  	[tilespmem:$0x2980] =	vst v1  }
0x1f8: {  	v1 =	vld [tilespmem:s2+$0xAC0];
	_ =	sdelay $0x4  }
0x1f9: {  	s23 =	sor.u32 $0xD0, s2;
	[tilespmem:$0x2B80] =	vst v1  }
0x1fa: {  	v1 =	vld [tilespmem:s23+$0x0];
	_ =	sdelay $0x4  }
0x1fb: {  	v1 =	vshll.u32 v1, $0x1  }
0x1fc: {  	v1 =	vor.u32 v0, v1  }
0x1fd: {  	[tilespmem:$0x2990] =	vst v1  }
0x1fe: {  	v1 =	vld [tilespmem:s2+$0xAD0];
	_ =	sdelay $0x4  }
0x1ff: {  	s20 =	sor.u32 $0xE0, s2;
	[tilespmem:$0x2B90] =	vst v1  }
0x200: {  	v1 =	vld [tilespmem:s20+$0x0];
	_ =	sdelay $0x4  }
0x201: {  	v1 =	vshll.u32 v1, $0x1  }
0x202: {  	v1 =	vor.u32 v0, v1  }
0x203: {  	[tilespmem:$0x29A0] =	vst v1  }
0x204: {  	v1 =	vld [tilespmem:s2+$0xAE0];
	_ =	sdelay $0x4  }
0x205: {  	s22 =	sor.u32 $0xF0, s2;
	[tilespmem:$0x2BA0] =	vst v1  }
0x206: {  	v1 =	vld [tilespmem:s22+$0x0];
	_ =	sdelay $0x4  }
0x207: {  	v1 =	vshll.u32 v1, $0x1  }
0x208: {  	v1 =	vor.u32 v0, v1  }
0x209: {  	[tilespmem:$0x29B0] =	vst v1  }
0x20a: {  	v1 =	vld [tilespmem:s2+$0xAF0];
	_ =	sdelay $0x4  }
0x20b: {  	[tilespmem:$0x2BB0] =	vst v1  }
0x20c: {  	[tilespmem:s12], [sflag:$0x4] =	stream.indirect.gather [hbm4b:s1+s6], $0x80, s11, s6, $0xb8;
	[tilespmem:$0x1E800] =	vst v63  }
0x20d: {  	s23 =	sadd.s32 $0x0, s25;
	_ =	swait.ge [sflag:s13], $0x2000  }
0x20e: {  	v1 =	vmov s23;
	[sflag:s13] =	ssyncset.done $0x0  }
0x20f: {  	s23 =	simm.s32 $0x4C40;
	[sflag:s13] =	ssyncadd.s32 $0xFFFFE000  }
0x210: {  	v8 =	vld [tilespmem:s23+$0xFFFFFFF0]  }
0x211: {  	v6 =	vld [tilespmem:s23+$0xFFFFFFC0]  }
0x212: {  	v7 =	vld [tilespmem:s23+$0xFFFFFFD0]  }
0x213: {  	v4 =	vld.idx.msk [tilespmem:v1+s29+$0x0], $0xffff  }
0x214: {  	v2 =	vld.idx.msk [tilespmem:v1+s30+$0x0], $0xffff  }
0x215: {  	v11 =	vld [tilespmem:s23+$0x0]  }
0x216: {  	v3 =	vld [tilespmem:s23+$0xFFFFFFE0]  }
0x217: {  	v1 =	vld [tilespmem:s23+$0x30]  }
0x218: {  	v5 =	vld [tilespmem:s23+$0x20]  }
0x219: {  	v10 =	vmul.f32 v6, v4;
	v6 =	vld [tilespmem:s23+$0x10]  }
0x21a: {  	v7 =	vmul.f32 v7, v4  }
0x21b: {  	s19 =	simm.s32 $0x4C40;
	s22 =	simm.s32 $0x1;
	v9 =	vmul.f32 v8, v4;
	v8 =	vmul.f32 v11, v2  }
.LBB2_15:
0x21c: {  	p0 =	sne.s32 s22, $0x3F  }
0x21d: {  	[tilespmem:s23+$0xFFFFFFC0] =	vst v10;
	v3 =	vmul.f32 v3, v4;
	v4 =	vmul.f32 v5, v2;
	s19 =	sadd.s32 $0x80, s19;
	s20 =	smov.u32 s22;
	s22 =	sadd.s32 $0x1, s22  }
0x21e: {  	v1 =	vmul.f32 v1, v2;
	[tilespmem:s23+$0xFFFFFFF0] =	vst v9;
	v5 =	vmul.f32 v6, v2  }
0x21f: {  	s20 =	sadd.s32 s20, s25;
	[tilespmem:s23+$0xFFFFFFD0] =	vst v7  }
0x220: {  	v2 =	vmov s20;
	v9 =	vld [tilespmem:s19+$0xFFFFFFF0];
	[tilespmem:s23+$0x0] =	vst v8  }
0x221: {  	v7 =	vld [tilespmem:s19+$0xFFFFFFC0];
	[tilespmem:s23+$0xFFFFFFE0] =	vst v3  }
0x222: {  	v3 =	vld [tilespmem:s19+$0xFFFFFFE0];
	[tilespmem:s23+$0x30] =	vst v1  }
0x223: {  	v1 =	vld [tilespmem:s19+$0x30];
	[tilespmem:s23+$0x10] =	vst v5  }
0x224: {  	v8 =	vld [tilespmem:s19+$0xFFFFFFD0];
	[tilespmem:s23+$0x20] =	vst v4;
	s23 =	smov.u32 s19  }
0x225: {  	v4 =	vld.idx.msk [tilespmem:v2+s29+$0x0], $0xffff  }
0x226: {  	v2 =	vld.idx.msk [tilespmem:v2+s30+$0x0], $0xffff  }
0x227: {  	v11 =	vld [tilespmem:s19+$0x0]  }
.Ltmp6:
0x228: {  	v5 =	vld [tilespmem:s19+$0x20];
	(pc) =	sbr.rel @p0 .LBB2_15-.Ltmp6, $3  }
0x229: {  	v6 =	vld [tilespmem:s19+$0x10];
	_ =	sdelay $0x1  }
0x22a: {  	v10 =	vmul.f32 v7, v4;
	v7 =	vmul.f32 v8, v4  }
0x22b: {  	v9 =	vmul.f32 v9, v4;
	v8 =	vmul.f32 v11, v2  }
0x22c: {  	[tilespmem:s23+$0xFFFFFFC0] =	vst v10  }
0x22d: {  	[tilespmem:s23+$0xFFFFFFD0] =	vst v7  }
0x22e: {  	v3 =	vmul.f32 v3, v4;
	[tilespmem:s23+$0xFFFFFFF0] =	vst v9  }
0x22f: {  	v1 =	vmul.f32 v1, v2;
	[tilespmem:s23+$0x0] =	vst v8  }
0x230: {  	v4 =	vmul.f32 v6, v2;
	[tilespmem:s23+$0xFFFFFFE0] =	vst v3  }
0x231: {  	v2 =	vmul.f32 v5, v2;
	[tilespmem:s23+$0x30] =	vst v1  }
0x232: {  	p0 =	seq.s32 s31, $0x9;
	[tilespmem:s23+$0x10] =	vst v4  }
0x233: {  	s19 =	simm.s32 @!p0 $0x5;
	[tilespmem:s23+$0x20] =	vst v2  }
0x234: {  	[spmem:s3] =	stream.indirect.scatter.add.f32 [tilespmem:s5], [sflag:$0x6], $0x80, s14, s6, $0xb8;
	[tilespmem:$0x1E800] =	vst v63  }
0x235: {  	_ =	swait.ge @!p0 [sflag:s19], $0x2000  }
0x236: {  	[sflag:s19] =	ssyncset.done @!p0 $0x0  }
0x237: {  	[sflag:s19] =	ssyncadd.s32 @!p0 $0xFFFFE000  }
0x238: {  	v1 =	vld @!p0 [tilespmem:s2+$0x100];
	_ =	sdelay $0x4  }
0x239: {  	v1 =	vshll.u32 @!p0 v1, $0x1  }
0x23a: {  	v1 =	vor.u32 @!p0 v0, v1  }
0x23b: {  	[tilespmem:$0x2800] =	vst @!p0 v1  }
0x23c: {  	v1 =	vld @!p0 [tilespmem:s2+$0xB00];
	_ =	sdelay $0x4  }
0x23d: {  	[tilespmem:$0x2A00] =	vst @!p0 v1  }
0x23e: {  	v1 =	vld @!p0 [tilespmem:s2+$0x110];
	_ =	sdelay $0x4  }
0x23f: {  	v1 =	vshll.u32 @!p0 v1, $0x1  }
0x240: {  	v1 =	vor.u32 @!p0 v0, v1  }
0x241: {  	[tilespmem:$0x2810] =	vst @!p0 v1  }
0x242: {  	v1 =	vld @!p0 [tilespmem:s2+$0xB10];
	_ =	sdelay $0x4  }
0x243: {  	[tilespmem:$0x2A10] =	vst @!p0 v1  }
0x244: {  	v1 =	vld @!p0 [tilespmem:s2+$0x120];
	_ =	sdelay $0x4  }
0x245: {  	v1 =	vshll.u32 @!p0 v1, $0x1  }
0x246: {  	v1 =	vor.u32 @!p0 v0, v1  }
0x247: {  	[tilespmem:$0x2820] =	vst @!p0 v1  }
0x248: {  	v1 =	vld @!p0 [tilespmem:s2+$0xB20];
	_ =	sdelay $0x4  }
0x249: {  	[tilespmem:$0x2A20] =	vst @!p0 v1  }
0x24a: {  	v1 =	vld @!p0 [tilespmem:s2+$0x130];
	_ =	sdelay $0x4  }
0x24b: {  	v1 =	vshll.u32 @!p0 v1, $0x1  }
0x24c: {  	v1 =	vor.u32 @!p0 v0, v1  }
0x24d: {  	[tilespmem:$0x2830] =	vst @!p0 v1  }
0x24e: {  	v1 =	vld @!p0 [tilespmem:s2+$0xB30];
	_ =	sdelay $0x4  }
0x24f: {  	s20 =	simm.s32 @!p0 $0x2800;
	s22 =	simm.s32 @!p0 $0x2C00;
	s19 =	simm.s32 @!p0 $0x40;
	[tilespmem:$0x2A30] =	vst @!p0 v1  }
0x250: {  	[tilespmem:s22], [sflag:$0x1] =	stream.indirect.gather @!p0 [hbm4b:s1+s19], $0x80, s20, s19, $0xb8;
	[tilespmem:$0x1E800] =	vst v63  }
0x251: {  	s23 =	sadd.s32 $0x0, s4;
	_ =	swait.ge [sflag:s15], $0x2000  }
0x252: {  	v1 =	vmov s23;
	[sflag:s15] =	ssyncset.done $0x0  }
0x253: {  	s23 =	simm.s32 $0x6C40;
	[sflag:s15] =	ssyncadd.s32 $0xFFFFE000  }
0x254: {  	v8 =	vld [tilespmem:s23+$0xFFFFFFF0]  }
0x255: {  	v6 =	vld [tilespmem:s23+$0xFFFFFFC0]  }
0x256: {  	v7 =	vld [tilespmem:s23+$0xFFFFFFD0]  }
0x257: {  	v4 =	vld.idx.msk [tilespmem:v1+s29+$0x0], $0xffff  }
0x258: {  	v2 =	vld.idx.msk [tilespmem:v1+s30+$0x0], $0xffff  }
0x259: {  	v11 =	vld [tilespmem:s23+$0x0]  }
0x25a: {  	v3 =	vld [tilespmem:s23+$0xFFFFFFE0]  }
0x25b: {  	v1 =	vld [tilespmem:s23+$0x30]  }
0x25c: {  	v5 =	vld [tilespmem:s23+$0x20]  }
0x25d: {  	v10 =	vmul.f32 v6, v4;
	v6 =	vld [tilespmem:s23+$0x10]  }
0x25e: {  	v7 =	vmul.f32 v7, v4  }
0x25f: {  	s22 =	simm.s32 $0x1;
	s19 =	simm.s32 $0x6C40;
	v9 =	vmul.f32 v8, v4;
	v8 =	vmul.f32 v11, v2  }
.LBB2_17:
0x260: {  	p1 =	sne.s32 s22, $0x3F  }
0x261: {  	[tilespmem:s23+$0xFFFFFFC0] =	vst v10;
	v3 =	vmul.f32 v3, v4;
	v4 =	vmul.f32 v5, v2;
	s19 =	sadd.s32 $0x80, s19;
	s20 =	smov.u32 s22;
	s22 =	sadd.s32 $0x1, s22  }
0x262: {  	v1 =	vmul.f32 v1, v2;
	[tilespmem:s23+$0xFFFFFFF0] =	vst v9;
	v5 =	vmul.f32 v6, v2  }
0x263: {  	s20 =	sadd.s32 s20, s4;
	[tilespmem:s23+$0xFFFFFFD0] =	vst v7  }
0x264: {  	v2 =	vmov s20;
	v9 =	vld [tilespmem:s19+$0xFFFFFFF0];
	[tilespmem:s23+$0x0] =	vst v8  }
0x265: {  	v7 =	vld [tilespmem:s19+$0xFFFFFFC0];
	[tilespmem:s23+$0xFFFFFFE0] =	vst v3  }
0x266: {  	v3 =	vld [tilespmem:s19+$0xFFFFFFE0];
	[tilespmem:s23+$0x30] =	vst v1  }
0x267: {  	v1 =	vld [tilespmem:s19+$0x30];
	[tilespmem:s23+$0x10] =	vst v5  }
0x268: {  	v8 =	vld [tilespmem:s19+$0xFFFFFFD0];
	[tilespmem:s23+$0x20] =	vst v4;
	s23 =	smov.u32 s19  }
0x269: {  	v4 =	vld.idx.msk [tilespmem:v2+s29+$0x0], $0xffff  }
0x26a: {  	v2 =	vld.idx.msk [tilespmem:v2+s30+$0x0], $0xffff  }
0x26b: {  	v11 =	vld [tilespmem:s19+$0x0]  }
.Ltmp7:
0x26c: {  	v5 =	vld [tilespmem:s19+$0x20];
	(pc) =	sbr.rel @p1 .LBB2_17-.Ltmp7, $3  }
0x26d: {  	v6 =	vld [tilespmem:s19+$0x10];
	_ =	sdelay $0x1  }
0x26e: {  	v10 =	vmul.f32 v7, v4;
	v7 =	vmul.f32 v8, v4  }
0x26f: {  	v9 =	vmul.f32 v9, v4;
	v8 =	vmul.f32 v11, v2  }
0x270: {  	[tilespmem:s23+$0xFFFFFFC0] =	vst v10  }
0x271: {  	[tilespmem:s23+$0xFFFFFFD0] =	vst v7  }
0x272: {  	v3 =	vmul.f32 v3, v4;
	[tilespmem:s23+$0xFFFFFFF0] =	vst v9  }
0x273: {  	v1 =	vmul.f32 v1, v2;
	[tilespmem:s23+$0x0] =	vst v8  }
0x274: {  	v4 =	vmul.f32 v6, v2;
	[tilespmem:s23+$0xFFFFFFE0] =	vst v3  }
0x275: {  	v2 =	vmul.f32 v5, v2;
	[tilespmem:s23+$0x30] =	vst v1  }
0x276: {  	[tilespmem:s23+$0x10] =	vst v4  }
0x277: {  	s19 =	simm.s32 @!p0 $0x6;
	[tilespmem:s23+$0x20] =	vst v2  }
0x278: {  	[spmem:s3] =	stream.indirect.scatter.add.f32 [tilespmem:s8], [sflag:$0x7], $0x80, s16, s6, $0xb8;
	[tilespmem:$0x1E800] =	vst v63  }
0x279: {  	_ =	swait.ge @!p0 [sflag:s19], $0x2000  }
0x27a: {  	[sflag:s19] =	ssyncset.done @!p0 $0x0  }
0x27b: {  	[sflag:s19] =	ssyncadd.s32 @!p0 $0xFFFFE000  }
0x27c: {  	v1 =	vld @!p0 [tilespmem:s2+$0x140];
	_ =	sdelay $0x4  }
0x27d: {  	v1 =	vshll.u32 @!p0 v1, $0x1  }
0x27e: {  	v1 =	vor.u32 @!p0 v0, v1  }
0x27f: {  	[tilespmem:$0x2880] =	vst @!p0 v1  }
0x280: {  	v1 =	vld @!p0 [tilespmem:s2+$0xB40];
	_ =	sdelay $0x4  }
0x281: {  	[tilespmem:$0x2A80] =	vst @!p0 v1  }
0x282: {  	v1 =	vld @!p0 [tilespmem:s2+$0x150];
	_ =	sdelay $0x4  }
0x283: {  	v1 =	vshll.u32 @!p0 v1, $0x1  }
0x284: {  	v1 =	vor.u32 @!p0 v0, v1  }
0x285: {  	[tilespmem:$0x2890] =	vst @!p0 v1  }
0x286: {  	v1 =	vld @!p0 [tilespmem:s2+$0xB50];
	_ =	sdelay $0x4  }
0x287: {  	[tilespmem:$0x2A90] =	vst @!p0 v1  }
0x288: {  	v1 =	vld @!p0 [tilespmem:s2+$0x160];
	_ =	sdelay $0x4  }
0x289: {  	v1 =	vshll.u32 @!p0 v1, $0x1  }
0x28a: {  	v1 =	vor.u32 @!p0 v0, v1  }
0x28b: {  	[tilespmem:$0x28A0] =	vst @!p0 v1  }
0x28c: {  	v1 =	vld @!p0 [tilespmem:s2+$0xB60];
	_ =	sdelay $0x4  }
0x28d: {  	[tilespmem:$0x2AA0] =	vst @!p0 v1  }
0x28e: {  	v1 =	vld @!p0 [tilespmem:s2+$0x170];
	_ =	sdelay $0x4  }
0x28f: {  	v1 =	vshll.u32 @!p0 v1, $0x1  }
0x290: {  	v1 =	vor.u32 @!p0 v0, v1  }
0x291: {  	[tilespmem:$0x28B0] =	vst @!p0 v1  }
0x292: {  	v1 =	vld @!p0 [tilespmem:s2+$0xB70];
	_ =	sdelay $0x4  }
0x293: {  	s20 =	simm.s32 @!p0 $0x4C00;
	s19 =	simm.s32 @!p0 $0x2880;
	s2 =	simm.s32 @!p0 $0x40;
	[tilespmem:$0x2AB0] =	vst @!p0 v1  }
0x294: {  	[tilespmem:s20], [sflag:$0x2] =	stream.indirect.gather @!p0 [hbm4b:s1+s2], $0x80, s19, s2, $0xb8;
	[tilespmem:$0x1E800] =	vst v63  }
0x295: {  	s23 =	sadd.s32 $0x0, s28;
	_ =	swait.ge [sflag:s17], $0x2000  }
0x296: {  	v1 =	vmov s23;
	[sflag:s17] =	ssyncset.done $0x0  }
0x297: {  	s2 =	simm.s32 $0x8C40;
	[sflag:s17] =	ssyncadd.s32 $0xFFFFE000  }
0x298: {  	v8 =	vld [tilespmem:s2+$0xFFFFFFF0]  }
0x299: {  	v6 =	vld [tilespmem:s2+$0xFFFFFFC0]  }
0x29a: {  	v7 =	vld [tilespmem:s2+$0xFFFFFFD0]  }
0x29b: {  	v4 =	vld.idx.msk [tilespmem:v1+s29+$0x0], $0xffff  }
0x29c: {  	v2 =	vld.idx.msk [tilespmem:v1+s30+$0x0], $0xffff  }
0x29d: {  	v11 =	vld [tilespmem:s2+$0x0]  }
0x29e: {  	v3 =	vld [tilespmem:s2+$0xFFFFFFE0]  }
0x29f: {  	v1 =	vld [tilespmem:s2+$0x30]  }
0x2a0: {  	v5 =	vld [tilespmem:s2+$0x20]  }
0x2a1: {  	v10 =	vmul.f32 v6, v4;
	v6 =	vld [tilespmem:s2+$0x10]  }
0x2a2: {  	v7 =	vmul.f32 v7, v4  }
0x2a3: {  	s22 =	simm.s32 $0x1;
	s19 =	simm.s32 $0x8C40;
	v9 =	vmul.f32 v8, v4;
	v8 =	vmul.f32 v11, v2  }
.LBB2_19:
0x2a4: {  	p0 =	sne.s32 s22, $0x3F  }
0x2a5: {  	[tilespmem:s2+$0xFFFFFFC0] =	vst v10;
	v3 =	vmul.f32 v3, v4;
	v4 =	vmul.f32 v5, v2;
	s19 =	sadd.s32 $0x80, s19;
	s20 =	smov.u32 s22;
	s22 =	sadd.s32 $0x1, s22  }
0x2a6: {  	v1 =	vmul.f32 v1, v2;
	[tilespmem:s2+$0xFFFFFFF0] =	vst v9;
	v5 =	vmul.f32 v6, v2  }
0x2a7: {  	s20 =	sadd.s32 s20, s28;
	[tilespmem:s2+$0xFFFFFFD0] =	vst v7  }
0x2a8: {  	v2 =	vmov s20;
	v9 =	vld [tilespmem:s19+$0xFFFFFFF0];
	[tilespmem:s2+$0x0] =	vst v8  }
0x2a9: {  	v7 =	vld [tilespmem:s19+$0xFFFFFFC0];
	[tilespmem:s2+$0xFFFFFFE0] =	vst v3  }
0x2aa: {  	v3 =	vld [tilespmem:s19+$0xFFFFFFE0];
	[tilespmem:s2+$0x30] =	vst v1  }
0x2ab: {  	v1 =	vld [tilespmem:s19+$0x30];
	[tilespmem:s2+$0x10] =	vst v5  }
0x2ac: {  	v8 =	vld [tilespmem:s19+$0xFFFFFFD0];
	[tilespmem:s2+$0x20] =	vst v4;
	s2 =	smov.u32 s19  }
0x2ad: {  	v4 =	vld.idx.msk [tilespmem:v2+s29+$0x0], $0xffff  }
0x2ae: {  	v2 =	vld.idx.msk [tilespmem:v2+s30+$0x0], $0xffff  }
0x2af: {  	v11 =	vld [tilespmem:s19+$0x0]  }
.Ltmp8:
0x2b0: {  	v5 =	vld [tilespmem:s19+$0x20];
	(pc) =	sbr.rel @p0 .LBB2_19-.Ltmp8, $3  }
0x2b1: {  	v6 =	vld [tilespmem:s19+$0x10];
	_ =	sdelay $0x1  }
0x2b2: {  	v10 =	vmul.f32 v7, v4;
	v7 =	vmul.f32 v8, v4  }
0x2b3: {  	v9 =	vmul.f32 v9, v4;
	v8 =	vmul.f32 v11, v2  }
0x2b4: {  	[tilespmem:s2+$0xFFFFFFC0] =	vst v10  }
0x2b5: {  	[tilespmem:s2+$0xFFFFFFD0] =	vst v7  }
0x2b6: {  	v3 =	vmul.f32 v3, v4;
	s31 =	sadd.s32 $0x1, s31;
	[tilespmem:s2+$0xFFFFFFF0] =	vst v9  }
0x2b7: {  	v1 =	vmul.f32 v1, v2;
	[tilespmem:s2+$0x0] =	vst v8;
	p0 =	sne.s32 s31, $0xA  }
.Ltmp9:
0x2b8: {  	v63 =	vmul.f32 v6, v2;
	[tilespmem:s2+$0xFFFFFFE0] =	vst v3;
	(pc) =	sbr.rel @p0 .LBB2_12-.Ltmp9, $4  }
0x2b9: {  	v2 =	vmul.f32 v5, v2;
	[tilespmem:s2+$0x30] =	vst v1  }
0x2ba: {  	s24 =	sadd.s32 $0x100, s24;
	[tilespmem:s2+$0x10] =	vst v63  }
0x2bb: {  	s25 =	sadd.s32 $0x100, s25;
	s4 =	sadd.s32 $0x100, s4;
	s28 =	sadd.s32 $0x100, s28;
	[tilespmem:s2+$0x20] =	vst v2  }
0x2bc: {  	[spmem:s3] =	stream.indirect.scatter.add.f32 [tilespmem:s12], [sflag:$0x8], $0x80, s18, s6, $0xb8;
	[tilespmem:$0x1E800] =	vst v63  }
0x2bd: {  	s2 =	simm.s32 $0x7  }
0x2be: {  	_ =	swait.ge [sflag:s2], $0x2000  }
0x2bf: {  	[sflag:s2] =	ssyncset.done $0x0  }
0x2c0: {  	s22 =	simm.s32 $0x8;
	[sflag:s2] =	ssyncadd.s32 $0xFFFFE000  }
0x2c1: {  	_ =	swait.ge [sflag:s22], $0x2000  }
0x2c2: {  	[sflag:s22] =	ssyncset.done $0x0  }
0x2c3: {  	s24 =	simm.s32 $0x0;
	s23 =	rddreg [dreg:$0x8];
	[sflag:s22] =	ssyncadd.s32 $0xFFFFE000  }
0x2c4: {  	[tilespmem:s24], [sflag:$0x9] =	stream.linear.gather [hbm4b:s23+s24], $0xA00, $0x38;
	[tilespmem:$0x1E800] =	vst v63  }
0x2c5: {  	_ =	swait.ge [sflag:s26], $0xA00  }
0x2c6: {  	[sflag:s26] =	ssyncset.done $0x0  }
0x2c7: {  	s4 =	simm.s32 $0xA00;
	s25 =	rddreg [dreg:$0x9];
	[sflag:s26] =	ssyncadd.s32 $0xFFFFF600  }
0x2c8: {  	[tilespmem:s4], [sflag:$0x9] =	stream.linear.gather [hbm4b:s25+s24], $0xA00, $0x38;
	[tilespmem:$0x1E800] =	vst v63  }
0x2c9: {  	_ =	swait.ge [sflag:s26], $0xA00  }
0x2ca: {  	[sflag:s26] =	ssyncset.done $0x0  }
0x2cb: {  	s19 =	rddreg [dreg:$0x10];
	[sflag:s26] =	ssyncadd.s32 $0xFFFFF600  }
0x2cc: {  	[tilespmem:s29], [sflag:$0x9] =	stream.linear.gather [hbm4b:s19+s24], $0xA00, $0x38;
	[tilespmem:$0x1E800] =	vst v63  }
0x2cd: {  	_ =	swait.ge [sflag:s26], $0xA00  }
0x2ce: {  	[sflag:s26] =	ssyncset.done $0x0  }
0x2cf: {  	s20 =	rddreg [dreg:$0x11];
	[sflag:s26] =	ssyncadd.s32 $0xFFFFF600  }
0x2d0: {  	[tilespmem:s30], [sflag:$0x9] =	stream.linear.gather [hbm4b:s20+s24], $0xA00, $0x38;
	[tilespmem:$0x1E800] =	vst v63  }
0x2d1: {  	_ =	swait.ge [sflag:s26], $0xA00  }
0x2d2: {  	[sflag:s26] =	ssyncset.done $0x0  }
0x2d3: {  	[sflag:s26] =	ssyncadd.s32 $0xFFFFF600  }
0x2d4: {  	v1 =	vld [tilespmem:$0x0]  }
0x2d5: {  	v3 =	vld [tilespmem:$0xA00];
	_ =	sdelay $0x1  }
0x2d6: {  	v2 =	vld [tilespmem:$0x10]  }
0x2d7: {  	v5 =	vld [tilespmem:$0xA10]  }
0x2d8: {  	v4 =	vld [tilespmem:$0x20]  }
0x2d9: {  	v1 =	vshll.u32 v1, $0x1;
	[tilespmem:$0x2A00] =	vst v3;
	v3 =	vld [tilespmem:$0xA30]  }
0x2da: {  	v6 =	vld [tilespmem:$0x30];
	v1 =	vor.u32 v0, v1  }
0x2db: {  	[tilespmem:$0x2800] =	vst v1;
	v1 =	vshll.u32 v2, $0x1;
	v2 =	vld [tilespmem:$0xA20]  }
0x2dc: {  	[tilespmem:$0x2A10] =	vst v5;
	v1 =	vor.u32 v0, v1  }
0x2dd: {  	[tilespmem:$0x2810] =	vst v1;
	v1 =	vshll.u32 v4, $0x1  }
0x2de: {  	v1 =	vor.u32 v0, v1;
	[tilespmem:$0x2A30] =	vst v3  }
0x2df: {  	[tilespmem:$0x2820] =	vst v1;
	v1 =	vshll.u32 v6, $0x1  }
0x2e0: {  	[tilespmem:$0x2A20] =	vst v2;
	v1 =	vor.u32 v0, v1  }
0x2e1: {  	s22 =	simm.s32 $0x2800;
	s25 =	simm.s32 $0x40;
	[tilespmem:$0x2830] =	vst v1  }
0x2e2: {  	[tilespmem:s0], [sflag:$0x1] =	stream.indirect.gather [hbm4b:s1+s25], $0x80, s22, s25, $0xb8;
	[tilespmem:$0x1E800] =	vst v63  }
0x2e3: {  	v1 =	vld [tilespmem:$0x40]  }
0x2e4: {  	v3 =	vld [tilespmem:$0xA40];
	_ =	sdelay $0x1  }
0x2e5: {  	v2 =	vld [tilespmem:$0x50]  }
0x2e6: {  	v62 =	vld [tilespmem:$0xA50]  }
0x2e7: {  	v61 =	vld [tilespmem:$0x60]  }
0x2e8: {  	v1 =	vshll.u32 v1, $0x1;
	[tilespmem:$0x2A80] =	vst v3;
	v3 =	vld [tilespmem:$0xA70]  }
0x2e9: {  	v63 =	vld [tilespmem:$0x70];
	v1 =	vor.u32 v0, v1  }
0x2ea: {  	[tilespmem:$0x2880] =	vst v1;
	v1 =	vshll.u32 v2, $0x1;
	v2 =	vld [tilespmem:$0xA60]  }
0x2eb: {  	[tilespmem:$0x2A90] =	vst v62;
	v1 =	vor.u32 v0, v1  }
0x2ec: {  	[tilespmem:$0x2890] =	vst v1;
	v1 =	vshll.u32 v61, $0x1  }
0x2ed: {  	v1 =	vor.u32 v0, v1;
	[tilespmem:$0x2AB0] =	vst v3  }
0x2ee: {  	[tilespmem:$0x28A0] =	vst v1;
	v1 =	vshll.u32 v63, $0x1  }
0x2ef: {  	s28 =	simm.s32 $0xC0;
	[tilespmem:$0x2AA0] =	vst v2;
	v1 =	vor.u32 v0, v1  }
0x2f0: {  	s31 =	simm.s32 $0x0;
	s23 =	simm.s32 $0x2880;
	s4 =	simm.s32 $0x80;
	[tilespmem:$0x28B0] =	vst v1  }
0x2f1: {  	[tilespmem:s5], [sflag:$0x2] =	stream.indirect.gather [hbm4b:s1+s25], $0x80, s23, s25, $0xb8;
	[tilespmem:$0x1E800] =	vst v63  }
.LBB2_22:
0x2f2: {  	s2 =	sshll.u32 s31, $0x2  }
0x2f3: {  	s2 =	sadd.s32 $0xFFFFFFFC, s2  }
0x2f4: {  	p0 =	sgt.u32 s2, $0x23  }
0x2f5: {  	s2 =	simm.s32 @!p0 $0x7  }
0x2f6: {  	_ =	swait.ge @!p0 [sflag:s2], $0x2000  }
0x2f7: {  	[sflag:s2] =	ssyncset.done @!p0 $0x0  }
0x2f8: {  	[sflag:s2] =	ssyncadd.s32 @!p0 $0xFFFFE000;
	s2 =	sshll.u32 s31, $0x8  }
0x2f9: {  	v1 =	vld [tilespmem:s2+$0x80];
	_ =	sdelay $0x4  }
0x2fa: {  	v1 =	vshll.u32 v1, $0x1  }
0x2fb: {  	v1 =	vor.u32 v0, v1  }
0x2fc: {  	[tilespmem:$0x2900] =	vst v1  }
0x2fd: {  	v1 =	vld [tilespmem:s2+$0xA80];
	_ =	sdelay $0x4  }
0x2fe: {  	[tilespmem:$0x2B00] =	vst v1  }
0x2ff: {  	v1 =	vld [tilespmem:s2+$0x90];
	_ =	sdelay $0x4  }
0x300: {  	v1 =	vshll.u32 v1, $0x1  }
0x301: {  	v1 =	vor.u32 v0, v1  }
0x302: {  	[tilespmem:$0x2910] =	vst v1  }
0x303: {  	v1 =	vld [tilespmem:s2+$0xA90];
	_ =	sdelay $0x4  }
0x304: {  	[tilespmem:$0x2B10] =	vst v1  }
0x305: {  	v1 =	vld [tilespmem:s2+$0xA0];
	_ =	sdelay $0x4  }
0x306: {  	v1 =	vshll.u32 v1, $0x1  }
0x307: {  	v1 =	vor.u32 v0, v1  }
0x308: {  	[tilespmem:$0x2920] =	vst v1  }
0x309: {  	v1 =	vld [tilespmem:s2+$0xAA0];
	_ =	sdelay $0x4  }
0x30a: {  	[tilespmem:$0x2B20] =	vst v1  }
0x30b: {  	v1 =	vld [tilespmem:s2+$0xB0];
	_ =	sdelay $0x4  }
0x30c: {  	v1 =	vshll.u32 v1, $0x1  }
0x30d: {  	v1 =	vor.u32 v0, v1  }
0x30e: {  	[tilespmem:$0x2930] =	vst v1  }
0x30f: {  	v1 =	vld [tilespmem:s2+$0xAB0];
	_ =	sdelay $0x4  }
0x310: {  	[tilespmem:$0x2B30] =	vst v1  }
0x311: {  	[tilespmem:s8], [sflag:$0x3] =	stream.indirect.gather [hbm4b:s1+s6], $0x80, s7, s6, $0xb8;
	[tilespmem:$0x1E800] =	vst v63  }
0x312: {  	s19 =	sadd.s32 $0x0, s24;
	_ =	swait.ge [sflag:s9], $0x2000  }
0x313: {  	v1 =	vmov s19;
	[sflag:s9] =	ssyncset.done $0x0  }
0x314: {  	s23 =	simm.s32 $0x2C40;
	[sflag:s9] =	ssyncadd.s32 $0xFFFFE000  }
0x315: {  	v8 =	vld [tilespmem:s23+$0xFFFFFFF0]  }
0x316: {  	v6 =	vld [tilespmem:s23+$0xFFFFFFC0]  }
0x317: {  	v7 =	vld [tilespmem:s23+$0xFFFFFFD0]  }
0x318: {  	v4 =	vld.idx.msk [tilespmem:v1+s29+$0x0], $0xffff  }
0x319: {  	v2 =	vld.idx.msk [tilespmem:v1+s30+$0x0], $0xffff  }
0x31a: {  	v11 =	vld [tilespmem:s23+$0x0]  }
0x31b: {  	v3 =	vld [tilespmem:s23+$0xFFFFFFE0]  }
0x31c: {  	v1 =	vld [tilespmem:s23+$0x30]  }
0x31d: {  	v5 =	vld [tilespmem:s23+$0x20]  }
0x31e: {  	v10 =	vmul.f32 v6, v4;
	v6 =	vld [tilespmem:s23+$0x10]  }
0x31f: {  	v7 =	vmul.f32 v7, v4  }
0x320: {  	s22 =	simm.s32 $0x1;
	s19 =	simm.s32 $0x2C40;
	v9 =	vmul.f32 v8, v4;
	v8 =	vmul.f32 v11, v2  }
.LBB2_23:
0x321: {  	p0 =	sne.s32 s22, $0x3F  }
0x322: {  	[tilespmem:s23+$0xFFFFFFC0] =	vst v10;
	v3 =	vmul.f32 v3, v4;
	v4 =	vmul.f32 v5, v2;
	s19 =	sadd.s32 $0x80, s19;
	s20 =	smov.u32 s22;
	s22 =	sadd.s32 $0x1, s22  }
0x323: {  	v1 =	vmul.f32 v1, v2;
	[tilespmem:s23+$0xFFFFFFF0] =	vst v9;
	v5 =	vmul.f32 v6, v2  }
0x324: {  	s20 =	sadd.s32 s20, s24;
	[tilespmem:s23+$0xFFFFFFD0] =	vst v7  }
0x325: {  	v2 =	vmov s20;
	v9 =	vld [tilespmem:s19+$0xFFFFFFF0];
	[tilespmem:s23+$0x0] =	vst v8  }
0x326: {  	v7 =	vld [tilespmem:s19+$0xFFFFFFC0];
	[tilespmem:s23+$0xFFFFFFE0] =	vst v3  }
0x327: {  	v3 =	vld [tilespmem:s19+$0xFFFFFFE0];
	[tilespmem:s23+$0x30] =	vst v1  }
0x328: {  	v1 =	vld [tilespmem:s19+$0x30];
	[tilespmem:s23+$0x10] =	vst v5  }
0x329: {  	v8 =	vld [tilespmem:s19+$0xFFFFFFD0];
	[tilespmem:s23+$0x20] =	vst v4;
	s23 =	smov.u32 s19  }
0x32a: {  	v4 =	vld.idx.msk [tilespmem:v2+s29+$0x0], $0xffff  }
0x32b: {  	v2 =	vld.idx.msk [tilespmem:v2+s30+$0x0], $0xffff  }
0x32c: {  	v11 =	vld [tilespmem:s19+$0x0]  }
.Ltmp10:
0x32d: {  	v5 =	vld [tilespmem:s19+$0x20];
	(pc) =	sbr.rel @p0 .LBB2_23-.Ltmp10, $3  }
0x32e: {  	v6 =	vld [tilespmem:s19+$0x10];
	_ =	sdelay $0x1  }
0x32f: {  	v10 =	vmul.f32 v7, v4;
	v7 =	vmul.f32 v8, v4  }
0x330: {  	v9 =	vmul.f32 v9, v4;
	v8 =	vmul.f32 v11, v2  }
0x331: {  	[tilespmem:s23+$0xFFFFFFC0] =	vst v10  }
0x332: {  	[tilespmem:s23+$0xFFFFFFD0] =	vst v7  }
0x333: {  	v3 =	vmul.f32 v3, v4;
	[tilespmem:s23+$0xFFFFFFF0] =	vst v9  }
0x334: {  	v1 =	vmul.f32 v1, v2;
	[tilespmem:s23+$0x0] =	vst v8  }
0x335: {  	v4 =	vmul.f32 v6, v2;
	[tilespmem:s23+$0xFFFFFFE0] =	vst v3  }
0x336: {  	v2 =	vmul.f32 v5, v2;
	[tilespmem:s23+$0x30] =	vst v1  }
0x337: {  	p0 =	seq.s32 s31, $0x0;
	[tilespmem:s23+$0x10] =	vst v4  }
0x338: {  	s19 =	simm.s32 @!p0 $0x8;
	[tilespmem:s23+$0x20] =	vst v2  }
0x339: {  	[spmem:s3] =	stream.indirect.scatter.add.f32 [tilespmem:s0], [sflag:$0x5], $0x80, s10, s6, $0xb8;
	[tilespmem:$0x1E800] =	vst v63  }
0x33a: {  	_ =	swait.ge @!p0 [sflag:s19], $0x2000  }
0x33b: {  	[sflag:s19] =	ssyncset.done @!p0 $0x0  }
0x33c: {  	s22 =	sor.u32 $0xC0, s2;
	[sflag:s19] =	ssyncadd.s32 @!p0 $0xFFFFE000  }
0x33d: {  	v1 =	vld [tilespmem:s22+$0x0];
	_ =	sdelay $0x4  }
0x33e: {  	v1 =	vshll.u32 v1, $0x1  }
0x33f: {  	v1 =	vor.u32 v0, v1  }
0x340: {  	[tilespmem:$0x2980] =	vst v1  }
0x341: {  	v1 =	vld [tilespmem:s2+$0xAC0];
	_ =	sdelay $0x4  }
0x342: {  	s23 =	sor.u32 $0xD0, s2;
	[tilespmem:$0x2B80] =	vst v1  }
0x343: {  	v1 =	vld [tilespmem:s23+$0x0];
	_ =	sdelay $0x4  }
0x344: {  	v1 =	vshll.u32 v1, $0x1  }
0x345: {  	v1 =	vor.u32 v0, v1  }
0x346: {  	[tilespmem:$0x2990] =	vst v1  }
0x347: {  	v1 =	vld [tilespmem:s2+$0xAD0];
	_ =	sdelay $0x4  }
0x348: {  	s20 =	sor.u32 $0xE0, s2;
	[tilespmem:$0x2B90] =	vst v1  }
0x349: {  	v1 =	vld [tilespmem:s20+$0x0];
	_ =	sdelay $0x4  }
0x34a: {  	v1 =	vshll.u32 v1, $0x1  }
0x34b: {  	v1 =	vor.u32 v0, v1  }
0x34c: {  	[tilespmem:$0x29A0] =	vst v1  }
0x34d: {  	v1 =	vld [tilespmem:s2+$0xAE0];
	_ =	sdelay $0x4  }
0x34e: {  	s22 =	sor.u32 $0xF0, s2;
	[tilespmem:$0x2BA0] =	vst v1  }
0x34f: {  	v1 =	vld [tilespmem:s22+$0x0];
	_ =	sdelay $0x4  }
0x350: {  	v1 =	vshll.u32 v1, $0x1  }
0x351: {  	v1 =	vor.u32 v0, v1  }
0x352: {  	[tilespmem:$0x29B0] =	vst v1  }
0x353: {  	v1 =	vld [tilespmem:s2+$0xAF0];
	_ =	sdelay $0x4  }
0x354: {  	[tilespmem:$0x2BB0] =	vst v1  }
0x355: {  	[tilespmem:s12], [sflag:$0x4] =	stream.indirect.gather [hbm4b:s1+s6], $0x80, s11, s6, $0xb8;
	[tilespmem:$0x1E800] =	vst v63  }
0x356: {  	s23 =	sadd.s32 $0x0, s25;
	_ =	swait.ge [sflag:s13], $0x2000  }
0x357: {  	v1 =	vmov s23;
	[sflag:s13] =	ssyncset.done $0x0  }
0x358: {  	s23 =	simm.s32 $0x4C40;
	[sflag:s13] =	ssyncadd.s32 $0xFFFFE000  }
0x359: {  	v8 =	vld [tilespmem:s23+$0xFFFFFFF0]  }
0x35a: {  	v6 =	vld [tilespmem:s23+$0xFFFFFFC0]  }
0x35b: {  	v7 =	vld [tilespmem:s23+$0xFFFFFFD0]  }
0x35c: {  	v4 =	vld.idx.msk [tilespmem:v1+s29+$0x0], $0xffff  }
0x35d: {  	v2 =	vld.idx.msk [tilespmem:v1+s30+$0x0], $0xffff  }
0x35e: {  	v11 =	vld [tilespmem:s23+$0x0]  }
0x35f: {  	v3 =	vld [tilespmem:s23+$0xFFFFFFE0]  }
0x360: {  	v1 =	vld [tilespmem:s23+$0x30]  }
0x361: {  	v5 =	vld [tilespmem:s23+$0x20]  }
0x362: {  	v10 =	vmul.f32 v6, v4;
	v6 =	vld [tilespmem:s23+$0x10]  }
0x363: {  	v7 =	vmul.f32 v7, v4  }
0x364: {  	s19 =	simm.s32 $0x4C40;
	s22 =	simm.s32 $0x1;
	v9 =	vmul.f32 v8, v4;
	v8 =	vmul.f32 v11, v2  }
.LBB2_25:
0x365: {  	p0 =	sne.s32 s22, $0x3F  }
0x366: {  	[tilespmem:s23+$0xFFFFFFC0] =	vst v10;
	v3 =	vmul.f32 v3, v4;
	v4 =	vmul.f32 v5, v2;
	s19 =	sadd.s32 $0x80, s19;
	s20 =	smov.u32 s22;
	s22 =	sadd.s32 $0x1, s22  }
0x367: {  	v1 =	vmul.f32 v1, v2;
	[tilespmem:s23+$0xFFFFFFF0] =	vst v9;
	v5 =	vmul.f32 v6, v2  }
0x368: {  	s20 =	sadd.s32 s20, s25;
	[tilespmem:s23+$0xFFFFFFD0] =	vst v7  }
0x369: {  	v2 =	vmov s20;
	v9 =	vld [tilespmem:s19+$0xFFFFFFF0];
	[tilespmem:s23+$0x0] =	vst v8  }
0x36a: {  	v7 =	vld [tilespmem:s19+$0xFFFFFFC0];
	[tilespmem:s23+$0xFFFFFFE0] =	vst v3  }
0x36b: {  	v3 =	vld [tilespmem:s19+$0xFFFFFFE0];
	[tilespmem:s23+$0x30] =	vst v1  }
0x36c: {  	v1 =	vld [tilespmem:s19+$0x30];
	[tilespmem:s23+$0x10] =	vst v5  }
0x36d: {  	v8 =	vld [tilespmem:s19+$0xFFFFFFD0];
	[tilespmem:s23+$0x20] =	vst v4;
	s23 =	smov.u32 s19  }
0x36e: {  	v4 =	vld.idx.msk [tilespmem:v2+s29+$0x0], $0xffff  }
0x36f: {  	v2 =	vld.idx.msk [tilespmem:v2+s30+$0x0], $0xffff  }
0x370: {  	v11 =	vld [tilespmem:s19+$0x0]  }
.Ltmp11:
0x371: {  	v5 =	vld [tilespmem:s19+$0x20];
	(pc) =	sbr.rel @p0 .LBB2_25-.Ltmp11, $3  }
0x372: {  	v6 =	vld [tilespmem:s19+$0x10];
	_ =	sdelay $0x1  }
0x373: {  	v10 =	vmul.f32 v7, v4;
	v7 =	vmul.f32 v8, v4  }
0x374: {  	v9 =	vmul.f32 v9, v4;
	v8 =	vmul.f32 v11, v2  }
0x375: {  	[tilespmem:s23+$0xFFFFFFC0] =	vst v10  }
0x376: {  	[tilespmem:s23+$0xFFFFFFD0] =	vst v7  }
0x377: {  	v3 =	vmul.f32 v3, v4;
	[tilespmem:s23+$0xFFFFFFF0] =	vst v9  }
0x378: {  	v1 =	vmul.f32 v1, v2;
	[tilespmem:s23+$0x0] =	vst v8  }
0x379: {  	v4 =	vmul.f32 v6, v2;
	[tilespmem:s23+$0xFFFFFFE0] =	vst v3  }
0x37a: {  	v2 =	vmul.f32 v5, v2;
	[tilespmem:s23+$0x30] =	vst v1  }
0x37b: {  	p0 =	seq.s32 s31, $0x9;
	[tilespmem:s23+$0x10] =	vst v4  }
0x37c: {  	s19 =	simm.s32 @!p0 $0x5;
	[tilespmem:s23+$0x20] =	vst v2  }
0x37d: {  	[spmem:s3] =	stream.indirect.scatter.add.f32 [tilespmem:s5], [sflag:$0x6], $0x80, s14, s6, $0xb8;
	[tilespmem:$0x1E800] =	vst v63  }
0x37e: {  	_ =	swait.ge @!p0 [sflag:s19], $0x2000  }
0x37f: {  	[sflag:s19] =	ssyncset.done @!p0 $0x0  }
0x380: {  	[sflag:s19] =	ssyncadd.s32 @!p0 $0xFFFFE000  }
0x381: {  	v1 =	vld @!p0 [tilespmem:s2+$0x100];
	_ =	sdelay $0x4  }
0x382: {  	v1 =	vshll.u32 @!p0 v1, $0x1  }
0x383: {  	v1 =	vor.u32 @!p0 v0, v1  }
0x384: {  	[tilespmem:$0x2800] =	vst @!p0 v1  }
0x385: {  	v1 =	vld @!p0 [tilespmem:s2+$0xB00];
	_ =	sdelay $0x4  }
0x386: {  	[tilespmem:$0x2A00] =	vst @!p0 v1  }
0x387: {  	v1 =	vld @!p0 [tilespmem:s2+$0x110];
	_ =	sdelay $0x4  }
0x388: {  	v1 =	vshll.u32 @!p0 v1, $0x1  }
0x389: {  	v1 =	vor.u32 @!p0 v0, v1  }
0x38a: {  	[tilespmem:$0x2810] =	vst @!p0 v1  }
0x38b: {  	v1 =	vld @!p0 [tilespmem:s2+$0xB10];
	_ =	sdelay $0x4  }
0x38c: {  	[tilespmem:$0x2A10] =	vst @!p0 v1  }
0x38d: {  	v1 =	vld @!p0 [tilespmem:s2+$0x120];
	_ =	sdelay $0x4  }
0x38e: {  	v1 =	vshll.u32 @!p0 v1, $0x1  }
0x38f: {  	v1 =	vor.u32 @!p0 v0, v1  }
0x390: {  	[tilespmem:$0x2820] =	vst @!p0 v1  }
0x391: {  	v1 =	vld @!p0 [tilespmem:s2+$0xB20];
	_ =	sdelay $0x4  }
0x392: {  	[tilespmem:$0x2A20] =	vst @!p0 v1  }
0x393: {  	v1 =	vld @!p0 [tilespmem:s2+$0x130];
	_ =	sdelay $0x4  }
0x394: {  	v1 =	vshll.u32 @!p0 v1, $0x1  }
0x395: {  	v1 =	vor.u32 @!p0 v0, v1  }
0x396: {  	[tilespmem:$0x2830] =	vst @!p0 v1  }
0x397: {  	v1 =	vld @!p0 [tilespmem:s2+$0xB30];
	_ =	sdelay $0x4  }
0x398: {  	s20 =	simm.s32 @!p0 $0x2800;
	s22 =	simm.s32 @!p0 $0x2C00;
	s19 =	simm.s32 @!p0 $0x40;
	[tilespmem:$0x2A30] =	vst @!p0 v1  }
0x399: {  	[tilespmem:s22], [sflag:$0x1] =	stream.indirect.gather @!p0 [hbm4b:s1+s19], $0x80, s20, s19, $0xb8;
	[tilespmem:$0x1E800] =	vst v63  }
0x39a: {  	s23 =	sadd.s32 $0x0, s4;
	_ =	swait.ge [sflag:s15], $0x2000  }
0x39b: {  	v1 =	vmov s23;
	[sflag:s15] =	ssyncset.done $0x0  }
0x39c: {  	s23 =	simm.s32 $0x6C40;
	[sflag:s15] =	ssyncadd.s32 $0xFFFFE000  }
0x39d: {  	v8 =	vld [tilespmem:s23+$0xFFFFFFF0]  }
0x39e: {  	v6 =	vld [tilespmem:s23+$0xFFFFFFC0]  }
0x39f: {  	v7 =	vld [tilespmem:s23+$0xFFFFFFD0]  }
0x3a0: {  	v4 =	vld.idx.msk [tilespmem:v1+s29+$0x0], $0xffff  }
0x3a1: {  	v2 =	vld.idx.msk [tilespmem:v1+s30+$0x0], $0xffff  }
0x3a2: {  	v11 =	vld [tilespmem:s23+$0x0]  }
0x3a3: {  	v3 =	vld [tilespmem:s23+$0xFFFFFFE0]  }
0x3a4: {  	v1 =	vld [tilespmem:s23+$0x30]  }
0x3a5: {  	v5 =	vld [tilespmem:s23+$0x20]  }
0x3a6: {  	v10 =	vmul.f32 v6, v4;
	v6 =	vld [tilespmem:s23+$0x10]  }
0x3a7: {  	v7 =	vmul.f32 v7, v4  }
0x3a8: {  	s22 =	simm.s32 $0x1;
	s19 =	simm.s32 $0x6C40;
	v9 =	vmul.f32 v8, v4;
	v8 =	vmul.f32 v11, v2  }
.LBB2_27:
0x3a9: {  	p1 =	sne.s32 s22, $0x3F  }
0x3aa: {  	[tilespmem:s23+$0xFFFFFFC0] =	vst v10;
	v3 =	vmul.f32 v3, v4;
	v4 =	vmul.f32 v5, v2;
	s19 =	sadd.s32 $0x80, s19;
	s20 =	smov.u32 s22;
	s22 =	sadd.s32 $0x1, s22  }
0x3ab: {  	v1 =	vmul.f32 v1, v2;
	[tilespmem:s23+$0xFFFFFFF0] =	vst v9;
	v5 =	vmul.f32 v6, v2  }
0x3ac: {  	s20 =	sadd.s32 s20, s4;
	[tilespmem:s23+$0xFFFFFFD0] =	vst v7  }
0x3ad: {  	v2 =	vmov s20;
	v9 =	vld [tilespmem:s19+$0xFFFFFFF0];
	[tilespmem:s23+$0x0] =	vst v8  }
0x3ae: {  	v7 =	vld [tilespmem:s19+$0xFFFFFFC0];
	[tilespmem:s23+$0xFFFFFFE0] =	vst v3  }
0x3af: {  	v3 =	vld [tilespmem:s19+$0xFFFFFFE0];
	[tilespmem:s23+$0x30] =	vst v1  }
0x3b0: {  	v1 =	vld [tilespmem:s19+$0x30];
	[tilespmem:s23+$0x10] =	vst v5  }
0x3b1: {  	v8 =	vld [tilespmem:s19+$0xFFFFFFD0];
	[tilespmem:s23+$0x20] =	vst v4;
	s23 =	smov.u32 s19  }
0x3b2: {  	v4 =	vld.idx.msk [tilespmem:v2+s29+$0x0], $0xffff  }
0x3b3: {  	v2 =	vld.idx.msk [tilespmem:v2+s30+$0x0], $0xffff  }
0x3b4: {  	v11 =	vld [tilespmem:s19+$0x0]  }
.Ltmp12:
0x3b5: {  	v5 =	vld [tilespmem:s19+$0x20];
	(pc) =	sbr.rel @p1 .LBB2_27-.Ltmp12, $3  }
0x3b6: {  	v6 =	vld [tilespmem:s19+$0x10];
	_ =	sdelay $0x1  }
0x3b7: {  	v10 =	vmul.f32 v7, v4;
	v7 =	vmul.f32 v8, v4  }
0x3b8: {  	v9 =	vmul.f32 v9, v4;
	v8 =	vmul.f32 v11, v2  }
0x3b9: {  	[tilespmem:s23+$0xFFFFFFC0] =	vst v10  }
0x3ba: {  	[tilespmem:s23+$0xFFFFFFD0] =	vst v7  }
0x3bb: {  	v3 =	vmul.f32 v3, v4;
	[tilespmem:s23+$0xFFFFFFF0] =	vst v9  }
0x3bc: {  	v1 =	vmul.f32 v1, v2;
	[tilespmem:s23+$0x0] =	vst v8  }
0x3bd: {  	v4 =	vmul.f32 v6, v2;
	[tilespmem:s23+$0xFFFFFFE0] =	vst v3  }
0x3be: {  	v2 =	vmul.f32 v5, v2;
	[tilespmem:s23+$0x30] =	vst v1  }
0x3bf: {  	[tilespmem:s23+$0x10] =	vst v4  }
0x3c0: {  	s19 =	simm.s32 @!p0 $0x6;
	[tilespmem:s23+$0x20] =	vst v2  }
0x3c1: {  	[spmem:s3] =	stream.indirect.scatter.add.f32 [tilespmem:s8], [sflag:$0x7], $0x80, s16, s6, $0xb8;
	[tilespmem:$0x1E800] =	vst v63  }
0x3c2: {  	_ =	swait.ge @!p0 [sflag:s19], $0x2000  }
0x3c3: {  	[sflag:s19] =	ssyncset.done @!p0 $0x0  }
0x3c4: {  	[sflag:s19] =	ssyncadd.s32 @!p0 $0xFFFFE000  }
0x3c5: {  	v1 =	vld @!p0 [tilespmem:s2+$0x140];
	_ =	sdelay $0x4  }
0x3c6: {  	v1 =	vshll.u32 @!p0 v1, $0x1  }
0x3c7: {  	v1 =	vor.u32 @!p0 v0, v1  }
0x3c8: {  	[tilespmem:$0x2880] =	vst @!p0 v1  }
0x3c9: {  	v1 =	vld @!p0 [tilespmem:s2+$0xB40];
	_ =	sdelay $0x4  }
0x3ca: {  	[tilespmem:$0x2A80] =	vst @!p0 v1  }
0x3cb: {  	v1 =	vld @!p0 [tilespmem:s2+$0x150];
	_ =	sdelay $0x4  }
0x3cc: {  	v1 =	vshll.u32 @!p0 v1, $0x1  }
0x3cd: {  	v1 =	vor.u32 @!p0 v0, v1  }
0x3ce: {  	[tilespmem:$0x2890] =	vst @!p0 v1  }
0x3cf: {  	v1 =	vld @!p0 [tilespmem:s2+$0xB50];
	_ =	sdelay $0x4  }
0x3d0: {  	[tilespmem:$0x2A90] =	vst @!p0 v1  }
0x3d1: {  	v1 =	vld @!p0 [tilespmem:s2+$0x160];
	_ =	sdelay $0x4  }
0x3d2: {  	v1 =	vshll.u32 @!p0 v1, $0x1  }
0x3d3: {  	v1 =	vor.u32 @!p0 v0, v1  }
0x3d4: {  	[tilespmem:$0x28A0] =	vst @!p0 v1  }
0x3d5: {  	v1 =	vld @!p0 [tilespmem:s2+$0xB60];
	_ =	sdelay $0x4  }
0x3d6: {  	[tilespmem:$0x2AA0] =	vst @!p0 v1  }
0x3d7: {  	v1 =	vld @!p0 [tilespmem:s2+$0x170];
	_ =	sdelay $0x4  }
0x3d8: {  	v1 =	vshll.u32 @!p0 v1, $0x1  }
0x3d9: {  	v1 =	vor.u32 @!p0 v0, v1  }
0x3da: {  	[tilespmem:$0x28B0] =	vst @!p0 v1  }
0x3db: {  	v1 =	vld @!p0 [tilespmem:s2+$0xB70];
	_ =	sdelay $0x4  }
0x3dc: {  	s20 =	simm.s32 @!p0 $0x4C00;
	s19 =	simm.s32 @!p0 $0x2880;
	s2 =	simm.s32 @!p0 $0x40;
	[tilespmem:$0x2AB0] =	vst @!p0 v1  }
0x3dd: {  	[tilespmem:s20], [sflag:$0x2] =	stream.indirect.gather @!p0 [hbm4b:s1+s2], $0x80, s19, s2, $0xb8;
	[tilespmem:$0x1E800] =	vst v63  }
0x3de: {  	s23 =	sadd.s32 $0x0, s28;
	_ =	swait.ge [sflag:s17], $0x2000  }
0x3df: {  	v1 =	vmov s23;
	[sflag:s17] =	ssyncset.done $0x0  }
0x3e0: {  	s2 =	simm.s32 $0x8C40;
	[sflag:s17] =	ssyncadd.s32 $0xFFFFE000  }
0x3e1: {  	v8 =	vld [tilespmem:s2+$0xFFFFFFF0]  }
0x3e2: {  	v6 =	vld [tilespmem:s2+$0xFFFFFFC0]  }
0x3e3: {  	v7 =	vld [tilespmem:s2+$0xFFFFFFD0]  }
0x3e4: {  	v4 =	vld.idx.msk [tilespmem:v1+s29+$0x0], $0xffff  }
0x3e5: {  	v2 =	vld.idx.msk [tilespmem:v1+s30+$0x0], $0xffff  }
0x3e6: {  	v11 =	vld [tilespmem:s2+$0x0]  }
0x3e7: {  	v3 =	vld [tilespmem:s2+$0xFFFFFFE0]  }
0x3e8: {  	v1 =	vld [tilespmem:s2+$0x30]  }
0x3e9: {  	v5 =	vld [tilespmem:s2+$0x20]  }
0x3ea: {  	v10 =	vmul.f32 v6, v4;
	v6 =	vld [tilespmem:s2+$0x10]  }
0x3eb: {  	v7 =	vmul.f32 v7, v4  }
0x3ec: {  	s22 =	simm.s32 $0x1;
	s19 =	simm.s32 $0x8C40;
	v9 =	vmul.f32 v8, v4;
	v8 =	vmul.f32 v11, v2  }
.LBB2_29:
0x3ed: {  	p0 =	sne.s32 s22, $0x3F  }
0x3ee: {  	[tilespmem:s2+$0xFFFFFFC0] =	vst v10;
	v3 =	vmul.f32 v3, v4;
	v4 =	vmul.f32 v5, v2;
	s19 =	sadd.s32 $0x80, s19;
	s20 =	smov.u32 s22;
	s22 =	sadd.s32 $0x1, s22  }
0x3ef: {  	v1 =	vmul.f32 v1, v2;
	[tilespmem:s2+$0xFFFFFFF0] =	vst v9;
	v5 =	vmul.f32 v6, v2  }
0x3f0: {  	s20 =	sadd.s32 s20, s28;
	[tilespmem:s2+$0xFFFFFFD0] =	vst v7  }
0x3f1: {  	v2 =	vmov s20;
	v9 =	vld [tilespmem:s19+$0xFFFFFFF0];
	[tilespmem:s2+$0x0] =	vst v8  }
0x3f2: {  	v7 =	vld [tilespmem:s19+$0xFFFFFFC0];
	[tilespmem:s2+$0xFFFFFFE0] =	vst v3  }
0x3f3: {  	v3 =	vld [tilespmem:s19+$0xFFFFFFE0];
	[tilespmem:s2+$0x30] =	vst v1  }
0x3f4: {  	v1 =	vld [tilespmem:s19+$0x30];
	[tilespmem:s2+$0x10] =	vst v5  }
0x3f5: {  	v8 =	vld [tilespmem:s19+$0xFFFFFFD0];
	[tilespmem:s2+$0x20] =	vst v4;
	s2 =	smov.u32 s19  }
0x3f6: {  	v4 =	vld.idx.msk [tilespmem:v2+s29+$0x0], $0xffff  }
0x3f7: {  	v2 =	vld.idx.msk [tilespmem:v2+s30+$0x0], $0xffff  }
0x3f8: {  	v11 =	vld [tilespmem:s19+$0x0]  }
.Ltmp13:
0x3f9: {  	v5 =	vld [tilespmem:s19+$0x20];
	(pc) =	sbr.rel @p0 .LBB2_29-.Ltmp13, $3  }
0x3fa: {  	v6 =	vld [tilespmem:s19+$0x10];
	_ =	sdelay $0x1  }
0x3fb: {  	v10 =	vmul.f32 v7, v4;
	v7 =	vmul.f32 v8, v4  }
0x3fc: {  	v9 =	vmul.f32 v9, v4;
	v8 =	vmul.f32 v11, v2  }
0x3fd: {  	[tilespmem:s2+$0xFFFFFFC0] =	vst v10  }
0x3fe: {  	[tilespmem:s2+$0xFFFFFFD0] =	vst v7  }
0x3ff: {  	v3 =	vmul.f32 v3, v4;
	s31 =	sadd.s32 $0x1, s31;
	[tilespmem:s2+$0xFFFFFFF0] =	vst v9  }
0x400: {  	v1 =	vmul.f32 v1, v2;
	[tilespmem:s2+$0x0] =	vst v8;
	p0 =	sne.s32 s31, $0xA  }
.Ltmp14:
0x401: {  	v63 =	vmul.f32 v6, v2;
	[tilespmem:s2+$0xFFFFFFE0] =	vst v3;
	(pc) =	sbr.rel @p0 .LBB2_22-.Ltmp14, $4  }
0x402: {  	v2 =	vmul.f32 v5, v2;
	[tilespmem:s2+$0x30] =	vst v1  }
0x403: {  	s24 =	sadd.s32 $0x100, s24;
	[tilespmem:s2+$0x10] =	vst v63  }
0x404: {  	s25 =	sadd.s32 $0x100, s25;
	s4 =	sadd.s32 $0x100, s4;
	s28 =	sadd.s32 $0x100, s28;
	[tilespmem:s2+$0x20] =	vst v2  }
0x405: {  	[spmem:s3] =	stream.indirect.scatter.add.f32 [tilespmem:s12], [sflag:$0x8], $0x80, s18, s6, $0xb8;
	[tilespmem:$0x1E800] =	vst v63  }
0x406: {  	s2 =	simm.s32 $0x7  }
0x407: {  	_ =	swait.ge [sflag:s2], $0x2000  }
0x408: {  	[sflag:s2] =	ssyncset.done $0x0  }
0x409: {  	s22 =	simm.s32 $0x8;
	[sflag:s2] =	ssyncadd.s32 $0xFFFFE000  }
0x40a: {  	_ =	swait.ge [sflag:s22], $0x2000  }
0x40b: {  	[sflag:s22] =	ssyncset.done $0x0  }
0x40c: {  	s24 =	simm.s32 $0x0;
	s23 =	rddreg [dreg:$0xa];
	[sflag:s22] =	ssyncadd.s32 $0xFFFFE000  }
0x40d: {  	[tilespmem:s24], [sflag:$0x9] =	stream.linear.gather [hbm4b:s23+s24], $0xA00, $0x38;
	[tilespmem:$0x1E800] =	vst v63  }
0x40e: {  	_ =	swait.ge [sflag:s26], $0xA00  }
0x40f: {  	[sflag:s26] =	ssyncset.done $0x0  }
0x410: {  	s4 =	simm.s32 $0xA00;
	s25 =	rddreg [dreg:$0xb];
	[sflag:s26] =	ssyncadd.s32 $0xFFFFF600  }
0x411: {  	[tilespmem:s4], [sflag:$0x9] =	stream.linear.gather [hbm4b:s25+s24], $0xA00, $0x38;
	[tilespmem:$0x1E800] =	vst v63  }
0x412: {  	_ =	swait.ge [sflag:s26], $0xA00  }
0x413: {  	[sflag:s26] =	ssyncset.done $0x0  }
0x414: {  	s19 =	rddreg [dreg:$0x12];
	[sflag:s26] =	ssyncadd.s32 $0xFFFFF600  }
0x415: {  	[tilespmem:s29], [sflag:$0x9] =	stream.linear.gather [hbm4b:s19+s24], $0xA00, $0x38;
	[tilespmem:$0x1E800] =	vst v63  }
0x416: {  	_ =	swait.ge [sflag:s26], $0xA00  }
0x417: {  	[sflag:s26] =	ssyncset.done $0x0  }
0x418: {  	s20 =	rddreg [dreg:$0x13];
	[sflag:s26] =	ssyncadd.s32 $0xFFFFF600  }
0x419: {  	[tilespmem:s30], [sflag:$0x9] =	stream.linear.gather [hbm4b:s20+s24], $0xA00, $0x38;
	[tilespmem:$0x1E800] =	vst v63  }
0x41a: {  	_ =	swait.ge [sflag:s26], $0xA00  }
0x41b: {  	[sflag:s26] =	ssyncset.done $0x0  }
0x41c: {  	[sflag:s26] =	ssyncadd.s32 $0xFFFFF600  }
0x41d: {  	v1 =	vld [tilespmem:$0x0]  }
0x41e: {  	v3 =	vld [tilespmem:$0xA00];
	_ =	sdelay $0x1  }
0x41f: {  	v2 =	vld [tilespmem:$0x10]  }
0x420: {  	v5 =	vld [tilespmem:$0xA10]  }
0x421: {  	v4 =	vld [tilespmem:$0x20]  }
0x422: {  	v1 =	vshll.u32 v1, $0x1;
	[tilespmem:$0x2A00] =	vst v3;
	v3 =	vld [tilespmem:$0xA30]  }
0x423: {  	v6 =	vld [tilespmem:$0x30];
	v1 =	vor.u32 v0, v1  }
0x424: {  	[tilespmem:$0x2800] =	vst v1;
	v1 =	vshll.u32 v2, $0x1;
	v2 =	vld [tilespmem:$0xA20]  }
0x425: {  	[tilespmem:$0x2A10] =	vst v5;
	v1 =	vor.u32 v0, v1  }
0x426: {  	[tilespmem:$0x2810] =	vst v1;
	v1 =	vshll.u32 v4, $0x1  }
0x427: {  	v1 =	vor.u32 v0, v1;
	[tilespmem:$0x2A30] =	vst v3  }
0x428: {  	[tilespmem:$0x2820] =	vst v1;
	v1 =	vshll.u32 v6, $0x1  }
0x429: {  	[tilespmem:$0x2A20] =	vst v2;
	v1 =	vor.u32 v0, v1  }
0x42a: {  	s22 =	simm.s32 $0x2800;
	s25 =	simm.s32 $0x40;
	[tilespmem:$0x2830] =	vst v1  }
0x42b: {  	[tilespmem:s0], [sflag:$0x1] =	stream.indirect.gather [hbm4b:s1+s25], $0x80, s22, s25, $0xb8;
	[tilespmem:$0x1E800] =	vst v63  }
0x42c: {  	v1 =	vld [tilespmem:$0x40]  }
0x42d: {  	v3 =	vld [tilespmem:$0xA40];
	_ =	sdelay $0x1  }
0x42e: {  	v2 =	vld [tilespmem:$0x50]  }
0x42f: {  	v62 =	vld [tilespmem:$0xA50]  }
0x430: {  	v61 =	vld [tilespmem:$0x60]  }
0x431: {  	v1 =	vshll.u32 v1, $0x1;
	[tilespmem:$0x2A80] =	vst v3;
	v3 =	vld [tilespmem:$0xA70]  }
0x432: {  	v63 =	vld [tilespmem:$0x70];
	v1 =	vor.u32 v0, v1  }
0x433: {  	[tilespmem:$0x2880] =	vst v1;
	v1 =	vshll.u32 v2, $0x1;
	v2 =	vld [tilespmem:$0xA60]  }
0x434: {  	[tilespmem:$0x2A90] =	vst v62;
	v1 =	vor.u32 v0, v1  }
0x435: {  	[tilespmem:$0x2890] =	vst v1;
	v1 =	vshll.u32 v61, $0x1  }
0x436: {  	v1 =	vor.u32 v0, v1;
	[tilespmem:$0x2AB0] =	vst v3  }
0x437: {  	[tilespmem:$0x28A0] =	vst v1;
	v1 =	vshll.u32 v63, $0x1  }
0x438: {  	s28 =	simm.s32 $0xC0;
	[tilespmem:$0x2AA0] =	vst v2;
	v1 =	vor.u32 v0, v1  }
0x439: {  	s31 =	simm.s32 $0x0;
	s23 =	simm.s32 $0x2880;
	s4 =	simm.s32 $0x80;
	[tilespmem:$0x28B0] =	vst v1  }
0x43a: {  	[tilespmem:s5], [sflag:$0x2] =	stream.indirect.gather [hbm4b:s1+s25], $0x80, s23, s25, $0xb8;
	[tilespmem:$0x1E800] =	vst v63  }
.LBB2_32:
0x43b: {  	s2 =	sshll.u32 s31, $0x2  }
0x43c: {  	s2 =	sadd.s32 $0xFFFFFFFC, s2  }
0x43d: {  	p0 =	sgt.u32 s2, $0x23  }
0x43e: {  	s2 =	simm.s32 @!p0 $0x7  }
0x43f: {  	_ =	swait.ge @!p0 [sflag:s2], $0x2000  }
0x440: {  	[sflag:s2] =	ssyncset.done @!p0 $0x0  }
0x441: {  	[sflag:s2] =	ssyncadd.s32 @!p0 $0xFFFFE000;
	s2 =	sshll.u32 s31, $0x8  }
0x442: {  	v1 =	vld [tilespmem:s2+$0x80];
	_ =	sdelay $0x4  }
0x443: {  	v1 =	vshll.u32 v1, $0x1  }
0x444: {  	v1 =	vor.u32 v0, v1  }
0x445: {  	[tilespmem:$0x2900] =	vst v1  }
0x446: {  	v1 =	vld [tilespmem:s2+$0xA80];
	_ =	sdelay $0x4  }
0x447: {  	[tilespmem:$0x2B00] =	vst v1  }
0x448: {  	v1 =	vld [tilespmem:s2+$0x90];
	_ =	sdelay $0x4  }
0x449: {  	v1 =	vshll.u32 v1, $0x1  }
0x44a: {  	v1 =	vor.u32 v0, v1  }
0x44b: {  	[tilespmem:$0x2910] =	vst v1  }
0x44c: {  	v1 =	vld [tilespmem:s2+$0xA90];
	_ =	sdelay $0x4  }
0x44d: {  	[tilespmem:$0x2B10] =	vst v1  }
0x44e: {  	v1 =	vld [tilespmem:s2+$0xA0];
	_ =	sdelay $0x4  }
0x44f: {  	v1 =	vshll.u32 v1, $0x1  }
0x450: {  	v1 =	vor.u32 v0, v1  }
0x451: {  	[tilespmem:$0x2920] =	vst v1  }
0x452: {  	v1 =	vld [tilespmem:s2+$0xAA0];
	_ =	sdelay $0x4  }
0x453: {  	[tilespmem:$0x2B20] =	vst v1  }
0x454: {  	v1 =	vld [tilespmem:s2+$0xB0];
	_ =	sdelay $0x4  }
0x455: {  	v1 =	vshll.u32 v1, $0x1  }
0x456: {  	v1 =	vor.u32 v0, v1  }
0x457: {  	[tilespmem:$0x2930] =	vst v1  }
0x458: {  	v1 =	vld [tilespmem:s2+$0xAB0];
	_ =	sdelay $0x4  }
0x459: {  	[tilespmem:$0x2B30] =	vst v1  }
0x45a: {  	[tilespmem:s8], [sflag:$0x3] =	stream.indirect.gather [hbm4b:s1+s6], $0x80, s7, s6, $0xb8;
	[tilespmem:$0x1E800] =	vst v63  }
0x45b: {  	s19 =	sadd.s32 $0x0, s24;
	_ =	swait.ge [sflag:s9], $0x2000  }
0x45c: {  	v1 =	vmov s19;
	[sflag:s9] =	ssyncset.done $0x0  }
0x45d: {  	s23 =	simm.s32 $0x2C40;
	[sflag:s9] =	ssyncadd.s32 $0xFFFFE000  }
0x45e: {  	v8 =	vld [tilespmem:s23+$0xFFFFFFF0]  }
0x45f: {  	v6 =	vld [tilespmem:s23+$0xFFFFFFC0]  }
0x460: {  	v7 =	vld [tilespmem:s23+$0xFFFFFFD0]  }
0x461: {  	v4 =	vld.idx.msk [tilespmem:v1+s29+$0x0], $0xffff  }
0x462: {  	v2 =	vld.idx.msk [tilespmem:v1+s30+$0x0], $0xffff  }
0x463: {  	v11 =	vld [tilespmem:s23+$0x0]  }
0x464: {  	v3 =	vld [tilespmem:s23+$0xFFFFFFE0]  }
0x465: {  	v1 =	vld [tilespmem:s23+$0x30]  }
0x466: {  	v5 =	vld [tilespmem:s23+$0x20]  }
0x467: {  	v10 =	vmul.f32 v6, v4;
	v6 =	vld [tilespmem:s23+$0x10]  }
0x468: {  	v7 =	vmul.f32 v7, v4  }
0x469: {  	s22 =	simm.s32 $0x1;
	s19 =	simm.s32 $0x2C40;
	v9 =	vmul.f32 v8, v4;
	v8 =	vmul.f32 v11, v2  }
.LBB2_33:
0x46a: {  	p0 =	sne.s32 s22, $0x3F  }
0x46b: {  	[tilespmem:s23+$0xFFFFFFC0] =	vst v10;
	v3 =	vmul.f32 v3, v4;
	v4 =	vmul.f32 v5, v2;
	s19 =	sadd.s32 $0x80, s19;
	s20 =	smov.u32 s22;
	s22 =	sadd.s32 $0x1, s22  }
0x46c: {  	v1 =	vmul.f32 v1, v2;
	[tilespmem:s23+$0xFFFFFFF0] =	vst v9;
	v5 =	vmul.f32 v6, v2  }
0x46d: {  	s20 =	sadd.s32 s20, s24;
	[tilespmem:s23+$0xFFFFFFD0] =	vst v7  }
0x46e: {  	v2 =	vmov s20;
	v9 =	vld [tilespmem:s19+$0xFFFFFFF0];
	[tilespmem:s23+$0x0] =	vst v8  }
0x46f: {  	v7 =	vld [tilespmem:s19+$0xFFFFFFC0];
	[tilespmem:s23+$0xFFFFFFE0] =	vst v3  }
0x470: {  	v3 =	vld [tilespmem:s19+$0xFFFFFFE0];
	[tilespmem:s23+$0x30] =	vst v1  }
0x471: {  	v1 =	vld [tilespmem:s19+$0x30];
	[tilespmem:s23+$0x10] =	vst v5  }
0x472: {  	v8 =	vld [tilespmem:s19+$0xFFFFFFD0];
	[tilespmem:s23+$0x20] =	vst v4;
	s23 =	smov.u32 s19  }
0x473: {  	v4 =	vld.idx.msk [tilespmem:v2+s29+$0x0], $0xffff  }
0x474: {  	v2 =	vld.idx.msk [tilespmem:v2+s30+$0x0], $0xffff  }
0x475: {  	v11 =	vld [tilespmem:s19+$0x0]  }
.Ltmp15:
0x476: {  	v5 =	vld [tilespmem:s19+$0x20];
	(pc) =	sbr.rel @p0 .LBB2_33-.Ltmp15, $3  }
0x477: {  	v6 =	vld [tilespmem:s19+$0x10];
	_ =	sdelay $0x1  }
0x478: {  	v10 =	vmul.f32 v7, v4;
	v7 =	vmul.f32 v8, v4  }
0x479: {  	v9 =	vmul.f32 v9, v4;
	v8 =	vmul.f32 v11, v2  }
0x47a: {  	[tilespmem:s23+$0xFFFFFFC0] =	vst v10  }
0x47b: {  	[tilespmem:s23+$0xFFFFFFD0] =	vst v7  }
0x47c: {  	v3 =	vmul.f32 v3, v4;
	[tilespmem:s23+$0xFFFFFFF0] =	vst v9  }
0x47d: {  	v1 =	vmul.f32 v1, v2;
	[tilespmem:s23+$0x0] =	vst v8  }
0x47e: {  	v4 =	vmul.f32 v6, v2;
	[tilespmem:s23+$0xFFFFFFE0] =	vst v3  }
0x47f: {  	v2 =	vmul.f32 v5, v2;
	[tilespmem:s23+$0x30] =	vst v1  }
0x480: {  	p0 =	seq.s32 s31, $0x0;
	[tilespmem:s23+$0x10] =	vst v4  }
0x481: {  	s19 =	simm.s32 @!p0 $0x8;
	[tilespmem:s23+$0x20] =	vst v2  }
0x482: {  	[spmem:s3] =	stream.indirect.scatter.add.f32 [tilespmem:s0], [sflag:$0x5], $0x80, s10, s6, $0xb8;
	[tilespmem:$0x1E800] =	vst v63  }
0x483: {  	_ =	swait.ge @!p0 [sflag:s19], $0x2000  }
0x484: {  	[sflag:s19] =	ssyncset.done @!p0 $0x0  }
0x485: {  	s22 =	sor.u32 $0xC0, s2;
	[sflag:s19] =	ssyncadd.s32 @!p0 $0xFFFFE000  }
0x486: {  	v1 =	vld [tilespmem:s22+$0x0];
	_ =	sdelay $0x4  }
0x487: {  	v1 =	vshll.u32 v1, $0x1  }
0x488: {  	v1 =	vor.u32 v0, v1  }
0x489: {  	[tilespmem:$0x2980] =	vst v1  }
0x48a: {  	v1 =	vld [tilespmem:s2+$0xAC0];
	_ =	sdelay $0x4  }
0x48b: {  	s23 =	sor.u32 $0xD0, s2;
	[tilespmem:$0x2B80] =	vst v1  }
0x48c: {  	v1 =	vld [tilespmem:s23+$0x0];
	_ =	sdelay $0x4  }
0x48d: {  	v1 =	vshll.u32 v1, $0x1  }
0x48e: {  	v1 =	vor.u32 v0, v1  }
0x48f: {  	[tilespmem:$0x2990] =	vst v1  }
0x490: {  	v1 =	vld [tilespmem:s2+$0xAD0];
	_ =	sdelay $0x4  }
0x491: {  	s20 =	sor.u32 $0xE0, s2;
	[tilespmem:$0x2B90] =	vst v1  }
0x492: {  	v1 =	vld [tilespmem:s20+$0x0];
	_ =	sdelay $0x4  }
0x493: {  	v1 =	vshll.u32 v1, $0x1  }
0x494: {  	v1 =	vor.u32 v0, v1  }
0x495: {  	[tilespmem:$0x29A0] =	vst v1  }
0x496: {  	v1 =	vld [tilespmem:s2+$0xAE0];
	_ =	sdelay $0x4  }
0x497: {  	s22 =	sor.u32 $0xF0, s2;
	[tilespmem:$0x2BA0] =	vst v1  }
0x498: {  	v1 =	vld [tilespmem:s22+$0x0];
	_ =	sdelay $0x4  }
0x499: {  	v1 =	vshll.u32 v1, $0x1  }
0x49a: {  	v1 =	vor.u32 v0, v1  }
0x49b: {  	[tilespmem:$0x29B0] =	vst v1  }
0x49c: {  	v1 =	vld [tilespmem:s2+$0xAF0];
	_ =	sdelay $0x4  }
0x49d: {  	[tilespmem:$0x2BB0] =	vst v1  }
0x49e: {  	[tilespmem:s12], [sflag:$0x4] =	stream.indirect.gather [hbm4b:s1+s6], $0x80, s11, s6, $0xb8;
	[tilespmem:$0x1E800] =	vst v63  }
0x49f: {  	s23 =	sadd.s32 $0x0, s25;
	_ =	swait.ge [sflag:s13], $0x2000  }
0x4a0: {  	v1 =	vmov s23;
	[sflag:s13] =	ssyncset.done $0x0  }
0x4a1: {  	s23 =	simm.s32 $0x4C40;
	[sflag:s13] =	ssyncadd.s32 $0xFFFFE000  }
0x4a2: {  	v8 =	vld [tilespmem:s23+$0xFFFFFFF0]  }
0x4a3: {  	v6 =	vld [tilespmem:s23+$0xFFFFFFC0]  }
0x4a4: {  	v7 =	vld [tilespmem:s23+$0xFFFFFFD0]  }
0x4a5: {  	v4 =	vld.idx.msk [tilespmem:v1+s29+$0x0], $0xffff  }
0x4a6: {  	v2 =	vld.idx.msk [tilespmem:v1+s30+$0x0], $0xffff  }
0x4a7: {  	v11 =	vld [tilespmem:s23+$0x0]  }
0x4a8: {  	v3 =	vld [tilespmem:s23+$0xFFFFFFE0]  }
0x4a9: {  	v1 =	vld [tilespmem:s23+$0x30]  }
0x4aa: {  	v5 =	vld [tilespmem:s23+$0x20]  }
0x4ab: {  	v10 =	vmul.f32 v6, v4;
	v6 =	vld [tilespmem:s23+$0x10]  }
0x4ac: {  	v7 =	vmul.f32 v7, v4  }
0x4ad: {  	s19 =	simm.s32 $0x4C40;
	s22 =	simm.s32 $0x1;
	v9 =	vmul.f32 v8, v4;
	v8 =	vmul.f32 v11, v2  }
.LBB2_35:
0x4ae: {  	p0 =	sne.s32 s22, $0x3F  }
0x4af: {  	[tilespmem:s23+$0xFFFFFFC0] =	vst v10;
	v3 =	vmul.f32 v3, v4;
	v4 =	vmul.f32 v5, v2;
	s19 =	sadd.s32 $0x80, s19;
	s20 =	smov.u32 s22;
	s22 =	sadd.s32 $0x1, s22  }
0x4b0: {  	v1 =	vmul.f32 v1, v2;
	[tilespmem:s23+$0xFFFFFFF0] =	vst v9;
	v5 =	vmul.f32 v6, v2  }
0x4b1: {  	s20 =	sadd.s32 s20, s25;
	[tilespmem:s23+$0xFFFFFFD0] =	vst v7  }
0x4b2: {  	v2 =	vmov s20;
	v9 =	vld [tilespmem:s19+$0xFFFFFFF0];
	[tilespmem:s23+$0x0] =	vst v8  }
0x4b3: {  	v7 =	vld [tilespmem:s19+$0xFFFFFFC0];
	[tilespmem:s23+$0xFFFFFFE0] =	vst v3  }
0x4b4: {  	v3 =	vld [tilespmem:s19+$0xFFFFFFE0];
	[tilespmem:s23+$0x30] =	vst v1  }
0x4b5: {  	v1 =	vld [tilespmem:s19+$0x30];
	[tilespmem:s23+$0x10] =	vst v5  }
0x4b6: {  	v8 =	vld [tilespmem:s19+$0xFFFFFFD0];
	[tilespmem:s23+$0x20] =	vst v4;
	s23 =	smov.u32 s19  }
0x4b7: {  	v4 =	vld.idx.msk [tilespmem:v2+s29+$0x0], $0xffff  }
0x4b8: {  	v2 =	vld.idx.msk [tilespmem:v2+s30+$0x0], $0xffff  }
0x4b9: {  	v11 =	vld [tilespmem:s19+$0x0]  }
.Ltmp16:
0x4ba: {  	v5 =	vld [tilespmem:s19+$0x20];
	(pc) =	sbr.rel @p0 .LBB2_35-.Ltmp16, $3  }
0x4bb: {  	v6 =	vld [tilespmem:s19+$0x10];
	_ =	sdelay $0x1  }
0x4bc: {  	v10 =	vmul.f32 v7, v4;
	v7 =	vmul.f32 v8, v4  }
0x4bd: {  	v9 =	vmul.f32 v9, v4;
	v8 =	vmul.f32 v11, v2  }
0x4be: {  	[tilespmem:s23+$0xFFFFFFC0] =	vst v10  }
0x4bf: {  	[tilespmem:s23+$0xFFFFFFD0] =	vst v7  }
0x4c0: {  	v3 =	vmul.f32 v3, v4;
	[tilespmem:s23+$0xFFFFFFF0] =	vst v9  }
0x4c1: {  	v1 =	vmul.f32 v1, v2;
	[tilespmem:s23+$0x0] =	vst v8  }
0x4c2: {  	v4 =	vmul.f32 v6, v2;
	[tilespmem:s23+$0xFFFFFFE0] =	vst v3  }
0x4c3: {  	v2 =	vmul.f32 v5, v2;
	[tilespmem:s23+$0x30] =	vst v1  }
0x4c4: {  	p0 =	seq.s32 s31, $0x9;
	[tilespmem:s23+$0x10] =	vst v4  }
0x4c5: {  	s19 =	simm.s32 @!p0 $0x5;
	[tilespmem:s23+$0x20] =	vst v2  }
0x4c6: {  	[spmem:s3] =	stream.indirect.scatter.add.f32 [tilespmem:s5], [sflag:$0x6], $0x80, s14, s6, $0xb8;
	[tilespmem:$0x1E800] =	vst v63  }
0x4c7: {  	_ =	swait.ge @!p0 [sflag:s19], $0x2000  }
0x4c8: {  	[sflag:s19] =	ssyncset.done @!p0 $0x0  }
0x4c9: {  	[sflag:s19] =	ssyncadd.s32 @!p0 $0xFFFFE000  }
0x4ca: {  	v1 =	vld @!p0 [tilespmem:s2+$0x100];
	_ =	sdelay $0x4  }
0x4cb: {  	v1 =	vshll.u32 @!p0 v1, $0x1  }
0x4cc: {  	v1 =	vor.u32 @!p0 v0, v1  }
0x4cd: {  	[tilespmem:$0x2800] =	vst @!p0 v1  }
0x4ce: {  	v1 =	vld @!p0 [tilespmem:s2+$0xB00];
	_ =	sdelay $0x4  }
0x4cf: {  	[tilespmem:$0x2A00] =	vst @!p0 v1  }
0x4d0: {  	v1 =	vld @!p0 [tilespmem:s2+$0x110];
	_ =	sdelay $0x4  }
0x4d1: {  	v1 =	vshll.u32 @!p0 v1, $0x1  }
0x4d2: {  	v1 =	vor.u32 @!p0 v0, v1  }
0x4d3: {  	[tilespmem:$0x2810] =	vst @!p0 v1  }
0x4d4: {  	v1 =	vld @!p0 [tilespmem:s2+$0xB10];
	_ =	sdelay $0x4  }
0x4d5: {  	[tilespmem:$0x2A10] =	vst @!p0 v1  }
0x4d6: {  	v1 =	vld @!p0 [tilespmem:s2+$0x120];
	_ =	sdelay $0x4  }
0x4d7: {  	v1 =	vshll.u32 @!p0 v1, $0x1  }
0x4d8: {  	v1 =	vor.u32 @!p0 v0, v1  }
0x4d9: {  	[tilespmem:$0x2820] =	vst @!p0 v1  }
0x4da: {  	v1 =	vld @!p0 [tilespmem:s2+$0xB20];
	_ =	sdelay $0x4  }
0x4db: {  	[tilespmem:$0x2A20] =	vst @!p0 v1  }
0x4dc: {  	v1 =	vld @!p0 [tilespmem:s2+$0x130];
	_ =	sdelay $0x4  }
0x4dd: {  	v1 =	vshll.u32 @!p0 v1, $0x1  }
0x4de: {  	v1 =	vor.u32 @!p0 v0, v1  }
0x4df: {  	[tilespmem:$0x2830] =	vst @!p0 v1  }
0x4e0: {  	v1 =	vld @!p0 [tilespmem:s2+$0xB30];
	_ =	sdelay $0x4  }
0x4e1: {  	s20 =	simm.s32 @!p0 $0x2800;
	s22 =	simm.s32 @!p0 $0x2C00;
	s19 =	simm.s32 @!p0 $0x40;
	[tilespmem:$0x2A30] =	vst @!p0 v1  }
0x4e2: {  	[tilespmem:s22], [sflag:$0x1] =	stream.indirect.gather @!p0 [hbm4b:s1+s19], $0x80, s20, s19, $0xb8;
	[tilespmem:$0x1E800] =	vst v63  }
0x4e3: {  	s23 =	sadd.s32 $0x0, s4;
	_ =	swait.ge [sflag:s15], $0x2000  }
0x4e4: {  	v1 =	vmov s23;
	[sflag:s15] =	ssyncset.done $0x0  }
0x4e5: {  	s23 =	simm.s32 $0x6C40;
	[sflag:s15] =	ssyncadd.s32 $0xFFFFE000  }
0x4e6: {  	v8 =	vld [tilespmem:s23+$0xFFFFFFF0]  }
0x4e7: {  	v6 =	vld [tilespmem:s23+$0xFFFFFFC0]  }
0x4e8: {  	v7 =	vld [tilespmem:s23+$0xFFFFFFD0]  }
0x4e9: {  	v4 =	vld.idx.msk [tilespmem:v1+s29+$0x0], $0xffff  }
0x4ea: {  	v2 =	vld.idx.msk [tilespmem:v1+s30+$0x0], $0xffff  }
0x4eb: {  	v11 =	vld [tilespmem:s23+$0x0]  }
0x4ec: {  	v3 =	vld [tilespmem:s23+$0xFFFFFFE0]  }
0x4ed: {  	v1 =	vld [tilespmem:s23+$0x30]  }
0x4ee: {  	v5 =	vld [tilespmem:s23+$0x20]  }
0x4ef: {  	v10 =	vmul.f32 v6, v4;
	v6 =	vld [tilespmem:s23+$0x10]  }
0x4f0: {  	v7 =	vmul.f32 v7, v4  }
0x4f1: {  	s22 =	simm.s32 $0x1;
	s19 =	simm.s32 $0x6C40;
	v9 =	vmul.f32 v8, v4;
	v8 =	vmul.f32 v11, v2  }
.LBB2_37:
0x4f2: {  	p1 =	sne.s32 s22, $0x3F  }
0x4f3: {  	[tilespmem:s23+$0xFFFFFFC0] =	vst v10;
	v3 =	vmul.f32 v3, v4;
	v4 =	vmul.f32 v5, v2;
	s19 =	sadd.s32 $0x80, s19;
	s20 =	smov.u32 s22;
	s22 =	sadd.s32 $0x1, s22  }
0x4f4: {  	v1 =	vmul.f32 v1, v2;
	[tilespmem:s23+$0xFFFFFFF0] =	vst v9;
	v5 =	vmul.f32 v6, v2  }
0x4f5: {  	s20 =	sadd.s32 s20, s4;
	[tilespmem:s23+$0xFFFFFFD0] =	vst v7  }
0x4f6: {  	v2 =	vmov s20;
	v9 =	vld [tilespmem:s19+$0xFFFFFFF0];
	[tilespmem:s23+$0x0] =	vst v8  }
0x4f7: {  	v7 =	vld [tilespmem:s19+$0xFFFFFFC0];
	[tilespmem:s23+$0xFFFFFFE0] =	vst v3  }
0x4f8: {  	v3 =	vld [tilespmem:s19+$0xFFFFFFE0];
	[tilespmem:s23+$0x30] =	vst v1  }
0x4f9: {  	v1 =	vld [tilespmem:s19+$0x30];
	[tilespmem:s23+$0x10] =	vst v5  }
0x4fa: {  	v8 =	vld [tilespmem:s19+$0xFFFFFFD0];
	[tilespmem:s23+$0x20] =	vst v4;
	s23 =	smov.u32 s19  }
0x4fb: {  	v4 =	vld.idx.msk [tilespmem:v2+s29+$0x0], $0xffff  }
0x4fc: {  	v2 =	vld.idx.msk [tilespmem:v2+s30+$0x0], $0xffff  }
0x4fd: {  	v11 =	vld [tilespmem:s19+$0x0]  }
.Ltmp17:
0x4fe: {  	v5 =	vld [tilespmem:s19+$0x20];
	(pc) =	sbr.rel @p1 .LBB2_37-.Ltmp17, $3  }
0x4ff: {  	v6 =	vld [tilespmem:s19+$0x10];
	_ =	sdelay $0x1  }
0x500: {  	v10 =	vmul.f32 v7, v4;
	v7 =	vmul.f32 v8, v4  }
0x501: {  	v9 =	vmul.f32 v9, v4;
	v8 =	vmul.f32 v11, v2  }
0x502: {  	[tilespmem:s23+$0xFFFFFFC0] =	vst v10  }
0x503: {  	[tilespmem:s23+$0xFFFFFFD0] =	vst v7  }
0x504: {  	v3 =	vmul.f32 v3, v4;
	[tilespmem:s23+$0xFFFFFFF0] =	vst v9  }
0x505: {  	v1 =	vmul.f32 v1, v2;
	[tilespmem:s23+$0x0] =	vst v8  }
0x506: {  	v4 =	vmul.f32 v6, v2;
	[tilespmem:s23+$0xFFFFFFE0] =	vst v3  }
0x507: {  	v2 =	vmul.f32 v5, v2;
	[tilespmem:s23+$0x30] =	vst v1  }
0x508: {  	[tilespmem:s23+$0x10] =	vst v4  }
0x509: {  	s19 =	simm.s32 @!p0 $0x6;
	[tilespmem:s23+$0x20] =	vst v2  }
0x50a: {  	[spmem:s3] =	stream.indirect.scatter.add.f32 [tilespmem:s8], [sflag:$0x7], $0x80, s16, s6, $0xb8;
	[tilespmem:$0x1E800] =	vst v63  }
0x50b: {  	_ =	swait.ge @!p0 [sflag:s19], $0x2000  }
0x50c: {  	[sflag:s19] =	ssyncset.done @!p0 $0x0  }
0x50d: {  	[sflag:s19] =	ssyncadd.s32 @!p0 $0xFFFFE000  }
0x50e: {  	v1 =	vld @!p0 [tilespmem:s2+$0x140];
	_ =	sdelay $0x4  }
0x50f: {  	v1 =	vshll.u32 @!p0 v1, $0x1  }
0x510: {  	v1 =	vor.u32 @!p0 v0, v1  }
0x511: {  	[tilespmem:$0x2880] =	vst @!p0 v1  }
0x512: {  	v1 =	vld @!p0 [tilespmem:s2+$0xB40];
	_ =	sdelay $0x4  }
0x513: {  	[tilespmem:$0x2A80] =	vst @!p0 v1  }
0x514: {  	v1 =	vld @!p0 [tilespmem:s2+$0x150];
	_ =	sdelay $0x4  }
0x515: {  	v1 =	vshll.u32 @!p0 v1, $0x1  }
0x516: {  	v1 =	vor.u32 @!p0 v0, v1  }
0x517: {  	[tilespmem:$0x2890] =	vst @!p0 v1  }
0x518: {  	v1 =	vld @!p0 [tilespmem:s2+$0xB50];
	_ =	sdelay $0x4  }
0x519: {  	[tilespmem:$0x2A90] =	vst @!p0 v1  }
0x51a: {  	v1 =	vld @!p0 [tilespmem:s2+$0x160];
	_ =	sdelay $0x4  }
0x51b: {  	v1 =	vshll.u32 @!p0 v1, $0x1  }
0x51c: {  	v1 =	vor.u32 @!p0 v0, v1  }
0x51d: {  	[tilespmem:$0x28A0] =	vst @!p0 v1  }
0x51e: {  	v1 =	vld @!p0 [tilespmem:s2+$0xB60];
	_ =	sdelay $0x4  }
0x51f: {  	[tilespmem:$0x2AA0] =	vst @!p0 v1  }
0x520: {  	v1 =	vld @!p0 [tilespmem:s2+$0x170];
	_ =	sdelay $0x4  }
0x521: {  	v1 =	vshll.u32 @!p0 v1, $0x1  }
0x522: {  	v1 =	vor.u32 @!p0 v0, v1  }
0x523: {  	[tilespmem:$0x28B0] =	vst @!p0 v1  }
0x524: {  	v1 =	vld @!p0 [tilespmem:s2+$0xB70];
	_ =	sdelay $0x4  }
0x525: {  	s20 =	simm.s32 @!p0 $0x4C00;
	s19 =	simm.s32 @!p0 $0x2880;
	s2 =	simm.s32 @!p0 $0x40;
	[tilespmem:$0x2AB0] =	vst @!p0 v1  }
0x526: {  	[tilespmem:s20], [sflag:$0x2] =	stream.indirect.gather @!p0 [hbm4b:s1+s2], $0x80, s19, s2, $0xb8;
	[tilespmem:$0x1E800] =	vst v63  }
0x527: {  	s23 =	sadd.s32 $0x0, s28;
	_ =	swait.ge [sflag:s17], $0x2000  }
0x528: {  	v1 =	vmov s23;
	[sflag:s17] =	ssyncset.done $0x0  }
0x529: {  	s2 =	simm.s32 $0x8C40;
	[sflag:s17] =	ssyncadd.s32 $0xFFFFE000  }
0x52a: {  	v8 =	vld [tilespmem:s2+$0xFFFFFFF0]  }
0x52b: {  	v6 =	vld [tilespmem:s2+$0xFFFFFFC0]  }
0x52c: {  	v7 =	vld [tilespmem:s2+$0xFFFFFFD0]  }
0x52d: {  	v4 =	vld.idx.msk [tilespmem:v1+s29+$0x0], $0xffff  }
0x52e: {  	v2 =	vld.idx.msk [tilespmem:v1+s30+$0x0], $0xffff  }
0x52f: {  	v11 =	vld [tilespmem:s2+$0x0]  }
0x530: {  	v3 =	vld [tilespmem:s2+$0xFFFFFFE0]  }
0x531: {  	v1 =	vld [tilespmem:s2+$0x30]  }
0x532: {  	v5 =	vld [tilespmem:s2+$0x20]  }
0x533: {  	v10 =	vmul.f32 v6, v4;
	v6 =	vld [tilespmem:s2+$0x10]  }
0x534: {  	v7 =	vmul.f32 v7, v4  }
0x535: {  	s22 =	simm.s32 $0x1;
	s19 =	simm.s32 $0x8C40;
	v9 =	vmul.f32 v8, v4;
	v8 =	vmul.f32 v11, v2  }
.LBB2_39:
0x536: {  	p0 =	sne.s32 s22, $0x3F  }
0x537: {  	[tilespmem:s2+$0xFFFFFFC0] =	vst v10;
	v3 =	vmul.f32 v3, v4;
	v4 =	vmul.f32 v5, v2;
	s19 =	sadd.s32 $0x80, s19;
	s20 =	smov.u32 s22;
	s22 =	sadd.s32 $0x1, s22  }
0x538: {  	v1 =	vmul.f32 v1, v2;
	[tilespmem:s2+$0xFFFFFFF0] =	vst v9;
	v5 =	vmul.f32 v6, v2  }
0x539: {  	s20 =	sadd.s32 s20, s28;
	[tilespmem:s2+$0xFFFFFFD0] =	vst v7  }
0x53a: {  	v2 =	vmov s20;
	v9 =	vld [tilespmem:s19+$0xFFFFFFF0];
	[tilespmem:s2+$0x0] =	vst v8  }
0x53b: {  	v7 =	vld [tilespmem:s19+$0xFFFFFFC0];
	[tilespmem:s2+$0xFFFFFFE0] =	vst v3  }
0x53c: {  	v3 =	vld [tilespmem:s19+$0xFFFFFFE0];
	[tilespmem:s2+$0x30] =	vst v1  }
0x53d: {  	v1 =	vld [tilespmem:s19+$0x30];
	[tilespmem:s2+$0x10] =	vst v5  }
0x53e: {  	v8 =	vld [tilespmem:s19+$0xFFFFFFD0];
	[tilespmem:s2+$0x20] =	vst v4;
	s2 =	smov.u32 s19  }
0x53f: {  	v4 =	vld.idx.msk [tilespmem:v2+s29+$0x0], $0xffff  }
0x540: {  	v2 =	vld.idx.msk [tilespmem:v2+s30+$0x0], $0xffff  }
0x541: {  	v11 =	vld [tilespmem:s19+$0x0]  }
.Ltmp18:
0x542: {  	v5 =	vld [tilespmem:s19+$0x20];
	(pc) =	sbr.rel @p0 .LBB2_39-.Ltmp18, $3  }
0x543: {  	v6 =	vld [tilespmem:s19+$0x10];
	_ =	sdelay $0x1  }
0x544: {  	v10 =	vmul.f32 v7, v4;
	v7 =	vmul.f32 v8, v4  }
0x545: {  	v9 =	vmul.f32 v9, v4;
	v8 =	vmul.f32 v11, v2  }
0x546: {  	[tilespmem:s2+$0xFFFFFFC0] =	vst v10  }
0x547: {  	[tilespmem:s2+$0xFFFFFFD0] =	vst v7  }
0x548: {  	v3 =	vmul.f32 v3, v4;
	s31 =	sadd.s32 $0x1, s31;
	[tilespmem:s2+$0xFFFFFFF0] =	vst v9  }
0x549: {  	v1 =	vmul.f32 v1, v2;
	[tilespmem:s2+$0x0] =	vst v8;
	p0 =	sne.s32 s31, $0xA  }
.Ltmp19:
0x54a: {  	v63 =	vmul.f32 v6, v2;
	[tilespmem:s2+$0xFFFFFFE0] =	vst v3;
	(pc) =	sbr.rel @p0 .LBB2_32-.Ltmp19, $4  }
0x54b: {  	v2 =	vmul.f32 v5, v2;
	[tilespmem:s2+$0x30] =	vst v1  }
0x54c: {  	s24 =	sadd.s32 $0x100, s24;
	[tilespmem:s2+$0x10] =	vst v63  }
0x54d: {  	s25 =	sadd.s32 $0x100, s25;
	s4 =	sadd.s32 $0x100, s4;
	s28 =	sadd.s32 $0x100, s28;
	[tilespmem:s2+$0x20] =	vst v2  }
0x54e: {  	[spmem:s3] =	stream.indirect.scatter.add.f32 [tilespmem:s12], [sflag:$0x8], $0x80, s18, s6, $0xb8;
	[tilespmem:$0x1E800] =	vst v63  }
0x54f: {  	s2 =	simm.s32 $0x7  }
0x550: {  	_ =	swait.ge [sflag:s2], $0x2000  }
0x551: {  	[sflag:s2] =	ssyncset.done $0x0  }
0x552: {  	s25 =	simm.s32 $0x8;
	[sflag:s2] =	ssyncadd.s32 $0xFFFFE000  }
0x553: {  	_ =	swait.ge [sflag:s25], $0x2000  }
0x554: {  	[sflag:s25] =	ssyncset.done $0x0  }
0x555: {  	[sflag:s25] =	ssyncadd.s32 $0xFFFFE000  }
0x556: {  	[bflag:$0x0] =	sbarrier.arrive $0xFFFF  }
0x557: {  	s19 =	rddreg [dreg:$0x16]  }
0x558: {  	s28 =	rddreg [dreg:$0x17]  }
0x559: {  	s4 =	rddreg [dreg:$0x19]  }
0x55a: {  	[hbm:s28], [sflag:s19] =	dma.local [spmem:s4], $0x2780  }
0x55b: {  	_ =	swait.ge [sflag:s26], $0x2780  }
0x55c: {  	s21 =	sadd.s32 $0x1, s21;
	s31 =	rddreg [dreg:$0x18]  }
0x55d: {  	p0 =	sne.s32 s21, s31  }
.Ltmp20:
0x55e: {  	_ = 	snop;
	(pc) =	sbr.rel @p0 .LBB2_1-.Ltmp20, $3  }
0x55f: {  	_ =	sdelay $0x1  }
0x560: {  	[sflag:s26] =	ssyncset.done $0x0  }
0x561: {  	[sflag:s26] =	ssyncadd.s32 $0xFFFFD880  }
0x562: {  	_ =	sfence.sel $0x180000  }
0x563: {  	[bflag:$0x0] =	sbarrier.arrive $0xFFFF  }
0x564: {  	_ =	strace $0x9000004A  }
0x565: {  	s0 =	stileid.u32;
	[bflag:$0x2] =	sbarrier.arrive $0xFFFF  }
0x566: {  	p0 =	sne.s32 s0, $0x0;
	s0 =	rddreg [dreg:$0x3]  }
0x567: {  	s0 =	sadd.s32 @!p0 $0x100000, s0  }
0x568: {  	[sflag:s0] =	ssyncadd.tile.s32 @!p0 $0x1;
	_ =	shalt  }
.Lfunc_end2:
_tile_overlayer_lowered:
.L_overlay_start_2:
0x569: {  	(tag) =	ssettag $0x2  }
0x56a: {  	s0 =	rddreg [dreg:$0x0];
	s2 =	stileid.u32  }
0x56b: {  	s1 =	rddreg [dreg:$0x1];
	p0 =	sne.s32 s2, $0x0  }
0x56c: {  	s3 =	rddreg [dreg:$0x2];
	[bflag:$0x3] =	sbarrier.arrive $0xFFFF;
	s2 =	simm.s32 @!p0 $0x1C09  }
0x56d: {  	[timem:s3], [sflag:s2] =	dma.local @!p0 [hbm:s0], s1  }
0x56e: {  	s0 =	simm.s32 @!p0 $0x9  }
0x56f: {  	_ =	swait.ge @!p0 [sflag:s0], s1  }
0x570: {  	s1 =	ssub.s32 @!p0 $0x0, s1;
	[sflag:s0] =	ssyncset.done @!p0 $0x0  }
0x571: {  	[sflag:s0] =	ssyncadd.s32 @!p0 s1  }
0x572: {  	[bflag:$0x3] =	sbarrier.arrive $0xFFFF  }
0x573: {  	_ =	shalt  }

// kernel: kernel.7.cloned.1.call-start
scs
__scs_entry_jumppad:
0x0: {  	(pc) =	sbr.rel $0x88, $3  }
0x1: {  	(tag) =	ssettag $0x0;
	lr =	simm.s32 $0x1  }
0x2: {  	[smem:$0x3F9C] =	sst lr;
	_ =	strace $0xD0000000  }
0x3: {  	_ = 	snop  }
0x4: {  	_ = 	snop  }
0x5: {  	_ = 	snop  }
0x6: {  	_ = 	snop  }
0x7: {  	_ = 	snop  }
__scs_overlays_trampoline_lowered:
0x8: {  	[smem:$0x3FAB] =	sst s0  }
0x9: {  	[smem:$0x3FAC] =	sst s1  }
0xa: {  	[smem:$0x3FAD] =	sst s2  }
0xb: {  	[smem:$0x3FAE] =	sst s3  }
0xc: {  	[smem:$0x3FAF] =	sst s4  }
0xd: {  	[smem:$0x3FB0] =	sst s5  }
0xe: {  	[smem:$0x3FB1] =	sst s6  }
0xf: {  	[smem:$0x3FB2] =	sst s7  }
0x10: {  	[smem:$0x3FB3] =	sst s8  }
0x11: {  	[smem:$0x3FB4] =	sst s9;
	s0 =	simm.s32 @!p0 $0x0  }
0x12: {  	s1 =	sld [smem:$0x3F9A];
	s0 =	simm.s32 @p0 $0x1  }
0x13: {  	[smem:$0x3FB5] =	sst s0;
	s0 =	simm.s32 @!p1 $0x0  }
0x14: {  	s2 =	sld [smem:$0x3F99];
	s0 =	simm.s32 @p1 $0x1  }
0x15: {  	[smem:$0x3FB6] =	sst s0;
	s0 =	simm.s32 @!p2 $0x0  }
0x16: {  	s3 =	sld [smem:$0x3FDB];
	s0 =	simm.s32 @p2 $0x1  }
0x17: {  	s4 =	simm.s32 $0x1BF5;
	[smem:$0x3FB8] =	sst s0  }
0x18: {  	s0 =	sld [smem:$0x3F9B];
	_ =	swait.ge [sflag:s4], $0x0  }
0x19: {  	s7 =	sld [smem:$0x3F9C]  }
0x1a: {  	s8 =	sadd.s32 $0xFFFFE003, lr  }
0x1b: {  	s9 =	sadd.s32 $0xFFFFFEF7, lr;
	s5 =	simm.s32 $0xFFFFFFFF;
	p2 =	slt.u32 s8, $0xFFFFF086  }
0x1c: {  	p1 =	slt.u32 s9, $0xF7A;
	s5 =	simm.s32 @!p2 $0x0  }
0x1d: {  	s5 =	simm.s32 @p1 $0x1;
	p0 =	seq.s32 s7, s2  }
0x1e: {  	s7 =	smul.u32 @!p0 $0xF7A, s2;
	p2 =	seq.s32 @!p0 s5, $0x0  }
0x1f: {  	s9 =	smul.u32 $0xF7A, s1;
	s8 =	simm.s32 @!p0 $0x1BF5;
	p2 =	por !p2, p0  }
0x20: {  	[sflag:s8] =	ssyncset.s32 @!p0 $0xFFFFF086;
	s6 =	sadd.s32 @!p0 s3, s7;
	s7 =	simm.s32 @!p0 $0x108  }
0x21: {  	s3 =	sadd.s32 s3, s9;
	s6 =	sadd.s32 @!p0 $0x88, s6;
	s7 =	simm.s32 @p2 $0x1082  }
0x22: {  	[simem:s7], [sflag:s8] =	dma.local @!p0 [hbm:s6], $0xF7A  }
0x23: {  	s9 =	sor.u32 $0xD0000000, s2;
	s6 =	simm.s32 $0x108;
	_ =	swait.ge @!p0 [sflag:s8], $0x0  }
0x24: {  	s3 =	sadd.s32 $0x88, s3;
	s6 =	simm.s32 @!p1 $0x1082;
	[sflag:s4] =	ssyncset.s32 $0xFFFFF086  }
0x25: {  	[simem:s6], [sflag:s4] =	dma.local [hbm:s3], $0xF7A  }
0x26: {  	[smem:$0x3F9C] =	sst s1;
	(tag) =	ssettag s2;
	_ =	strace s9  }
0x27: {  	s1 =	sld [smem:$0x3FAC]  }
0x28: {  	s2 =	sld [smem:$0x3FAD]  }
0x29: {  	s4 =	sld [smem:$0x3FAF]  }
0x2a: {  	p0 =	seq.s32 s5, $0x0;
	s5 =	sld [smem:$0x3FB0]  }
0x2b: {  	s6 =	sld [smem:$0x3FB1]  }
0x2c: {  	s7 =	sld [smem:$0x3FB2]  }
0x2d: {  	s3 =	simm.s32 $0x108;
	s8 =	sld [smem:$0x3FB3]  }
0x2e: {  	s3 =	simm.s32 @!p0 $0x1082;
	s9 =	sld [smem:$0x3FB4]  }
0x2f: {  	lr =	sadd.s32 s0, s3;
	s0 =	sld [smem:$0x3FAB]  }
0x30: {  	s3 =	sld [smem:$0x3FAE]  }
0x31: {  	[smem:$0x3FB7] =	sst s10  }
0x32: {  	s10 =	sld [smem:$0x3FB5];
	_ =	sdelay $0x3  }
0x33: {  	p0 =	seq.s32 s10, $0x1;
	s10 =	sld [smem:$0x3FB7];
	_ =	sdelay $0x3  }
0x34: {  	[smem:$0x3FB7] =	sst s10  }
0x35: {  	s10 =	sld [smem:$0x3FB6];
	_ =	sdelay $0x3  }
0x36: {  	p1 =	seq.s32 s10, $0x1;
	s10 =	sld [smem:$0x3FB7];
	_ =	sdelay $0x3  }
0x37: {  	[smem:$0x3FB7] =	sst s10  }
0x38: {  	s10 =	sld [smem:$0x3FB8]  }
0x39: {  	_ = 	snop;
	(pc) =	sbr.ind lr, $3  }
0x3a: {  	_ = 	snop  }
0x3b: {  	_ = 	snop  }
0x3c: {  	p2 =	seq.s32 s10, $0x1;
	s10 =	sld [smem:$0x3FB7]  }
0x3d: {  	_ =	shalt  }
0x3e: {  	_ =	shalt  }
0x3f: {  	_ =	shalt  }
0x40: {  	_ =	shalt  }
0x41: {  	_ =	shalt  }
0x42: {  	_ =	shalt  }
0x43: {  	_ =	shalt  }
0x44: {  	_ =	shalt  }
0x45: {  	_ =	shalt  }
0x46: {  	_ =	shalt  }
0x47: {  	_ =	shalt  }
0x48: {  	_ =	shalt  }
0x49: {  	_ =	shalt  }
0x4a: {  	_ =	shalt  }
0x4b: {  	_ =	shalt  }
0x4c: {  	_ =	shalt  }
0x4d: {  	_ =	shalt  }
0x4e: {  	_ =	shalt  }
0x4f: {  	_ =	shalt  }
0x50: {  	_ =	shalt  }
0x51: {  	_ =	shalt  }
0x52: {  	_ =	shalt  }
0x53: {  	_ =	shalt  }
0x54: {  	_ =	shalt  }
0x55: {  	_ =	shalt  }
0x56: {  	_ =	shalt  }
0x57: {  	_ =	shalt  }
0x58: {  	_ =	shalt  }
0x59: {  	_ =	shalt  }
0x5a: {  	_ =	shalt  }
0x5b: {  	_ =	shalt  }
0x5c: {  	_ =	shalt  }
0x5d: {  	_ =	shalt  }
0x5e: {  	_ =	shalt  }
0x5f: {  	_ =	shalt  }
0x60: {  	_ =	shalt  }
0x61: {  	_ =	shalt  }
0x62: {  	_ =	shalt  }
0x63: {  	_ =	shalt  }
0x64: {  	_ =	shalt  }
0x65: {  	_ =	shalt  }
0x66: {  	_ =	shalt  }
0x67: {  	_ =	shalt  }
0x68: {  	_ =	shalt  }
0x69: {  	_ =	shalt  }
0x6a: {  	_ =	shalt  }
0x6b: {  	_ =	shalt  }
0x6c: {  	_ =	shalt  }
0x6d: {  	_ =	shalt  }
0x6e: {  	_ =	shalt  }
0x6f: {  	_ =	shalt  }
0x70: {  	_ =	shalt  }
0x71: {  	_ =	shalt  }
0x72: {  	_ =	shalt  }
0x73: {  	_ =	shalt  }
0x74: {  	_ =	shalt  }
0x75: {  	_ =	shalt  }
0x76: {  	_ =	shalt  }
0x77: {  	_ =	shalt  }
0x78: {  	_ =	shalt  }
0x79: {  	_ =	shalt  }
0x7a: {  	_ =	shalt  }
0x7b: {  	_ =	shalt  }
0x7c: {  	_ =	shalt  }
0x7d: {  	_ =	shalt  }
0x7e: {  	_ =	shalt  }
0x7f: {  	_ =	shalt  }
0x80: {  	_ =	shalt  }
0x81: {  	_ =	shalt  }
0x82: {  	_ =	shalt  }
0x83: {  	_ =	shalt  }
0x84: {  	_ =	shalt  }
0x85: {  	_ =	shalt  }
0x86: {  	_ =	shalt  }
0x87: {  	_ =	shalt  }
.Lfunc_end0:
.L_simem_size_0:
called_computation_lowered:
.L_overlay_start_0:
0x88: {  	s2 =	sld [smem:$0x3FD9]  }
0x89: {  	s3 =	sld [smem:$0x3FFE];
	_ =	sdelay $0x1  }
0x8a: {  	s1 =	srdreg.scid  }
0x8b: {  	s0 =	sand.u32 $0x1, s1  }
0x8c: {  	s16 =	sshll.u32 s0, $0xA;
	s2 =	sadd.s32 s3, s2  }
0x8d: {  	s2 =	sadd.s32 s2, s16  }
0x8e: {  	[smem:$0x3FC3] =	sst s2  }
0x8f: {  	_ = 	snop  }
0x90: {  	(tm) =	ssettm $0x1  }
0x91: {  	s17 =	sld [smem:$0x3FFB];
	_ =	sdelay $0x3  }
0x92: {  	_ =	strace s17  }
0x93: {  	s2 =	sld [smem:$0x3FFC];
	_ =	sdelay $0x3  }
0x94: {  	_ =	strace s2  }
0x95: {  	s2 =	sld [smem:$0x3FFD];
	_ =	sdelay $0x3  }
0x96: {  	_ =	strace s2  }
0x97: {  	_ =	strace $0x8FFFFFFF  }
0x98: {  	s18 =	sld [smem:$0x3FDB];
	_ =	sdelay $0x1  }
0x99: {  	s19 =	simm.s32 $_scs_section_size  }
0x9a: {  	s4 =	simm.s32 $_size__tile_overlayer_lowered;
	s5 =	simm.s32 $_tile_overlayer_lowered  }
0x9b: {  	s22 =	simm.s32 $0x1BFF;
	s21 =	sshll.u32 s5, $0x1;
	s2 =	sadd.s32 s19, s18  }
0x9c: {  	s6 =	simm.s32 $0x0;
	s20 =	sshll.u32 s4, $0x1;
	s4 =	sadd.s32 s21, s2  }
0x9d: {  	[timem:s6], [sflag:s22] =	dma.local [hbm:s4], s20  }
0x9e: {  	_ =	swait.ge [sflag:s22], s20  }
0x9f: {  	s3 =	ssub.s32 $0x0, s20;
	[sflag:s22] =	ssyncset.done $0x0  }
0xa0: {  	[sflag:s22] =	ssyncadd.s32 s3;
	_ =	sdelay $0x1  }
0xa1: {  	s23 =	simm.s32 $0x1B8B  }
0xa2: {  	_ =	swait.ge [sflag:s23], $0x1  }
0xa3: {  	[sflag:s23] =	ssyncset.done $0x0  }
0xa4: {  	s25 =	simm.s32 $0x1B8E;
	s24 =	sld [smem:$0x3FFE];
	[sflag:s23] =	ssyncadd.s32 $0xFFFFFFFF  }
0xa5: {  	s26 =	simm.s32 $execute0_lowered;
	[smem:$0x3FD2] =	sst s25  }
0xa6: {  	s4 =	sshll.u32 s26, $0x1;
	_ =	strace $0x80000046;
	[dreg:$0x1] =	wrdreg $0xFFFFFFFF  }
0xa7: {  	s28 =	simm.s32 $_size_execute0_lowered;
	s2 =	sadd.s32 s2, s4;
	[dreg:$0x0] =	wrdreg $0x0  }
0xa8: {  	s4 =	sshll.u32 s28, $0x1;
	[dreg:$0x2] =	wrdreg s2  }
0xa9: {  	[dreg:$0x3] =	wrdreg s4  }
0xaa: {  	[dreg:$0x4] =	wrdreg $0xC0  }
0xab: {  	_ =	task [dreg:s6], $0x5FFFF  }
0xac: {  	[dreg:$0x1] =	wrdreg $0xFFFFFFFF  }
0xad: {  	[dreg:$0x0] =	wrdreg $0x60  }
0xae: {  	[dreg:$0x2] =	wrdreg s24  }
0xaf: {  	[dreg:$0x3] =	wrdreg $0x9  }
0xb0: {  	_ =	task.clear_ibuf [dreg:s6], $0x4FFFF;
	_ =	strace $0x90000046  }
0xb1: {  	s29 =	simm.s32 $0x9;
	_ =	strace $0x80000048  }
0xb2: {  	_ =	swait.ge [sflag:s29], $0x1  }
0xb3: {  	[sflag:s29] =	ssyncadd.s32 $0xFFFFFFFF  }
0xb4: {  	_ =	strace $0x90000048  }
0xb5: {  	_ =	sfence  }
0xb6: {  	s30 =	sld [smem:$0x0];
	_ =	sdelay $0x2  }
0xb7: {  	s31 =	sshll.u32 s1, $0xD;
	s1 =	sshrl.u32 s1, $0x2  }
0xb8: {  	s3 =	sand.u32 $0x4000, s31;
	s1 =	sadd.s32 s1, s30  }
0xb9: {  	s0 =	sor.u32 s3, s0;
	s1 =	sshll.u32 s1, $0x11  }
0xba: {  	s0 =	sor.u32 s1, s0  }
0xbb: {  	s0 =	sadd.s32 $0x8F2B, s0  }
0xbc: {  	[sflag:s0] =	ssyncadd.remote.s32 $0x1  }
0xbd: {  	_ =	sfence.sel $0xFFFF  }
0xbe: {  	[dreg:$0x0] =	wrdreg $0xFFFFFFFF;
	(pc) =	sbr.abs _section_cstart, $3  }
0xbf: {  	[dreg:$0x1] =	wrdreg $0xFFFFFFFF  }
0xc0: {  	_ =	task.clear_ibuf [dreg:s6], $0x2FFFF;
	_ =	strace $0x9FFFFFFF  }
0xc1: {  	(tm) =	ssettm $0x7FFFFFFF  }
tec
execute0_lowered:
.L_overlay_start_1:
0x0: {  	(tag) =	ssettag $0x1  }
0x1: {  	s4 =	rddreg [dreg:$0x0];
	s2 =	simm.s32 $0x0;
	s1 =	stileid.u32  }
0x2: {  	s7 =	srdreg.scid;
	s18 =	simm.s32 $0x7680;
	s19 =	simm.s32 $0x9E00  }
0x3: {  	s20 =	simm.s32 $0xC600;
	s21 =	simm.s32 $0x13E00;
	s22 =	simm.s32 $0x16580  }
0x4: {  	s23 =	simm.s32 $0xEE00;
	s24 =	simm.s32 $0x11600;
	s25 =	simm.s32 $0x80  }
0x5: {  	s28 =	simm.s32 $0x0;
	[smem:$0x7FF] =	sst s2;
	s3 =	smul.u32 $0x2800, s1  }
0x6: {  	s5 =	sadd.s32 $0xE00, s4;
	s8 =	sadd.s32 $0x2200, s4;
	s10 =	sand.u32 $0x1, s7  }
0x7: {  	s12 =	sadd.s32 $0x21200, s4;
	s15 =	sadd.s32 $0xD600, s4;
	s7 =	smul.u32 $0x9C4, s10  }
0x8: {  	s30 =	sshrl.u32 s1, $0x3;
	s17 =	sshll.u32 s1, $0x7;
	s29 =	smul.u32 $0x50000, s10  }
0x9: {  	s26 =	ssub.s32 $0x2, s10;
	s11 =	sshllo.u32 s10, $0x1;
	s10 =	smul.u32 $0x4F000, s10  }
0xa: {  	_ =	strace $0x80000047;
	s17 =	sand.u32 $0x380, s17;
	s14 =	smul.u32 $0x4E2, s11  }
0xb: {  	s6 =	sshrl.u32 s3, $0x3;
	s13 =	sshrl.u32 s26, $0x1;
	s11 =	smul.u32 $0x28000, s11  }
0xc: {  	s9 =	sadd.s32 s6, s4;
	s16 =	ssub.s32 s26, s13;
	s4 =	sadd.s32 s5, s7  }
0xd: {  	s6 =	sadd.s32 s8, s7;
	s13 =	sadd.s32 s3, s29;
	s26 =	simm.s32 $0x400  }
0xe: {  	s5 =	sadd.s32 s5, s14;
	s7 =	sadd.s32 s8, s14;
	s14 =	smul.u32 $0x13C00, s30  }
0xf: {  	s8 =	sadd.s32 $0x3600, s9;
	s9 =	sadd.s32 $0x8600, s9;
	s11 =	sadd.s32 s3, s11  }
0x10: {  	s13 =	sshrl.u32 s13, $0x3;
	s11 =	sshrl.u32 s11, $0x3;
	s14 =	sadd.s32 s10, s14  }
0x11: {  	s10 =	sadd.s32 s12, s13;
	s11 =	sadd.s32 s12, s11;
	s31 =	sor.u32 s17, s14  }
0x12: {  	s17 =	simm.s32 $0x4F00;
	s14 =	sshrl.u32 s31, $0x3;
	s13 =	sadd.s32 $0x27800, s31  }
0x13: {  	s12 =	sadd.s32 s15, s14;
	s13 =	sshrl.u32 s13, $0x3;
	s14 =	smax.u32 s16, $0x1  }
0x14: {  	v0 =	vimm.f32 $0.0e+00;
	s16 =	simm.s32 $0x2780;
	s13 =	sadd.s32 s15, s13;
	s15 =	simm.s32 $0x1  }
.LBB2_1:
0x15: {  	[tilespmem:s2], [sflag:$0x1] =	stream.linear.gather [hbm4b:s4+s2], $0x2710, $0x38;
	[tilespmem:$0x18D00] =	vst v63  }
0x16: {  	_ =	swait.ge [sflag:s15], $0x2710  }
0x17: {  	[sflag:s15] =	ssyncset.done $0x0  }
0x18: {  	[sflag:s15] =	ssyncadd.s32 $0xFFFFD8F0  }
0x19: {  	[tilespmem:s16], [sflag:$0x1] =	stream.linear.gather [hbm4b:s5+s2], $0x2710, $0x38;
	[tilespmem:$0x18D00] =	vst v63  }
0x1a: {  	_ =	swait.ge [sflag:s15], $0x2710  }
0x1b: {  	[sflag:s15] =	ssyncset.done $0x0  }
0x1c: {  	[sflag:s15] =	ssyncadd.s32 $0xFFFFD8F0  }
0x1d: {  	[tilespmem:s17], [sflag:$0x1] =	stream.linear.gather [hbm4b:s6+s2], $0x2710, $0x38;
	[tilespmem:$0x18D00] =	vst v63  }
0x1e: {  	_ =	swait.ge [sflag:s15], $0x2710  }
0x1f: {  	[sflag:s15] =	ssyncset.done $0x0  }
0x20: {  	[sflag:s15] =	ssyncadd.s32 $0xFFFFD8F0  }
0x21: {  	[tilespmem:s18], [sflag:$0x1] =	stream.linear.gather [hbm4b:s7+s2], $0x2710, $0x38;
	[tilespmem:$0x18D00] =	vst v63  }
0x22: {  	_ =	swait.ge [sflag:s15], $0x2710  }
0x23: {  	[sflag:s15] =	ssyncset.done $0x0  }
0x24: {  	s29 =	simm.s32 $0x40;
	s30 =	simm.s32 $0x0;
	[sflag:s15] =	ssyncadd.s32 $0xFFFFD8F0  }
.LBB2_2:
0x25: {  	p0 =	sne.s32 s29, $0x9DC0;
	[tilespmem:s30+$0x13E00] =	vst v0;
	s31 =	smov.u32 s29;
	s29 =	sadd.s32 $0x40, s29  }
.Ltmp0:
0x26: {  	[tilespmem:s30+$0x16580] =	vst v0;
	(pc) =	sbr.rel @p0 .LBB2_2-.Ltmp0, $2  }
0x27: {  	_ =	sdelay $0x2  }
0x28: {  	s30 =	sshra.s32 s31, $0x2  }
0x29: {  	[tilespmem:s30+$0x13E00] =	vst v0  }
0x2a: {  	[tilespmem:s30+$0x16580] =	vst v0;
	s29 =	simm.s32 $0x0  }
0x2b: {  	[tilespmem:s19], [sflag:$0x1] =	stream.linear.gather [hbm4b:s8+s29], $0x2800, $0x38;
	[tilespmem:$0x18D00] =	vst v63  }
0x2c: {  	_ =	swait.ge [sflag:s15], $0x2800  }
0x2d: {  	[sflag:s15] =	ssyncset.done $0x0  }
0x2e: {  	[sflag:s15] =	ssyncadd.s32 $0xFFFFD800  }
0x2f: {  	[tilespmem:s20], [sflag:$0x1] =	stream.linear.gather [hbm4b:s9+s29], $0x2800, $0x38;
	[tilespmem:$0x18D00] =	vst v63  }
0x30: {  	_ =	swait.ge [sflag:s15], $0x2800  }
0x31: {  	[sflag:s15] =	ssyncset.done $0x0  }
0x32: {  	s29 =	simm.s32 $0x0;
	[sflag:s15] =	ssyncadd.s32 $0xFFFFD800  }
0x33: {  	v2 =	vld [tilespmem:s29+$0x9E00];
	_ =	sdelay $0x1  }
0x34: {  	v1 =	vld [tilespmem:s29+$0xC600];
	_ =	sdelay $0x5  }
0x35: {  	v3 =	vld.idx.msk [tilespmem:v2+s2+$0x0], $0xffff  }
0x36: {  	v2 =	vld.idx.msk [tilespmem:v2+s16+$0x0], $0xffff  }
0x37: {  	v4 =	vld.idx.msk [tilespmem:v1+s17+$0x0], $0xffff  }
0x38: {  	v5 =	vld.idx.msk [tilespmem:v1+s18+$0x0], $0xffff;
	_ =	sdelay $0x3  }
0x39: {  	v3 =	vadd.f32 v4, v3  }
0x3a: {  	v2 =	vadd.f32 v5, v2  }
0x3b: {  	v4 =	vmul.f32 $2.000000030e-01, v3  }
0x3c: {  	vm0 =	vge.f32 v3, $0.0e+00;
	v5 =	vmul.f32 $2.000000030e-01, v2  }
0x3d: {  	vm1 =	vge.f32 v2, $0.0e+00;
	v3 =	vsel vm0, v3, v4  }
0x3e: {  	v2 =	vsel vm1, v2, v5;
	v3 =	vmul.f32 $1.442695020e+00, v3  }
0x3f: {  	v2 =	vmul.f32 $1.442695020e+00, v2  }
0x40: {  	(erf) = vpow2.f32 v3  }
0x41: {  	(erf) = vpow2.f32 v2;
	_ =	sdelay $0x7  }
0x42: {  	p1 =	slt.u32 s3, $0x27100;
	v2 =	vpop (erf)  }
0x43: {  	s30 =	simm.s32 $0x40;
	s31 =	smov.u32 s3;
	v2 =	vpsel !p1, $0x0, v2;
	v3 =	vpop (erf)  }
.LBB2_4:
0x44: {  	p0 =	sne.s32 s30, $0x9FC0  }
0x45: {  	v3 =	vpsel !p1, $0x0, v3;
	[tilespmem:s29+$0xEE00] =	vst v2;
	s31 =	sadd.s32 $0x10, s31;
	s0 =	smov.u32 s30;
	s30 =	sadd.s32 $0x40, s30  }
0x46: {  	[tilespmem:s29+$0x11600] =	vst v3  }
0x47: {  	[tilespmem:v1+s21+$0x0] =	vst.idx.add.f32.msk $0xffff, v2  }
0x48: {  	s29 =	sshra.s32 s0, $0x2;
	[tilespmem:v1+s22+$0x0] =	vst.idx.add.f32.msk $0xffff, v3  }
0x49: {  	v2 =	vld [tilespmem:s29+$0x9E00]  }
0x4a: {  	v1 =	vld [tilespmem:s29+$0xC600];
	_ =	sdelay $0x6  }
0x4b: {  	v3 =	vld.idx.msk [tilespmem:v2+s2+$0x0], $0xffff  }
0x4c: {  	v2 =	vld.idx.msk [tilespmem:v2+s16+$0x0], $0xffff  }
0x4d: {  	v4 =	vld.idx.msk [tilespmem:v1+s17+$0x0], $0xffff  }
0x4e: {  	v5 =	vld.idx.msk [tilespmem:v1+s18+$0x0], $0xffff;
	_ =	sdelay $0x4  }
0x4f: {  	v3 =	vadd.f32 v4, v3  }
0x50: {  	v2 =	vadd.f32 v5, v2  }
0x51: {  	v4 =	vmul.f32 $2.000000030e-01, v3  }
0x52: {  	vm0 =	vge.f32 v3, $0.0e+00;
	vm1 =	vge.f32 v2, $0.0e+00;
	v5 =	vmul.f32 $2.000000030e-01, v2  }
0x53: {  	v3 =	vsel vm0, v3, v4  }
0x54: {  	v2 =	vsel vm1, v2, v5;
	v3 =	vmul.f32 $1.442695020e+00, v3  }
0x55: {  	v2 =	vmul.f32 $1.442695020e+00, v2  }
0x56: {  	(erf) = vpow2.f32 v3  }
0x57: {  	(erf) = vpow2.f32 v2;
	_ =	sdelay $0x4  }
.Ltmp1:
0x58: {  	(pc) =	sbr.rel @p0 .LBB2_4-.Ltmp1, $3  }
0x59: {  	_ =	sdelay $0x1  }
0x5a: {  	p1 =	slt.u32 s31, $0x27100;
	v2 =	vpop (erf)  }
0x5b: {  	v2 =	vpsel !p1, $0x0, v2;
	v3 =	vpop (erf)  }
0x5c: {  	_ =	sdelay $0x1  }
0x5d: {  	v3 =	vpsel !p1, $0x0, v3;
	[tilespmem:s29+$0xEE00] =	vst v2  }
0x5e: {  	[tilespmem:s29+$0x11600] =	vst v3  }
0x5f: {  	[tilespmem:v1+s21+$0x0] =	vst.idx.add.f32.msk $0xffff, v2  }
0x60: {  	[tilespmem:v1+s22+$0x0] =	vst.idx.add.f32.msk $0xffff, v3  }
0x61: {  	[hbm4b:s10+s2] =	stream.linear.scatter [tilespmem:s23], [sflag:$0x1], $0x2800, $0x38;
	[tilespmem:$0x18D00] =	vst v63  }
0x62: {  	_ =	swait.ge [sflag:s15], $0x2800  }
0x63: {  	[sflag:s15] =	ssyncset.done $0x0  }
0x64: {  	[sflag:s15] =	ssyncadd.s32 $0xFFFFD800  }
0x65: {  	[hbm4b:s11+s2] =	stream.linear.scatter [tilespmem:s24], [sflag:$0x1], $0x2800, $0x38;
	[tilespmem:$0x18D00] =	vst v63  }
0x66: {  	_ =	swait.ge [sflag:s15], $0x2800  }
0x67: {  	[sflag:s15] =	ssyncset.done $0x0  }
0x68: {  	[sflag:s15] =	ssyncadd.s32 $0xFFFFD800  }
0x69: {  	[hbm4b:s12+s25] =	stream.strided.scatter [tilespmem:s21], [sflag:$0x1], $0x2780, s26, s25, $0x38;
	[tilespmem:$0x18D00] =	vst v63  }
0x6a: {  	s28 =	sadd.s32 $0x1, s28;
	_ =	swait.ge [sflag:s15], $0x2780  }
0x6b: {  	p0 =	sne.s32 s28, s14;
	[sflag:s15] =	ssyncset.done $0x0  }
.Ltmp2:
0x6c: {  	[sflag:s15] =	ssyncadd.s32 $0xFFFFD880;
	(pc) =	sbr.rel @p0 .LBB2_1-.Ltmp2, $4  }
0x6d: {  	[hbm4b:s13+s25] =	stream.strided.scatter [tilespmem:s22], [sflag:$0x1], $0x2780, s26, s25, $0x38;
	[tilespmem:$0x18D00] =	vst v63  }
0x6e: {  	_ =	swait.ge [sflag:s15], $0x2780  }
0x6f: {  	[sflag:s15] =	ssyncset.done $0x0  }
0x70: {  	[sflag:s15] =	ssyncadd.s32 $0xFFFFD880  }
0x71: {  	_ =	sfence.sel $0x180000  }
0x72: {  	[bflag:$0x0] =	sbarrier.arrive $0xFFFF  }
0x73: {  	_ =	strace $0x90000047  }
0x74: {  	[bflag:$0x2] =	sbarrier.arrive $0xFFFF  }
0x75: {  	p0 =	sne.s32 s1, $0x0;
	s0 =	rddreg [dreg:$0x1]  }
0x76: {  	s0 =	sadd.s32 @!p0 $0x100000, s0  }
0x77: {  	[sflag:s0] =	ssyncadd.tile.s32 @!p0 $0x1;
	_ =	shalt  }
.Lfunc_end2:
_tile_overlayer_lowered:
.L_overlay_start_2:
0x78: {  	(tag) =	ssettag $0x2  }
0x79: {  	s0 =	rddreg [dreg:$0x0];
	s2 =	stileid.u32  }
0x7a: {  	s1 =	rddreg [dreg:$0x1];
	p0 =	sne.s32 s2, $0x0  }
0x7b: {  	s3 =	rddreg [dreg:$0x2];
	[bflag:$0x3] =	sbarrier.arrive $0xFFFF;
	s2 =	simm.s32 @!p0 $0x1C01  }
0x7c: {  	[timem:s3], [sflag:s2] =	dma.local @!p0 [hbm:s0], s1  }
0x7d: {  	s0 =	simm.s32 @!p0 $0x1  }
0x7e: {  	_ =	swait.ge @!p0 [sflag:s0], s1  }
0x7f: {  	s1 =	ssub.s32 @!p0 $0x0, s1;
	[sflag:s0] =	ssyncset.done @!p0 $0x0  }
0x80: {  	[sflag:s0] =	ssyncadd.s32 @!p0 s1  }
0x81: {  	[bflag:$0x3] =	sbarrier.arrive $0xFFFF  }
0x82: {  	_ =	shalt  }

</sc_bundles>
